<compile_context>
chip_gen: v7x
topology: tpu7x:2x2x1
jax: 0.10.2.dev20260603
libtpu: 0.0.44.dev20260713+nightly
codegen_flags: <defaults>
</compile_context>

<pallas_src>
import functools

import jax
import jax.numpy as jnp
import numpy as np
from jax import lax
from jax.experimental import pallas as pl
from jax.experimental.pallas import tpu as pltpu
from jax.experimental.pallas import tpu_sc as plsc

N_ENT = 1000000
N_REL = 200
DIM = 64
MAX_SCALE = 2.5
MARGIN = 8.0
B = 4096

_NC = 2
_NS = 16
_NW = _NC * _NS
_BPW = B // _NW


@functools.cache
def _build_sc_gather():
    mesh = plsc.VectorSubcoreMesh(
        core_axis_name="c", subcore_axis_name="s", num_cores=_NC)

    @functools.partial(
        pl.kernel,
        mesh=mesh,
        out_type=[
            jax.ShapeDtypeStruct((B, DIM), jnp.float32),
            jax.ShapeDtypeStruct((B, DIM), jnp.float32),
            jax.ShapeDtypeStruct((B,), jnp.float32),
            jax.ShapeDtypeStruct((B,), jnp.float32),
        ],
        scratch_types=[
            pltpu.VMEM((_BPW,), jnp.int32),
            pltpu.VMEM((_BPW,), jnp.int32),
            pltpu.VMEM((_BPW, DIM), jnp.float32),
            pltpu.VMEM((_BPW, DIM), jnp.float32),
            pltpu.VMEM((_BPW,), jnp.float32),
            pltpu.VMEM((_BPW,), jnp.float32),
            pltpu.SemaphoreType.DMA,
            pltpu.SemaphoreType.DMA,
        ],
    )
    def sc_gather(u_hbm, v_hbm, emb_hbm, bh_hbm, bt_hbm,
                  h_out, t_out, bh_out, bt_out,
                  uidx_v, vidx_v, h_v, t_v, bh_v, bt_v, sem, sem2):
        wid = lax.axis_index("s") * _NC + lax.axis_index("c")
        base = wid * _BPW
        pltpu.sync_copy(u_hbm.at[pl.ds(base, _BPW)], uidx_v)
        pltpu.sync_copy(v_hbm.at[pl.ds(base, _BPW)], vidx_v)
        c1 = pltpu.async_copy(bh_hbm.at[uidx_v], bh_v, sem2)
        c2 = pltpu.async_copy(bt_hbm.at[vidx_v], bt_v, sem2)
        for c in range(_BPW // 16):
            vu = uidx_v[pl.ds(c * 16, 16)]
            vv = vidx_v[pl.ds(c * 16, 16)]
            for j in range(16):
                k = c * 16 + j
                pltpu.async_copy(
                    emb_hbm.at[pl.ds(vu[j], 1), :],
                    h_v.at[pl.ds(k, 1), :], sem)
                pltpu.async_copy(
                    emb_hbm.at[pl.ds(vv[j], 1), :],
                    t_v.at[pl.ds(k, 1), :], sem)
        pltpu.make_async_copy(
            emb_hbm.at[pl.ds(0, _BPW), :], h_v, sem).wait()
        pltpu.make_async_copy(
            emb_hbm.at[pl.ds(0, _BPW), :], t_v, sem).wait()
        c1.wait()
        c2.wait()
        pltpu.sync_copy(h_v, h_out.at[pl.ds(base, _BPW)])
        pltpu.sync_copy(t_v, t_out.at[pl.ds(base, _BPW)])
        pltpu.sync_copy(bh_v, bh_out.at[pl.ds(base, _BPW)])
        pltpu.sync_copy(bt_v, bt_out.at[pl.ds(base, _BPW)])

    return sc_gather


def _pair_consts():
    P = np.zeros((DIM, DIM), np.float32)
    E = np.zeros((DIM, DIM), np.float32)
    O = np.zeros((DIM, DIM), np.float32)
    for k in range(DIM // 2):
        P[2 * k + 1, 2 * k] = -1.0
        P[2 * k, 2 * k + 1] = 1.0
        E[2 * k, 2 * k] = 1.0
        E[2 * k, 2 * k + 1] = 1.0
        O[2 * k + 1, 2 * k] = 1.0
        O[2 * k + 1, 2 * k + 1] = 1.0
    return P, E, O


_P_MAT, _E_MAT, _O_MAT = _pair_consts()

_BM = 512


def _tc_body(scale_ref, h_ref, t_ref, r_ref,
             diag_ref, rbias_ref, bh_ref, bt_ref,
             pm_ref, em_ref, om_ref, o_ref):
    scale = scale_ref[0, 0]
    dot = functools.partial(
        lax.dot_general,
        dimension_numbers=(((1,), (0,)), ((), ())),
        preferred_element_type=jnp.float32,
    )

    h = h_ref[...]
    t = t_ref[...]

    rel = lax.broadcasted_iota(jnp.int32, (_BM, N_REL), 1)
    onehot = (rel == r_ref[...]).astype(jnp.float32)
    rd = dot(onehot, diag_ref[...])
    rb = dot(onehot, rbias_ref[...])

    a_bc = dot(rd, em_ref[...])
    b_bc = dot(rd, om_ref[...])
    inv_nrm = 1.0 / jnp.maximum(jnp.sqrt(a_bc * a_bc + b_bc * b_bc), 1e-15)
    h_sw = dot(h, pm_ref[...])
    x_rot = (a_bc * h + b_bc * h_sw) * inv_nrm

    col = lax.broadcasted_iota(jnp.int32, (_BM, DIM), 1)
    time = jax.nn.sigmoid(x_rot[:, 0:1]) * scale + 1.1
    x = x_rot + rb
    xn = jnp.where(col > 0, x, 0.0)
    s2 = jnp.sum(xn * xn, axis=1, keepdims=True)
    factor = jnp.sqrt((time * time - 1.0) / s2)
    h_l = jnp.where(col == 0, -time, x * factor)

    scores = lax.dot_general(
        h_l, t,
        dimension_numbers=(((1,), (1,)), ((), ())),
        preferred_element_type=jnp.float32,
    )
    o_ref[...] = MARGIN + 2.0 * scores + bh_ref[...] + bt_ref[...]


def kernel(u_idx, r_idx, v_idx, emb_entity, relation_bias, diag,
           bias_head, bias_tail, scale):
    u_idx = u_idx.astype(jnp.int32)
    v_idx = v_idx.astype(jnp.int32)
    r_idx = r_idx.astype(jnp.int32)

    h, t, bh_g, bt_g = _build_sc_gather()(
        u_idx, v_idx, emb_entity, bias_head, bias_tail)

    scale2 = scale.reshape(1, 1).astype(jnp.float32)
    r_col = r_idx.reshape(B, 1)
    bh_col = bh_g.reshape(B, 1)
    bt_row = bt_g.reshape(1, B)

    out = pl.pallas_call(
        _tc_body,
        grid=(B // _BM,),
        in_specs=[
            pl.BlockSpec((1, 1), lambda i: (0, 0), memory_space=pltpu.SMEM),
            pl.BlockSpec((_BM, DIM), lambda i: (i, 0)),
            pl.BlockSpec((B, DIM), lambda i: (0, 0)),
            pl.BlockSpec((_BM, 1), lambda i: (i, 0)),
            pl.BlockSpec((N_REL, DIM), lambda i: (0, 0)),
            pl.BlockSpec((N_REL, DIM), lambda i: (0, 0)),
            pl.BlockSpec((_BM, 1), lambda i: (i, 0)),
            pl.BlockSpec((1, B), lambda i: (0, 0)),
            pl.BlockSpec((DIM, DIM), lambda i: (0, 0)),
            pl.BlockSpec((DIM, DIM), lambda i: (0, 0)),
            pl.BlockSpec((DIM, DIM), lambda i: (0, 0)),
        ],
        out_specs=pl.BlockSpec((_BM, B), lambda i: (i, 0)),
        out_shape=jax.ShapeDtypeStruct((B, B), jnp.float32),
        compiler_params=pltpu.CompilerParams(
            dimension_semantics=("arbitrary",),
        ),
    )(scale2, h, t, r_col,
      diag, relation_bias, bh_col, bt_row,
      jnp.asarray(_P_MAT), jnp.asarray(_E_MAT), jnp.asarray(_O_MAT))
    return out

# --- scband reference (transcript-rebuilt; emitter-appended) ---
"""Pipeline reference for scband-fhke-10136122818912 (READ-ONLY COPY).

The authoritative reference and input builder live on the scoring server;
editing this copy changes nothing except your own understanding.
"""

import jax, jax.numpy as jnp
import numpy as np

N_ENT = 1000000
N_REL = 200
DIM = 64
MAX_SCALE = 2.5
MARGIN = 8.0
B = 4096


def setup_inputs(seed: int = 0) -> dict:
    key = jax.random.key(seed)
    k1, k2, k3, k4, k5 = jax.random.split(key, 5)
    u_idx = jax.random.randint(k1, (B,), 0, N_ENT)
    r_idx = jax.random.randint(k2, (B,), 0, N_REL)
    v_idx = jax.random.randint(k3, (B,), 0, N_ENT)
    # Lorentz manifold random_normal(std=1/sqrt(dim)): sample spatial part, lift time
    # component onto the hyperboloid: t = sqrt(1 + ||x_space||^2)
    spatial = jax.random.normal(k4, (N_ENT, DIM - 1), dtype=jnp.float32) * (1.0 / np.sqrt(DIM))
    time = jnp.sqrt(1.0 + jnp.sum(spatial * spatial, axis=-1, keepdims=True))
    emb_entity = jnp.concatenate([time, spatial], axis=-1)
    relation_bias = jnp.zeros((N_REL, DIM), dtype=jnp.float32)
    # nn.init.kaiming_uniform_ default: bound = sqrt(6 / fan_in)
    bound = float(np.sqrt(6.0 / DIM))
    diag = jax.random.uniform(k5, (N_REL, DIM), minval=-bound, maxval=bound, dtype=jnp.float32)
    bias_head = jnp.zeros((N_ENT,), dtype=jnp.float32)
    bias_tail = jnp.zeros((N_ENT,), dtype=jnp.float32)
    scale = jnp.array(MAX_SCALE, dtype=jnp.float32)
    return {"u_idx": u_idx, "r_idx": r_idx, "v_idx": v_idx,
            "emb_entity": emb_entity, "relation_bias": relation_bias,
            "diag": diag, "bias_head": bias_head, "bias_tail": bias_tail,
            "scale": scale}


def _givens_rotations(r, x, bias, scale):
    n = r.shape[0]
    givens = r.reshape(n, -1, 2)
    nrm = jnp.maximum(jnp.linalg.norm(givens, axis=-1, keepdims=True), 1e-15)
    givens = givens / nrm
    xp = x.reshape(n, -1, 2)
    x_rot = givens[:, :, 0:1] * xp + givens[:, :, 1:] * jnp.concatenate(
        [-xp[:, :, 1:], xp[:, :, 0:1]], axis=-1)
    x = x_rot.reshape(n, -1)
    time = jax.nn.sigmoid(x[:, 0:1]) * scale + 1.1
    x = x + bias
    x_narrow = x[:, 1:]
    denom = jnp.sqrt(jnp.sum(x_narrow * x_narrow, axis=-1, keepdims=True) / (time * time - 1.0))
    x_narrow = x_narrow / denom
    return jnp.concatenate([time, x_narrow], axis=-1)


def reference(u_idx, r_idx, v_idx, emb_entity, relation_bias, diag, bias_head, bias_tail, scale):
    h = jnp.take(emb_entity, u_idx, axis=0)
    t = jnp.take(emb_entity, v_idx, axis=0)
    r_bias = jnp.take(relation_bias, r_idx, axis=0)
    r_diag = jnp.take(diag, r_idx, axis=0)
    h = _givens_rotations(r_diag, h, r_bias, scale)
    # Lorentz cinner: negate time component of h, then matmul against t^T
    h_l = jnp.concatenate([-h[:, 0:1], h[:, 1:]], axis=-1)
    scores = h_l @ t.T  # [B, B]
    neg_dist = MARGIN + 2.0 * scores
    return neg_dist + jnp.take(bias_head, u_idx)[:, None] + jnp.take(bias_tail, v_idx)[None, :]

if __name__ == "__main__":
    import jax
    _d = setup_inputs()
    print(jax.jit(kernel)(*tuple(_d.values())))

</pallas_src>

<mosaic_0001>
#map = affine_map<(d0, d1) -> (0)>
#map1 = affine_map<(d0, d1) -> (0, 0)>
module attributes {stable_mosaic.version = 14 : i64} {
  func.func @sc_gather(%arg0: i32, %arg1: i32, %arg2: memref<4096xi32, #tpu.memory_space<hbm>>, %arg3: memref<4096xi32, #tpu.memory_space<hbm>>, %arg4: memref<1000000x64xf32, #tpu.memory_space<hbm>>, %arg5: memref<1000000xf32, #tpu.memory_space<hbm>>, %arg6: memref<1000000xf32, #tpu.memory_space<hbm>>, %arg7: memref<4096x64xf32, #tpu.memory_space<hbm>>, %arg8: memref<4096x64xf32, #tpu.memory_space<hbm>>, %arg9: memref<4096xf32, #tpu.memory_space<hbm>>, %arg10: memref<4096xf32, #tpu.memory_space<hbm>>, %arg11: memref<128xi32, #tpu.memory_space<vmem>>, %arg12: memref<128xi32, #tpu.memory_space<vmem>>, %arg13: memref<128x64xf32, #tpu.memory_space<vmem>>, %arg14: memref<128x64xf32, #tpu.memory_space<vmem>>, %arg15: memref<128xf32, #tpu.memory_space<vmem>>, %arg16: memref<128xf32, #tpu.memory_space<vmem>>, %arg17: memref<!tpu.dma_semaphore, #tpu.memory_space<semaphore_mem>>, %arg18: memref<!tpu.dma_semaphore, #tpu.memory_space<semaphore_mem>>) attributes {dimension_semantics = [#tpu.dimension_semantics<core_parallel>, #tpu.dimension_semantics<subcore_parallel>], iteration_bounds = array<i64: 2, 16>, scalar_prefetch = 0 : i64, scratch_operands = 8 : i64, tpu.core_type = #tpu.core_type<sc_vector_subcore>, window_params = [{transform_indices = #map}, {transform_indices = #map}, {transform_indices = #map1}, {transform_indices = #map}, {transform_indices = #map}, {transform_indices = #map1}, {transform_indices = #map1}, {transform_indices = #map}, {transform_indices = #map}]} {
    %mul3A = arith.constant 2 : i32
    %mul3A_0 = arith.muli %arg1, %mul3A : i32
    %add3A = arith.addi %mul3A_0, %arg0 : i32
    %mul3A_1 = arith.constant 128 : i32
    %mul3A_2 = arith.muli %add3A, %mul3A_1 : i32
    "tpu.region"() ({
      %run_scoped3A = tpu.sem_alloc : memref<!tpu.dma_semaphore, #tpu.memory_space<semaphore_mem>>
      %dma_start3A_3138 = tpu.memref_slice %arg2[%mul3A_2] : memref<4096xi32, #tpu.memory_space<hbm>> -> memref<128xi32, #tpu.memory_space<hbm>>
      %dma_start3A_3139 = tpu.memref_slice %arg2[%mul3A_2] : memref<4096xi32, #tpu.memory_space<hbm>> -> memref<128xi32, #tpu.memory_space<hbm>>
      tpu.enqueue_dma source(%dma_start3A_3139 : memref<128xi32, #tpu.memory_space<hbm>>) target(%arg11 : memref<128xi32, #tpu.memory_space<vmem>>) target_semaphore(%run_scoped3A : memref<!tpu.dma_semaphore, #tpu.memory_space<semaphore_mem>>)
      %dma_wait3A_3140 = tpu.memref_slice %arg2[%mul3A_2] : memref<4096xi32, #tpu.memory_space<hbm>> -> memref<128xi32, #tpu.memory_space<hbm>>
      %dma_wait3A_3141 = tpu.memref_slice %arg2[%mul3A_2] : memref<4096xi32, #tpu.memory_space<hbm>> -> memref<128xi32, #tpu.memory_space<hbm>>
      tpu.wait_dma2 semaphore(%run_scoped3A : memref<!tpu.dma_semaphore, #tpu.memory_space<semaphore_mem>>) src(%dma_wait3A_3141 : memref<128xi32, #tpu.memory_space<hbm>>) dst(%arg11 : memref<128xi32, #tpu.memory_space<vmem>>)
      tpu.yield
    }) : () -> ()
    "tpu.region"() ({
      %run_scoped3A = tpu.sem_alloc : memref<!tpu.dma_semaphore, #tpu.memory_space<semaphore_mem>>
      %dma_start3A_3138 = tpu.memref_slice %arg3[%mul3A_2] : memref<4096xi32, #tpu.memory_space<hbm>> -> memref<128xi32, #tpu.memory_space<hbm>>
      %dma_start3A_3139 = tpu.memref_slice %arg3[%mul3A_2] : memref<4096xi32, #tpu.memory_space<hbm>> -> memref<128xi32, #tpu.memory_space<hbm>>
      tpu.enqueue_dma source(%dma_start3A_3139 : memref<128xi32, #tpu.memory_space<hbm>>) target(%arg12 : memref<128xi32, #tpu.memory_space<vmem>>) target_semaphore(%run_scoped3A : memref<!tpu.dma_semaphore, #tpu.memory_space<semaphore_mem>>)
      %dma_wait3A_3140 = tpu.memref_slice %arg3[%mul3A_2] : memref<4096xi32, #tpu.memory_space<hbm>> -> memref<128xi32, #tpu.memory_space<hbm>>
      %dma_wait3A_3141 = tpu.memref_slice %arg3[%mul3A_2] : memref<4096xi32, #tpu.memory_space<hbm>> -> memref<128xi32, #tpu.memory_space<hbm>>
      tpu.wait_dma2 semaphore(%run_scoped3A : memref<!tpu.dma_semaphore, #tpu.memory_space<semaphore_mem>>) src(%dma_wait3A_3141 : memref<128xi32, #tpu.memory_space<hbm>>) dst(%arg12 : memref<128xi32, #tpu.memory_space<vmem>>)
      tpu.yield
    }) : () -> ()
    %dma_start3A = arith.constant 0 : i32
    %dma_start3A_3 = tpu.memref_slice %arg5[%dma_start3A] : memref<1000000xf32, #tpu.memory_space<hbm>> -> memref<1000000xf32, #tpu.memory_space<hbm>>
    tpu.enqueue_indirect_dma source(%dma_start3A_3 : memref<1000000xf32, #tpu.memory_space<hbm>>) target(%arg15 : memref<128xf32, #tpu.memory_space<vmem>>) offsets(%arg11 : memref<128xi32, #tpu.memory_space<vmem>>) semaphore(%arg18 : memref<!tpu.dma_semaphore, #tpu.memory_space<semaphore_mem>>)
    %dma_start3A_4 = arith.constant 0 : i32
    %dma_start3A_5 = tpu.memref_slice %arg6[%dma_start3A_4] : memref<1000000xf32, #tpu.memory_space<hbm>> -> memref<1000000xf32, #tpu.memory_space<hbm>>
    tpu.enqueue_indirect_dma source(%dma_start3A_5 : memref<1000000xf32, #tpu.memory_space<hbm>>) target(%arg16 : memref<128xf32, #tpu.memory_space<vmem>>) offsets(%arg12 : memref<128xi32, #tpu.memory_space<vmem>>) semaphore(%arg18 : memref<!tpu.dma_semaphore, #tpu.memory_space<semaphore_mem>>)
    %get3A = arith.constant 0 : index
    %get3A_6 = tpu.vector_load %arg11[%get3A] {strides = array<i32>} : memref<128xi32, #tpu.memory_space<vmem>>, vector<16xi32>,
    %get3A_7 = vector.shape_cast %get3A_6 : vector<16xi32> to vector<16xi32>
    %get3A_8 = arith.constant 0 : index
    %get3A_9 = tpu.vector_load %arg12[%get3A_8] {strides = array<i32>} : memref<128xi32, #tpu.memory_space<vmem>>, vector<16xi32>,
    %get3A_10 = vector.shape_cast %get3A_9 : vector<16xi32> to vector<16xi32>
    %slice3A = vector.extract_strided_slice %get3A_7 {offsets = [0], sizes = [1], strides = [1]} : vector<16xi32> to vector<1xi32>
    %squeeze3A = vector.extract %slice3A[0] : i32 from vector<1xi32>
    %dma_start3A_11 = arith.constant 0 : i32
    %dma_start3A_12 = arith.constant 0 : i32
    %dma_start3A_13 = tpu.memref_slice %arg13[%dma_start3A_11, %dma_start3A_12] : memref<128x64xf32, #tpu.memory_space<vmem>> -> memref<1x64xf32, #tpu.memory_space<vmem>>
    %dma_start3A_14 = arith.constant 0 : i32
    %dma_start3A_15 = tpu.memref_slice %arg4[%squeeze3A, %dma_start3A_14] : memref<1000000x64xf32, #tpu.memory_space<hbm>> -> memref<1x64xf32, #tpu.memory_space<hbm>>
    %dma_start3A_16 = arith.constant 0 : i32
    %dma_start3A_17 = arith.constant 0 : i32
    %dma_start3A_18 = tpu.memref_slice %arg13[%dma_start3A_16, %dma_start3A_17] : memref<128x64xf32, #tpu.memory_space<vmem>> -> memref<1x64xf32, #tpu.memory_space<vmem>>
    %dma_start3A_19 = arith.constant 0 : i32
    %dma_start3A_20 = tpu.memref_slice %arg4[%squeeze3A, %dma_start3A_19] : memref<1000000x64xf32, #tpu.memory_space<hbm>> -> memref<1x64xf32, #tpu.memory_space<hbm>>
    tpu.enqueue_dma source(%dma_start3A_20 : memref<1x64xf32, #tpu.memory_space<hbm>>) target(%dma_start3A_18 : memref<1x64xf32, #tpu.memory_space<vmem>>) target_semaphore(%arg17 : memref<!tpu.dma_semaphore, #tpu.memory_space<semaphore_mem>>)
    %slice3A_21 = vector.extract_strided_slice %get3A_10 {offsets = [0], sizes = [1], strides = [1]} : vector<16xi32> to vector<1xi32>
    %squeeze3A_22 = vector.extract %slice3A_21[0] : i32 from vector<1xi32>
    %dma_start3A_23 = arith.constant 0 : i32
    %dma_start3A_24 = arith.constant 0 : i32
    %dma_start3A_25 = tpu.memref_slice %arg14[%dma_start3A_23, %dma_start3A_24] : memref<128x64xf32, #tpu.memory_space<vmem>> -> memref<1x64xf32, #tpu.memory_space<vmem>>
    %dma_start3A_26 = arith.constant 0 : i32
    %dma_start3A_27 = tpu.memref_slice %arg4[%squeeze3A_22, %dma_start3A_26] : memref<1000000x64xf32, #tpu.memory_space<hbm>> -> memref<1x64xf32, #tpu.memory_space<hbm>>
    %dma_start3A_28 = arith.constant 0 : i32
    %dma_start3A_29 = arith.constant 0 : i32
    %dma_start3A_30 = tpu.memref_slice %arg14[%dma_start3A_28, %dma_start3A_29] : memref<128x64xf32, #tpu.memory_space<vmem>> -> memref<1x64xf32, #tpu.memory_space<vmem>>
    %dma_start3A_31 = arith.constant 0 : i32
    %dma_start3A_32 = tpu.memref_slice %arg4[%squeeze3A_22, %dma_start3A_31] : memref<1000000x64xf32, #tpu.memory_space<hbm>> -> memref<1x64xf32, #tpu.memory_space<hbm>>
    tpu.enqueue_dma source(%dma_start3A_32 : memref<1x64xf32, #tpu.memory_space<hbm>>) target(%dma_start3A_30 : memref<1x64xf32, #tpu.memory_space<vmem>>) target_semaphore(%arg17 : memref<!tpu.dma_semaphore, #tpu.memory_space<semaphore_mem>>)
    %slice3A_33 = vector.extract_strided_slice %get3A_7 {offsets = [1], sizes = [1], strides = [1]} : vector<16xi32> to vector<1xi32>
    %squeeze3A_34 = vector.extract %slice3A_33[0] : i32 from vector<1xi32>
    %dma_start3A_35 = arith.constant 1 : i32
    %dma_start3A_36 = arith.constant 0 : i32
    %dma_start3A_37 = tpu.memref_slice %arg13[%dma_start3A_35, %dma_start3A_36] : memref<128x64xf32, #tpu.memory_space<vmem>> -> memref<1x64xf32, #tpu.memory_space<vmem>>
    %dma_start3A_38 = arith.constant 0 : i32
    %dma_start3A_39 = tpu.memref_slice %arg4[%squeeze3A_34, %dma_start3A_38] : memref<1000000x64xf32, #tpu.memory_space<hbm>> -> memref<1x64xf32, #tpu.memory_space<hbm>>
    %dma_start3A_40 = arith.constant 1 : i32
    %dma_start3A_41 = arith.constant 0 : i32
    %dma_start3A_42 = tpu.memref_slice %arg13[%dma_start3A_40, %dma_start3A_41] : memref<128x64xf32, #tpu.memory_space<vmem>> -> memref<1x64xf32, #tpu.memory_space<vmem>>
    %dma_start3A_43 = arith.constant 0 : i32
    %dma_start3A_44 = tpu.memref_slice %arg4[%squeeze3A_34, %dma_start3A_43] : memref<1000000x64xf32, #tpu.memory_space<hbm>> -> memref<1x64xf32, #tpu.memory_space<hbm>>
    tpu.enqueue_dma source(%dma_start3A_44 : memref<1x64xf32, #tpu.memory_space<hbm>>) target(%dma_start3A_42 : memref<1x64xf32, #tpu.memory_space<vmem>>) target_semaphore(%arg17 : memref<!tpu.dma_semaphore, #tpu.memory_space<semaphore_mem>>)
    %slice3A_45 = vector.extract_strided_slice %get3A_10 {offsets = [1], sizes = [1], strides = [1]} : vector<16xi32> to vector<1xi32>
    %squeeze3A_46 = vector.extract %slice3A_45[0] : i32 from vector<1xi32>
    %dma_start3A_47 = arith.constant 1 : i32
    %dma_start3A_48 = arith.constant 0 : i32
    %dma_start3A_49 = tpu.memref_slice %arg14[%dma_start3A_47, %dma_start3A_48] : memref<128x64xf32, #tpu.memory_space<vmem>> -> memref<1x64xf32, #tpu.memory_space<vmem>>
    %dma_start3A_50 = arith.constant 0 : i32
    %dma_start3A_51 = tpu.memref_slice %arg4[%squeeze3A_46, %dma_start3A_50] : memref<1000000x64xf32, #tpu.memory_space<hbm>> -> memref<1x64xf32, #tpu.memory_space<hbm>>
    %dma_start3A_52 = arith.constant 1 : i32
    %dma_start3A_53 = arith.constant 0 : i32
    %dma_start3A_54 = tpu.memref_slice %arg14[%dma_start3A_52, %dma_start3A_53] : memref<128x64xf32, #tpu.memory_space<vmem>> -> memref<1x64xf32, #tpu.memory_space<vmem>>
    %dma_start3A_55 = arith.constant 0 : i32
    %dma_start3A_56 = tpu.memref_slice %arg4[%squeeze3A_46, %dma_start3A_55] : memref<1000000x64xf32, #tpu.memory_space<hbm>> -> memref<1x64xf32, #tpu.memory_space<hbm>>
    tpu.enqueue_dma source(%dma_start3A_56 : memref<1x64xf32, #tpu.memory_space<hbm>>) target(%dma_start3A_54 : memref<1x64xf32, #tpu.memory_space<vmem>>) target_semaphore(%arg17 : memref<!tpu.dma_semaphore, #tpu.memory_space<semaphore_mem>>)
    %slice3A_57 = vector.extract_strided_slice %get3A_7 {offsets = [2], sizes = [1], strides = [1]} : vector<16xi32> to vector<1xi32>
    %squeeze3A_58 = vector.extract %slice3A_57[0] : i32 from vector<1xi32>
    %dma_start3A_59 = arith.constant 2 : i32
    %dma_start3A_60 = arith.constant 0 : i32
    %dma_start3A_61 = tpu.memref_slice %arg13[%dma_start3A_59, %dma_start3A_60] : memref<128x64xf32, #tpu.memory_space<vmem>> -> memref<1x64xf32, #tpu.memory_space<vmem>>
    %dma_start3A_62 = arith.constant 0 : i32
    %dma_start3A_63 = tpu.memref_slice %arg4[%squeeze3A_58, %dma_start3A_62] : memref<1000000x64xf32, #tpu.memory_space<hbm>> -> memref<1x64xf32, #tpu.memory_space<hbm>>
    %dma_start3A_64 = arith.constant 2 : i32
    %dma_start3A_65 = arith.constant 0 : i32
    %dma_start3A_66 = tpu.memref_slice %arg13[%dma_start3A_64, %dma_start3A_65] : memref<128x64xf32, #tpu.memory_space<vmem>> -> memref<1x64xf32, #tpu.memory_space<vmem>>
    %dma_start3A_67 = arith.constant 0 : i32
    %dma_start3A_68 = tpu.memref_slice %arg4[%squeeze3A_58, %dma_start3A_67] : memref<1000000x64xf32, #tpu.memory_space<hbm>> -> memref<1x64xf32, #tpu.memory_space<hbm>>
    tpu.enqueue_dma source(%dma_start3A_68 : memref<1x64xf32, #tpu.memory_space<hbm>>) target(%dma_start3A_66 : memref<1x64xf32, #tpu.memory_space<vmem>>) target_semaphore(%arg17 : memref<!tpu.dma_semaphore, #tpu.memory_space<semaphore_mem>>)
    %slice3A_69 = vector.extract_strided_slice %get3A_10 {offsets = [2], sizes = [1], strides = [1]} : vector<16xi32> to vector<1xi32>
    %squeeze3A_70 = vector.extract %slice3A_69[0] : i32 from vector<1xi32>
    %dma_start3A_71 = arith.constant 2 : i32
    %dma_start3A_72 = arith.constant 0 : i32
    %dma_start3A_73 = tpu.memref_slice %arg14[%dma_start3A_71, %dma_start3A_72] : memref<128x64xf32, #tpu.memory_space<vmem>> -> memref<1x64xf32, #tpu.memory_space<vmem>>
    %dma_start3A_74 = arith.constant 0 : i32
    %dma_start3A_75 = tpu.memref_slice %arg4[%squeeze3A_70, %dma_start3A_74] : memref<1000000x64xf32, #tpu.memory_space<hbm>> -> memref<1x64xf32, #tpu.memory_space<hbm>>
    %dma_start3A_76 = arith.constant 2 : i32
    %dma_start3A_77 = arith.constant 0 : i32
    %dma_start3A_78 = tpu.memref_slice %arg14[%dma_start3A_76, %dma_start3A_77] : memref<128x64xf32, #tpu.memory_space<vmem>> -> memref<1x64xf32, #tpu.memory_space<vmem>>
    %dma_start3A_79 = arith.constant 0 : i32
    %dma_start3A_80 = tpu.memref_slice %arg4[%squeeze3A_70, %dma_start3A_79] : memref<1000000x64xf32, #tpu.memory_space<hbm>> -> memref<1x64xf32, #tpu.memory_space<hbm>>
    tpu.enqueue_dma source(%dma_start3A_80 : memref<1x64xf32, #tpu.memory_space<hbm>>) target(%dma_start3A_78 : memref<1x64xf32, #tpu.memory_space<vmem>>) target_semaphore(%arg17 : memref<!tpu.dma_semaphore, #tpu.memory_space<semaphore_mem>>)
    %slice3A_81 = vector.extract_strided_slice %get3A_7 {offsets = [3], sizes = [1], strides = [1]} : vector<16xi32> to vector<1xi32>
    %squeeze3A_82 = vector.extract %slice3A_81[0] : i32 from vector<1xi32>
    %dma_start3A_83 = arith.constant 3 : i32
    %dma_start3A_84 = arith.constant 0 : i32
    %dma_start3A_85 = tpu.memref_slice %arg13[%dma_start3A_83, %dma_start3A_84] : memref<128x64xf32, #tpu.memory_space<vmem>> -> memref<1x64xf32, #tpu.memory_space<vmem>>
    %dma_start3A_86 = arith.constant 0 : i32
    %dma_start3A_87 = tpu.memref_slice %arg4[%squeeze3A_82, %dma_start3A_86] : memref<1000000x64xf32, #tpu.memory_space<hbm>> -> memref<1x64xf32, #tpu.memory_space<hbm>>
    %dma_start3A_88 = arith.constant 3 : i32
    %dma_start3A_89 = arith.constant 0 : i32
    %dma_start3A_90 = tpu.memref_slice %arg13[%dma_start3A_88, %dma_start3A_89] : memref<128x64xf32, #tpu.memory_space<vmem>> -> memref<1x64xf32, #tpu.memory_space<vmem>>
    %dma_start3A_91 = arith.constant 0 : i32
    %dma_start3A_92 = tpu.memref_slice %arg4[%squeeze3A_82, %dma_start3A_91] : memref<1000000x64xf32, #tpu.memory_space<hbm>> -> memref<1x64xf32, #tpu.memory_space<hbm>>
    tpu.enqueue_dma source(%dma_start3A_92 : memref<1x64xf32, #tpu.memory_space<hbm>>) target(%dma_start3A_90 : memref<1x64xf32, #tpu.memory_space<vmem>>) target_semaphore(%arg17 : memref<!tpu.dma_semaphore, #tpu.memory_space<semaphore_mem>>)
    %slice3A_93 = vector.extract_strided_slice %get3A_10 {offsets = [3], sizes = [1], strides = [1]} : vector<16xi32> to vector<1xi32>
    %squeeze3A_94 = vector.extract %slice3A_93[0] : i32 from vector<1xi32>
    %dma_start3A_95 = arith.constant 3 : i32
    %dma_start3A_96 = arith.constant 0 : i32
    %dma_start3A_97 = tpu.memref_slice %arg14[%dma_start3A_95, %dma_start3A_96] : memref<128x64xf32, #tpu.memory_space<vmem>> -> memref<1x64xf32, #tpu.memory_space<vmem>>
    %dma_start3A_98 = arith.constant 0 : i32
    %dma_start3A_99 = tpu.memref_slice %arg4[%squeeze3A_94, %dma_start3A_98] : memref<1000000x64xf32, #tpu.memory_space<hbm>> -> memref<1x64xf32, #tpu.memory_space<hbm>>
    %dma_start3A_100 = arith.constant 3 : i32
    %dma_start3A_101 = arith.constant 0 : i32
    %dma_start3A_102 = tpu.memref_slice %arg14[%dma_start3A_100, %dma_start3A_101] : memref<128x64xf32, #tpu.memory_space<vmem>> -> memref<1x64xf32, #tpu.memory_space<vmem>>
    %dma_start3A_103 = arith.constant 0 : i32
    %dma_start3A_104 = tpu.memref_slice %arg4[%squeeze3A_94, %dma_start3A_103] : memref<1000000x64xf32, #tpu.memory_space<hbm>> -> memref<1x64xf32, #tpu.memory_space<hbm>>
    tpu.enqueue_dma source(%dma_start3A_104 : memref<1x64xf32, #tpu.memory_space<hbm>>) target(%dma_start3A_102 : memref<1x64xf32, #tpu.memory_space<vmem>>) target_semaphore(%arg17 : memref<!tpu.dma_semaphore, #tpu.memory_space<semaphore_mem>>)
    %slice3A_105 = vector.extract_strided_slice %get3A_7 {offsets = [4], sizes = [1], strides = [1]} : vector<16xi32> to vector<1xi32>
    %squeeze3A_106 = vector.extract %slice3A_105[0] : i32 from vector<1xi32>
    %dma_start3A_107 = arith.constant 4 : i32
    %dma_start3A_108 = arith.constant 0 : i32
    %dma_start3A_109 = tpu.memref_slice %arg13[%dma_start3A_107, %dma_start3A_108] : memref<128x64xf32, #tpu.memory_space<vmem>> -> memref<1x64xf32, #tpu.memory_space<vmem>>
    %dma_start3A_110 = arith.constant 0 : i32
    %dma_start3A_111 = tpu.memref_slice %arg4[%squeeze3A_106, %dma_start3A_110] : memref<1000000x64xf32, #tpu.memory_space<hbm>> -> memref<1x64xf32, #tpu.memory_space<hbm>>
    %dma_start3A_112 = arith.constant 4 : i32
    %dma_start3A_113 = arith.constant 0 : i32
    %dma_start3A_114 = tpu.memref_slice %arg13[%dma_start3A_112, %dma_start3A_113] : memref<128x64xf32, #tpu.memory_space<vmem>> -> memref<1x64xf32, #tpu.memory_space<vmem>>
    %dma_start3A_115 = arith.constant 0 : i32
    %dma_start3A_116 = tpu.memref_slice %arg4[%squeeze3A_106, %dma_start3A_115] : memref<1000000x64xf32, #tpu.memory_space<hbm>> -> memref<1x64xf32, #tpu.memory_space<hbm>>
    tpu.enqueue_dma source(%dma_start3A_116 : memref<1x64xf32, #tpu.memory_space<hbm>>) target(%dma_start3A_114 : memref<1x64xf32, #tpu.memory_space<vmem>>) target_semaphore(%arg17 : memref<!tpu.dma_semaphore, #tpu.memory_space<semaphore_mem>>)
    %slice3A_117 = vector.extract_strided_slice %get3A_10 {offsets = [4], sizes = [1], strides = [1]} : vector<16xi32> to vector<1xi32>
    %squeeze3A_118 = vector.extract %slice3A_117[0] : i32 from vector<1xi32>
    %dma_start3A_119 = arith.constant 4 : i32
    %dma_start3A_120 = arith.constant 0 : i32
    %dma_start3A_121 = tpu.memref_slice %arg14[%dma_start3A_119, %dma_start3A_120] : memref<128x64xf32, #tpu.memory_space<vmem>> -> memref<1x64xf32, #tpu.memory_space<vmem>>
    %dma_start3A_122 = arith.constant 0 : i32
    %dma_start3A_123 = tpu.memref_slice %arg4[%squeeze3A_118, %dma_start3A_122] : memref<1000000x64xf32, #tpu.memory_space<hbm>> -> memref<1x64xf32, #tpu.memory_space<hbm>>
    %dma_start3A_124 = arith.constant 4 : i32
    %dma_start3A_125 = arith.constant 0 : i32
    %dma_start3A_126 = tpu.memref_slice %arg14[%dma_start3A_124, %dma_start3A_125] : memref<128x64xf32, #tpu.memory_space<vmem>> -> memref<1x64xf32, #tpu.memory_space<vmem>>
    %dma_start3A_127 = arith.constant 0 : i32
    %dma_start3A_128 = tpu.memref_slice %arg4[%squeeze3A_118, %dma_start3A_127] : memref<1000000x64xf32, #tpu.memory_space<hbm>> -> memref<1x64xf32, #tpu.memory_space<hbm>>
    tpu.enqueue_dma source(%dma_start3A_128 : memref<1x64xf32, #tpu.memory_space<hbm>>) target(%dma_start3A_126 : memref<1x64xf32, #tpu.memory_space<vmem>>) target_semaphore(%arg17 : memref<!tpu.dma_semaphore, #tpu.memory_space<semaphore_mem>>)
    %slice3A_129 = vector.extract_strided_slice %get3A_7 {offsets = [5], sizes = [1], strides = [1]} : vector<16xi32> to vector<1xi32>
    %squeeze3A_130 = vector.extract %slice3A_129[0] : i32 from vector<1xi32>
    %dma_start3A_131 = arith.constant 5 : i32
    %dma_start3A_132 = arith.constant 0 : i32
    %dma_start3A_133 = tpu.memref_slice %arg13[%dma_start3A_131, %dma_start3A_132] : memref<128x64xf32, #tpu.memory_space<vmem>> -> memref<1x64xf32, #tpu.memory_space<vmem>>
    %dma_start3A_134 = arith.constant 0 : i32
    %dma_start3A_135 = tpu.memref_slice %arg4[%squeeze3A_130, %dma_start3A_134] : memref<1000000x64xf32, #tpu.memory_space<hbm>> -> memref<1x64xf32, #tpu.memory_space<hbm>>
    %dma_start3A_136 = arith.constant 5 : i32
    %dma_start3A_137 = arith.constant 0 : i32
    %dma_start3A_138 = tpu.memref_slice %arg13[%dma_start3A_136, %dma_start3A_137] : memref<128x64xf32, #tpu.memory_space<vmem>> -> memref<1x64xf32, #tpu.memory_space<vmem>>
    %dma_start3A_139 = arith.constant 0 : i32
    %dma_start3A_140 = tpu.memref_slice %arg4[%squeeze3A_130, %dma_start3A_139] : memref<1000000x64xf32, #tpu.memory_space<hbm>> -> memref<1x64xf32, #tpu.memory_space<hbm>>
    tpu.enqueue_dma source(%dma_start3A_140 : memref<1x64xf32, #tpu.memory_space<hbm>>) target(%dma_start3A_138 : memref<1x64xf32, #tpu.memory_space<vmem>>) target_semaphore(%arg17 : memref<!tpu.dma_semaphore, #tpu.memory_space<semaphore_mem>>)
    %slice3A_141 = vector.extract_strided_slice %get3A_10 {offsets = [5], sizes = [1], strides = [1]} : vector<16xi32> to vector<1xi32>
    %squeeze3A_142 = vector.extract %slice3A_141[0] : i32 from vector<1xi32>
    %dma_start3A_143 = arith.constant 5 : i32
    %dma_start3A_144 = arith.constant 0 : i32
    %dma_start3A_145 = tpu.memref_slice %arg14[%dma_start3A_143, %dma_start3A_144] : memref<128x64xf32, #tpu.memory_space<vmem>> -> memref<1x64xf32, #tpu.memory_space<vmem>>
    %dma_start3A_146 = arith.constant 0 : i32
    %dma_start3A_147 = tpu.memref_slice %arg4[%squeeze3A_142, %dma_start3A_146] : memref<1000000x64xf32, #tpu.memory_space<hbm>> -> memref<1x64xf32, #tpu.memory_space<hbm>>
    %dma_start3A_148 = arith.constant 5 : i32
    %dma_start3A_149 = arith.constant 0 : i32
    %dma_start3A_150 = tpu.memref_slice %arg14[%dma_start3A_148, %dma_start3A_149] : memref<128x64xf32, #tpu.memory_space<vmem>> -> memref<1x64xf32, #tpu.memory_space<vmem>>
    %dma_start3A_151 = arith.constant 0 : i32
    %dma_start3A_152 = tpu.memref_slice %arg4[%squeeze3A_142, %dma_start3A_151] : memref<1000000x64xf32, #tpu.memory_space<hbm>> -> memref<1x64xf32, #tpu.memory_space<hbm>>
    tpu.enqueue_dma source(%dma_start3A_152 : memref<1x64xf32, #tpu.memory_space<hbm>>) target(%dma_start3A_150 : memref<1x64xf32, #tpu.memory_space<vmem>>) target_semaphore(%arg17 : memref<!tpu.dma_semaphore, #tpu.memory_space<semaphore_mem>>)
    %slice3A_153 = vector.extract_strided_slice %get3A_7 {offsets = [6], sizes = [1], strides = [1]} : vector<16xi32> to vector<1xi32>
    %squeeze3A_154 = vector.extract %slice3A_153[0] : i32 from vector<1xi32>
    %dma_start3A_155 = arith.constant 6 : i32
    %dma_start3A_156 = arith.constant 0 : i32
    %dma_start3A_157 = tpu.memref_slice %arg13[%dma_start3A_155, %dma_start3A_156] : memref<128x64xf32, #tpu.memory_space<vmem>> -> memref<1x64xf32, #tpu.memory_space<vmem>>
    %dma_start3A_158 = arith.constant 0 : i32
    %dma_start3A_159 = tpu.memref_slice %arg4[%squeeze3A_154, %dma_start3A_158] : memref<1000000x64xf32, #tpu.memory_space<hbm>> -> memref<1x64xf32, #tpu.memory_space<hbm>>
    %dma_start3A_160 = arith.constant 6 : i32
    %dma_start3A_161 = arith.constant 0 : i32
    %dma_start3A_162 = tpu.memref_slice %arg13[%dma_start3A_160, %dma_start3A_161] : memref<128x64xf32, #tpu.memory_space<vmem>> -> memref<1x64xf32, #tpu.memory_space<vmem>>
    %dma_start3A_163 = arith.constant 0 : i32
    %dma_start3A_164 = tpu.memref_slice %arg4[%squeeze3A_154, %dma_start3A_163] : memref<1000000x64xf32, #tpu.memory_space<hbm>> -> memref<1x64xf32, #tpu.memory_space<hbm>>
    tpu.enqueue_dma source(%dma_start3A_164 : memref<1x64xf32, #tpu.memory_space<hbm>>) target(%dma_start3A_162 : memref<1x64xf32, #tpu.memory_space<vmem>>) target_semaphore(%arg17 : memref<!tpu.dma_semaphore, #tpu.memory_space<semaphore_mem>>)
    %slice3A_165 = vector.extract_strided_slice %get3A_10 {offsets = [6], sizes = [1], strides = [1]} : vector<16xi32> to vector<1xi32>
    %squeeze3A_166 = vector.extract %slice3A_165[0] : i32 from vector<1xi32>
    %dma_start3A_167 = arith.constant 6 : i32
    %dma_start3A_168 = arith.constant 0 : i32
    %dma_start3A_169 = tpu.memref_slice %arg14[%dma_start3A_167, %dma_start3A_168] : memref<128x64xf32, #tpu.memory_space<vmem>> -> memref<1x64xf32, #tpu.memory_space<vmem>>
    %dma_start3A_170 = arith.constant 0 : i32
    %dma_start3A_171 = tpu.memref_slice %arg4[%squeeze3A_166, %dma_start3A_170] : memref<1000000x64xf32, #tpu.memory_space<hbm>> -> memref<1x64xf32, #tpu.memory_space<hbm>>
    %dma_start3A_172 = arith.constant 6 : i32
    %dma_start3A_173 = arith.constant 0 : i32
    %dma_start3A_174 = tpu.memref_slice %arg14[%dma_start3A_172, %dma_start3A_173] : memref<128x64xf32, #tpu.memory_space<vmem>> -> memref<1x64xf32, #tpu.memory_space<vmem>>
    %dma_start3A_175 = arith.constant 0 : i32
    %dma_start3A_176 = tpu.memref_slice %arg4[%squeeze3A_166, %dma_start3A_175] : memref<1000000x64xf32, #tpu.memory_space<hbm>> -> memref<1x64xf32, #tpu.memory_space<hbm>>
    tpu.enqueue_dma source(%dma_start3A_176 : memref<1x64xf32, #tpu.memory_space<hbm>>) target(%dma_start3A_174 : memref<1x64xf32, #tpu.memory_space<vmem>>) target_semaphore(%arg17 : memref<!tpu.dma_semaphore, #tpu.memory_space<semaphore_mem>>)
    %slice3A_177 = vector.extract_strided_slice %get3A_7 {offsets = [7], sizes = [1], strides = [1]} : vector<16xi32> to vector<1xi32>
    %squeeze3A_178 = vector.extract %slice3A_177[0] : i32 from vector<1xi32>
    %dma_start3A_179 = arith.constant 7 : i32
    %dma_start3A_180 = arith.constant 0 : i32
    %dma_start3A_181 = tpu.memref_slice %arg13[%dma_start3A_179, %dma_start3A_180] : memref<128x64xf32, #tpu.memory_space<vmem>> -> memref<1x64xf32, #tpu.memory_space<vmem>>
    %dma_start3A_182 = arith.constant 0 : i32
    %dma_start3A_183 = tpu.memref_slice %arg4[%squeeze3A_178, %dma_start3A_182] : memref<1000000x64xf32, #tpu.memory_space<hbm>> -> memref<1x64xf32, #tpu.memory_space<hbm>>
    %dma_start3A_184 = arith.constant 7 : i32
    %dma_start3A_185 = arith.constant 0 : i32
    %dma_start3A_186 = tpu.memref_slice %arg13[%dma_start3A_184, %dma_start3A_185] : memref<128x64xf32, #tpu.memory_space<vmem>> -> memref<1x64xf32, #tpu.memory_space<vmem>>
    %dma_start3A_187 = arith.constant 0 : i32
    %dma_start3A_188 = tpu.memref_slice %arg4[%squeeze3A_178, %dma_start3A_187] : memref<1000000x64xf32, #tpu.memory_space<hbm>> -> memref<1x64xf32, #tpu.memory_space<hbm>>
    tpu.enqueue_dma source(%dma_start3A_188 : memref<1x64xf32, #tpu.memory_space<hbm>>) target(%dma_start3A_186 : memref<1x64xf32, #tpu.memory_space<vmem>>) target_semaphore(%arg17 : memref<!tpu.dma_semaphore, #tpu.memory_space<semaphore_mem>>)
    %slice3A_189 = vector.extract_strided_slice %get3A_10 {offsets = [7], sizes = [1], strides = [1]} : vector<16xi32> to vector<1xi32>
    %squeeze3A_190 = vector.extract %slice3A_189[0] : i32 from vector<1xi32>
    %dma_start3A_191 = arith.constant 7 : i32
    %dma_start3A_192 = arith.constant 0 : i32
    %dma_start3A_193 = tpu.memref_slice %arg14[%dma_start3A_191, %dma_start3A_192] : memref<128x64xf32, #tpu.memory_space<vmem>> -> memref<1x64xf32, #tpu.memory_space<vmem>>
    %dma_start3A_194 = arith.constant 0 : i32
    %dma_start3A_195 = tpu.memref_slice %arg4[%squeeze3A_190, %dma_start3A_194] : memref<1000000x64xf32, #tpu.memory_space<hbm>> -> memref<1x64xf32, #tpu.memory_space<hbm>>
    %dma_start3A_196 = arith.constant 7 : i32
    %dma_start3A_197 = arith.constant 0 : i32
    %dma_start3A_198 = tpu.memref_slice %arg14[%dma_start3A_196, %dma_start3A_197] : memref<128x64xf32, #tpu.memory_space<vmem>> -> memref<1x64xf32, #tpu.memory_space<vmem>>
    %dma_start3A_199 = arith.constant 0 : i32
    %dma_start3A_200 = tpu.memref_slice %arg4[%squeeze3A_190, %dma_start3A_199] : memref<1000000x64xf32, #tpu.memory_space<hbm>> -> memref<1x64xf32, #tpu.memory_space<hbm>>
    tpu.enqueue_dma source(%dma_start3A_200 : memref<1x64xf32, #tpu.memory_space<hbm>>) target(%dma_start3A_198 : memref<1x64xf32, #tpu.memory_space<vmem>>) target_semaphore(%arg17 : memref<!tpu.dma_semaphore, #tpu.memory_space<semaphore_mem>>)
    %slice3A_201 = vector.extract_strided_slice %get3A_7 {offsets = [8], sizes = [1], strides = [1]} : vector<16xi32> to vector<1xi32>
    %squeeze3A_202 = vector.extract %slice3A_201[0] : i32 from vector<1xi32>
    %dma_start3A_203 = arith.constant 8 : i32
    %dma_start3A_204 = arith.constant 0 : i32
    %dma_start3A_205 = tpu.memref_slice %arg13[%dma_start3A_203, %dma_start3A_204] : memref<128x64xf32, #tpu.memory_space<vmem>> -> memref<1x64xf32, #tpu.memory_space<vmem>>
    %dma_start3A_206 = arith.constant 0 : i32
    %dma_start3A_207 = tpu.memref_slice %arg4[%squeeze3A_202, %dma_start3A_206] : memref<1000000x64xf32, #tpu.memory_space<hbm>> -> memref<1x64xf32, #tpu.memory_space<hbm>>
    %dma_start3A_208 = arith.constant 8 : i32
    %dma_start3A_209 = arith.constant 0 : i32
    %dma_start3A_210 = tpu.memref_slice %arg13[%dma_start3A_208, %dma_start3A_209] : memref<128x64xf32, #tpu.memory_space<vmem>> -> memref<1x64xf32, #tpu.memory_space<vmem>>
    %dma_start3A_211 = arith.constant 0 : i32
    %dma_start3A_212 = tpu.memref_slice %arg4[%squeeze3A_202, %dma_start3A_211] : memref<1000000x64xf32, #tpu.memory_space<hbm>> -> memref<1x64xf32, #tpu.memory_space<hbm>>
    tpu.enqueue_dma source(%dma_start3A_212 : memref<1x64xf32, #tpu.memory_space<hbm>>) target(%dma_start3A_210 : memref<1x64xf32, #tpu.memory_space<vmem>>) target_semaphore(%arg17 : memref<!tpu.dma_semaphore, #tpu.memory_space<semaphore_mem>>)
    %slice3A_213 = vector.extract_strided_slice %get3A_10 {offsets = [8], sizes = [1], strides = [1]} : vector<16xi32> to vector<1xi32>
    %squeeze3A_214 = vector.extract %slice3A_213[0] : i32 from vector<1xi32>
    %dma_start3A_215 = arith.constant 8 : i32
    %dma_start3A_216 = arith.constant 0 : i32
    %dma_start3A_217 = tpu.memref_slice %arg14[%dma_start3A_215, %dma_start3A_216] : memref<128x64xf32, #tpu.memory_space<vmem>> -> memref<1x64xf32, #tpu.memory_space<vmem>>
    %dma_start3A_218 = arith.constant 0 : i32
    %dma_start3A_219 = tpu.memref_slice %arg4[%squeeze3A_214, %dma_start3A_218] : memref<1000000x64xf32, #tpu.memory_space<hbm>> -> memref<1x64xf32, #tpu.memory_space<hbm>>
    %dma_start3A_220 = arith.constant 8 : i32
    %dma_start3A_221 = arith.constant 0 : i32
    %dma_start3A_222 = tpu.memref_slice %arg14[%dma_start3A_220, %dma_start3A_221] : memref<128x64xf32, #tpu.memory_space<vmem>> -> memref<1x64xf32, #tpu.memory_space<vmem>>
    %dma_start3A_223 = arith.constant 0 : i32
    %dma_start3A_224 = tpu.memref_slice %arg4[%squeeze3A_214, %dma_start3A_223] : memref<1000000x64xf32, #tpu.memory_space<hbm>> -> memref<1x64xf32, #tpu.memory_space<hbm>>
    tpu.enqueue_dma source(%dma_start3A_224 : memref<1x64xf32, #tpu.memory_space<hbm>>) target(%dma_start3A_222 : memref<1x64xf32, #tpu.memory_space<vmem>>) target_semaphore(%arg17 : memref<!tpu.dma_semaphore, #tpu.memory_space<semaphore_mem>>)
    %slice3A_225 = vector.extract_strided_slice %get3A_7 {offsets = [9], sizes = [1], strides = [1]} : vector<16xi32> to vector<1xi32>
    %squeeze3A_226 = vector.extract %slice3A_225[0] : i32 from vector<1xi32>
    %dma_start3A_227 = arith.constant 9 : i32
    %dma_start3A_228 = arith.constant 0 : i32
    %dma_start3A_229 = tpu.memref_slice %arg13[%dma_start3A_227, %dma_start3A_228] : memref<128x64xf32, #tpu.memory_space<vmem>> -> memref<1x64xf32, #tpu.memory_space<vmem>>
    %dma_start3A_230 = arith.constant 0 : i32
    %dma_start3A_231 = tpu.memref_slice %arg4[%squeeze3A_226, %dma_start3A_230] : memref<1000000x64xf32, #tpu.memory_space<hbm>> -> memref<1x64xf32, #tpu.memory_space<hbm>>
    %dma_start3A_232 = arith.constant 9 : i32
    %dma_start3A_233 = arith.constant 0 : i32
    %dma_start3A_234 = tpu.memref_slice %arg13[%dma_start3A_232, %dma_start3A_233] : memref<128x64xf32, #tpu.memory_space<vmem>> -> memref<1x64xf32, #tpu.memory_space<vmem>>
    %dma_start3A_235 = arith.constant 0 : i32
    %dma_start3A_236 = tpu.memref_slice %arg4[%squeeze3A_226, %dma_start3A_235] : memref<1000000x64xf32, #tpu.memory_space<hbm>> -> memref<1x64xf32, #tpu.memory_space<hbm>>
    tpu.enqueue_dma source(%dma_start3A_236 : memref<1x64xf32, #tpu.memory_space<hbm>>) target(%dma_start3A_234 : memref<1x64xf32, #tpu.memory_space<vmem>>) target_semaphore(%arg17 : memref<!tpu.dma_semaphore, #tpu.memory_space<semaphore_mem>>)
    %slice3A_237 = vector.extract_strided_slice %get3A_10 {offsets = [9], sizes = [1], strides = [1]} : vector<16xi32> to vector<1xi32>
    %squeeze3A_238 = vector.extract %slice3A_237[0] : i32 from vector<1xi32>
    %dma_start3A_239 = arith.constant 9 : i32
    %dma_start3A_240 = arith.constant 0 : i32
    %dma_start3A_241 = tpu.memref_slice %arg14[%dma_start3A_239, %dma_start3A_240] : memref<128x64xf32, #tpu.memory_space<vmem>> -> memref<1x64xf32, #tpu.memory_space<vmem>>
    %dma_start3A_242 = arith.constant 0 : i32
    %dma_start3A_243 = tpu.memref_slice %arg4[%squeeze3A_238, %dma_start3A_242] : memref<1000000x64xf32, #tpu.memory_space<hbm>> -> memref<1x64xf32, #tpu.memory_space<hbm>>
    %dma_start3A_244 = arith.constant 9 : i32
    %dma_start3A_245 = arith.constant 0 : i32
    %dma_start3A_246 = tpu.memref_slice %arg14[%dma_start3A_244, %dma_start3A_245] : memref<128x64xf32, #tpu.memory_space<vmem>> -> memref<1x64xf32, #tpu.memory_space<vmem>>
    %dma_start3A_247 = arith.constant 0 : i32
    %dma_start3A_248 = tpu.memref_slice %arg4[%squeeze3A_238, %dma_start3A_247] : memref<1000000x64xf32, #tpu.memory_space<hbm>> -> memref<1x64xf32, #tpu.memory_space<hbm>>
    tpu.enqueue_dma source(%dma_start3A_248 : memref<1x64xf32, #tpu.memory_space<hbm>>) target(%dma_start3A_246 : memref<1x64xf32, #tpu.memory_space<vmem>>) target_semaphore(%arg17 : memref<!tpu.dma_semaphore, #tpu.memory_space<semaphore_mem>>)
    %slice3A_249 = vector.extract_strided_slice %get3A_7 {offsets = [10], sizes = [1], strides = [1]} : vector<16xi32> to vector<1xi32>
    %squeeze3A_250 = vector.extract %slice3A_249[0] : i32 from vector<1xi32>
    %dma_start3A_251 = arith.constant 10 : i32
    %dma_start3A_252 = arith.constant 0 : i32
    %dma_start3A_253 = tpu.memref_slice %arg13[%dma_start3A_251, %dma_start3A_252] : memref<128x64xf32, #tpu.memory_space<vmem>> -> memref<1x64xf32, #tpu.memory_space<vmem>>
    %dma_start3A_254 = arith.constant 0 : i32
    %dma_start3A_255 = tpu.memref_slice %arg4[%squeeze3A_250, %dma_start3A_254] : memref<1000000x64xf32, #tpu.memory_space<hbm>> -> memref<1x64xf32, #tpu.memory_space<hbm>>
    %dma_start3A_256 = arith.constant 10 : i32
    %dma_start3A_257 = arith.constant 0 : i32
    %dma_start3A_258 = tpu.memref_slice %arg13[%dma_start3A_256, %dma_start3A_257] : memref<128x64xf32, #tpu.memory_space<vmem>> -> memref<1x64xf32, #tpu.memory_space<vmem>>
    %dma_start3A_259 = arith.constant 0 : i32
    %dma_start3A_260 = tpu.memref_slice %arg4[%squeeze3A_250, %dma_start3A_259] : memref<1000000x64xf32, #tpu.memory_space<hbm>> -> memref<1x64xf32, #tpu.memory_space<hbm>>
    tpu.enqueue_dma source(%dma_start3A_260 : memref<1x64xf32, #tpu.memory_space<hbm>>) target(%dma_start3A_258 : memref<1x64xf32, #tpu.memory_space<vmem>>) target_semaphore(%arg17 : memref<!tpu.dma_semaphore, #tpu.memory_space<semaphore_mem>>)
    %slice3A_261 = vector.extract_strided_slice %get3A_10 {offsets = [10], sizes = [1], strides = [1]} : vector<16xi32> to vector<1xi32>
    %squeeze3A_262 = vector.extract %slice3A_261[0] : i32 from vector<1xi32>
    %dma_start3A_263 = arith.constant 10 : i32
    %dma_start3A_264 = arith.constant 0 : i32
    %dma_start3A_265 = tpu.memref_slice %arg14[%dma_start3A_263, %dma_start3A_264] : memref<128x64xf32, #tpu.memory_space<vmem>> -> memref<1x64xf32, #tpu.memory_space<vmem>>
    %dma_start3A_266 = arith.constant 0 : i32
    %dma_start3A_267 = tpu.memref_slice %arg4[%squeeze3A_262, %dma_start3A_266] : memref<1000000x64xf32, #tpu.memory_space<hbm>> -> memref<1x64xf32, #tpu.memory_space<hbm>>
    %dma_start3A_268 = arith.constant 10 : i32
    %dma_start3A_269 = arith.constant 0 : i32
    %dma_start3A_270 = tpu.memref_slice %arg14[%dma_start3A_268, %dma_start3A_269] : memref<128x64xf32, #tpu.memory_space<vmem>> -> memref<1x64xf32, #tpu.memory_space<vmem>>
    %dma_start3A_271 = arith.constant 0 : i32
    %dma_start3A_272 = tpu.memref_slice %arg4[%squeeze3A_262, %dma_start3A_271] : memref<1000000x64xf32, #tpu.memory_space<hbm>> -> memref<1x64xf32, #tpu.memory_space<hbm>>
    tpu.enqueue_dma source(%dma_start3A_272 : memref<1x64xf32, #tpu.memory_space<hbm>>) target(%dma_start3A_270 : memref<1x64xf32, #tpu.memory_space<vmem>>) target_semaphore(%arg17 : memref<!tpu.dma_semaphore, #tpu.memory_space<semaphore_mem>>)
    %slice3A_273 = vector.extract_strided_slice %get3A_7 {offsets = [11], sizes = [1], strides = [1]} : vector<16xi32> to vector<1xi32>
    %squeeze3A_274 = vector.extract %slice3A_273[0] : i32 from vector<1xi32>
    %dma_start3A_275 = arith.constant 11 : i32
    %dma_start3A_276 = arith.constant 0 : i32
    %dma_start3A_277 = tpu.memref_slice %arg13[%dma_start3A_275, %dma_start3A_276] : memref<128x64xf32, #tpu.memory_space<vmem>> -> memref<1x64xf32, #tpu.memory_space<vmem>>
    %dma_start3A_278 = arith.constant 0 : i32
    %dma_start3A_279 = tpu.memref_slice %arg4[%squeeze3A_274, %dma_start3A_278] : memref<1000000x64xf32, #tpu.memory_space<hbm>> -> memref<1x64xf32, #tpu.memory_space<hbm>>
    %dma_start3A_280 = arith.constant 11 : i32
    %dma_start3A_281 = arith.constant 0 : i32
    %dma_start3A_282 = tpu.memref_slice %arg13[%dma_start3A_280, %dma_start3A_281] : memref<128x64xf32, #tpu.memory_space<vmem>> -> memref<1x64xf32, #tpu.memory_space<vmem>>
    %dma_start3A_283 = arith.constant 0 : i32
    %dma_start3A_284 = tpu.memref_slice %arg4[%squeeze3A_274, %dma_start3A_283] : memref<1000000x64xf32, #tpu.memory_space<hbm>> -> memref<1x64xf32, #tpu.memory_space<hbm>>
    tpu.enqueue_dma source(%dma_start3A_284 : memref<1x64xf32, #tpu.memory_space<hbm>>) target(%dma_start3A_282 : memref<1x64xf32, #tpu.memory_space<vmem>>) target_semaphore(%arg17 : memref<!tpu.dma_semaphore, #tpu.memory_space<semaphore_mem>>)
    %slice3A_285 = vector.extract_strided_slice %get3A_10 {offsets = [11], sizes = [1], strides = [1]} : vector<16xi32> to vector<1xi32>
    %squeeze3A_286 = vector.extract %slice3A_285[0] : i32 from vector<1xi32>
    %dma_start3A_287 = arith.constant 11 : i32
    %dma_start3A_288 = arith.constant 0 : i32
    %dma_start3A_289 = tpu.memref_slice %arg14[%dma_start3A_287, %dma_start3A_288] : memref<128x64xf32, #tpu.memory_space<vmem>> -> memref<1x64xf32, #tpu.memory_space<vmem>>
    %dma_start3A_290 = arith.constant 0 : i32
    %dma_start3A_291 = tpu.memref_slice %arg4[%squeeze3A_286, %dma_start3A_290] : memref<1000000x64xf32, #tpu.memory_space<hbm>> -> memref<1x64xf32, #tpu.memory_space<hbm>>
    %dma_start3A_292 = arith.constant 11 : i32
    %dma_start3A_293 = arith.constant 0 : i32
    %dma_start3A_294 = tpu.memref_slice %arg14[%dma_start3A_292, %dma_start3A_293] : memref<128x64xf32, #tpu.memory_space<vmem>> -> memref<1x64xf32, #tpu.memory_space<vmem>>
    %dma_start3A_295 = arith.constant 0 : i32
    %dma_start3A_296 = tpu.memref_slice %arg4[%squeeze3A_286, %dma_start3A_295] : memref<1000000x64xf32, #tpu.memory_space<hbm>> -> memref<1x64xf32, #tpu.memory_space<hbm>>
    tpu.enqueue_dma source(%dma_start3A_296 : memref<1x64xf32, #tpu.memory_space<hbm>>) target(%dma_start3A_294 : memref<1x64xf32, #tpu.memory_space<vmem>>) target_semaphore(%arg17 : memref<!tpu.dma_semaphore, #tpu.memory_space<semaphore_mem>>)
    %slice3A_297 = vector.extract_strided_slice %get3A_7 {offsets = [12], sizes = [1], strides = [1]} : vector<16xi32> to vector<1xi32>
    %squeeze3A_298 = vector.extract %slice3A_297[0] : i32 from vector<1xi32>
    %dma_start3A_299 = arith.constant 12 : i32
    %dma_start3A_300 = arith.constant 0 : i32
    %dma_start3A_301 = tpu.memref_slice %arg13[%dma_start3A_299, %dma_start3A_300] : memref<128x64xf32, #tpu.memory_space<vmem>> -> memref<1x64xf32, #tpu.memory_space<vmem>>
    %dma_start3A_302 = arith.constant 0 : i32
    %dma_start3A_303 = tpu.memref_slice %arg4[%squeeze3A_298, %dma_start3A_302] : memref<1000000x64xf32, #tpu.memory_space<hbm>> -> memref<1x64xf32, #tpu.memory_space<hbm>>
    %dma_start3A_304 = arith.constant 12 : i32
    %dma_start3A_305 = arith.constant 0 : i32
    %dma_start3A_306 = tpu.memref_slice %arg13[%dma_start3A_304, %dma_start3A_305] : memref<128x64xf32, #tpu.memory_space<vmem>> -> memref<1x64xf32, #tpu.memory_space<vmem>>
    %dma_start3A_307 = arith.constant 0 : i32
    %dma_start3A_308 = tpu.memref_slice %arg4[%squeeze3A_298, %dma_start3A_307] : memref<1000000x64xf32, #tpu.memory_space<hbm>> -> memref<1x64xf32, #tpu.memory_space<hbm>>
    tpu.enqueue_dma source(%dma_start3A_308 : memref<1x64xf32, #tpu.memory_space<hbm>>) target(%dma_start3A_306 : memref<1x64xf32, #tpu.memory_space<vmem>>) target_semaphore(%arg17 : memref<!tpu.dma_semaphore, #tpu.memory_space<semaphore_mem>>)
    %slice3A_309 = vector.extract_strided_slice %get3A_10 {offsets = [12], sizes = [1], strides = [1]} : vector<16xi32> to vector<1xi32>
    %squeeze3A_310 = vector.extract %slice3A_309[0] : i32 from vector<1xi32>
    %dma_start3A_311 = arith.constant 12 : i32
    %dma_start3A_312 = arith.constant 0 : i32
    %dma_start3A_313 = tpu.memref_slice %arg14[%dma_start3A_311, %dma_start3A_312] : memref<128x64xf32, #tpu.memory_space<vmem>> -> memref<1x64xf32, #tpu.memory_space<vmem>>
    %dma_start3A_314 = arith.constant 0 : i32
    %dma_start3A_315 = tpu.memref_slice %arg4[%squeeze3A_310, %dma_start3A_314] : memref<1000000x64xf32, #tpu.memory_space<hbm>> -> memref<1x64xf32, #tpu.memory_space<hbm>>
    %dma_start3A_316 = arith.constant 12 : i32
    %dma_start3A_317 = arith.constant 0 : i32
    %dma_start3A_318 = tpu.memref_slice %arg14[%dma_start3A_316, %dma_start3A_317] : memref<128x64xf32, #tpu.memory_space<vmem>> -> memref<1x64xf32, #tpu.memory_space<vmem>>
    %dma_start3A_319 = arith.constant 0 : i32
    %dma_start3A_320 = tpu.memref_slice %arg4[%squeeze3A_310, %dma_start3A_319] : memref<1000000x64xf32, #tpu.memory_space<hbm>> -> memref<1x64xf32, #tpu.memory_space<hbm>>
    tpu.enqueue_dma source(%dma_start3A_320 : memref<1x64xf32, #tpu.memory_space<hbm>>) target(%dma_start3A_318 : memref<1x64xf32, #tpu.memory_space<vmem>>) target_semaphore(%arg17 : memref<!tpu.dma_semaphore, #tpu.memory_space<semaphore_mem>>)
    %slice3A_321 = vector.extract_strided_slice %get3A_7 {offsets = [13], sizes = [1], strides = [1]} : vector<16xi32> to vector<1xi32>
    %squeeze3A_322 = vector.extract %slice3A_321[0] : i32 from vector<1xi32>
    %dma_start3A_323 = arith.constant 13 : i32
    %dma_start3A_324 = arith.constant 0 : i32
    %dma_start3A_325 = tpu.memref_slice %arg13[%dma_start3A_323, %dma_start3A_324] : memref<128x64xf32, #tpu.memory_space<vmem>> -> memref<1x64xf32, #tpu.memory_space<vmem>>
    %dma_start3A_326 = arith.constant 0 : i32
    %dma_start3A_327 = tpu.memref_slice %arg4[%squeeze3A_322, %dma_start3A_326] : memref<1000000x64xf32, #tpu.memory_space<hbm>> -> memref<1x64xf32, #tpu.memory_space<hbm>>
    %dma_start3A_328 = arith.constant 13 : i32
    %dma_start3A_329 = arith.constant 0 : i32
    %dma_start3A_330 = tpu.memref_slice %arg13[%dma_start3A_328, %dma_start3A_329] : memref<128x64xf32, #tpu.memory_space<vmem>> -> memref<1x64xf32, #tpu.memory_space<vmem>>
    %dma_start3A_331 = arith.constant 0 : i32
    %dma_start3A_332 = tpu.memref_slice %arg4[%squeeze3A_322, %dma_start3A_331] : memref<1000000x64xf32, #tpu.memory_space<hbm>> -> memref<1x64xf32, #tpu.memory_space<hbm>>
    tpu.enqueue_dma source(%dma_start3A_332 : memref<1x64xf32, #tpu.memory_space<hbm>>) target(%dma_start3A_330 : memref<1x64xf32, #tpu.memory_space<vmem>>) target_semaphore(%arg17 : memref<!tpu.dma_semaphore, #tpu.memory_space<semaphore_mem>>)
    %slice3A_333 = vector.extract_strided_slice %get3A_10 {offsets = [13], sizes = [1], strides = [1]} : vector<16xi32> to vector<1xi32>
    %squeeze3A_334 = vector.extract %slice3A_333[0] : i32 from vector<1xi32>
    %dma_start3A_335 = arith.constant 13 : i32
    %dma_start3A_336 = arith.constant 0 : i32
    %dma_start3A_337 = tpu.memref_slice %arg14[%dma_start3A_335, %dma_start3A_336] : memref<128x64xf32, #tpu.memory_space<vmem>> -> memref<1x64xf32, #tpu.memory_space<vmem>>
    %dma_start3A_338 = arith.constant 0 : i32
    %dma_start3A_339 = tpu.memref_slice %arg4[%squeeze3A_334, %dma_start3A_338] : memref<1000000x64xf32, #tpu.memory_space<hbm>> -> memref<1x64xf32, #tpu.memory_space<hbm>>
    %dma_start3A_340 = arith.constant 13 : i32
    %dma_start3A_341 = arith.constant 0 : i32
    %dma_start3A_342 = tpu.memref_slice %arg14[%dma_start3A_340, %dma_start3A_341] : memref<128x64xf32, #tpu.memory_space<vmem>> -> memref<1x64xf32, #tpu.memory_space<vmem>>
    %dma_start3A_343 = arith.constant 0 : i32
    %dma_start3A_344 = tpu.memref_slice %arg4[%squeeze3A_334, %dma_start3A_343] : memref<1000000x64xf32, #tpu.memory_space<hbm>> -> memref<1x64xf32, #tpu.memory_space<hbm>>
    tpu.enqueue_dma source(%dma_start3A_344 : memref<1x64xf32, #tpu.memory_space<hbm>>) target(%dma_start3A_342 : memref<1x64xf32, #tpu.memory_space<vmem>>) target_semaphore(%arg17 : memref<!tpu.dma_semaphore, #tpu.memory_space<semaphore_mem>>)
    %slice3A_345 = vector.extract_strided_slice %get3A_7 {offsets = [14], sizes = [1], strides = [1]} : vector<16xi32> to vector<1xi32>
    %squeeze3A_346 = vector.extract %slice3A_345[0] : i32 from vector<1xi32>
    %dma_start3A_347 = arith.constant 14 : i32
    %dma_start3A_348 = arith.constant 0 : i32
    %dma_start3A_349 = tpu.memref_slice %arg13[%dma_start3A_347, %dma_start3A_348] : memref<128x64xf32, #tpu.memory_space<vmem>> -> memref<1x64xf32, #tpu.memory_space<vmem>>
    %dma_start3A_350 = arith.constant 0 : i32
    %dma_start3A_351 = tpu.memref_slice %arg4[%squeeze3A_346, %dma_start3A_350] : memref<1000000x64xf32, #tpu.memory_space<hbm>> -> memref<1x64xf32, #tpu.memory_space<hbm>>
    %dma_start3A_352 = arith.constant 14 : i32
    %dma_start3A_353 = arith.constant 0 : i32
    %dma_start3A_354 = tpu.memref_slice %arg13[%dma_start3A_352, %dma_start3A_353] : memref<128x64xf32, #tpu.memory_space<vmem>> -> memref<1x64xf32, #tpu.memory_space<vmem>>
    %dma_start3A_355 = arith.constant 0 : i32
    %dma_start3A_356 = tpu.memref_slice %arg4[%squeeze3A_346, %dma_start3A_355] : memref<1000000x64xf32, #tpu.memory_space<hbm>> -> memref<1x64xf32, #tpu.memory_space<hbm>>
    tpu.enqueue_dma source(%dma_start3A_356 : memref<1x64xf32, #tpu.memory_space<hbm>>) target(%dma_start3A_354 : memref<1x64xf32, #tpu.memory_space<vmem>>) target_semaphore(%arg17 : memref<!tpu.dma_semaphore, #tpu.memory_space<semaphore_mem>>)
    %slice3A_357 = vector.extract_strided_slice %get3A_10 {offsets = [14], sizes = [1], strides = [1]} : vector<16xi32> to vector<1xi32>
    %squeeze3A_358 = vector.extract %slice3A_357[0] : i32 from vector<1xi32>
    %dma_start3A_359 = arith.constant 14 : i32
    %dma_start3A_360 = arith.constant 0 : i32
    %dma_start3A_361 = tpu.memref_slice %arg14[%dma_start3A_359, %dma_start3A_360] : memref<128x64xf32, #tpu.memory_space<vmem>> -> memref<1x64xf32, #tpu.memory_space<vmem>>
    %dma_start3A_362 = arith.constant 0 : i32
    %dma_start3A_363 = tpu.memref_slice %arg4[%squeeze3A_358, %dma_start3A_362] : memref<1000000x64xf32, #tpu.memory_space<hbm>> -> memref<1x64xf32, #tpu.memory_space<hbm>>
    %dma_start3A_364 = arith.constant 14 : i32
    %dma_start3A_365 = arith.constant 0 : i32
    %dma_start3A_366 = tpu.memref_slice %arg14[%dma_start3A_364, %dma_start3A_365] : memref<128x64xf32, #tpu.memory_space<vmem>> -> memref<1x64xf32, #tpu.memory_space<vmem>>
    %dma_start3A_367 = arith.constant 0 : i32
    %dma_start3A_368 = tpu.memref_slice %arg4[%squeeze3A_358, %dma_start3A_367] : memref<1000000x64xf32, #tpu.memory_space<hbm>> -> memref<1x64xf32, #tpu.memory_space<hbm>>
    tpu.enqueue_dma source(%dma_start3A_368 : memref<1x64xf32, #tpu.memory_space<hbm>>) target(%dma_start3A_366 : memref<1x64xf32, #tpu.memory_space<vmem>>) target_semaphore(%arg17 : memref<!tpu.dma_semaphore, #tpu.memory_space<semaphore_mem>>)
    %slice3A_369 = vector.extract_strided_slice %get3A_7 {offsets = [15], sizes = [1], strides = [1]} : vector<16xi32> to vector<1xi32>
    %squeeze3A_370 = vector.extract %slice3A_369[0] : i32 from vector<1xi32>
    %dma_start3A_371 = arith.constant 15 : i32
    %dma_start3A_372 = arith.constant 0 : i32
    %dma_start3A_373 = tpu.memref_slice %arg13[%dma_start3A_371, %dma_start3A_372] : memref<128x64xf32, #tpu.memory_space<vmem>> -> memref<1x64xf32, #tpu.memory_space<vmem>>
    %dma_start3A_374 = arith.constant 0 : i32
    %dma_start3A_375 = tpu.memref_slice %arg4[%squeeze3A_370, %dma_start3A_374] : memref<1000000x64xf32, #tpu.memory_space<hbm>> -> memref<1x64xf32, #tpu.memory_space<hbm>>
    %dma_start3A_376 = arith.constant 15 : i32
    %dma_start3A_377 = arith.constant 0 : i32
    %dma_start3A_378 = tpu.memref_slice %arg13[%dma_start3A_376, %dma_start3A_377] : memref<128x64xf32, #tpu.memory_space<vmem>> -> memref<1x64xf32, #tpu.memory_space<vmem>>
    %dma_start3A_379 = arith.constant 0 : i32
    %dma_start3A_380 = tpu.memref_slice %arg4[%squeeze3A_370, %dma_start3A_379] : memref<1000000x64xf32, #tpu.memory_space<hbm>> -> memref<1x64xf32, #tpu.memory_space<hbm>>
    tpu.enqueue_dma source(%dma_start3A_380 : memref<1x64xf32, #tpu.memory_space<hbm>>) target(%dma_start3A_378 : memref<1x64xf32, #tpu.memory_space<vmem>>) target_semaphore(%arg17 : memref<!tpu.dma_semaphore, #tpu.memory_space<semaphore_mem>>)
    %slice3A_381 = vector.extract_strided_slice %get3A_10 {offsets = [15], sizes = [1], strides = [1]} : vector<16xi32> to vector<1xi32>
    %squeeze3A_382 = vector.extract %slice3A_381[0] : i32 from vector<1xi32>
    %dma_start3A_383 = arith.constant 15 : i32
    %dma_start3A_384 = arith.constant 0 : i32
    %dma_start3A_385 = tpu.memref_slice %arg14[%dma_start3A_383, %dma_start3A_384] : memref<128x64xf32, #tpu.memory_space<vmem>> -> memref<1x64xf32, #tpu.memory_space<vmem>>
    %dma_start3A_386 = arith.constant 0 : i32
    %dma_start3A_387 = tpu.memref_slice %arg4[%squeeze3A_382, %dma_start3A_386] : memref<1000000x64xf32, #tpu.memory_space<hbm>> -> memref<1x64xf32, #tpu.memory_space<hbm>>
    %dma_start3A_388 = arith.constant 15 : i32
    %dma_start3A_389 = arith.constant 0 : i32
    %dma_start3A_390 = tpu.memref_slice %arg14[%dma_start3A_388, %dma_start3A_389] : memref<128x64xf32, #tpu.memory_space<vmem>> -> memref<1x64xf32, #tpu.memory_space<vmem>>
    %dma_start3A_391 = arith.constant 0 : i32
    %dma_start3A_392 = tpu.memref_slice %arg4[%squeeze3A_382, %dma_start3A_391] : memref<1000000x64xf32, #tpu.memory_space<hbm>> -> memref<1x64xf32, #tpu.memory_space<hbm>>
    tpu.enqueue_dma source(%dma_start3A_392 : memref<1x64xf32, #tpu.memory_space<hbm>>) target(%dma_start3A_390 : memref<1x64xf32, #tpu.memory_space<vmem>>) target_semaphore(%arg17 : memref<!tpu.dma_semaphore, #tpu.memory_space<semaphore_mem>>)
    %get3A_393 = arith.constant 16 : index
    %get3A_394 = tpu.vector_load %arg11[%get3A_393] {strides = array<i32>} : memref<128xi32, #tpu.memory_space<vmem>>, vector<16xi32>,
    %get3A_395 = vector.shape_cast %get3A_394 : vector<16xi32> to vector<16xi32>
    %get3A_396 = arith.constant 16 : index
    %get3A_397 = tpu.vector_load %arg12[%get3A_396] {strides = array<i32>} : memref<128xi32, #tpu.memory_space<vmem>>, vector<16xi32>,
    %get3A_398 = vector.shape_cast %get3A_397 : vector<16xi32> to vector<16xi32>
    %slice3A_399 = vector.extract_strided_slice %get3A_395 {offsets = [0], sizes = [1], strides = [1]} : vector<16xi32> to vector<1xi32>
    %squeeze3A_400 = vector.extract %slice3A_399[0] : i32 from vector<1xi32>
    %dma_start3A_401 = arith.constant 16 : i32
    %dma_start3A_402 = arith.constant 0 : i32
    %dma_start3A_403 = tpu.memref_slice %arg13[%dma_start3A_401, %dma_start3A_402] : memref<128x64xf32, #tpu.memory_space<vmem>> -> memref<1x64xf32, #tpu.memory_space<vmem>>
    %dma_start3A_404 = arith.constant 0 : i32
    %dma_start3A_405 = tpu.memref_slice %arg4[%squeeze3A_400, %dma_start3A_404] : memref<1000000x64xf32, #tpu.memory_space<hbm>> -> memref<1x64xf32, #tpu.memory_space<hbm>>
    %dma_start3A_406 = arith.constant 16 : i32
    %dma_start3A_407 = arith.constant 0 : i32
    %dma_start3A_408 = tpu.memref_slice %arg13[%dma_start3A_406, %dma_start3A_407] : memref<128x64xf32, #tpu.memory_space<vmem>> -> memref<1x64xf32, #tpu.memory_space<vmem>>
    %dma_start3A_409 = arith.constant 0 : i32
    %dma_start3A_410 = tpu.memref_slice %arg4[%squeeze3A_400, %dma_start3A_409] : memref<1000000x64xf32, #tpu.memory_space<hbm>> -> memref<1x64xf32, #tpu.memory_space<hbm>>
    tpu.enqueue_dma source(%dma_start3A_410 : memref<1x64xf32, #tpu.memory_space<hbm>>) target(%dma_start3A_408 : memref<1x64xf32, #tpu.memory_space<vmem>>) target_semaphore(%arg17 : memref<!tpu.dma_semaphore, #tpu.memory_space<semaphore_mem>>)
    %slice3A_411 = vector.extract_strided_slice %get3A_398 {offsets = [0], sizes = [1], strides = [1]} : vector<16xi32> to vector<1xi32>
    %squeeze3A_412 = vector.extract %slice3A_411[0] : i32 from vector<1xi32>
    %dma_start3A_413 = arith.constant 16 : i32
    %dma_start3A_414 = arith.constant 0 : i32
    %dma_start3A_415 = tpu.memref_slice %arg14[%dma_start3A_413, %dma_start3A_414] : memref<128x64xf32, #tpu.memory_space<vmem>> -> memref<1x64xf32, #tpu.memory_space<vmem>>
    %dma_start3A_416 = arith.constant 0 : i32
    %dma_start3A_417 = tpu.memref_slice %arg4[%squeeze3A_412, %dma_start3A_416] : memref<1000000x64xf32, #tpu.memory_space<hbm>> -> memref<1x64xf32, #tpu.memory_space<hbm>>
    %dma_start3A_418 = arith.constant 16 : i32
    %dma_start3A_419 = arith.constant 0 : i32
    %dma_start3A_420 = tpu.memref_slice %arg14[%dma_start3A_418, %dma_start3A_419] : memref<128x64xf32, #tpu.memory_space<vmem>> -> memref<1x64xf32, #tpu.memory_space<vmem>>
    %dma_start3A_421 = arith.constant 0 : i32
    %dma_start3A_422 = tpu.memref_slice %arg4[%squeeze3A_412, %dma_start3A_421] : memref<1000000x64xf32, #tpu.memory_space<hbm>> -> memref<1x64xf32, #tpu.memory_space<hbm>>
    tpu.enqueue_dma source(%dma_start3A_422 : memref<1x64xf32, #tpu.memory_space<hbm>>) target(%dma_start3A_420 : memref<1x64xf32, #tpu.memory_space<vmem>>) target_semaphore(%arg17 : memref<!tpu.dma_semaphore, #tpu.memory_space<semaphore_mem>>)
    %slice3A_423 = vector.extract_strided_slice %get3A_395 {offsets = [1], sizes = [1], strides = [1]} : vector<16xi32> to vector<1xi32>
    %squeeze3A_424 = vector.extract %slice3A_423[0] : i32 from vector<1xi32>
    %dma_start3A_425 = arith.constant 17 : i32
    %dma_start3A_426 = arith.constant 0 : i32
    %dma_start3A_427 = tpu.memref_slice %arg13[%dma_start3A_425, %dma_start3A_426] : memref<128x64xf32, #tpu.memory_space<vmem>> -> memref<1x64xf32, #tpu.memory_space<vmem>>
    %dma_start3A_428 = arith.constant 0 : i32
    %dma_start3A_429 = tpu.memref_slice %arg4[%squeeze3A_424, %dma_start3A_428] : memref<1000000x64xf32, #tpu.memory_space<hbm>> -> memref<1x64xf32, #tpu.memory_space<hbm>>
    %dma_start3A_430 = arith.constant 17 : i32
    %dma_start3A_431 = arith.constant 0 : i32
    %dma_start3A_432 = tpu.memref_slice %arg13[%dma_start3A_430, %dma_start3A_431] : memref<128x64xf32, #tpu.memory_space<vmem>> -> memref<1x64xf32, #tpu.memory_space<vmem>>
    %dma_start3A_433 = arith.constant 0 : i32
    %dma_start3A_434 = tpu.memref_slice %arg4[%squeeze3A_424, %dma_start3A_433] : memref<1000000x64xf32, #tpu.memory_space<hbm>> -> memref<1x64xf32, #tpu.memory_space<hbm>>
    tpu.enqueue_dma source(%dma_start3A_434 : memref<1x64xf32, #tpu.memory_space<hbm>>) target(%dma_start3A_432 : memref<1x64xf32, #tpu.memory_space<vmem>>) target_semaphore(%arg17 : memref<!tpu.dma_semaphore, #tpu.memory_space<semaphore_mem>>)
    %slice3A_435 = vector.extract_strided_slice %get3A_398 {offsets = [1], sizes = [1], strides = [1]} : vector<16xi32> to vector<1xi32>
    %squeeze3A_436 = vector.extract %slice3A_435[0] : i32 from vector<1xi32>
    %dma_start3A_437 = arith.constant 17 : i32
    %dma_start3A_438 = arith.constant 0 : i32
    %dma_start3A_439 = tpu.memref_slice %arg14[%dma_start3A_437, %dma_start3A_438] : memref<128x64xf32, #tpu.memory_space<vmem>> -> memref<1x64xf32, #tpu.memory_space<vmem>>
    %dma_start3A_440 = arith.constant 0 : i32
    %dma_start3A_441 = tpu.memref_slice %arg4[%squeeze3A_436, %dma_start3A_440] : memref<1000000x64xf32, #tpu.memory_space<hbm>> -> memref<1x64xf32, #tpu.memory_space<hbm>>
    %dma_start3A_442 = arith.constant 17 : i32
    %dma_start3A_443 = arith.constant 0 : i32
    %dma_start3A_444 = tpu.memref_slice %arg14[%dma_start3A_442, %dma_start3A_443] : memref<128x64xf32, #tpu.memory_space<vmem>> -> memref<1x64xf32, #tpu.memory_space<vmem>>
    %dma_start3A_445 = arith.constant 0 : i32
    %dma_start3A_446 = tpu.memref_slice %arg4[%squeeze3A_436, %dma_start3A_445] : memref<1000000x64xf32, #tpu.memory_space<hbm>> -> memref<1x64xf32, #tpu.memory_space<hbm>>
    tpu.enqueue_dma source(%dma_start3A_446 : memref<1x64xf32, #tpu.memory_space<hbm>>) target(%dma_start3A_444 : memref<1x64xf32, #tpu.memory_space<vmem>>) target_semaphore(%arg17 : memref<!tpu.dma_semaphore, #tpu.memory_space<semaphore_mem>>)
    %slice3A_447 = vector.extract_strided_slice %get3A_395 {offsets = [2], sizes = [1], strides = [1]} : vector<16xi32> to vector<1xi32>
    %squeeze3A_448 = vector.extract %slice3A_447[0] : i32 from vector<1xi32>
    %dma_start3A_449 = arith.constant 18 : i32
    %dma_start3A_450 = arith.constant 0 : i32
    %dma_start3A_451 = tpu.memref_slice %arg13[%dma_start3A_449, %dma_start3A_450] : memref<128x64xf32, #tpu.memory_space<vmem>> -> memref<1x64xf32, #tpu.memory_space<vmem>>
    %dma_start3A_452 = arith.constant 0 : i32
    %dma_start3A_453 = tpu.memref_slice %arg4[%squeeze3A_448, %dma_start3A_452] : memref<1000000x64xf32, #tpu.memory_space<hbm>> -> memref<1x64xf32, #tpu.memory_space<hbm>>
    %dma_start3A_454 = arith.constant 18 : i32
    %dma_start3A_455 = arith.constant 0 : i32
    %dma_start3A_456 = tpu.memref_slice %arg13[%dma_start3A_454, %dma_start3A_455] : memref<128x64xf32, #tpu.memory_space<vmem>> -> memref<1x64xf32, #tpu.memory_space<vmem>>
    %dma_start3A_457 = arith.constant 0 : i32
    %dma_start3A_458 = tpu.memref_slice %arg4[%squeeze3A_448, %dma_start3A_457] : memref<1000000x64xf32, #tpu.memory_space<hbm>> -> memref<1x64xf32, #tpu.memory_space<hbm>>
    tpu.enqueue_dma source(%dma_start3A_458 : memref<1x64xf32, #tpu.memory_space<hbm>>) target(%dma_start3A_456 : memref<1x64xf32, #tpu.memory_space<vmem>>) target_semaphore(%arg17 : memref<!tpu.dma_semaphore, #tpu.memory_space<semaphore_mem>>)
    %slice3A_459 = vector.extract_strided_slice %get3A_398 {offsets = [2], sizes = [1], strides = [1]} : vector<16xi32> to vector<1xi32>
    %squeeze3A_460 = vector.extract %slice3A_459[0] : i32 from vector<1xi32>
    %dma_start3A_461 = arith.constant 18 : i32
    %dma_start3A_462 = arith.constant 0 : i32
    %dma_start3A_463 = tpu.memref_slice %arg14[%dma_start3A_461, %dma_start3A_462] : memref<128x64xf32, #tpu.memory_space<vmem>> -> memref<1x64xf32, #tpu.memory_space<vmem>>
    %dma_start3A_464 = arith.constant 0 : i32
    %dma_start3A_465 = tpu.memref_slice %arg4[%squeeze3A_460, %dma_start3A_464] : memref<1000000x64xf32, #tpu.memory_space<hbm>> -> memref<1x64xf32, #tpu.memory_space<hbm>>
    %dma_start3A_466 = arith.constant 18 : i32
    %dma_start3A_467 = arith.constant 0 : i32
    %dma_start3A_468 = tpu.memref_slice %arg14[%dma_start3A_466, %dma_start3A_467] : memref<128x64xf32, #tpu.memory_space<vmem>> -> memref<1x64xf32, #tpu.memory_space<vmem>>
    %dma_start3A_469 = arith.constant 0 : i32
    %dma_start3A_470 = tpu.memref_slice %arg4[%squeeze3A_460, %dma_start3A_469] : memref<1000000x64xf32, #tpu.memory_space<hbm>> -> memref<1x64xf32, #tpu.memory_space<hbm>>
    tpu.enqueue_dma source(%dma_start3A_470 : memref<1x64xf32, #tpu.memory_space<hbm>>) target(%dma_start3A_468 : memref<1x64xf32, #tpu.memory_space<vmem>>) target_semaphore(%arg17 : memref<!tpu.dma_semaphore, #tpu.memory_space<semaphore_mem>>)
    %slice3A_471 = vector.extract_strided_slice %get3A_395 {offsets = [3], sizes = [1], strides = [1]} : vector<16xi32> to vector<1xi32>
    %squeeze3A_472 = vector.extract %slice3A_471[0] : i32 from vector<1xi32>
    %dma_start3A_473 = arith.constant 19 : i32
    %dma_start3A_474 = arith.constant 0 : i32
    %dma_start3A_475 = tpu.memref_slice %arg13[%dma_start3A_473, %dma_start3A_474] : memref<128x64xf32, #tpu.memory_space<vmem>> -> memref<1x64xf32, #tpu.memory_space<vmem>>
    %dma_start3A_476 = arith.constant 0 : i32
    %dma_start3A_477 = tpu.memref_slice %arg4[%squeeze3A_472, %dma_start3A_476] : memref<1000000x64xf32, #tpu.memory_space<hbm>> -> memref<1x64xf32, #tpu.memory_space<hbm>>
    %dma_start3A_478 = arith.constant 19 : i32
    %dma_start3A_479 = arith.constant 0 : i32
    %dma_start3A_480 = tpu.memref_slice %arg13[%dma_start3A_478, %dma_start3A_479] : memref<128x64xf32, #tpu.memory_space<vmem>> -> memref<1x64xf32, #tpu.memory_space<vmem>>
    %dma_start3A_481 = arith.constant 0 : i32
    %dma_start3A_482 = tpu.memref_slice %arg4[%squeeze3A_472, %dma_start3A_481] : memref<1000000x64xf32, #tpu.memory_space<hbm>> -> memref<1x64xf32, #tpu.memory_space<hbm>>
    tpu.enqueue_dma source(%dma_start3A_482 : memref<1x64xf32, #tpu.memory_space<hbm>>) target(%dma_start3A_480 : memref<1x64xf32, #tpu.memory_space<vmem>>) target_semaphore(%arg17 : memref<!tpu.dma_semaphore, #tpu.memory_space<semaphore_mem>>)
    %slice3A_483 = vector.extract_strided_slice %get3A_398 {offsets = [3], sizes = [1], strides = [1]} : vector<16xi32> to vector<1xi32>
    %squeeze3A_484 = vector.extract %slice3A_483[0] : i32 from vector<1xi32>
    %dma_start3A_485 = arith.constant 19 : i32
    %dma_start3A_486 = arith.constant 0 : i32
    %dma_start3A_487 = tpu.memref_slice %arg14[%dma_start3A_485, %dma_start3A_486] : memref<128x64xf32, #tpu.memory_space<vmem>> -> memref<1x64xf32, #tpu.memory_space<vmem>>
    %dma_start3A_488 = arith.constant 0 : i32
    %dma_start3A_489 = tpu.memref_slice %arg4[%squeeze3A_484, %dma_start3A_488] : memref<1000000x64xf32, #tpu.memory_space<hbm>> -> memref<1x64xf32, #tpu.memory_space<hbm>>
    %dma_start3A_490 = arith.constant 19 : i32
    %dma_start3A_491 = arith.constant 0 : i32
    %dma_start3A_492 = tpu.memref_slice %arg14[%dma_start3A_490, %dma_start3A_491] : memref<128x64xf32, #tpu.memory_space<vmem>> -> memref<1x64xf32, #tpu.memory_space<vmem>>
    %dma_start3A_493 = arith.constant 0 : i32
    %dma_start3A_494 = tpu.memref_slice %arg4[%squeeze3A_484, %dma_start3A_493] : memref<1000000x64xf32, #tpu.memory_space<hbm>> -> memref<1x64xf32, #tpu.memory_space<hbm>>
    tpu.enqueue_dma source(%dma_start3A_494 : memref<1x64xf32, #tpu.memory_space<hbm>>) target(%dma_start3A_492 : memref<1x64xf32, #tpu.memory_space<vmem>>) target_semaphore(%arg17 : memref<!tpu.dma_semaphore, #tpu.memory_space<semaphore_mem>>)
    %slice3A_495 = vector.extract_strided_slice %get3A_395 {offsets = [4], sizes = [1], strides = [1]} : vector<16xi32> to vector<1xi32>
    %squeeze3A_496 = vector.extract %slice3A_495[0] : i32 from vector<1xi32>
    %dma_start3A_497 = arith.constant 20 : i32
    %dma_start3A_498 = arith.constant 0 : i32
    %dma_start3A_499 = tpu.memref_slice %arg13[%dma_start3A_497, %dma_start3A_498] : memref<128x64xf32, #tpu.memory_space<vmem>> -> memref<1x64xf32, #tpu.memory_space<vmem>>
    %dma_start3A_500 = arith.constant 0 : i32
    %dma_start3A_501 = tpu.memref_slice %arg4[%squeeze3A_496, %dma_start3A_500] : memref<1000000x64xf32, #tpu.memory_space<hbm>> -> memref<1x64xf32, #tpu.memory_space<hbm>>
    %dma_start3A_502 = arith.constant 20 : i32
    %dma_start3A_503 = arith.constant 0 : i32
    %dma_start3A_504 = tpu.memref_slice %arg13[%dma_start3A_502, %dma_start3A_503] : memref<128x64xf32, #tpu.memory_space<vmem>> -> memref<1x64xf32, #tpu.memory_space<vmem>>
    %dma_start3A_505 = arith.constant 0 : i32
    %dma_start3A_506 = tpu.memref_slice %arg4[%squeeze3A_496, %dma_start3A_505] : memref<1000000x64xf32, #tpu.memory_space<hbm>> -> memref<1x64xf32, #tpu.memory_space<hbm>>
    tpu.enqueue_dma source(%dma_start3A_506 : memref<1x64xf32, #tpu.memory_space<hbm>>) target(%dma_start3A_504 : memref<1x64xf32, #tpu.memory_space<vmem>>) target_semaphore(%arg17 : memref<!tpu.dma_semaphore, #tpu.memory_space<semaphore_mem>>)
    %slice3A_507 = vector.extract_strided_slice %get3A_398 {offsets = [4], sizes = [1], strides = [1]} : vector<16xi32> to vector<1xi32>
    %squeeze3A_508 = vector.extract %slice3A_507[0] : i32 from vector<1xi32>
    %dma_start3A_509 = arith.constant 20 : i32
    %dma_start3A_510 = arith.constant 0 : i32
    %dma_start3A_511 = tpu.memref_slice %arg14[%dma_start3A_509, %dma_start3A_510] : memref<128x64xf32, #tpu.memory_space<vmem>> -> memref<1x64xf32, #tpu.memory_space<vmem>>
    %dma_start3A_512 = arith.constant 0 : i32
    %dma_start3A_513 = tpu.memref_slice %arg4[%squeeze3A_508, %dma_start3A_512] : memref<1000000x64xf32, #tpu.memory_space<hbm>> -> memref<1x64xf32, #tpu.memory_space<hbm>>
    %dma_start3A_514 = arith.constant 20 : i32
    %dma_start3A_515 = arith.constant 0 : i32
    %dma_start3A_516 = tpu.memref_slice %arg14[%dma_start3A_514, %dma_start3A_515] : memref<128x64xf32, #tpu.memory_space<vmem>> -> memref<1x64xf32, #tpu.memory_space<vmem>>
    %dma_start3A_517 = arith.constant 0 : i32
    %dma_start3A_518 = tpu.memref_slice %arg4[%squeeze3A_508, %dma_start3A_517] : memref<1000000x64xf32, #tpu.memory_space<hbm>> -> memref<1x64xf32, #tpu.memory_space<hbm>>
    tpu.enqueue_dma source(%dma_start3A_518 : memref<1x64xf32, #tpu.memory_space<hbm>>) target(%dma_start3A_516 : memref<1x64xf32, #tpu.memory_space<vmem>>) target_semaphore(%arg17 : memref<!tpu.dma_semaphore, #tpu.memory_space<semaphore_mem>>)
    %slice3A_519 = vector.extract_strided_slice %get3A_395 {offsets = [5], sizes = [1], strides = [1]} : vector<16xi32> to vector<1xi32>
    %squeeze3A_520 = vector.extract %slice3A_519[0] : i32 from vector<1xi32>
    %dma_start3A_521 = arith.constant 21 : i32
    %dma_start3A_522 = arith.constant 0 : i32
    %dma_start3A_523 = tpu.memref_slice %arg13[%dma_start3A_521, %dma_start3A_522] : memref<128x64xf32, #tpu.memory_space<vmem>> -> memref<1x64xf32, #tpu.memory_space<vmem>>
    %dma_start3A_524 = arith.constant 0 : i32
    %dma_start3A_525 = tpu.memref_slice %arg4[%squeeze3A_520, %dma_start3A_524] : memref<1000000x64xf32, #tpu.memory_space<hbm>> -> memref<1x64xf32, #tpu.memory_space<hbm>>
    %dma_start3A_526 = arith.constant 21 : i32
    %dma_start3A_527 = arith.constant 0 : i32
    %dma_start3A_528 = tpu.memref_slice %arg13[%dma_start3A_526, %dma_start3A_527] : memref<128x64xf32, #tpu.memory_space<vmem>> -> memref<1x64xf32, #tpu.memory_space<vmem>>
    %dma_start3A_529 = arith.constant 0 : i32
    %dma_start3A_530 = tpu.memref_slice %arg4[%squeeze3A_520, %dma_start3A_529] : memref<1000000x64xf32, #tpu.memory_space<hbm>> -> memref<1x64xf32, #tpu.memory_space<hbm>>
    tpu.enqueue_dma source(%dma_start3A_530 : memref<1x64xf32, #tpu.memory_space<hbm>>) target(%dma_start3A_528 : memref<1x64xf32, #tpu.memory_space<vmem>>) target_semaphore(%arg17 : memref<!tpu.dma_semaphore, #tpu.memory_space<semaphore_mem>>)
    %slice3A_531 = vector.extract_strided_slice %get3A_398 {offsets = [5], sizes = [1], strides = [1]} : vector<16xi32> to vector<1xi32>
    %squeeze3A_532 = vector.extract %slice3A_531[0] : i32 from vector<1xi32>
    %dma_start3A_533 = arith.constant 21 : i32
    %dma_start3A_534 = arith.constant 0 : i32
    %dma_start3A_535 = tpu.memref_slice %arg14[%dma_start3A_533, %dma_start3A_534] : memref<128x64xf32, #tpu.memory_space<vmem>> -> memref<1x64xf32, #tpu.memory_space<vmem>>
    %dma_start3A_536 = arith.constant 0 : i32
    %dma_start3A_537 = tpu.memref_slice %arg4[%squeeze3A_532, %dma_start3A_536] : memref<1000000x64xf32, #tpu.memory_space<hbm>> -> memref<1x64xf32, #tpu.memory_space<hbm>>
    %dma_start3A_538 = arith.constant 21 : i32
    %dma_start3A_539 = arith.constant 0 : i32
    %dma_start3A_540 = tpu.memref_slice %arg14[%dma_start3A_538, %dma_start3A_539] : memref<128x64xf32, #tpu.memory_space<vmem>> -> memref<1x64xf32, #tpu.memory_space<vmem>>
    %dma_start3A_541 = arith.constant 0 : i32
    %dma_start3A_542 = tpu.memref_slice %arg4[%squeeze3A_532, %dma_start3A_541] : memref<1000000x64xf32, #tpu.memory_space<hbm>> -> memref<1x64xf32, #tpu.memory_space<hbm>>
    tpu.enqueue_dma source(%dma_start3A_542 : memref<1x64xf32, #tpu.memory_space<hbm>>) target(%dma_start3A_540 : memref<1x64xf32, #tpu.memory_space<vmem>>) target_semaphore(%arg17 : memref<!tpu.dma_semaphore, #tpu.memory_space<semaphore_mem>>)
    %slice3A_543 = vector.extract_strided_slice %get3A_395 {offsets = [6], sizes = [1], strides = [1]} : vector<16xi32> to vector<1xi32>
    %squeeze3A_544 = vector.extract %slice3A_543[0] : i32 from vector<1xi32>
    %dma_start3A_545 = arith.constant 22 : i32
    %dma_start3A_546 = arith.constant 0 : i32
    %dma_start3A_547 = tpu.memref_slice %arg13[%dma_start3A_545, %dma_start3A_546] : memref<128x64xf32, #tpu.memory_space<vmem>> -> memref<1x64xf32, #tpu.memory_space<vmem>>
    %dma_start3A_548 = arith.constant 0 : i32
    %dma_start3A_549 = tpu.memref_slice %arg4[%squeeze3A_544, %dma_start3A_548] : memref<1000000x64xf32, #tpu.memory_space<hbm>> -> memref<1x64xf32, #tpu.memory_space<hbm>>
    %dma_start3A_550 = arith.constant 22 : i32
    %dma_start3A_551 = arith.constant 0 : i32
    %dma_start3A_552 = tpu.memref_slice %arg13[%dma_start3A_550, %dma_start3A_551] : memref<128x64xf32, #tpu.memory_space<vmem>> -> memref<1x64xf32, #tpu.memory_space<vmem>>
    %dma_start3A_553 = arith.constant 0 : i32
    %dma_start3A_554 = tpu.memref_slice %arg4[%squeeze3A_544, %dma_start3A_553] : memref<1000000x64xf32, #tpu.memory_space<hbm>> -> memref<1x64xf32, #tpu.memory_space<hbm>>
    tpu.enqueue_dma source(%dma_start3A_554 : memref<1x64xf32, #tpu.memory_space<hbm>>) target(%dma_start3A_552 : memref<1x64xf32, #tpu.memory_space<vmem>>) target_semaphore(%arg17 : memref<!tpu.dma_semaphore, #tpu.memory_space<semaphore_mem>>)
    %slice3A_555 = vector.extract_strided_slice %get3A_398 {offsets = [6], sizes = [1], strides = [1]} : vector<16xi32> to vector<1xi32>
    %squeeze3A_556 = vector.extract %slice3A_555[0] : i32 from vector<1xi32>
    %dma_start3A_557 = arith.constant 22 : i32
    %dma_start3A_558 = arith.constant 0 : i32
    %dma_start3A_559 = tpu.memref_slice %arg14[%dma_start3A_557, %dma_start3A_558] : memref<128x64xf32, #tpu.memory_space<vmem>> -> memref<1x64xf32, #tpu.memory_space<vmem>>
    %dma_start3A_560 = arith.constant 0 : i32
    %dma_start3A_561 = tpu.memref_slice %arg4[%squeeze3A_556, %dma_start3A_560] : memref<1000000x64xf32, #tpu.memory_space<hbm>> -> memref<1x64xf32, #tpu.memory_space<hbm>>
    %dma_start3A_562 = arith.constant 22 : i32
    %dma_start3A_563 = arith.constant 0 : i32
    %dma_start3A_564 = tpu.memref_slice %arg14[%dma_start3A_562, %dma_start3A_563] : memref<128x64xf32, #tpu.memory_space<vmem>> -> memref<1x64xf32, #tpu.memory_space<vmem>>
    %dma_start3A_565 = arith.constant 0 : i32
    %dma_start3A_566 = tpu.memref_slice %arg4[%squeeze3A_556, %dma_start3A_565] : memref<1000000x64xf32, #tpu.memory_space<hbm>> -> memref<1x64xf32, #tpu.memory_space<hbm>>
    tpu.enqueue_dma source(%dma_start3A_566 : memref<1x64xf32, #tpu.memory_space<hbm>>) target(%dma_start3A_564 : memref<1x64xf32, #tpu.memory_space<vmem>>) target_semaphore(%arg17 : memref<!tpu.dma_semaphore, #tpu.memory_space<semaphore_mem>>)
    %slice3A_567 = vector.extract_strided_slice %get3A_395 {offsets = [7], sizes = [1], strides = [1]} : vector<16xi32> to vector<1xi32>
    %squeeze3A_568 = vector.extract %slice3A_567[0] : i32 from vector<1xi32>
    %dma_start3A_569 = arith.constant 23 : i32
    %dma_start3A_570 = arith.constant 0 : i32
    %dma_start3A_571 = tpu.memref_slice %arg13[%dma_start3A_569, %dma_start3A_570] : memref<128x64xf32, #tpu.memory_space<vmem>> -> memref<1x64xf32, #tpu.memory_space<vmem>>
    %dma_start3A_572 = arith.constant 0 : i32
    %dma_start3A_573 = tpu.memref_slice %arg4[%squeeze3A_568, %dma_start3A_572] : memref<1000000x64xf32, #tpu.memory_space<hbm>> -> memref<1x64xf32, #tpu.memory_space<hbm>>
    %dma_start3A_574 = arith.constant 23 : i32
    %dma_start3A_575 = arith.constant 0 : i32
    %dma_start3A_576 = tpu.memref_slice %arg13[%dma_start3A_574, %dma_start3A_575] : memref<128x64xf32, #tpu.memory_space<vmem>> -> memref<1x64xf32, #tpu.memory_space<vmem>>
    %dma_start3A_577 = arith.constant 0 : i32
    %dma_start3A_578 = tpu.memref_slice %arg4[%squeeze3A_568, %dma_start3A_577] : memref<1000000x64xf32, #tpu.memory_space<hbm>> -> memref<1x64xf32, #tpu.memory_space<hbm>>
    tpu.enqueue_dma source(%dma_start3A_578 : memref<1x64xf32, #tpu.memory_space<hbm>>) target(%dma_start3A_576 : memref<1x64xf32, #tpu.memory_space<vmem>>) target_semaphore(%arg17 : memref<!tpu.dma_semaphore, #tpu.memory_space<semaphore_mem>>)
    %slice3A_579 = vector.extract_strided_slice %get3A_398 {offsets = [7], sizes = [1], strides = [1]} : vector<16xi32> to vector<1xi32>
    %squeeze3A_580 = vector.extract %slice3A_579[0] : i32 from vector<1xi32>
    %dma_start3A_581 = arith.constant 23 : i32
    %dma_start3A_582 = arith.constant 0 : i32
    %dma_start3A_583 = tpu.memref_slice %arg14[%dma_start3A_581, %dma_start3A_582] : memref<128x64xf32, #tpu.memory_space<vmem>> -> memref<1x64xf32, #tpu.memory_space<vmem>>
    %dma_start3A_584 = arith.constant 0 : i32
    %dma_start3A_585 = tpu.memref_slice %arg4[%squeeze3A_580, %dma_start3A_584] : memref<1000000x64xf32, #tpu.memory_space<hbm>> -> memref<1x64xf32, #tpu.memory_space<hbm>>
    %dma_start3A_586 = arith.constant 23 : i32
    %dma_start3A_587 = arith.constant 0 : i32
    %dma_start3A_588 = tpu.memref_slice %arg14[%dma_start3A_586, %dma_start3A_587] : memref<128x64xf32, #tpu.memory_space<vmem>> -> memref<1x64xf32, #tpu.memory_space<vmem>>
    %dma_start3A_589 = arith.constant 0 : i32
    %dma_start3A_590 = tpu.memref_slice %arg4[%squeeze3A_580, %dma_start3A_589] : memref<1000000x64xf32, #tpu.memory_space<hbm>> -> memref<1x64xf32, #tpu.memory_space<hbm>>
    tpu.enqueue_dma source(%dma_start3A_590 : memref<1x64xf32, #tpu.memory_space<hbm>>) target(%dma_start3A_588 : memref<1x64xf32, #tpu.memory_space<vmem>>) target_semaphore(%arg17 : memref<!tpu.dma_semaphore, #tpu.memory_space<semaphore_mem>>)
    %slice3A_591 = vector.extract_strided_slice %get3A_395 {offsets = [8], sizes = [1], strides = [1]} : vector<16xi32> to vector<1xi32>
    %squeeze3A_592 = vector.extract %slice3A_591[0] : i32 from vector<1xi32>
    %dma_start3A_593 = arith.constant 24 : i32
    %dma_start3A_594 = arith.constant 0 : i32
    %dma_start3A_595 = tpu.memref_slice %arg13[%dma_start3A_593, %dma_start3A_594] : memref<128x64xf32, #tpu.memory_space<vmem>> -> memref<1x64xf32, #tpu.memory_space<vmem>>
    %dma_start3A_596 = arith.constant 0 : i32
    %dma_start3A_597 = tpu.memref_slice %arg4[%squeeze3A_592, %dma_start3A_596] : memref<1000000x64xf32, #tpu.memory_space<hbm>> -> memref<1x64xf32, #tpu.memory_space<hbm>>
    %dma_start3A_598 = arith.constant 24 : i32
    %dma_start3A_599 = arith.constant 0 : i32
    %dma_start3A_600 = tpu.memref_slice %arg13[%dma_start3A_598, %dma_start3A_599] : memref<128x64xf32, #tpu.memory_space<vmem>> -> memref<1x64xf32, #tpu.memory_space<vmem>>
    %dma_start3A_601 = arith.constant 0 : i32
    %dma_start3A_602 = tpu.memref_slice %arg4[%squeeze3A_592, %dma_start3A_601] : memref<1000000x64xf32, #tpu.memory_space<hbm>> -> memref<1x64xf32, #tpu.memory_space<hbm>>
    tpu.enqueue_dma source(%dma_start3A_602 : memref<1x64xf32, #tpu.memory_space<hbm>>) target(%dma_start3A_600 : memref<1x64xf32, #tpu.memory_space<vmem>>) target_semaphore(%arg17 : memref<!tpu.dma_semaphore, #tpu.memory_space<semaphore_mem>>)
    %slice3A_603 = vector.extract_strided_slice %get3A_398 {offsets = [8], sizes = [1], strides = [1]} : vector<16xi32> to vector<1xi32>
    %squeeze3A_604 = vector.extract %slice3A_603[0] : i32 from vector<1xi32>
    %dma_start3A_605 = arith.constant 24 : i32
    %dma_start3A_606 = arith.constant 0 : i32
    %dma_start3A_607 = tpu.memref_slice %arg14[%dma_start3A_605, %dma_start3A_606] : memref<128x64xf32, #tpu.memory_space<vmem>> -> memref<1x64xf32, #tpu.memory_space<vmem>>
    %dma_start3A_608 = arith.constant 0 : i32
    %dma_start3A_609 = tpu.memref_slice %arg4[%squeeze3A_604, %dma_start3A_608] : memref<1000000x64xf32, #tpu.memory_space<hbm>> -> memref<1x64xf32, #tpu.memory_space<hbm>>
    %dma_start3A_610 = arith.constant 24 : i32
    %dma_start3A_611 = arith.constant 0 : i32
    %dma_start3A_612 = tpu.memref_slice %arg14[%dma_start3A_610, %dma_start3A_611] : memref<128x64xf32, #tpu.memory_space<vmem>> -> memref<1x64xf32, #tpu.memory_space<vmem>>
    %dma_start3A_613 = arith.constant 0 : i32
    %dma_start3A_614 = tpu.memref_slice %arg4[%squeeze3A_604, %dma_start3A_613] : memref<1000000x64xf32, #tpu.memory_space<hbm>> -> memref<1x64xf32, #tpu.memory_space<hbm>>
    tpu.enqueue_dma source(%dma_start3A_614 : memref<1x64xf32, #tpu.memory_space<hbm>>) target(%dma_start3A_612 : memref<1x64xf32, #tpu.memory_space<vmem>>) target_semaphore(%arg17 : memref<!tpu.dma_semaphore, #tpu.memory_space<semaphore_mem>>)
    %slice3A_615 = vector.extract_strided_slice %get3A_395 {offsets = [9], sizes = [1], strides = [1]} : vector<16xi32> to vector<1xi32>
    %squeeze3A_616 = vector.extract %slice3A_615[0] : i32 from vector<1xi32>
    %dma_start3A_617 = arith.constant 25 : i32
    %dma_start3A_618 = arith.constant 0 : i32
    %dma_start3A_619 = tpu.memref_slice %arg13[%dma_start3A_617, %dma_start3A_618] : memref<128x64xf32, #tpu.memory_space<vmem>> -> memref<1x64xf32, #tpu.memory_space<vmem>>
    %dma_start3A_620 = arith.constant 0 : i32
    %dma_start3A_621 = tpu.memref_slice %arg4[%squeeze3A_616, %dma_start3A_620] : memref<1000000x64xf32, #tpu.memory_space<hbm>> -> memref<1x64xf32, #tpu.memory_space<hbm>>
    %dma_start3A_622 = arith.constant 25 : i32
    %dma_start3A_623 = arith.constant 0 : i32
    %dma_start3A_624 = tpu.memref_slice %arg13[%dma_start3A_622, %dma_start3A_623] : memref<128x64xf32, #tpu.memory_space<vmem>> -> memref<1x64xf32, #tpu.memory_space<vmem>>
    %dma_start3A_625 = arith.constant 0 : i32
    %dma_start3A_626 = tpu.memref_slice %arg4[%squeeze3A_616, %dma_start3A_625] : memref<1000000x64xf32, #tpu.memory_space<hbm>> -> memref<1x64xf32, #tpu.memory_space<hbm>>
    tpu.enqueue_dma source(%dma_start3A_626 : memref<1x64xf32, #tpu.memory_space<hbm>>) target(%dma_start3A_624 : memref<1x64xf32, #tpu.memory_space<vmem>>) target_semaphore(%arg17 : memref<!tpu.dma_semaphore, #tpu.memory_space<semaphore_mem>>)
    %slice3A_627 = vector.extract_strided_slice %get3A_398 {offsets = [9], sizes = [1], strides = [1]} : vector<16xi32> to vector<1xi32>
    %squeeze3A_628 = vector.extract %slice3A_627[0] : i32 from vector<1xi32>
    %dma_start3A_629 = arith.constant 25 : i32
    %dma_start3A_630 = arith.constant 0 : i32
    %dma_start3A_631 = tpu.memref_slice %arg14[%dma_start3A_629, %dma_start3A_630] : memref<128x64xf32, #tpu.memory_space<vmem>> -> memref<1x64xf32, #tpu.memory_space<vmem>>
    %dma_start3A_632 = arith.constant 0 : i32
    %dma_start3A_633 = tpu.memref_slice %arg4[%squeeze3A_628, %dma_start3A_632] : memref<1000000x64xf32, #tpu.memory_space<hbm>> -> memref<1x64xf32, #tpu.memory_space<hbm>>
    %dma_start3A_634 = arith.constant 25 : i32
    %dma_start3A_635 = arith.constant 0 : i32
    %dma_start3A_636 = tpu.memref_slice %arg14[%dma_start3A_634, %dma_start3A_635] : memref<128x64xf32, #tpu.memory_space<vmem>> -> memref<1x64xf32, #tpu.memory_space<vmem>>
    %dma_start3A_637 = arith.constant 0 : i32
    %dma_start3A_638 = tpu.memref_slice %arg4[%squeeze3A_628, %dma_start3A_637] : memref<1000000x64xf32, #tpu.memory_space<hbm>> -> memref<1x64xf32, #tpu.memory_space<hbm>>
    tpu.enqueue_dma source(%dma_start3A_638 : memref<1x64xf32, #tpu.memory_space<hbm>>) target(%dma_start3A_636 : memref<1x64xf32, #tpu.memory_space<vmem>>) target_semaphore(%arg17 : memref<!tpu.dma_semaphore, #tpu.memory_space<semaphore_mem>>)
    %slice3A_639 = vector.extract_strided_slice %get3A_395 {offsets = [10], sizes = [1], strides = [1]} : vector<16xi32> to vector<1xi32>
    %squeeze3A_640 = vector.extract %slice3A_639[0] : i32 from vector<1xi32>
    %dma_start3A_641 = arith.constant 26 : i32
    %dma_start3A_642 = arith.constant 0 : i32
    %dma_start3A_643 = tpu.memref_slice %arg13[%dma_start3A_641, %dma_start3A_642] : memref<128x64xf32, #tpu.memory_space<vmem>> -> memref<1x64xf32, #tpu.memory_space<vmem>>
    %dma_start3A_644 = arith.constant 0 : i32
    %dma_start3A_645 = tpu.memref_slice %arg4[%squeeze3A_640, %dma_start3A_644] : memref<1000000x64xf32, #tpu.memory_space<hbm>> -> memref<1x64xf32, #tpu.memory_space<hbm>>
    %dma_start3A_646 = arith.constant 26 : i32
    %dma_start3A_647 = arith.constant 0 : i32
    %dma_start3A_648 = tpu.memref_slice %arg13[%dma_start3A_646, %dma_start3A_647] : memref<128x64xf32, #tpu.memory_space<vmem>> -> memref<1x64xf32, #tpu.memory_space<vmem>>
    %dma_start3A_649 = arith.constant 0 : i32
    %dma_start3A_650 = tpu.memref_slice %arg4[%squeeze3A_640, %dma_start3A_649] : memref<1000000x64xf32, #tpu.memory_space<hbm>> -> memref<1x64xf32, #tpu.memory_space<hbm>>
    tpu.enqueue_dma source(%dma_start3A_650 : memref<1x64xf32, #tpu.memory_space<hbm>>) target(%dma_start3A_648 : memref<1x64xf32, #tpu.memory_space<vmem>>) target_semaphore(%arg17 : memref<!tpu.dma_semaphore, #tpu.memory_space<semaphore_mem>>)
    %slice3A_651 = vector.extract_strided_slice %get3A_398 {offsets = [10], sizes = [1], strides = [1]} : vector<16xi32> to vector<1xi32>
    %squeeze3A_652 = vector.extract %slice3A_651[0] : i32 from vector<1xi32>
    %dma_start3A_653 = arith.constant 26 : i32
    %dma_start3A_654 = arith.constant 0 : i32
    %dma_start3A_655 = tpu.memref_slice %arg14[%dma_start3A_653, %dma_start3A_654] : memref<128x64xf32, #tpu.memory_space<vmem>> -> memref<1x64xf32, #tpu.memory_space<vmem>>
    %dma_start3A_656 = arith.constant 0 : i32
    %dma_start3A_657 = tpu.memref_slice %arg4[%squeeze3A_652, %dma_start3A_656] : memref<1000000x64xf32, #tpu.memory_space<hbm>> -> memref<1x64xf32, #tpu.memory_space<hbm>>
    %dma_start3A_658 = arith.constant 26 : i32
    %dma_start3A_659 = arith.constant 0 : i32
    %dma_start3A_660 = tpu.memref_slice %arg14[%dma_start3A_658, %dma_start3A_659] : memref<128x64xf32, #tpu.memory_space<vmem>> -> memref<1x64xf32, #tpu.memory_space<vmem>>
    %dma_start3A_661 = arith.constant 0 : i32
    %dma_start3A_662 = tpu.memref_slice %arg4[%squeeze3A_652, %dma_start3A_661] : memref<1000000x64xf32, #tpu.memory_space<hbm>> -> memref<1x64xf32, #tpu.memory_space<hbm>>
    tpu.enqueue_dma source(%dma_start3A_662 : memref<1x64xf32, #tpu.memory_space<hbm>>) target(%dma_start3A_660 : memref<1x64xf32, #tpu.memory_space<vmem>>) target_semaphore(%arg17 : memref<!tpu.dma_semaphore, #tpu.memory_space<semaphore_mem>>)
    %slice3A_663 = vector.extract_strided_slice %get3A_395 {offsets = [11], sizes = [1], strides = [1]} : vector<16xi32> to vector<1xi32>
    %squeeze3A_664 = vector.extract %slice3A_663[0] : i32 from vector<1xi32>
    %dma_start3A_665 = arith.constant 27 : i32
    %dma_start3A_666 = arith.constant 0 : i32
    %dma_start3A_667 = tpu.memref_slice %arg13[%dma_start3A_665, %dma_start3A_666] : memref<128x64xf32, #tpu.memory_space<vmem>> -> memref<1x64xf32, #tpu.memory_space<vmem>>
    %dma_start3A_668 = arith.constant 0 : i32
    %dma_start3A_669 = tpu.memref_slice %arg4[%squeeze3A_664, %dma_start3A_668] : memref<1000000x64xf32, #tpu.memory_space<hbm>> -> memref<1x64xf32, #tpu.memory_space<hbm>>
    %dma_start3A_670 = arith.constant 27 : i32
    %dma_start3A_671 = arith.constant 0 : i32
    %dma_start3A_672 = tpu.memref_slice %arg13[%dma_start3A_670, %dma_start3A_671] : memref<128x64xf32, #tpu.memory_space<vmem>> -> memref<1x64xf32, #tpu.memory_space<vmem>>
    %dma_start3A_673 = arith.constant 0 : i32
    %dma_start3A_674 = tpu.memref_slice %arg4[%squeeze3A_664, %dma_start3A_673] : memref<1000000x64xf32, #tpu.memory_space<hbm>> -> memref<1x64xf32, #tpu.memory_space<hbm>>
    tpu.enqueue_dma source(%dma_start3A_674 : memref<1x64xf32, #tpu.memory_space<hbm>>) target(%dma_start3A_672 : memref<1x64xf32, #tpu.memory_space<vmem>>) target_semaphore(%arg17 : memref<!tpu.dma_semaphore, #tpu.memory_space<semaphore_mem>>)
    %slice3A_675 = vector.extract_strided_slice %get3A_398 {offsets = [11], sizes = [1], strides = [1]} : vector<16xi32> to vector<1xi32>
    %squeeze3A_676 = vector.extract %slice3A_675[0] : i32 from vector<1xi32>
    %dma_start3A_677 = arith.constant 27 : i32
    %dma_start3A_678 = arith.constant 0 : i32
    %dma_start3A_679 = tpu.memref_slice %arg14[%dma_start3A_677, %dma_start3A_678] : memref<128x64xf32, #tpu.memory_space<vmem>> -> memref<1x64xf32, #tpu.memory_space<vmem>>
    %dma_start3A_680 = arith.constant 0 : i32
    %dma_start3A_681 = tpu.memref_slice %arg4[%squeeze3A_676, %dma_start3A_680] : memref<1000000x64xf32, #tpu.memory_space<hbm>> -> memref<1x64xf32, #tpu.memory_space<hbm>>
    %dma_start3A_682 = arith.constant 27 : i32
    %dma_start3A_683 = arith.constant 0 : i32
    %dma_start3A_684 = tpu.memref_slice %arg14[%dma_start3A_682, %dma_start3A_683] : memref<128x64xf32, #tpu.memory_space<vmem>> -> memref<1x64xf32, #tpu.memory_space<vmem>>
    %dma_start3A_685 = arith.constant 0 : i32
    %dma_start3A_686 = tpu.memref_slice %arg4[%squeeze3A_676, %dma_start3A_685] : memref<1000000x64xf32, #tpu.memory_space<hbm>> -> memref<1x64xf32, #tpu.memory_space<hbm>>
    tpu.enqueue_dma source(%dma_start3A_686 : memref<1x64xf32, #tpu.memory_space<hbm>>) target(%dma_start3A_684 : memref<1x64xf32, #tpu.memory_space<vmem>>) target_semaphore(%arg17 : memref<!tpu.dma_semaphore, #tpu.memory_space<semaphore_mem>>)
    %slice3A_687 = vector.extract_strided_slice %get3A_395 {offsets = [12], sizes = [1], strides = [1]} : vector<16xi32> to vector<1xi32>
    %squeeze3A_688 = vector.extract %slice3A_687[0] : i32 from vector<1xi32>
    %dma_start3A_689 = arith.constant 28 : i32
    %dma_start3A_690 = arith.constant 0 : i32
    %dma_start3A_691 = tpu.memref_slice %arg13[%dma_start3A_689, %dma_start3A_690] : memref<128x64xf32, #tpu.memory_space<vmem>> -> memref<1x64xf32, #tpu.memory_space<vmem>>
    %dma_start3A_692 = arith.constant 0 : i32
    %dma_start3A_693 = tpu.memref_slice %arg4[%squeeze3A_688, %dma_start3A_692] : memref<1000000x64xf32, #tpu.memory_space<hbm>> -> memref<1x64xf32, #tpu.memory_space<hbm>>
    %dma_start3A_694 = arith.constant 28 : i32
    %dma_start3A_695 = arith.constant 0 : i32
    %dma_start3A_696 = tpu.memref_slice %arg13[%dma_start3A_694, %dma_start3A_695] : memref<128x64xf32, #tpu.memory_space<vmem>> -> memref<1x64xf32, #tpu.memory_space<vmem>>
    %dma_start3A_697 = arith.constant 0 : i32
    %dma_start3A_698 = tpu.memref_slice %arg4[%squeeze3A_688, %dma_start3A_697] : memref<1000000x64xf32, #tpu.memory_space<hbm>> -> memref<1x64xf32, #tpu.memory_space<hbm>>
    tpu.enqueue_dma source(%dma_start3A_698 : memref<1x64xf32, #tpu.memory_space<hbm>>) target(%dma_start3A_696 : memref<1x64xf32, #tpu.memory_space<vmem>>) target_semaphore(%arg17 : memref<!tpu.dma_semaphore, #tpu.memory_space<semaphore_mem>>)
    %slice3A_699 = vector.extract_strided_slice %get3A_398 {offsets = [12], sizes = [1], strides = [1]} : vector<16xi32> to vector<1xi32>
    %squeeze3A_700 = vector.extract %slice3A_699[0] : i32 from vector<1xi32>
    %dma_start3A_701 = arith.constant 28 : i32
    %dma_start3A_702 = arith.constant 0 : i32
    %dma_start3A_703 = tpu.memref_slice %arg14[%dma_start3A_701, %dma_start3A_702] : memref<128x64xf32, #tpu.memory_space<vmem>> -> memref<1x64xf32, #tpu.memory_space<vmem>>
    %dma_start3A_704 = arith.constant 0 : i32
    %dma_start3A_705 = tpu.memref_slice %arg4[%squeeze3A_700, %dma_start3A_704] : memref<1000000x64xf32, #tpu.memory_space<hbm>> -> memref<1x64xf32, #tpu.memory_space<hbm>>
    %dma_start3A_706 = arith.constant 28 : i32
    %dma_start3A_707 = arith.constant 0 : i32
    %dma_start3A_708 = tpu.memref_slice %arg14[%dma_start3A_706, %dma_start3A_707] : memref<128x64xf32, #tpu.memory_space<vmem>> -> memref<1x64xf32, #tpu.memory_space<vmem>>
    %dma_start3A_709 = arith.constant 0 : i32
    %dma_start3A_710 = tpu.memref_slice %arg4[%squeeze3A_700, %dma_start3A_709] : memref<1000000x64xf32, #tpu.memory_space<hbm>> -> memref<1x64xf32, #tpu.memory_space<hbm>>
    tpu.enqueue_dma source(%dma_start3A_710 : memref<1x64xf32, #tpu.memory_space<hbm>>) target(%dma_start3A_708 : memref<1x64xf32, #tpu.memory_space<vmem>>) target_semaphore(%arg17 : memref<!tpu.dma_semaphore, #tpu.memory_space<semaphore_mem>>)
    %slice3A_711 = vector.extract_strided_slice %get3A_395 {offsets = [13], sizes = [1], strides = [1]} : vector<16xi32> to vector<1xi32>
    %squeeze3A_712 = vector.extract %slice3A_711[0] : i32 from vector<1xi32>
    %dma_start3A_713 = arith.constant 29 : i32
    %dma_start3A_714 = arith.constant 0 : i32
    %dma_start3A_715 = tpu.memref_slice %arg13[%dma_start3A_713, %dma_start3A_714] : memref<128x64xf32, #tpu.memory_space<vmem>> -> memref<1x64xf32, #tpu.memory_space<vmem>>
    %dma_start3A_716 = arith.constant 0 : i32
    %dma_start3A_717 = tpu.memref_slice %arg4[%squeeze3A_712, %dma_start3A_716] : memref<1000000x64xf32, #tpu.memory_space<hbm>> -> memref<1x64xf32, #tpu.memory_space<hbm>>
    %dma_start3A_718 = arith.constant 29 : i32
    %dma_start3A_719 = arith.constant 0 : i32
    %dma_start3A_720 = tpu.memref_slice %arg13[%dma_start3A_718, %dma_start3A_719] : memref<128x64xf32, #tpu.memory_space<vmem>> -> memref<1x64xf32, #tpu.memory_space<vmem>>
    %dma_start3A_721 = arith.constant 0 : i32
    %dma_start3A_722 = tpu.memref_slice %arg4[%squeeze3A_712, %dma_start3A_721] : memref<1000000x64xf32, #tpu.memory_space<hbm>> -> memref<1x64xf32, #tpu.memory_space<hbm>>
    tpu.enqueue_dma source(%dma_start3A_722 : memref<1x64xf32, #tpu.memory_space<hbm>>) target(%dma_start3A_720 : memref<1x64xf32, #tpu.memory_space<vmem>>) target_semaphore(%arg17 : memref<!tpu.dma_semaphore, #tpu.memory_space<semaphore_mem>>)
    %slice3A_723 = vector.extract_strided_slice %get3A_398 {offsets = [13], sizes = [1], strides = [1]} : vector<16xi32> to vector<1xi32>
    %squeeze3A_724 = vector.extract %slice3A_723[0] : i32 from vector<1xi32>
    %dma_start3A_725 = arith.constant 29 : i32
    %dma_start3A_726 = arith.constant 0 : i32
    %dma_start3A_727 = tpu.memref_slice %arg14[%dma_start3A_725, %dma_start3A_726] : memref<128x64xf32, #tpu.memory_space<vmem>> -> memref<1x64xf32, #tpu.memory_space<vmem>>
    %dma_start3A_728 = arith.constant 0 : i32
    %dma_start3A_729 = tpu.memref_slice %arg4[%squeeze3A_724, %dma_start3A_728] : memref<1000000x64xf32, #tpu.memory_space<hbm>> -> memref<1x64xf32, #tpu.memory_space<hbm>>
    %dma_start3A_730 = arith.constant 29 : i32
    %dma_start3A_731 = arith.constant 0 : i32
    %dma_start3A_732 = tpu.memref_slice %arg14[%dma_start3A_730, %dma_start3A_731] : memref<128x64xf32, #tpu.memory_space<vmem>> -> memref<1x64xf32, #tpu.memory_space<vmem>>
    %dma_start3A_733 = arith.constant 0 : i32
    %dma_start3A_734 = tpu.memref_slice %arg4[%squeeze3A_724, %dma_start3A_733] : memref<1000000x64xf32, #tpu.memory_space<hbm>> -> memref<1x64xf32, #tpu.memory_space<hbm>>
    tpu.enqueue_dma source(%dma_start3A_734 : memref<1x64xf32, #tpu.memory_space<hbm>>) target(%dma_start3A_732 : memref<1x64xf32, #tpu.memory_space<vmem>>) target_semaphore(%arg17 : memref<!tpu.dma_semaphore, #tpu.memory_space<semaphore_mem>>)
    %slice3A_735 = vector.extract_strided_slice %get3A_395 {offsets = [14], sizes = [1], strides = [1]} : vector<16xi32> to vector<1xi32>
    %squeeze3A_736 = vector.extract %slice3A_735[0] : i32 from vector<1xi32>
    %dma_start3A_737 = arith.constant 30 : i32
    %dma_start3A_738 = arith.constant 0 : i32
    %dma_start3A_739 = tpu.memref_slice %arg13[%dma_start3A_737, %dma_start3A_738] : memref<128x64xf32, #tpu.memory_space<vmem>> -> memref<1x64xf32, #tpu.memory_space<vmem>>
    %dma_start3A_740 = arith.constant 0 : i32
    %dma_start3A_741 = tpu.memref_slice %arg4[%squeeze3A_736, %dma_start3A_740] : memref<1000000x64xf32, #tpu.memory_space<hbm>> -> memref<1x64xf32, #tpu.memory_space<hbm>>
    %dma_start3A_742 = arith.constant 30 : i32
    %dma_start3A_743 = arith.constant 0 : i32
    %dma_start3A_744 = tpu.memref_slice %arg13[%dma_start3A_742, %dma_start3A_743] : memref<128x64xf32, #tpu.memory_space<vmem>> -> memref<1x64xf32, #tpu.memory_space<vmem>>
    %dma_start3A_745 = arith.constant 0 : i32
    %dma_start3A_746 = tpu.memref_slice %arg4[%squeeze3A_736, %dma_start3A_745] : memref<1000000x64xf32, #tpu.memory_space<hbm>> -> memref<1x64xf32, #tpu.memory_space<hbm>>
    tpu.enqueue_dma source(%dma_start3A_746 : memref<1x64xf32, #tpu.memory_space<hbm>>) target(%dma_start3A_744 : memref<1x64xf32, #tpu.memory_space<vmem>>) target_semaphore(%arg17 : memref<!tpu.dma_semaphore, #tpu.memory_space<semaphore_mem>>)
    %slice3A_747 = vector.extract_strided_slice %get3A_398 {offsets = [14], sizes = [1], strides = [1]} : vector<16xi32> to vector<1xi32>
    %squeeze3A_748 = vector.extract %slice3A_747[0] : i32 from vector<1xi32>
    %dma_start3A_749 = arith.constant 30 : i32
    %dma_start3A_750 = arith.constant 0 : i32
    %dma_start3A_751 = tpu.memref_slice %arg14[%dma_start3A_749, %dma_start3A_750] : memref<128x64xf32, #tpu.memory_space<vmem>> -> memref<1x64xf32, #tpu.memory_space<vmem>>
    %dma_start3A_752 = arith.constant 0 : i32
    %dma_start3A_753 = tpu.memref_slice %arg4[%squeeze3A_748, %dma_start3A_752] : memref<1000000x64xf32, #tpu.memory_space<hbm>> -> memref<1x64xf32, #tpu.memory_space<hbm>>
    %dma_start3A_754 = arith.constant 30 : i32
    %dma_start3A_755 = arith.constant 0 : i32
    %dma_start3A_756 = tpu.memref_slice %arg14[%dma_start3A_754, %dma_start3A_755] : memref<128x64xf32, #tpu.memory_space<vmem>> -> memref<1x64xf32, #tpu.memory_space<vmem>>
    %dma_start3A_757 = arith.constant 0 : i32
    %dma_start3A_758 = tpu.memref_slice %arg4[%squeeze3A_748, %dma_start3A_757] : memref<1000000x64xf32, #tpu.memory_space<hbm>> -> memref<1x64xf32, #tpu.memory_space<hbm>>
    tpu.enqueue_dma source(%dma_start3A_758 : memref<1x64xf32, #tpu.memory_space<hbm>>) target(%dma_start3A_756 : memref<1x64xf32, #tpu.memory_space<vmem>>) target_semaphore(%arg17 : memref<!tpu.dma_semaphore, #tpu.memory_space<semaphore_mem>>)
    %slice3A_759 = vector.extract_strided_slice %get3A_395 {offsets = [15], sizes = [1], strides = [1]} : vector<16xi32> to vector<1xi32>
    %squeeze3A_760 = vector.extract %slice3A_759[0] : i32 from vector<1xi32>
    %dma_start3A_761 = arith.constant 31 : i32
    %dma_start3A_762 = arith.constant 0 : i32
    %dma_start3A_763 = tpu.memref_slice %arg13[%dma_start3A_761, %dma_start3A_762] : memref<128x64xf32, #tpu.memory_space<vmem>> -> memref<1x64xf32, #tpu.memory_space<vmem>>
    %dma_start3A_764 = arith.constant 0 : i32
    %dma_start3A_765 = tpu.memref_slice %arg4[%squeeze3A_760, %dma_start3A_764] : memref<1000000x64xf32, #tpu.memory_space<hbm>> -> memref<1x64xf32, #tpu.memory_space<hbm>>
    %dma_start3A_766 = arith.constant 31 : i32
    %dma_start3A_767 = arith.constant 0 : i32
    %dma_start3A_768 = tpu.memref_slice %arg13[%dma_start3A_766, %dma_start3A_767] : memref<128x64xf32, #tpu.memory_space<vmem>> -> memref<1x64xf32, #tpu.memory_space<vmem>>
    %dma_start3A_769 = arith.constant 0 : i32
    %dma_start3A_770 = tpu.memref_slice %arg4[%squeeze3A_760, %dma_start3A_769] : memref<1000000x64xf32, #tpu.memory_space<hbm>> -> memref<1x64xf32, #tpu.memory_space<hbm>>
    tpu.enqueue_dma source(%dma_start3A_770 : memref<1x64xf32, #tpu.memory_space<hbm>>) target(%dma_start3A_768 : memref<1x64xf32, #tpu.memory_space<vmem>>) target_semaphore(%arg17 : memref<!tpu.dma_semaphore, #tpu.memory_space<semaphore_mem>>)
    %slice3A_771 = vector.extract_strided_slice %get3A_398 {offsets = [15], sizes = [1], strides = [1]} : vector<16xi32> to vector<1xi32>
    %squeeze3A_772 = vector.extract %slice3A_771[0] : i32 from vector<1xi32>
    %dma_start3A_773 = arith.constant 31 : i32
    %dma_start3A_774 = arith.constant 0 : i32
    %dma_start3A_775 = tpu.memref_slice %arg14[%dma_start3A_773, %dma_start3A_774] : memref<128x64xf32, #tpu.memory_space<vmem>> -> memref<1x64xf32, #tpu.memory_space<vmem>>
    %dma_start3A_776 = arith.constant 0 : i32
    %dma_start3A_777 = tpu.memref_slice %arg4[%squeeze3A_772, %dma_start3A_776] : memref<1000000x64xf32, #tpu.memory_space<hbm>> -> memref<1x64xf32, #tpu.memory_space<hbm>>
    %dma_start3A_778 = arith.constant 31 : i32
    %dma_start3A_779 = arith.constant 0 : i32
    %dma_start3A_780 = tpu.memref_slice %arg14[%dma_start3A_778, %dma_start3A_779] : memref<128x64xf32, #tpu.memory_space<vmem>> -> memref<1x64xf32, #tpu.memory_space<vmem>>
    %dma_start3A_781 = arith.constant 0 : i32
    %dma_start3A_782 = tpu.memref_slice %arg4[%squeeze3A_772, %dma_start3A_781] : memref<1000000x64xf32, #tpu.memory_space<hbm>> -> memref<1x64xf32, #tpu.memory_space<hbm>>
    tpu.enqueue_dma source(%dma_start3A_782 : memref<1x64xf32, #tpu.memory_space<hbm>>) target(%dma_start3A_780 : memref<1x64xf32, #tpu.memory_space<vmem>>) target_semaphore(%arg17 : memref<!tpu.dma_semaphore, #tpu.memory_space<semaphore_mem>>)
    %get3A_783 = arith.constant 32 : index
    %get3A_784 = tpu.vector_load %arg11[%get3A_783] {strides = array<i32>} : memref<128xi32, #tpu.memory_space<vmem>>, vector<16xi32>,
    %get3A_785 = vector.shape_cast %get3A_784 : vector<16xi32> to vector<16xi32>
    %get3A_786 = arith.constant 32 : index
    %get3A_787 = tpu.vector_load %arg12[%get3A_786] {strides = array<i32>} : memref<128xi32, #tpu.memory_space<vmem>>, vector<16xi32>,
    %get3A_788 = vector.shape_cast %get3A_787 : vector<16xi32> to vector<16xi32>
    %slice3A_789 = vector.extract_strided_slice %get3A_785 {offsets = [0], sizes = [1], strides = [1]} : vector<16xi32> to vector<1xi32>
    %squeeze3A_790 = vector.extract %slice3A_789[0] : i32 from vector<1xi32>
    %dma_start3A_791 = arith.constant 32 : i32
    %dma_start3A_792 = arith.constant 0 : i32
    %dma_start3A_793 = tpu.memref_slice %arg13[%dma_start3A_791, %dma_start3A_792] : memref<128x64xf32, #tpu.memory_space<vmem>> -> memref<1x64xf32, #tpu.memory_space<vmem>>
    %dma_start3A_794 = arith.constant 0 : i32
    %dma_start3A_795 = tpu.memref_slice %arg4[%squeeze3A_790, %dma_start3A_794] : memref<1000000x64xf32, #tpu.memory_space<hbm>> -> memref<1x64xf32, #tpu.memory_space<hbm>>
    %dma_start3A_796 = arith.constant 32 : i32
    %dma_start3A_797 = arith.constant 0 : i32
    %dma_start3A_798 = tpu.memref_slice %arg13[%dma_start3A_796, %dma_start3A_797] : memref<128x64xf32, #tpu.memory_space<vmem>> -> memref<1x64xf32, #tpu.memory_space<vmem>>
    %dma_start3A_799 = arith.constant 0 : i32
    %dma_start3A_800 = tpu.memref_slice %arg4[%squeeze3A_790, %dma_start3A_799] : memref<1000000x64xf32, #tpu.memory_space<hbm>> -> memref<1x64xf32, #tpu.memory_space<hbm>>
    tpu.enqueue_dma source(%dma_start3A_800 : memref<1x64xf32, #tpu.memory_space<hbm>>) target(%dma_start3A_798 : memref<1x64xf32, #tpu.memory_space<vmem>>) target_semaphore(%arg17 : memref<!tpu.dma_semaphore, #tpu.memory_space<semaphore_mem>>)
    %slice3A_801 = vector.extract_strided_slice %get3A_788 {offsets = [0], sizes = [1], strides = [1]} : vector<16xi32> to vector<1xi32>
    %squeeze3A_802 = vector.extract %slice3A_801[0] : i32 from vector<1xi32>
    %dma_start3A_803 = arith.constant 32 : i32
    %dma_start3A_804 = arith.constant 0 : i32
    %dma_start3A_805 = tpu.memref_slice %arg14[%dma_start3A_803, %dma_start3A_804] : memref<128x64xf32, #tpu.memory_space<vmem>> -> memref<1x64xf32, #tpu.memory_space<vmem>>
    %dma_start3A_806 = arith.constant 0 : i32
    %dma_start3A_807 = tpu.memref_slice %arg4[%squeeze3A_802, %dma_start3A_806] : memref<1000000x64xf32, #tpu.memory_space<hbm>> -> memref<1x64xf32, #tpu.memory_space<hbm>>
    %dma_start3A_808 = arith.constant 32 : i32
    %dma_start3A_809 = arith.constant 0 : i32
    %dma_start3A_810 = tpu.memref_slice %arg14[%dma_start3A_808, %dma_start3A_809] : memref<128x64xf32, #tpu.memory_space<vmem>> -> memref<1x64xf32, #tpu.memory_space<vmem>>
    %dma_start3A_811 = arith.constant 0 : i32
    %dma_start3A_812 = tpu.memref_slice %arg4[%squeeze3A_802, %dma_start3A_811] : memref<1000000x64xf32, #tpu.memory_space<hbm>> -> memref<1x64xf32, #tpu.memory_space<hbm>>
    tpu.enqueue_dma source(%dma_start3A_812 : memref<1x64xf32, #tpu.memory_space<hbm>>) target(%dma_start3A_810 : memref<1x64xf32, #tpu.memory_space<vmem>>) target_semaphore(%arg17 : memref<!tpu.dma_semaphore, #tpu.memory_space<semaphore_mem>>)
    %slice3A_813 = vector.extract_strided_slice %get3A_785 {offsets = [1], sizes = [1], strides = [1]} : vector<16xi32> to vector<1xi32>
    %squeeze3A_814 = vector.extract %slice3A_813[0] : i32 from vector<1xi32>
    %dma_start3A_815 = arith.constant 33 : i32
    %dma_start3A_816 = arith.constant 0 : i32
    %dma_start3A_817 = tpu.memref_slice %arg13[%dma_start3A_815, %dma_start3A_816] : memref<128x64xf32, #tpu.memory_space<vmem>> -> memref<1x64xf32, #tpu.memory_space<vmem>>
    %dma_start3A_818 = arith.constant 0 : i32
    %dma_start3A_819 = tpu.memref_slice %arg4[%squeeze3A_814, %dma_start3A_818] : memref<1000000x64xf32, #tpu.memory_space<hbm>> -> memref<1x64xf32, #tpu.memory_space<hbm>>
    %dma_start3A_820 = arith.constant 33 : i32
    %dma_start3A_821 = arith.constant 0 : i32
    %dma_start3A_822 = tpu.memref_slice %arg13[%dma_start3A_820, %dma_start3A_821] : memref<128x64xf32, #tpu.memory_space<vmem>> -> memref<1x64xf32, #tpu.memory_space<vmem>>
    %dma_start3A_823 = arith.constant 0 : i32
    %dma_start3A_824 = tpu.memref_slice %arg4[%squeeze3A_814, %dma_start3A_823] : memref<1000000x64xf32, #tpu.memory_space<hbm>> -> memref<1x64xf32, #tpu.memory_space<hbm>>
    tpu.enqueue_dma source(%dma_start3A_824 : memref<1x64xf32, #tpu.memory_space<hbm>>) target(%dma_start3A_822 : memref<1x64xf32, #tpu.memory_space<vmem>>) target_semaphore(%arg17 : memref<!tpu.dma_semaphore, #tpu.memory_space<semaphore_mem>>)
    %slice3A_825 = vector.extract_strided_slice %get3A_788 {offsets = [1], sizes = [1], strides = [1]} : vector<16xi32> to vector<1xi32>
    %squeeze3A_826 = vector.extract %slice3A_825[0] : i32 from vector<1xi32>
    %dma_start3A_827 = arith.constant 33 : i32
    %dma_start3A_828 = arith.constant 0 : i32
    %dma_start3A_829 = tpu.memref_slice %arg14[%dma_start3A_827, %dma_start3A_828] : memref<128x64xf32, #tpu.memory_space<vmem>> -> memref<1x64xf32, #tpu.memory_space<vmem>>
    %dma_start3A_830 = arith.constant 0 : i32
    %dma_start3A_831 = tpu.memref_slice %arg4[%squeeze3A_826, %dma_start3A_830] : memref<1000000x64xf32, #tpu.memory_space<hbm>> -> memref<1x64xf32, #tpu.memory_space<hbm>>
    %dma_start3A_832 = arith.constant 33 : i32
    %dma_start3A_833 = arith.constant 0 : i32
    %dma_start3A_834 = tpu.memref_slice %arg14[%dma_start3A_832, %dma_start3A_833] : memref<128x64xf32, #tpu.memory_space<vmem>> -> memref<1x64xf32, #tpu.memory_space<vmem>>
    %dma_start3A_835 = arith.constant 0 : i32
    %dma_start3A_836 = tpu.memref_slice %arg4[%squeeze3A_826, %dma_start3A_835] : memref<1000000x64xf32, #tpu.memory_space<hbm>> -> memref<1x64xf32, #tpu.memory_space<hbm>>
    tpu.enqueue_dma source(%dma_start3A_836 : memref<1x64xf32, #tpu.memory_space<hbm>>) target(%dma_start3A_834 : memref<1x64xf32, #tpu.memory_space<vmem>>) target_semaphore(%arg17 : memref<!tpu.dma_semaphore, #tpu.memory_space<semaphore_mem>>)
    %slice3A_837 = vector.extract_strided_slice %get3A_785 {offsets = [2], sizes = [1], strides = [1]} : vector<16xi32> to vector<1xi32>
    %squeeze3A_838 = vector.extract %slice3A_837[0] : i32 from vector<1xi32>
    %dma_start3A_839 = arith.constant 34 : i32
    %dma_start3A_840 = arith.constant 0 : i32
    %dma_start3A_841 = tpu.memref_slice %arg13[%dma_start3A_839, %dma_start3A_840] : memref<128x64xf32, #tpu.memory_space<vmem>> -> memref<1x64xf32, #tpu.memory_space<vmem>>
    %dma_start3A_842 = arith.constant 0 : i32
    %dma_start3A_843 = tpu.memref_slice %arg4[%squeeze3A_838, %dma_start3A_842] : memref<1000000x64xf32, #tpu.memory_space<hbm>> -> memref<1x64xf32, #tpu.memory_space<hbm>>
    %dma_start3A_844 = arith.constant 34 : i32
    %dma_start3A_845 = arith.constant 0 : i32
    %dma_start3A_846 = tpu.memref_slice %arg13[%dma_start3A_844, %dma_start3A_845] : memref<128x64xf32, #tpu.memory_space<vmem>> -> memref<1x64xf32, #tpu.memory_space<vmem>>
    %dma_start3A_847 = arith.constant 0 : i32
    %dma_start3A_848 = tpu.memref_slice %arg4[%squeeze3A_838, %dma_start3A_847] : memref<1000000x64xf32, #tpu.memory_space<hbm>> -> memref<1x64xf32, #tpu.memory_space<hbm>>
    tpu.enqueue_dma source(%dma_start3A_848 : memref<1x64xf32, #tpu.memory_space<hbm>>) target(%dma_start3A_846 : memref<1x64xf32, #tpu.memory_space<vmem>>) target_semaphore(%arg17 : memref<!tpu.dma_semaphore, #tpu.memory_space<semaphore_mem>>)
    %slice3A_849 = vector.extract_strided_slice %get3A_788 {offsets = [2], sizes = [1], strides = [1]} : vector<16xi32> to vector<1xi32>
    %squeeze3A_850 = vector.extract %slice3A_849[0] : i32 from vector<1xi32>
    %dma_start3A_851 = arith.constant 34 : i32
    %dma_start3A_852 = arith.constant 0 : i32
    %dma_start3A_853 = tpu.memref_slice %arg14[%dma_start3A_851, %dma_start3A_852] : memref<128x64xf32, #tpu.memory_space<vmem>> -> memref<1x64xf32, #tpu.memory_space<vmem>>
    %dma_start3A_854 = arith.constant 0 : i32
    %dma_start3A_855 = tpu.memref_slice %arg4[%squeeze3A_850, %dma_start3A_854] : memref<1000000x64xf32, #tpu.memory_space<hbm>> -> memref<1x64xf32, #tpu.memory_space<hbm>>
    %dma_start3A_856 = arith.constant 34 : i32
    %dma_start3A_857 = arith.constant 0 : i32
    %dma_start3A_858 = tpu.memref_slice %arg14[%dma_start3A_856, %dma_start3A_857] : memref<128x64xf32, #tpu.memory_space<vmem>> -> memref<1x64xf32, #tpu.memory_space<vmem>>
    %dma_start3A_859 = arith.constant 0 : i32
    %dma_start3A_860 = tpu.memref_slice %arg4[%squeeze3A_850, %dma_start3A_859] : memref<1000000x64xf32, #tpu.memory_space<hbm>> -> memref<1x64xf32, #tpu.memory_space<hbm>>
    tpu.enqueue_dma source(%dma_start3A_860 : memref<1x64xf32, #tpu.memory_space<hbm>>) target(%dma_start3A_858 : memref<1x64xf32, #tpu.memory_space<vmem>>) target_semaphore(%arg17 : memref<!tpu.dma_semaphore, #tpu.memory_space<semaphore_mem>>)
    %slice3A_861 = vector.extract_strided_slice %get3A_785 {offsets = [3], sizes = [1], strides = [1]} : vector<16xi32> to vector<1xi32>
    %squeeze3A_862 = vector.extract %slice3A_861[0] : i32 from vector<1xi32>
    %dma_start3A_863 = arith.constant 35 : i32
    %dma_start3A_864 = arith.constant 0 : i32
    %dma_start3A_865 = tpu.memref_slice %arg13[%dma_start3A_863, %dma_start3A_864] : memref<128x64xf32, #tpu.memory_space<vmem>> -> memref<1x64xf32, #tpu.memory_space<vmem>>
    %dma_start3A_866 = arith.constant 0 : i32
    %dma_start3A_867 = tpu.memref_slice %arg4[%squeeze3A_862, %dma_start3A_866] : memref<1000000x64xf32, #tpu.memory_space<hbm>> -> memref<1x64xf32, #tpu.memory_space<hbm>>
    %dma_start3A_868 = arith.constant 35 : i32
    %dma_start3A_869 = arith.constant 0 : i32
    %dma_start3A_870 = tpu.memref_slice %arg13[%dma_start3A_868, %dma_start3A_869] : memref<128x64xf32, #tpu.memory_space<vmem>> -> memref<1x64xf32, #tpu.memory_space<vmem>>
    %dma_start3A_871 = arith.constant 0 : i32
    %dma_start3A_872 = tpu.memref_slice %arg4[%squeeze3A_862, %dma_start3A_871] : memref<1000000x64xf32, #tpu.memory_space<hbm>> -> memref<1x64xf32, #tpu.memory_space<hbm>>
    tpu.enqueue_dma source(%dma_start3A_872 : memref<1x64xf32, #tpu.memory_space<hbm>>) target(%dma_start3A_870 : memref<1x64xf32, #tpu.memory_space<vmem>>) target_semaphore(%arg17 : memref<!tpu.dma_semaphore, #tpu.memory_space<semaphore_mem>>)
    %slice3A_873 = vector.extract_strided_slice %get3A_788 {offsets = [3], sizes = [1], strides = [1]} : vector<16xi32> to vector<1xi32>
    %squeeze3A_874 = vector.extract %slice3A_873[0] : i32 from vector<1xi32>
    %dma_start3A_875 = arith.constant 35 : i32
    %dma_start3A_876 = arith.constant 0 : i32
    %dma_start3A_877 = tpu.memref_slice %arg14[%dma_start3A_875, %dma_start3A_876] : memref<128x64xf32, #tpu.memory_space<vmem>> -> memref<1x64xf32, #tpu.memory_space<vmem>>
    %dma_start3A_878 = arith.constant 0 : i32
    %dma_start3A_879 = tpu.memref_slice %arg4[%squeeze3A_874, %dma_start3A_878] : memref<1000000x64xf32, #tpu.memory_space<hbm>> -> memref<1x64xf32, #tpu.memory_space<hbm>>
    %dma_start3A_880 = arith.constant 35 : i32
    %dma_start3A_881 = arith.constant 0 : i32
    %dma_start3A_882 = tpu.memref_slice %arg14[%dma_start3A_880, %dma_start3A_881] : memref<128x64xf32, #tpu.memory_space<vmem>> -> memref<1x64xf32, #tpu.memory_space<vmem>>
    %dma_start3A_883 = arith.constant 0 : i32
    %dma_start3A_884 = tpu.memref_slice %arg4[%squeeze3A_874, %dma_start3A_883] : memref<1000000x64xf32, #tpu.memory_space<hbm>> -> memref<1x64xf32, #tpu.memory_space<hbm>>
    tpu.enqueue_dma source(%dma_start3A_884 : memref<1x64xf32, #tpu.memory_space<hbm>>) target(%dma_start3A_882 : memref<1x64xf32, #tpu.memory_space<vmem>>) target_semaphore(%arg17 : memref<!tpu.dma_semaphore, #tpu.memory_space<semaphore_mem>>)
    %slice3A_885 = vector.extract_strided_slice %get3A_785 {offsets = [4], sizes = [1], strides = [1]} : vector<16xi32> to vector<1xi32>
    %squeeze3A_886 = vector.extract %slice3A_885[0] : i32 from vector<1xi32>
    %dma_start3A_887 = arith.constant 36 : i32
    %dma_start3A_888 = arith.constant 0 : i32
    %dma_start3A_889 = tpu.memref_slice %arg13[%dma_start3A_887, %dma_start3A_888] : memref<128x64xf32, #tpu.memory_space<vmem>> -> memref<1x64xf32, #tpu.memory_space<vmem>>
    %dma_start3A_890 = arith.constant 0 : i32
    %dma_start3A_891 = tpu.memref_slice %arg4[%squeeze3A_886, %dma_start3A_890] : memref<1000000x64xf32, #tpu.memory_space<hbm>> -> memref<1x64xf32, #tpu.memory_space<hbm>>
    %dma_start3A_892 = arith.constant 36 : i32
    %dma_start3A_893 = arith.constant 0 : i32
    %dma_start3A_894 = tpu.memref_slice %arg13[%dma_start3A_892, %dma_start3A_893] : memref<128x64xf32, #tpu.memory_space<vmem>> -> memref<1x64xf32, #tpu.memory_space<vmem>>
    %dma_start3A_895 = arith.constant 0 : i32
    %dma_start3A_896 = tpu.memref_slice %arg4[%squeeze3A_886, %dma_start3A_895] : memref<1000000x64xf32, #tpu.memory_space<hbm>> -> memref<1x64xf32, #tpu.memory_space<hbm>>
    tpu.enqueue_dma source(%dma_start3A_896 : memref<1x64xf32, #tpu.memory_space<hbm>>) target(%dma_start3A_894 : memref<1x64xf32, #tpu.memory_space<vmem>>) target_semaphore(%arg17 : memref<!tpu.dma_semaphore, #tpu.memory_space<semaphore_mem>>)
    %slice3A_897 = vector.extract_strided_slice %get3A_788 {offsets = [4], sizes = [1], strides = [1]} : vector<16xi32> to vector<1xi32>
    %squeeze3A_898 = vector.extract %slice3A_897[0] : i32 from vector<1xi32>
    %dma_start3A_899 = arith.constant 36 : i32
    %dma_start3A_900 = arith.constant 0 : i32
    %dma_start3A_901 = tpu.memref_slice %arg14[%dma_start3A_899, %dma_start3A_900] : memref<128x64xf32, #tpu.memory_space<vmem>> -> memref<1x64xf32, #tpu.memory_space<vmem>>
    %dma_start3A_902 = arith.constant 0 : i32
    %dma_start3A_903 = tpu.memref_slice %arg4[%squeeze3A_898, %dma_start3A_902] : memref<1000000x64xf32, #tpu.memory_space<hbm>> -> memref<1x64xf32, #tpu.memory_space<hbm>>
    %dma_start3A_904 = arith.constant 36 : i32
    %dma_start3A_905 = arith.constant 0 : i32
    %dma_start3A_906 = tpu.memref_slice %arg14[%dma_start3A_904, %dma_start3A_905] : memref<128x64xf32, #tpu.memory_space<vmem>> -> memref<1x64xf32, #tpu.memory_space<vmem>>
    %dma_start3A_907 = arith.constant 0 : i32
    %dma_start3A_908 = tpu.memref_slice %arg4[%squeeze3A_898, %dma_start3A_907] : memref<1000000x64xf32, #tpu.memory_space<hbm>> -> memref<1x64xf32, #tpu.memory_space<hbm>>
    tpu.enqueue_dma source(%dma_start3A_908 : memref<1x64xf32, #tpu.memory_space<hbm>>) target(%dma_start3A_906 : memref<1x64xf32, #tpu.memory_space<vmem>>) target_semaphore(%arg17 : memref<!tpu.dma_semaphore, #tpu.memory_space<semaphore_mem>>)
    %slice3A_909 = vector.extract_strided_slice %get3A_785 {offsets = [5], sizes = [1], strides = [1]} : vector<16xi32> to vector<1xi32>
    %squeeze3A_910 = vector.extract %slice3A_909[0] : i32 from vector<1xi32>
    %dma_start3A_911 = arith.constant 37 : i32
    %dma_start3A_912 = arith.constant 0 : i32
    %dma_start3A_913 = tpu.memref_slice %arg13[%dma_start3A_911, %dma_start3A_912] : memref<128x64xf32, #tpu.memory_space<vmem>> -> memref<1x64xf32, #tpu.memory_space<vmem>>
    %dma_start3A_914 = arith.constant 0 : i32
    %dma_start3A_915 = tpu.memref_slice %arg4[%squeeze3A_910, %dma_start3A_914] : memref<1000000x64xf32, #tpu.memory_space<hbm>> -> memref<1x64xf32, #tpu.memory_space<hbm>>
    %dma_start3A_916 = arith.constant 37 : i32
    %dma_start3A_917 = arith.constant 0 : i32
    %dma_start3A_918 = tpu.memref_slice %arg13[%dma_start3A_916, %dma_start3A_917] : memref<128x64xf32, #tpu.memory_space<vmem>> -> memref<1x64xf32, #tpu.memory_space<vmem>>
    %dma_start3A_919 = arith.constant 0 : i32
    %dma_start3A_920 = tpu.memref_slice %arg4[%squeeze3A_910, %dma_start3A_919] : memref<1000000x64xf32, #tpu.memory_space<hbm>> -> memref<1x64xf32, #tpu.memory_space<hbm>>
    tpu.enqueue_dma source(%dma_start3A_920 : memref<1x64xf32, #tpu.memory_space<hbm>>) target(%dma_start3A_918 : memref<1x64xf32, #tpu.memory_space<vmem>>) target_semaphore(%arg17 : memref<!tpu.dma_semaphore, #tpu.memory_space<semaphore_mem>>)
    %slice3A_921 = vector.extract_strided_slice %get3A_788 {offsets = [5], sizes = [1], strides = [1]} : vector<16xi32> to vector<1xi32>
    %squeeze3A_922 = vector.extract %slice3A_921[0] : i32 from vector<1xi32>
    %dma_start3A_923 = arith.constant 37 : i32
    %dma_start3A_924 = arith.constant 0 : i32
    %dma_start3A_925 = tpu.memref_slice %arg14[%dma_start3A_923, %dma_start3A_924] : memref<128x64xf32, #tpu.memory_space<vmem>> -> memref<1x64xf32, #tpu.memory_space<vmem>>
    %dma_start3A_926 = arith.constant 0 : i32
    %dma_start3A_927 = tpu.memref_slice %arg4[%squeeze3A_922, %dma_start3A_926] : memref<1000000x64xf32, #tpu.memory_space<hbm>> -> memref<1x64xf32, #tpu.memory_space<hbm>>
    %dma_start3A_928 = arith.constant 37 : i32
    %dma_start3A_929 = arith.constant 0 : i32
    %dma_start3A_930 = tpu.memref_slice %arg14[%dma_start3A_928, %dma_start3A_929] : memref<128x64xf32, #tpu.memory_space<vmem>> -> memref<1x64xf32, #tpu.memory_space<vmem>>
    %dma_start3A_931 = arith.constant 0 : i32
    %dma_start3A_932 = tpu.memref_slice %arg4[%squeeze3A_922, %dma_start3A_931] : memref<1000000x64xf32, #tpu.memory_space<hbm>> -> memref<1x64xf32, #tpu.memory_space<hbm>>
    tpu.enqueue_dma source(%dma_start3A_932 : memref<1x64xf32, #tpu.memory_space<hbm>>) target(%dma_start3A_930 : memref<1x64xf32, #tpu.memory_space<vmem>>) target_semaphore(%arg17 : memref<!tpu.dma_semaphore, #tpu.memory_space<semaphore_mem>>)
    %slice3A_933 = vector.extract_strided_slice %get3A_785 {offsets = [6], sizes = [1], strides = [1]} : vector<16xi32> to vector<1xi32>
    %squeeze3A_934 = vector.extract %slice3A_933[0] : i32 from vector<1xi32>
    %dma_start3A_935 = arith.constant 38 : i32
    %dma_start3A_936 = arith.constant 0 : i32
    %dma_start3A_937 = tpu.memref_slice %arg13[%dma_start3A_935, %dma_start3A_936] : memref<128x64xf32, #tpu.memory_space<vmem>> -> memref<1x64xf32, #tpu.memory_space<vmem>>
    %dma_start3A_938 = arith.constant 0 : i32
    %dma_start3A_939 = tpu.memref_slice %arg4[%squeeze3A_934, %dma_start3A_938] : memref<1000000x64xf32, #tpu.memory_space<hbm>> -> memref<1x64xf32, #tpu.memory_space<hbm>>
    %dma_start3A_940 = arith.constant 38 : i32
    %dma_start3A_941 = arith.constant 0 : i32
    %dma_start3A_942 = tpu.memref_slice %arg13[%dma_start3A_940, %dma_start3A_941] : memref<128x64xf32, #tpu.memory_space<vmem>> -> memref<1x64xf32, #tpu.memory_space<vmem>>
    %dma_start3A_943 = arith.constant 0 : i32
    %dma_start3A_944 = tpu.memref_slice %arg4[%squeeze3A_934, %dma_start3A_943] : memref<1000000x64xf32, #tpu.memory_space<hbm>> -> memref<1x64xf32, #tpu.memory_space<hbm>>
    tpu.enqueue_dma source(%dma_start3A_944 : memref<1x64xf32, #tpu.memory_space<hbm>>) target(%dma_start3A_942 : memref<1x64xf32, #tpu.memory_space<vmem>>) target_semaphore(%arg17 : memref<!tpu.dma_semaphore, #tpu.memory_space<semaphore_mem>>)
    %slice3A_945 = vector.extract_strided_slice %get3A_788 {offsets = [6], sizes = [1], strides = [1]} : vector<16xi32> to vector<1xi32>
    %squeeze3A_946 = vector.extract %slice3A_945[0] : i32 from vector<1xi32>
    %dma_start3A_947 = arith.constant 38 : i32
    %dma_start3A_948 = arith.constant 0 : i32
    %dma_start3A_949 = tpu.memref_slice %arg14[%dma_start3A_947, %dma_start3A_948] : memref<128x64xf32, #tpu.memory_space<vmem>> -> memref<1x64xf32, #tpu.memory_space<vmem>>
    %dma_start3A_950 = arith.constant 0 : i32
    %dma_start3A_951 = tpu.memref_slice %arg4[%squeeze3A_946, %dma_start3A_950] : memref<1000000x64xf32, #tpu.memory_space<hbm>> -> memref<1x64xf32, #tpu.memory_space<hbm>>
    %dma_start3A_952 = arith.constant 38 : i32
    %dma_start3A_953 = arith.constant 0 : i32
    %dma_start3A_954 = tpu.memref_slice %arg14[%dma_start3A_952, %dma_start3A_953] : memref<128x64xf32, #tpu.memory_space<vmem>> -> memref<1x64xf32, #tpu.memory_space<vmem>>
    %dma_start3A_955 = arith.constant 0 : i32
    %dma_start3A_956 = tpu.memref_slice %arg4[%squeeze3A_946, %dma_start3A_955] : memref<1000000x64xf32, #tpu.memory_space<hbm>> -> memref<1x64xf32, #tpu.memory_space<hbm>>
    tpu.enqueue_dma source(%dma_start3A_956 : memref<1x64xf32, #tpu.memory_space<hbm>>) target(%dma_start3A_954 : memref<1x64xf32, #tpu.memory_space<vmem>>) target_semaphore(%arg17 : memref<!tpu.dma_semaphore, #tpu.memory_space<semaphore_mem>>)
    %slice3A_957 = vector.extract_strided_slice %get3A_785 {offsets = [7], sizes = [1], strides = [1]} : vector<16xi32> to vector<1xi32>
    %squeeze3A_958 = vector.extract %slice3A_957[0] : i32 from vector<1xi32>
    %dma_start3A_959 = arith.constant 39 : i32
    %dma_start3A_960 = arith.constant 0 : i32
    %dma_start3A_961 = tpu.memref_slice %arg13[%dma_start3A_959, %dma_start3A_960] : memref<128x64xf32, #tpu.memory_space<vmem>> -> memref<1x64xf32, #tpu.memory_space<vmem>>
    %dma_start3A_962 = arith.constant 0 : i32
    %dma_start3A_963 = tpu.memref_slice %arg4[%squeeze3A_958, %dma_start3A_962] : memref<1000000x64xf32, #tpu.memory_space<hbm>> -> memref<1x64xf32, #tpu.memory_space<hbm>>
    %dma_start3A_964 = arith.constant 39 : i32
    %dma_start3A_965 = arith.constant 0 : i32
    %dma_start3A_966 = tpu.memref_slice %arg13[%dma_start3A_964, %dma_start3A_965] : memref<128x64xf32, #tpu.memory_space<vmem>> -> memref<1x64xf32, #tpu.memory_space<vmem>>
    %dma_start3A_967 = arith.constant 0 : i32
    %dma_start3A_968 = tpu.memref_slice %arg4[%squeeze3A_958, %dma_start3A_967] : memref<1000000x64xf32, #tpu.memory_space<hbm>> -> memref<1x64xf32, #tpu.memory_space<hbm>>
    tpu.enqueue_dma source(%dma_start3A_968 : memref<1x64xf32, #tpu.memory_space<hbm>>) target(%dma_start3A_966 : memref<1x64xf32, #tpu.memory_space<vmem>>) target_semaphore(%arg17 : memref<!tpu.dma_semaphore, #tpu.memory_space<semaphore_mem>>)
    %slice3A_969 = vector.extract_strided_slice %get3A_788 {offsets = [7], sizes = [1], strides = [1]} : vector<16xi32> to vector<1xi32>
    %squeeze3A_970 = vector.extract %slice3A_969[0] : i32 from vector<1xi32>
    %dma_start3A_971 = arith.constant 39 : i32
    %dma_start3A_972 = arith.constant 0 : i32
    %dma_start3A_973 = tpu.memref_slice %arg14[%dma_start3A_971, %dma_start3A_972] : memref<128x64xf32, #tpu.memory_space<vmem>> -> memref<1x64xf32, #tpu.memory_space<vmem>>
    %dma_start3A_974 = arith.constant 0 : i32
    %dma_start3A_975 = tpu.memref_slice %arg4[%squeeze3A_970, %dma_start3A_974] : memref<1000000x64xf32, #tpu.memory_space<hbm>> -> memref<1x64xf32, #tpu.memory_space<hbm>>
    %dma_start3A_976 = arith.constant 39 : i32
    %dma_start3A_977 = arith.constant 0 : i32
    %dma_start3A_978 = tpu.memref_slice %arg14[%dma_start3A_976, %dma_start3A_977] : memref<128x64xf32, #tpu.memory_space<vmem>> -> memref<1x64xf32, #tpu.memory_space<vmem>>
    %dma_start3A_979 = arith.constant 0 : i32
    %dma_start3A_980 = tpu.memref_slice %arg4[%squeeze3A_970, %dma_start3A_979] : memref<1000000x64xf32, #tpu.memory_space<hbm>> -> memref<1x64xf32, #tpu.memory_space<hbm>>
    tpu.enqueue_dma source(%dma_start3A_980 : memref<1x64xf32, #tpu.memory_space<hbm>>) target(%dma_start3A_978 : memref<1x64xf32, #tpu.memory_space<vmem>>) target_semaphore(%arg17 : memref<!tpu.dma_semaphore, #tpu.memory_space<semaphore_mem>>)
    %slice3A_981 = vector.extract_strided_slice %get3A_785 {offsets = [8], sizes = [1], strides = [1]} : vector<16xi32> to vector<1xi32>
    %squeeze3A_982 = vector.extract %slice3A_981[0] : i32 from vector<1xi32>
    %dma_start3A_983 = arith.constant 40 : i32
    %dma_start3A_984 = arith.constant 0 : i32
    %dma_start3A_985 = tpu.memref_slice %arg13[%dma_start3A_983, %dma_start3A_984] : memref<128x64xf32, #tpu.memory_space<vmem>> -> memref<1x64xf32, #tpu.memory_space<vmem>>
    %dma_start3A_986 = arith.constant 0 : i32
    %dma_start3A_987 = tpu.memref_slice %arg4[%squeeze3A_982, %dma_start3A_986] : memref<1000000x64xf32, #tpu.memory_space<hbm>> -> memref<1x64xf32, #tpu.memory_space<hbm>>
    %dma_start3A_988 = arith.constant 40 : i32
    %dma_start3A_989 = arith.constant 0 : i32
    %dma_start3A_990 = tpu.memref_slice %arg13[%dma_start3A_988, %dma_start3A_989] : memref<128x64xf32, #tpu.memory_space<vmem>> -> memref<1x64xf32, #tpu.memory_space<vmem>>
    %dma_start3A_991 = arith.constant 0 : i32
    %dma_start3A_992 = tpu.memref_slice %arg4[%squeeze3A_982, %dma_start3A_991] : memref<1000000x64xf32, #tpu.memory_space<hbm>> -> memref<1x64xf32, #tpu.memory_space<hbm>>
    tpu.enqueue_dma source(%dma_start3A_992 : memref<1x64xf32, #tpu.memory_space<hbm>>) target(%dma_start3A_990 : memref<1x64xf32, #tpu.memory_space<vmem>>) target_semaphore(%arg17 : memref<!tpu.dma_semaphore, #tpu.memory_space<semaphore_mem>>)
    %slice3A_993 = vector.extract_strided_slice %get3A_788 {offsets = [8], sizes = [1], strides = [1]} : vector<16xi32> to vector<1xi32>
    %squeeze3A_994 = vector.extract %slice3A_993[0] : i32 from vector<1xi32>
    %dma_start3A_995 = arith.constant 40 : i32
    %dma_start3A_996 = arith.constant 0 : i32
    %dma_start3A_997 = tpu.memref_slice %arg14[%dma_start3A_995, %dma_start3A_996] : memref<128x64xf32, #tpu.memory_space<vmem>> -> memref<1x64xf32, #tpu.memory_space<vmem>>
    %dma_start3A_998 = arith.constant 0 : i32
    %dma_start3A_999 = tpu.memref_slice %arg4[%squeeze3A_994, %dma_start3A_998] : memref<1000000x64xf32, #tpu.memory_space<hbm>> -> memref<1x64xf32, #tpu.memory_space<hbm>>
    %dma_start3A_1000 = arith.constant 40 : i32
    %dma_start3A_1001 = arith.constant 0 : i32
    %dma_start3A_1002 = tpu.memref_slice %arg14[%dma_start3A_1000, %dma_start3A_1001] : memref<128x64xf32, #tpu.memory_space<vmem>> -> memref<1x64xf32, #tpu.memory_space<vmem>>
    %dma_start3A_1003 = arith.constant 0 : i32
    %dma_start3A_1004 = tpu.memref_slice %arg4[%squeeze3A_994, %dma_start3A_1003] : memref<1000000x64xf32, #tpu.memory_space<hbm>> -> memref<1x64xf32, #tpu.memory_space<hbm>>
    tpu.enqueue_dma source(%dma_start3A_1004 : memref<1x64xf32, #tpu.memory_space<hbm>>) target(%dma_start3A_1002 : memref<1x64xf32, #tpu.memory_space<vmem>>) target_semaphore(%arg17 : memref<!tpu.dma_semaphore, #tpu.memory_space<semaphore_mem>>)
    %slice3A_1005 = vector.extract_strided_slice %get3A_785 {offsets = [9], sizes = [1], strides = [1]} : vector<16xi32> to vector<1xi32>
    %squeeze3A_1006 = vector.extract %slice3A_1005[0] : i32 from vector<1xi32>
    %dma_start3A_1007 = arith.constant 41 : i32
    %dma_start3A_1008 = arith.constant 0 : i32
    %dma_start3A_1009 = tpu.memref_slice %arg13[%dma_start3A_1007, %dma_start3A_1008] : memref<128x64xf32, #tpu.memory_space<vmem>> -> memref<1x64xf32, #tpu.memory_space<vmem>>
    %dma_start3A_1010 = arith.constant 0 : i32
    %dma_start3A_1011 = tpu.memref_slice %arg4[%squeeze3A_1006, %dma_start3A_1010] : memref<1000000x64xf32, #tpu.memory_space<hbm>> -> memref<1x64xf32, #tpu.memory_space<hbm>>
    %dma_start3A_1012 = arith.constant 41 : i32
    %dma_start3A_1013 = arith.constant 0 : i32
    %dma_start3A_1014 = tpu.memref_slice %arg13[%dma_start3A_1012, %dma_start3A_1013] : memref<128x64xf32, #tpu.memory_space<vmem>> -> memref<1x64xf32, #tpu.memory_space<vmem>>
    %dma_start3A_1015 = arith.constant 0 : i32
    %dma_start3A_1016 = tpu.memref_slice %arg4[%squeeze3A_1006, %dma_start3A_1015] : memref<1000000x64xf32, #tpu.memory_space<hbm>> -> memref<1x64xf32, #tpu.memory_space<hbm>>
    tpu.enqueue_dma source(%dma_start3A_1016 : memref<1x64xf32, #tpu.memory_space<hbm>>) target(%dma_start3A_1014 : memref<1x64xf32, #tpu.memory_space<vmem>>) target_semaphore(%arg17 : memref<!tpu.dma_semaphore, #tpu.memory_space<semaphore_mem>>)
    %slice3A_1017 = vector.extract_strided_slice %get3A_788 {offsets = [9], sizes = [1], strides = [1]} : vector<16xi32> to vector<1xi32>
    %squeeze3A_1018 = vector.extract %slice3A_1017[0] : i32 from vector<1xi32>
    %dma_start3A_1019 = arith.constant 41 : i32
    %dma_start3A_1020 = arith.constant 0 : i32
    %dma_start3A_1021 = tpu.memref_slice %arg14[%dma_start3A_1019, %dma_start3A_1020] : memref<128x64xf32, #tpu.memory_space<vmem>> -> memref<1x64xf32, #tpu.memory_space<vmem>>
    %dma_start3A_1022 = arith.constant 0 : i32
    %dma_start3A_1023 = tpu.memref_slice %arg4[%squeeze3A_1018, %dma_start3A_1022] : memref<1000000x64xf32, #tpu.memory_space<hbm>> -> memref<1x64xf32, #tpu.memory_space<hbm>>
    %dma_start3A_1024 = arith.constant 41 : i32
    %dma_start3A_1025 = arith.constant 0 : i32
    %dma_start3A_1026 = tpu.memref_slice %arg14[%dma_start3A_1024, %dma_start3A_1025] : memref<128x64xf32, #tpu.memory_space<vmem>> -> memref<1x64xf32, #tpu.memory_space<vmem>>
    %dma_start3A_1027 = arith.constant 0 : i32
    %dma_start3A_1028 = tpu.memref_slice %arg4[%squeeze3A_1018, %dma_start3A_1027] : memref<1000000x64xf32, #tpu.memory_space<hbm>> -> memref<1x64xf32, #tpu.memory_space<hbm>>
    tpu.enqueue_dma source(%dma_start3A_1028 : memref<1x64xf32, #tpu.memory_space<hbm>>) target(%dma_start3A_1026 : memref<1x64xf32, #tpu.memory_space<vmem>>) target_semaphore(%arg17 : memref<!tpu.dma_semaphore, #tpu.memory_space<semaphore_mem>>)
    %slice3A_1029 = vector.extract_strided_slice %get3A_785 {offsets = [10], sizes = [1], strides = [1]} : vector<16xi32> to vector<1xi32>
    %squeeze3A_1030 = vector.extract %slice3A_1029[0] : i32 from vector<1xi32>
    %dma_start3A_1031 = arith.constant 42 : i32
    %dma_start3A_1032 = arith.constant 0 : i32
    %dma_start3A_1033 = tpu.memref_slice %arg13[%dma_start3A_1031, %dma_start3A_1032] : memref<128x64xf32, #tpu.memory_space<vmem>> -> memref<1x64xf32, #tpu.memory_space<vmem>>
    %dma_start3A_1034 = arith.constant 0 : i32
    %dma_start3A_1035 = tpu.memref_slice %arg4[%squeeze3A_1030, %dma_start3A_1034] : memref<1000000x64xf32, #tpu.memory_space<hbm>> -> memref<1x64xf32, #tpu.memory_space<hbm>>
    %dma_start3A_1036 = arith.constant 42 : i32
    %dma_start3A_1037 = arith.constant 0 : i32
    %dma_start3A_1038 = tpu.memref_slice %arg13[%dma_start3A_1036, %dma_start3A_1037] : memref<128x64xf32, #tpu.memory_space<vmem>> -> memref<1x64xf32, #tpu.memory_space<vmem>>
    %dma_start3A_1039 = arith.constant 0 : i32
    %dma_start3A_1040 = tpu.memref_slice %arg4[%squeeze3A_1030, %dma_start3A_1039] : memref<1000000x64xf32, #tpu.memory_space<hbm>> -> memref<1x64xf32, #tpu.memory_space<hbm>>
    tpu.enqueue_dma source(%dma_start3A_1040 : memref<1x64xf32, #tpu.memory_space<hbm>>) target(%dma_start3A_1038 : memref<1x64xf32, #tpu.memory_space<vmem>>) target_semaphore(%arg17 : memref<!tpu.dma_semaphore, #tpu.memory_space<semaphore_mem>>)
    %slice3A_1041 = vector.extract_strided_slice %get3A_788 {offsets = [10], sizes = [1], strides = [1]} : vector<16xi32> to vector<1xi32>
    %squeeze3A_1042 = vector.extract %slice3A_1041[0] : i32 from vector<1xi32>
    %dma_start3A_1043 = arith.constant 42 : i32
    %dma_start3A_1044 = arith.constant 0 : i32
    %dma_start3A_1045 = tpu.memref_slice %arg14[%dma_start3A_1043, %dma_start3A_1044] : memref<128x64xf32, #tpu.memory_space<vmem>> -> memref<1x64xf32, #tpu.memory_space<vmem>>
    %dma_start3A_1046 = arith.constant 0 : i32
    %dma_start3A_1047 = tpu.memref_slice %arg4[%squeeze3A_1042, %dma_start3A_1046] : memref<1000000x64xf32, #tpu.memory_space<hbm>> -> memref<1x64xf32, #tpu.memory_space<hbm>>
    %dma_start3A_1048 = arith.constant 42 : i32
    %dma_start3A_1049 = arith.constant 0 : i32
    %dma_start3A_1050 = tpu.memref_slice %arg14[%dma_start3A_1048, %dma_start3A_1049] : memref<128x64xf32, #tpu.memory_space<vmem>> -> memref<1x64xf32, #tpu.memory_space<vmem>>
    %dma_start3A_1051 = arith.constant 0 : i32
    %dma_start3A_1052 = tpu.memref_slice %arg4[%squeeze3A_1042, %dma_start3A_1051] : memref<1000000x64xf32, #tpu.memory_space<hbm>> -> memref<1x64xf32, #tpu.memory_space<hbm>>
    tpu.enqueue_dma source(%dma_start3A_1052 : memref<1x64xf32, #tpu.memory_space<hbm>>) target(%dma_start3A_1050 : memref<1x64xf32, #tpu.memory_space<vmem>>) target_semaphore(%arg17 : memref<!tpu.dma_semaphore, #tpu.memory_space<semaphore_mem>>)
    %slice3A_1053 = vector.extract_strided_slice %get3A_785 {offsets = [11], sizes = [1], strides = [1]} : vector<16xi32> to vector<1xi32>
    %squeeze3A_1054 = vector.extract %slice3A_1053[0] : i32 from vector<1xi32>
    %dma_start3A_1055 = arith.constant 43 : i32
    %dma_start3A_1056 = arith.constant 0 : i32
    %dma_start3A_1057 = tpu.memref_slice %arg13[%dma_start3A_1055, %dma_start3A_1056] : memref<128x64xf32, #tpu.memory_space<vmem>> -> memref<1x64xf32, #tpu.memory_space<vmem>>
    %dma_start3A_1058 = arith.constant 0 : i32
    %dma_start3A_1059 = tpu.memref_slice %arg4[%squeeze3A_1054, %dma_start3A_1058] : memref<1000000x64xf32, #tpu.memory_space<hbm>> -> memref<1x64xf32, #tpu.memory_space<hbm>>
    %dma_start3A_1060 = arith.constant 43 : i32
    %dma_start3A_1061 = arith.constant 0 : i32
    %dma_start3A_1062 = tpu.memref_slice %arg13[%dma_start3A_1060, %dma_start3A_1061] : memref<128x64xf32, #tpu.memory_space<vmem>> -> memref<1x64xf32, #tpu.memory_space<vmem>>
    %dma_start3A_1063 = arith.constant 0 : i32
    %dma_start3A_1064 = tpu.memref_slice %arg4[%squeeze3A_1054, %dma_start3A_1063] : memref<1000000x64xf32, #tpu.memory_space<hbm>> -> memref<1x64xf32, #tpu.memory_space<hbm>>
    tpu.enqueue_dma source(%dma_start3A_1064 : memref<1x64xf32, #tpu.memory_space<hbm>>) target(%dma_start3A_1062 : memref<1x64xf32, #tpu.memory_space<vmem>>) target_semaphore(%arg17 : memref<!tpu.dma_semaphore, #tpu.memory_space<semaphore_mem>>)
    %slice3A_1065 = vector.extract_strided_slice %get3A_788 {offsets = [11], sizes = [1], strides = [1]} : vector<16xi32> to vector<1xi32>
    %squeeze3A_1066 = vector.extract %slice3A_1065[0] : i32 from vector<1xi32>
    %dma_start3A_1067 = arith.constant 43 : i32
    %dma_start3A_1068 = arith.constant 0 : i32
    %dma_start3A_1069 = tpu.memref_slice %arg14[%dma_start3A_1067, %dma_start3A_1068] : memref<128x64xf32, #tpu.memory_space<vmem>> -> memref<1x64xf32, #tpu.memory_space<vmem>>
    %dma_start3A_1070 = arith.constant 0 : i32
    %dma_start3A_1071 = tpu.memref_slice %arg4[%squeeze3A_1066, %dma_start3A_1070] : memref<1000000x64xf32, #tpu.memory_space<hbm>> -> memref<1x64xf32, #tpu.memory_space<hbm>>
    %dma_start3A_1072 = arith.constant 43 : i32
    %dma_start3A_1073 = arith.constant 0 : i32
    %dma_start3A_1074 = tpu.memref_slice %arg14[%dma_start3A_1072, %dma_start3A_1073] : memref<128x64xf32, #tpu.memory_space<vmem>> -> memref<1x64xf32, #tpu.memory_space<vmem>>
    %dma_start3A_1075 = arith.constant 0 : i32
    %dma_start3A_1076 = tpu.memref_slice %arg4[%squeeze3A_1066, %dma_start3A_1075] : memref<1000000x64xf32, #tpu.memory_space<hbm>> -> memref<1x64xf32, #tpu.memory_space<hbm>>
    tpu.enqueue_dma source(%dma_start3A_1076 : memref<1x64xf32, #tpu.memory_space<hbm>>) target(%dma_start3A_1074 : memref<1x64xf32, #tpu.memory_space<vmem>>) target_semaphore(%arg17 : memref<!tpu.dma_semaphore, #tpu.memory_space<semaphore_mem>>)
    %slice3A_1077 = vector.extract_strided_slice %get3A_785 {offsets = [12], sizes = [1], strides = [1]} : vector<16xi32> to vector<1xi32>
    %squeeze3A_1078 = vector.extract %slice3A_1077[0] : i32 from vector<1xi32>
    %dma_start3A_1079 = arith.constant 44 : i32
    %dma_start3A_1080 = arith.constant 0 : i32
    %dma_start3A_1081 = tpu.memref_slice %arg13[%dma_start3A_1079, %dma_start3A_1080] : memref<128x64xf32, #tpu.memory_space<vmem>> -> memref<1x64xf32, #tpu.memory_space<vmem>>
    %dma_start3A_1082 = arith.constant 0 : i32
    %dma_start3A_1083 = tpu.memref_slice %arg4[%squeeze3A_1078, %dma_start3A_1082] : memref<1000000x64xf32, #tpu.memory_space<hbm>> -> memref<1x64xf32, #tpu.memory_space<hbm>>
    %dma_start3A_1084 = arith.constant 44 : i32
    %dma_start3A_1085 = arith.constant 0 : i32
    %dma_start3A_1086 = tpu.memref_slice %arg13[%dma_start3A_1084, %dma_start3A_1085] : memref<128x64xf32, #tpu.memory_space<vmem>> -> memref<1x64xf32, #tpu.memory_space<vmem>>
    %dma_start3A_1087 = arith.constant 0 : i32
    %dma_start3A_1088 = tpu.memref_slice %arg4[%squeeze3A_1078, %dma_start3A_1087] : memref<1000000x64xf32, #tpu.memory_space<hbm>> -> memref<1x64xf32, #tpu.memory_space<hbm>>
    tpu.enqueue_dma source(%dma_start3A_1088 : memref<1x64xf32, #tpu.memory_space<hbm>>) target(%dma_start3A_1086 : memref<1x64xf32, #tpu.memory_space<vmem>>) target_semaphore(%arg17 : memref<!tpu.dma_semaphore, #tpu.memory_space<semaphore_mem>>)
    %slice3A_1089 = vector.extract_strided_slice %get3A_788 {offsets = [12], sizes = [1], strides = [1]} : vector<16xi32> to vector<1xi32>
    %squeeze3A_1090 = vector.extract %slice3A_1089[0] : i32 from vector<1xi32>
    %dma_start3A_1091 = arith.constant 44 : i32
    %dma_start3A_1092 = arith.constant 0 : i32
    %dma_start3A_1093 = tpu.memref_slice %arg14[%dma_start3A_1091, %dma_start3A_1092] : memref<128x64xf32, #tpu.memory_space<vmem>> -> memref<1x64xf32, #tpu.memory_space<vmem>>
    %dma_start3A_1094 = arith.constant 0 : i32
    %dma_start3A_1095 = tpu.memref_slice %arg4[%squeeze3A_1090, %dma_start3A_1094] : memref<1000000x64xf32, #tpu.memory_space<hbm>> -> memref<1x64xf32, #tpu.memory_space<hbm>>
    %dma_start3A_1096 = arith.constant 44 : i32
    %dma_start3A_1097 = arith.constant 0 : i32
    %dma_start3A_1098 = tpu.memref_slice %arg14[%dma_start3A_1096, %dma_start3A_1097] : memref<128x64xf32, #tpu.memory_space<vmem>> -> memref<1x64xf32, #tpu.memory_space<vmem>>
    %dma_start3A_1099 = arith.constant 0 : i32
    %dma_start3A_1100 = tpu.memref_slice %arg4[%squeeze3A_1090, %dma_start3A_1099] : memref<1000000x64xf32, #tpu.memory_space<hbm>> -> memref<1x64xf32, #tpu.memory_space<hbm>>
    tpu.enqueue_dma source(%dma_start3A_1100 : memref<1x64xf32, #tpu.memory_space<hbm>>) target(%dma_start3A_1098 : memref<1x64xf32, #tpu.memory_space<vmem>>) target_semaphore(%arg17 : memref<!tpu.dma_semaphore, #tpu.memory_space<semaphore_mem>>)
    %slice3A_1101 = vector.extract_strided_slice %get3A_785 {offsets = [13], sizes = [1], strides = [1]} : vector<16xi32> to vector<1xi32>
    %squeeze3A_1102 = vector.extract %slice3A_1101[0] : i32 from vector<1xi32>
    %dma_start3A_1103 = arith.constant 45 : i32
    %dma_start3A_1104 = arith.constant 0 : i32
    %dma_start3A_1105 = tpu.memref_slice %arg13[%dma_start3A_1103, %dma_start3A_1104] : memref<128x64xf32, #tpu.memory_space<vmem>> -> memref<1x64xf32, #tpu.memory_space<vmem>>
    %dma_start3A_1106 = arith.constant 0 : i32
    %dma_start3A_1107 = tpu.memref_slice %arg4[%squeeze3A_1102, %dma_start3A_1106] : memref<1000000x64xf32, #tpu.memory_space<hbm>> -> memref<1x64xf32, #tpu.memory_space<hbm>>
    %dma_start3A_1108 = arith.constant 45 : i32
    %dma_start3A_1109 = arith.constant 0 : i32
    %dma_start3A_1110 = tpu.memref_slice %arg13[%dma_start3A_1108, %dma_start3A_1109] : memref<128x64xf32, #tpu.memory_space<vmem>> -> memref<1x64xf32, #tpu.memory_space<vmem>>
    %dma_start3A_1111 = arith.constant 0 : i32
    %dma_start3A_1112 = tpu.memref_slice %arg4[%squeeze3A_1102, %dma_start3A_1111] : memref<1000000x64xf32, #tpu.memory_space<hbm>> -> memref<1x64xf32, #tpu.memory_space<hbm>>
    tpu.enqueue_dma source(%dma_start3A_1112 : memref<1x64xf32, #tpu.memory_space<hbm>>) target(%dma_start3A_1110 : memref<1x64xf32, #tpu.memory_space<vmem>>) target_semaphore(%arg17 : memref<!tpu.dma_semaphore, #tpu.memory_space<semaphore_mem>>)
    %slice3A_1113 = vector.extract_strided_slice %get3A_788 {offsets = [13], sizes = [1], strides = [1]} : vector<16xi32> to vector<1xi32>
    %squeeze3A_1114 = vector.extract %slice3A_1113[0] : i32 from vector<1xi32>
    %dma_start3A_1115 = arith.constant 45 : i32
    %dma_start3A_1116 = arith.constant 0 : i32
    %dma_start3A_1117 = tpu.memref_slice %arg14[%dma_start3A_1115, %dma_start3A_1116] : memref<128x64xf32, #tpu.memory_space<vmem>> -> memref<1x64xf32, #tpu.memory_space<vmem>>
    %dma_start3A_1118 = arith.constant 0 : i32
    %dma_start3A_1119 = tpu.memref_slice %arg4[%squeeze3A_1114, %dma_start3A_1118] : memref<1000000x64xf32, #tpu.memory_space<hbm>> -> memref<1x64xf32, #tpu.memory_space<hbm>>
    %dma_start3A_1120 = arith.constant 45 : i32
    %dma_start3A_1121 = arith.constant 0 : i32
    %dma_start3A_1122 = tpu.memref_slice %arg14[%dma_start3A_1120, %dma_start3A_1121] : memref<128x64xf32, #tpu.memory_space<vmem>> -> memref<1x64xf32, #tpu.memory_space<vmem>>
    %dma_start3A_1123 = arith.constant 0 : i32
    %dma_start3A_1124 = tpu.memref_slice %arg4[%squeeze3A_1114, %dma_start3A_1123] : memref<1000000x64xf32, #tpu.memory_space<hbm>> -> memref<1x64xf32, #tpu.memory_space<hbm>>
    tpu.enqueue_dma source(%dma_start3A_1124 : memref<1x64xf32, #tpu.memory_space<hbm>>) target(%dma_start3A_1122 : memref<1x64xf32, #tpu.memory_space<vmem>>) target_semaphore(%arg17 : memref<!tpu.dma_semaphore, #tpu.memory_space<semaphore_mem>>)
    %slice3A_1125 = vector.extract_strided_slice %get3A_785 {offsets = [14], sizes = [1], strides = [1]} : vector<16xi32> to vector<1xi32>
    %squeeze3A_1126 = vector.extract %slice3A_1125[0] : i32 from vector<1xi32>
    %dma_start3A_1127 = arith.constant 46 : i32
    %dma_start3A_1128 = arith.constant 0 : i32
    %dma_start3A_1129 = tpu.memref_slice %arg13[%dma_start3A_1127, %dma_start3A_1128] : memref<128x64xf32, #tpu.memory_space<vmem>> -> memref<1x64xf32, #tpu.memory_space<vmem>>
    %dma_start3A_1130 = arith.constant 0 : i32
    %dma_start3A_1131 = tpu.memref_slice %arg4[%squeeze3A_1126, %dma_start3A_1130] : memref<1000000x64xf32, #tpu.memory_space<hbm>> -> memref<1x64xf32, #tpu.memory_space<hbm>>
    %dma_start3A_1132 = arith.constant 46 : i32
    %dma_start3A_1133 = arith.constant 0 : i32
    %dma_start3A_1134 = tpu.memref_slice %arg13[%dma_start3A_1132, %dma_start3A_1133] : memref<128x64xf32, #tpu.memory_space<vmem>> -> memref<1x64xf32, #tpu.memory_space<vmem>>
    %dma_start3A_1135 = arith.constant 0 : i32
    %dma_start3A_1136 = tpu.memref_slice %arg4[%squeeze3A_1126, %dma_start3A_1135] : memref<1000000x64xf32, #tpu.memory_space<hbm>> -> memref<1x64xf32, #tpu.memory_space<hbm>>
    tpu.enqueue_dma source(%dma_start3A_1136 : memref<1x64xf32, #tpu.memory_space<hbm>>) target(%dma_start3A_1134 : memref<1x64xf32, #tpu.memory_space<vmem>>) target_semaphore(%arg17 : memref<!tpu.dma_semaphore, #tpu.memory_space<semaphore_mem>>)
    %slice3A_1137 = vector.extract_strided_slice %get3A_788 {offsets = [14], sizes = [1], strides = [1]} : vector<16xi32> to vector<1xi32>
    %squeeze3A_1138 = vector.extract %slice3A_1137[0] : i32 from vector<1xi32>
    %dma_start3A_1139 = arith.constant 46 : i32
    %dma_start3A_1140 = arith.constant 0 : i32
    %dma_start3A_1141 = tpu.memref_slice %arg14[%dma_start3A_1139, %dma_start3A_1140] : memref<128x64xf32, #tpu.memory_space<vmem>> -> memref<1x64xf32, #tpu.memory_space<vmem>>
    %dma_start3A_1142 = arith.constant 0 : i32
    %dma_start3A_1143 = tpu.memref_slice %arg4[%squeeze3A_1138, %dma_start3A_1142] : memref<1000000x64xf32, #tpu.memory_space<hbm>> -> memref<1x64xf32, #tpu.memory_space<hbm>>
    %dma_start3A_1144 = arith.constant 46 : i32
    %dma_start3A_1145 = arith.constant 0 : i32
    %dma_start3A_1146 = tpu.memref_slice %arg14[%dma_start3A_1144, %dma_start3A_1145] : memref<128x64xf32, #tpu.memory_space<vmem>> -> memref<1x64xf32, #tpu.memory_space<vmem>>
    %dma_start3A_1147 = arith.constant 0 : i32
    %dma_start3A_1148 = tpu.memref_slice %arg4[%squeeze3A_1138, %dma_start3A_1147] : memref<1000000x64xf32, #tpu.memory_space<hbm>> -> memref<1x64xf32, #tpu.memory_space<hbm>>
    tpu.enqueue_dma source(%dma_start3A_1148 : memref<1x64xf32, #tpu.memory_space<hbm>>) target(%dma_start3A_1146 : memref<1x64xf32, #tpu.memory_space<vmem>>) target_semaphore(%arg17 : memref<!tpu.dma_semaphore, #tpu.memory_space<semaphore_mem>>)
    %slice3A_1149 = vector.extract_strided_slice %get3A_785 {offsets = [15], sizes = [1], strides = [1]} : vector<16xi32> to vector<1xi32>
    %squeeze3A_1150 = vector.extract %slice3A_1149[0] : i32 from vector<1xi32>
    %dma_start3A_1151 = arith.constant 47 : i32
    %dma_start3A_1152 = arith.constant 0 : i32
    %dma_start3A_1153 = tpu.memref_slice %arg13[%dma_start3A_1151, %dma_start3A_1152] : memref<128x64xf32, #tpu.memory_space<vmem>> -> memref<1x64xf32, #tpu.memory_space<vmem>>
    %dma_start3A_1154 = arith.constant 0 : i32
    %dma_start3A_1155 = tpu.memref_slice %arg4[%squeeze3A_1150, %dma_start3A_1154] : memref<1000000x64xf32, #tpu.memory_space<hbm>> -> memref<1x64xf32, #tpu.memory_space<hbm>>
    %dma_start3A_1156 = arith.constant 47 : i32
    %dma_start3A_1157 = arith.constant 0 : i32
    %dma_start3A_1158 = tpu.memref_slice %arg13[%dma_start3A_1156, %dma_start3A_1157] : memref<128x64xf32, #tpu.memory_space<vmem>> -> memref<1x64xf32, #tpu.memory_space<vmem>>
    %dma_start3A_1159 = arith.constant 0 : i32
    %dma_start3A_1160 = tpu.memref_slice %arg4[%squeeze3A_1150, %dma_start3A_1159] : memref<1000000x64xf32, #tpu.memory_space<hbm>> -> memref<1x64xf32, #tpu.memory_space<hbm>>
    tpu.enqueue_dma source(%dma_start3A_1160 : memref<1x64xf32, #tpu.memory_space<hbm>>) target(%dma_start3A_1158 : memref<1x64xf32, #tpu.memory_space<vmem>>) target_semaphore(%arg17 : memref<!tpu.dma_semaphore, #tpu.memory_space<semaphore_mem>>)
    %slice3A_1161 = vector.extract_strided_slice %get3A_788 {offsets = [15], sizes = [1], strides = [1]} : vector<16xi32> to vector<1xi32>
    %squeeze3A_1162 = vector.extract %slice3A_1161[0] : i32 from vector<1xi32>
    %dma_start3A_1163 = arith.constant 47 : i32
    %dma_start3A_1164 = arith.constant 0 : i32
    %dma_start3A_1165 = tpu.memref_slice %arg14[%dma_start3A_1163, %dma_start3A_1164] : memref<128x64xf32, #tpu.memory_space<vmem>> -> memref<1x64xf32, #tpu.memory_space<vmem>>
    %dma_start3A_1166 = arith.constant 0 : i32
    %dma_start3A_1167 = tpu.memref_slice %arg4[%squeeze3A_1162, %dma_start3A_1166] : memref<1000000x64xf32, #tpu.memory_space<hbm>> -> memref<1x64xf32, #tpu.memory_space<hbm>>
    %dma_start3A_1168 = arith.constant 47 : i32
    %dma_start3A_1169 = arith.constant 0 : i32
    %dma_start3A_1170 = tpu.memref_slice %arg14[%dma_start3A_1168, %dma_start3A_1169] : memref<128x64xf32, #tpu.memory_space<vmem>> -> memref<1x64xf32, #tpu.memory_space<vmem>>
    %dma_start3A_1171 = arith.constant 0 : i32
    %dma_start3A_1172 = tpu.memref_slice %arg4[%squeeze3A_1162, %dma_start3A_1171] : memref<1000000x64xf32, #tpu.memory_space<hbm>> -> memref<1x64xf32, #tpu.memory_space<hbm>>
    tpu.enqueue_dma source(%dma_start3A_1172 : memref<1x64xf32, #tpu.memory_space<hbm>>) target(%dma_start3A_1170 : memref<1x64xf32, #tpu.memory_space<vmem>>) target_semaphore(%arg17 : memref<!tpu.dma_semaphore, #tpu.memory_space<semaphore_mem>>)
    %get3A_1173 = arith.constant 48 : index
    %get3A_1174 = tpu.vector_load %arg11[%get3A_1173] {strides = array<i32>} : memref<128xi32, #tpu.memory_space<vmem>>, vector<16xi32>,
    %get3A_1175 = vector.shape_cast %get3A_1174 : vector<16xi32> to vector<16xi32>
    %get3A_1176 = arith.constant 48 : index
    %get3A_1177 = tpu.vector_load %arg12[%get3A_1176] {strides = array<i32>} : memref<128xi32, #tpu.memory_space<vmem>>, vector<16xi32>,
    %get3A_1178 = vector.shape_cast %get3A_1177 : vector<16xi32> to vector<16xi32>
    %slice3A_1179 = vector.extract_strided_slice %get3A_1175 {offsets = [0], sizes = [1], strides = [1]} : vector<16xi32> to vector<1xi32>
    %squeeze3A_1180 = vector.extract %slice3A_1179[0] : i32 from vector<1xi32>
    %dma_start3A_1181 = arith.constant 48 : i32
    %dma_start3A_1182 = arith.constant 0 : i32
    %dma_start3A_1183 = tpu.memref_slice %arg13[%dma_start3A_1181, %dma_start3A_1182] : memref<128x64xf32, #tpu.memory_space<vmem>> -> memref<1x64xf32, #tpu.memory_space<vmem>>
    %dma_start3A_1184 = arith.constant 0 : i32
    %dma_start3A_1185 = tpu.memref_slice %arg4[%squeeze3A_1180, %dma_start3A_1184] : memref<1000000x64xf32, #tpu.memory_space<hbm>> -> memref<1x64xf32, #tpu.memory_space<hbm>>
    %dma_start3A_1186 = arith.constant 48 : i32
    %dma_start3A_1187 = arith.constant 0 : i32
    %dma_start3A_1188 = tpu.memref_slice %arg13[%dma_start3A_1186, %dma_start3A_1187] : memref<128x64xf32, #tpu.memory_space<vmem>> -> memref<1x64xf32, #tpu.memory_space<vmem>>
    %dma_start3A_1189 = arith.constant 0 : i32
    %dma_start3A_1190 = tpu.memref_slice %arg4[%squeeze3A_1180, %dma_start3A_1189] : memref<1000000x64xf32, #tpu.memory_space<hbm>> -> memref<1x64xf32, #tpu.memory_space<hbm>>
    tpu.enqueue_dma source(%dma_start3A_1190 : memref<1x64xf32, #tpu.memory_space<hbm>>) target(%dma_start3A_1188 : memref<1x64xf32, #tpu.memory_space<vmem>>) target_semaphore(%arg17 : memref<!tpu.dma_semaphore, #tpu.memory_space<semaphore_mem>>)
    %slice3A_1191 = vector.extract_strided_slice %get3A_1178 {offsets = [0], sizes = [1], strides = [1]} : vector<16xi32> to vector<1xi32>
    %squeeze3A_1192 = vector.extract %slice3A_1191[0] : i32 from vector<1xi32>
    %dma_start3A_1193 = arith.constant 48 : i32
    %dma_start3A_1194 = arith.constant 0 : i32
    %dma_start3A_1195 = tpu.memref_slice %arg14[%dma_start3A_1193, %dma_start3A_1194] : memref<128x64xf32, #tpu.memory_space<vmem>> -> memref<1x64xf32, #tpu.memory_space<vmem>>
    %dma_start3A_1196 = arith.constant 0 : i32
    %dma_start3A_1197 = tpu.memref_slice %arg4[%squeeze3A_1192, %dma_start3A_1196] : memref<1000000x64xf32, #tpu.memory_space<hbm>> -> memref<1x64xf32, #tpu.memory_space<hbm>>
    %dma_start3A_1198 = arith.constant 48 : i32
    %dma_start3A_1199 = arith.constant 0 : i32
    %dma_start3A_1200 = tpu.memref_slice %arg14[%dma_start3A_1198, %dma_start3A_1199] : memref<128x64xf32, #tpu.memory_space<vmem>> -> memref<1x64xf32, #tpu.memory_space<vmem>>
    %dma_start3A_1201 = arith.constant 0 : i32
    %dma_start3A_1202 = tpu.memref_slice %arg4[%squeeze3A_1192, %dma_start3A_1201] : memref<1000000x64xf32, #tpu.memory_space<hbm>> -> memref<1x64xf32, #tpu.memory_space<hbm>>
    tpu.enqueue_dma source(%dma_start3A_1202 : memref<1x64xf32, #tpu.memory_space<hbm>>) target(%dma_start3A_1200 : memref<1x64xf32, #tpu.memory_space<vmem>>) target_semaphore(%arg17 : memref<!tpu.dma_semaphore, #tpu.memory_space<semaphore_mem>>)
    %slice3A_1203 = vector.extract_strided_slice %get3A_1175 {offsets = [1], sizes = [1], strides = [1]} : vector<16xi32> to vector<1xi32>
    %squeeze3A_1204 = vector.extract %slice3A_1203[0] : i32 from vector<1xi32>
    %dma_start3A_1205 = arith.constant 49 : i32
    %dma_start3A_1206 = arith.constant 0 : i32
    %dma_start3A_1207 = tpu.memref_slice %arg13[%dma_start3A_1205, %dma_start3A_1206] : memref<128x64xf32, #tpu.memory_space<vmem>> -> memref<1x64xf32, #tpu.memory_space<vmem>>
    %dma_start3A_1208 = arith.constant 0 : i32
    %dma_start3A_1209 = tpu.memref_slice %arg4[%squeeze3A_1204, %dma_start3A_1208] : memref<1000000x64xf32, #tpu.memory_space<hbm>> -> memref<1x64xf32, #tpu.memory_space<hbm>>
    %dma_start3A_1210 = arith.constant 49 : i32
    %dma_start3A_1211 = arith.constant 0 : i32
    %dma_start3A_1212 = tpu.memref_slice %arg13[%dma_start3A_1210, %dma_start3A_1211] : memref<128x64xf32, #tpu.memory_space<vmem>> -> memref<1x64xf32, #tpu.memory_space<vmem>>
    %dma_start3A_1213 = arith.constant 0 : i32
    %dma_start3A_1214 = tpu.memref_slice %arg4[%squeeze3A_1204, %dma_start3A_1213] : memref<1000000x64xf32, #tpu.memory_space<hbm>> -> memref<1x64xf32, #tpu.memory_space<hbm>>
    tpu.enqueue_dma source(%dma_start3A_1214 : memref<1x64xf32, #tpu.memory_space<hbm>>) target(%dma_start3A_1212 : memref<1x64xf32, #tpu.memory_space<vmem>>) target_semaphore(%arg17 : memref<!tpu.dma_semaphore, #tpu.memory_space<semaphore_mem>>)
    %slice3A_1215 = vector.extract_strided_slice %get3A_1178 {offsets = [1], sizes = [1], strides = [1]} : vector<16xi32> to vector<1xi32>
    %squeeze3A_1216 = vector.extract %slice3A_1215[0] : i32 from vector<1xi32>
    %dma_start3A_1217 = arith.constant 49 : i32
    %dma_start3A_1218 = arith.constant 0 : i32
    %dma_start3A_1219 = tpu.memref_slice %arg14[%dma_start3A_1217, %dma_start3A_1218] : memref<128x64xf32, #tpu.memory_space<vmem>> -> memref<1x64xf32, #tpu.memory_space<vmem>>
    %dma_start3A_1220 = arith.constant 0 : i32
    %dma_start3A_1221 = tpu.memref_slice %arg4[%squeeze3A_1216, %dma_start3A_1220] : memref<1000000x64xf32, #tpu.memory_space<hbm>> -> memref<1x64xf32, #tpu.memory_space<hbm>>
    %dma_start3A_1222 = arith.constant 49 : i32
    %dma_start3A_1223 = arith.constant 0 : i32
    %dma_start3A_1224 = tpu.memref_slice %arg14[%dma_start3A_1222, %dma_start3A_1223] : memref<128x64xf32, #tpu.memory_space<vmem>> -> memref<1x64xf32, #tpu.memory_space<vmem>>
    %dma_start3A_1225 = arith.constant 0 : i32
    %dma_start3A_1226 = tpu.memref_slice %arg4[%squeeze3A_1216, %dma_start3A_1225] : memref<1000000x64xf32, #tpu.memory_space<hbm>> -> memref<1x64xf32, #tpu.memory_space<hbm>>
    tpu.enqueue_dma source(%dma_start3A_1226 : memref<1x64xf32, #tpu.memory_space<hbm>>) target(%dma_start3A_1224 : memref<1x64xf32, #tpu.memory_space<vmem>>) target_semaphore(%arg17 : memref<!tpu.dma_semaphore, #tpu.memory_space<semaphore_mem>>)
    %slice3A_1227 = vector.extract_strided_slice %get3A_1175 {offsets = [2], sizes = [1], strides = [1]} : vector<16xi32> to vector<1xi32>
    %squeeze3A_1228 = vector.extract %slice3A_1227[0] : i32 from vector<1xi32>
    %dma_start3A_1229 = arith.constant 50 : i32
    %dma_start3A_1230 = arith.constant 0 : i32
    %dma_start3A_1231 = tpu.memref_slice %arg13[%dma_start3A_1229, %dma_start3A_1230] : memref<128x64xf32, #tpu.memory_space<vmem>> -> memref<1x64xf32, #tpu.memory_space<vmem>>
    %dma_start3A_1232 = arith.constant 0 : i32
    %dma_start3A_1233 = tpu.memref_slice %arg4[%squeeze3A_1228, %dma_start3A_1232] : memref<1000000x64xf32, #tpu.memory_space<hbm>> -> memref<1x64xf32, #tpu.memory_space<hbm>>
    %dma_start3A_1234 = arith.constant 50 : i32
    %dma_start3A_1235 = arith.constant 0 : i32
    %dma_start3A_1236 = tpu.memref_slice %arg13[%dma_start3A_1234, %dma_start3A_1235] : memref<128x64xf32, #tpu.memory_space<vmem>> -> memref<1x64xf32, #tpu.memory_space<vmem>>
    %dma_start3A_1237 = arith.constant 0 : i32
    %dma_start3A_1238 = tpu.memref_slice %arg4[%squeeze3A_1228, %dma_start3A_1237] : memref<1000000x64xf32, #tpu.memory_space<hbm>> -> memref<1x64xf32, #tpu.memory_space<hbm>>
    tpu.enqueue_dma source(%dma_start3A_1238 : memref<1x64xf32, #tpu.memory_space<hbm>>) target(%dma_start3A_1236 : memref<1x64xf32, #tpu.memory_space<vmem>>) target_semaphore(%arg17 : memref<!tpu.dma_semaphore, #tpu.memory_space<semaphore_mem>>)
    %slice3A_1239 = vector.extract_strided_slice %get3A_1178 {offsets = [2], sizes = [1], strides = [1]} : vector<16xi32> to vector<1xi32>
    %squeeze3A_1240 = vector.extract %slice3A_1239[0] : i32 from vector<1xi32>
    %dma_start3A_1241 = arith.constant 50 : i32
    %dma_start3A_1242 = arith.constant 0 : i32
    %dma_start3A_1243 = tpu.memref_slice %arg14[%dma_start3A_1241, %dma_start3A_1242] : memref<128x64xf32, #tpu.memory_space<vmem>> -> memref<1x64xf32, #tpu.memory_space<vmem>>
    %dma_start3A_1244 = arith.constant 0 : i32
    %dma_start3A_1245 = tpu.memref_slice %arg4[%squeeze3A_1240, %dma_start3A_1244] : memref<1000000x64xf32, #tpu.memory_space<hbm>> -> memref<1x64xf32, #tpu.memory_space<hbm>>
    %dma_start3A_1246 = arith.constant 50 : i32
    %dma_start3A_1247 = arith.constant 0 : i32
    %dma_start3A_1248 = tpu.memref_slice %arg14[%dma_start3A_1246, %dma_start3A_1247] : memref<128x64xf32, #tpu.memory_space<vmem>> -> memref<1x64xf32, #tpu.memory_space<vmem>>
    %dma_start3A_1249 = arith.constant 0 : i32
    %dma_start3A_1250 = tpu.memref_slice %arg4[%squeeze3A_1240, %dma_start3A_1249] : memref<1000000x64xf32, #tpu.memory_space<hbm>> -> memref<1x64xf32, #tpu.memory_space<hbm>>
    tpu.enqueue_dma source(%dma_start3A_1250 : memref<1x64xf32, #tpu.memory_space<hbm>>) target(%dma_start3A_1248 : memref<1x64xf32, #tpu.memory_space<vmem>>) target_semaphore(%arg17 : memref<!tpu.dma_semaphore, #tpu.memory_space<semaphore_mem>>)
    %slice3A_1251 = vector.extract_strided_slice %get3A_1175 {offsets = [3], sizes = [1], strides = [1]} : vector<16xi32> to vector<1xi32>
    %squeeze3A_1252 = vector.extract %slice3A_1251[0] : i32 from vector<1xi32>
    %dma_start3A_1253 = arith.constant 51 : i32
    %dma_start3A_1254 = arith.constant 0 : i32
    %dma_start3A_1255 = tpu.memref_slice %arg13[%dma_start3A_1253, %dma_start3A_1254] : memref<128x64xf32, #tpu.memory_space<vmem>> -> memref<1x64xf32, #tpu.memory_space<vmem>>
    %dma_start3A_1256 = arith.constant 0 : i32
    %dma_start3A_1257 = tpu.memref_slice %arg4[%squeeze3A_1252, %dma_start3A_1256] : memref<1000000x64xf32, #tpu.memory_space<hbm>> -> memref<1x64xf32, #tpu.memory_space<hbm>>
    %dma_start3A_1258 = arith.constant 51 : i32
    %dma_start3A_1259 = arith.constant 0 : i32
    %dma_start3A_1260 = tpu.memref_slice %arg13[%dma_start3A_1258, %dma_start3A_1259] : memref<128x64xf32, #tpu.memory_space<vmem>> -> memref<1x64xf32, #tpu.memory_space<vmem>>
    %dma_start3A_1261 = arith.constant 0 : i32
    %dma_start3A_1262 = tpu.memref_slice %arg4[%squeeze3A_1252, %dma_start3A_1261] : memref<1000000x64xf32, #tpu.memory_space<hbm>> -> memref<1x64xf32, #tpu.memory_space<hbm>>
    tpu.enqueue_dma source(%dma_start3A_1262 : memref<1x64xf32, #tpu.memory_space<hbm>>) target(%dma_start3A_1260 : memref<1x64xf32, #tpu.memory_space<vmem>>) target_semaphore(%arg17 : memref<!tpu.dma_semaphore, #tpu.memory_space<semaphore_mem>>)
    %slice3A_1263 = vector.extract_strided_slice %get3A_1178 {offsets = [3], sizes = [1], strides = [1]} : vector<16xi32> to vector<1xi32>
    %squeeze3A_1264 = vector.extract %slice3A_1263[0] : i32 from vector<1xi32>
    %dma_start3A_1265 = arith.constant 51 : i32
    %dma_start3A_1266 = arith.constant 0 : i32
    %dma_start3A_1267 = tpu.memref_slice %arg14[%dma_start3A_1265, %dma_start3A_1266] : memref<128x64xf32, #tpu.memory_space<vmem>> -> memref<1x64xf32, #tpu.memory_space<vmem>>
    %dma_start3A_1268 = arith.constant 0 : i32
    %dma_start3A_1269 = tpu.memref_slice %arg4[%squeeze3A_1264, %dma_start3A_1268] : memref<1000000x64xf32, #tpu.memory_space<hbm>> -> memref<1x64xf32, #tpu.memory_space<hbm>>
    %dma_start3A_1270 = arith.constant 51 : i32
    %dma_start3A_1271 = arith.constant 0 : i32
    %dma_start3A_1272 = tpu.memref_slice %arg14[%dma_start3A_1270, %dma_start3A_1271] : memref<128x64xf32, #tpu.memory_space<vmem>> -> memref<1x64xf32, #tpu.memory_space<vmem>>
    %dma_start3A_1273 = arith.constant 0 : i32
    %dma_start3A_1274 = tpu.memref_slice %arg4[%squeeze3A_1264, %dma_start3A_1273] : memref<1000000x64xf32, #tpu.memory_space<hbm>> -> memref<1x64xf32, #tpu.memory_space<hbm>>
    tpu.enqueue_dma source(%dma_start3A_1274 : memref<1x64xf32, #tpu.memory_space<hbm>>) target(%dma_start3A_1272 : memref<1x64xf32, #tpu.memory_space<vmem>>) target_semaphore(%arg17 : memref<!tpu.dma_semaphore, #tpu.memory_space<semaphore_mem>>)
    %slice3A_1275 = vector.extract_strided_slice %get3A_1175 {offsets = [4], sizes = [1], strides = [1]} : vector<16xi32> to vector<1xi32>
    %squeeze3A_1276 = vector.extract %slice3A_1275[0] : i32 from vector<1xi32>
    %dma_start3A_1277 = arith.constant 52 : i32
    %dma_start3A_1278 = arith.constant 0 : i32
    %dma_start3A_1279 = tpu.memref_slice %arg13[%dma_start3A_1277, %dma_start3A_1278] : memref<128x64xf32, #tpu.memory_space<vmem>> -> memref<1x64xf32, #tpu.memory_space<vmem>>
    %dma_start3A_1280 = arith.constant 0 : i32
    %dma_start3A_1281 = tpu.memref_slice %arg4[%squeeze3A_1276, %dma_start3A_1280] : memref<1000000x64xf32, #tpu.memory_space<hbm>> -> memref<1x64xf32, #tpu.memory_space<hbm>>
    %dma_start3A_1282 = arith.constant 52 : i32
    %dma_start3A_1283 = arith.constant 0 : i32
    %dma_start3A_1284 = tpu.memref_slice %arg13[%dma_start3A_1282, %dma_start3A_1283] : memref<128x64xf32, #tpu.memory_space<vmem>> -> memref<1x64xf32, #tpu.memory_space<vmem>>
    %dma_start3A_1285 = arith.constant 0 : i32
    %dma_start3A_1286 = tpu.memref_slice %arg4[%squeeze3A_1276, %dma_start3A_1285] : memref<1000000x64xf32, #tpu.memory_space<hbm>> -> memref<1x64xf32, #tpu.memory_space<hbm>>
    tpu.enqueue_dma source(%dma_start3A_1286 : memref<1x64xf32, #tpu.memory_space<hbm>>) target(%dma_start3A_1284 : memref<1x64xf32, #tpu.memory_space<vmem>>) target_semaphore(%arg17 : memref<!tpu.dma_semaphore, #tpu.memory_space<semaphore_mem>>)
    %slice3A_1287 = vector.extract_strided_slice %get3A_1178 {offsets = [4], sizes = [1], strides = [1]} : vector<16xi32> to vector<1xi32>
    %squeeze3A_1288 = vector.extract %slice3A_1287[0] : i32 from vector<1xi32>
    %dma_start3A_1289 = arith.constant 52 : i32
    %dma_start3A_1290 = arith.constant 0 : i32
    %dma_start3A_1291 = tpu.memref_slice %arg14[%dma_start3A_1289, %dma_start3A_1290] : memref<128x64xf32, #tpu.memory_space<vmem>> -> memref<1x64xf32, #tpu.memory_space<vmem>>
    %dma_start3A_1292 = arith.constant 0 : i32
    %dma_start3A_1293 = tpu.memref_slice %arg4[%squeeze3A_1288, %dma_start3A_1292] : memref<1000000x64xf32, #tpu.memory_space<hbm>> -> memref<1x64xf32, #tpu.memory_space<hbm>>
    %dma_start3A_1294 = arith.constant 52 : i32
    %dma_start3A_1295 = arith.constant 0 : i32
    %dma_start3A_1296 = tpu.memref_slice %arg14[%dma_start3A_1294, %dma_start3A_1295] : memref<128x64xf32, #tpu.memory_space<vmem>> -> memref<1x64xf32, #tpu.memory_space<vmem>>
    %dma_start3A_1297 = arith.constant 0 : i32
    %dma_start3A_1298 = tpu.memref_slice %arg4[%squeeze3A_1288, %dma_start3A_1297] : memref<1000000x64xf32, #tpu.memory_space<hbm>> -> memref<1x64xf32, #tpu.memory_space<hbm>>
    tpu.enqueue_dma source(%dma_start3A_1298 : memref<1x64xf32, #tpu.memory_space<hbm>>) target(%dma_start3A_1296 : memref<1x64xf32, #tpu.memory_space<vmem>>) target_semaphore(%arg17 : memref<!tpu.dma_semaphore, #tpu.memory_space<semaphore_mem>>)
    %slice3A_1299 = vector.extract_strided_slice %get3A_1175 {offsets = [5], sizes = [1], strides = [1]} : vector<16xi32> to vector<1xi32>
    %squeeze3A_1300 = vector.extract %slice3A_1299[0] : i32 from vector<1xi32>
    %dma_start3A_1301 = arith.constant 53 : i32
    %dma_start3A_1302 = arith.constant 0 : i32
    %dma_start3A_1303 = tpu.memref_slice %arg13[%dma_start3A_1301, %dma_start3A_1302] : memref<128x64xf32, #tpu.memory_space<vmem>> -> memref<1x64xf32, #tpu.memory_space<vmem>>
    %dma_start3A_1304 = arith.constant 0 : i32
    %dma_start3A_1305 = tpu.memref_slice %arg4[%squeeze3A_1300, %dma_start3A_1304] : memref<1000000x64xf32, #tpu.memory_space<hbm>> -> memref<1x64xf32, #tpu.memory_space<hbm>>
    %dma_start3A_1306 = arith.constant 53 : i32
    %dma_start3A_1307 = arith.constant 0 : i32
    %dma_start3A_1308 = tpu.memref_slice %arg13[%dma_start3A_1306, %dma_start3A_1307] : memref<128x64xf32, #tpu.memory_space<vmem>> -> memref<1x64xf32, #tpu.memory_space<vmem>>
    %dma_start3A_1309 = arith.constant 0 : i32
    %dma_start3A_1310 = tpu.memref_slice %arg4[%squeeze3A_1300, %dma_start3A_1309] : memref<1000000x64xf32, #tpu.memory_space<hbm>> -> memref<1x64xf32, #tpu.memory_space<hbm>>
    tpu.enqueue_dma source(%dma_start3A_1310 : memref<1x64xf32, #tpu.memory_space<hbm>>) target(%dma_start3A_1308 : memref<1x64xf32, #tpu.memory_space<vmem>>) target_semaphore(%arg17 : memref<!tpu.dma_semaphore, #tpu.memory_space<semaphore_mem>>)
    %slice3A_1311 = vector.extract_strided_slice %get3A_1178 {offsets = [5], sizes = [1], strides = [1]} : vector<16xi32> to vector<1xi32>
    %squeeze3A_1312 = vector.extract %slice3A_1311[0] : i32 from vector<1xi32>
    %dma_start3A_1313 = arith.constant 53 : i32
    %dma_start3A_1314 = arith.constant 0 : i32
    %dma_start3A_1315 = tpu.memref_slice %arg14[%dma_start3A_1313, %dma_start3A_1314] : memref<128x64xf32, #tpu.memory_space<vmem>> -> memref<1x64xf32, #tpu.memory_space<vmem>>
    %dma_start3A_1316 = arith.constant 0 : i32
    %dma_start3A_1317 = tpu.memref_slice %arg4[%squeeze3A_1312, %dma_start3A_1316] : memref<1000000x64xf32, #tpu.memory_space<hbm>> -> memref<1x64xf32, #tpu.memory_space<hbm>>
    %dma_start3A_1318 = arith.constant 53 : i32
    %dma_start3A_1319 = arith.constant 0 : i32
    %dma_start3A_1320 = tpu.memref_slice %arg14[%dma_start3A_1318, %dma_start3A_1319] : memref<128x64xf32, #tpu.memory_space<vmem>> -> memref<1x64xf32, #tpu.memory_space<vmem>>
    %dma_start3A_1321 = arith.constant 0 : i32
    %dma_start3A_1322 = tpu.memref_slice %arg4[%squeeze3A_1312, %dma_start3A_1321] : memref<1000000x64xf32, #tpu.memory_space<hbm>> -> memref<1x64xf32, #tpu.memory_space<hbm>>
    tpu.enqueue_dma source(%dma_start3A_1322 : memref<1x64xf32, #tpu.memory_space<hbm>>) target(%dma_start3A_1320 : memref<1x64xf32, #tpu.memory_space<vmem>>) target_semaphore(%arg17 : memref<!tpu.dma_semaphore, #tpu.memory_space<semaphore_mem>>)
    %slice3A_1323 = vector.extract_strided_slice %get3A_1175 {offsets = [6], sizes = [1], strides = [1]} : vector<16xi32> to vector<1xi32>
    %squeeze3A_1324 = vector.extract %slice3A_1323[0] : i32 from vector<1xi32>
    %dma_start3A_1325 = arith.constant 54 : i32
    %dma_start3A_1326 = arith.constant 0 : i32
    %dma_start3A_1327 = tpu.memref_slice %arg13[%dma_start3A_1325, %dma_start3A_1326] : memref<128x64xf32, #tpu.memory_space<vmem>> -> memref<1x64xf32, #tpu.memory_space<vmem>>
    %dma_start3A_1328 = arith.constant 0 : i32
    %dma_start3A_1329 = tpu.memref_slice %arg4[%squeeze3A_1324, %dma_start3A_1328] : memref<1000000x64xf32, #tpu.memory_space<hbm>> -> memref<1x64xf32, #tpu.memory_space<hbm>>
    %dma_start3A_1330 = arith.constant 54 : i32
    %dma_start3A_1331 = arith.constant 0 : i32
    %dma_start3A_1332 = tpu.memref_slice %arg13[%dma_start3A_1330, %dma_start3A_1331] : memref<128x64xf32, #tpu.memory_space<vmem>> -> memref<1x64xf32, #tpu.memory_space<vmem>>
    %dma_start3A_1333 = arith.constant 0 : i32
    %dma_start3A_1334 = tpu.memref_slice %arg4[%squeeze3A_1324, %dma_start3A_1333] : memref<1000000x64xf32, #tpu.memory_space<hbm>> -> memref<1x64xf32, #tpu.memory_space<hbm>>
    tpu.enqueue_dma source(%dma_start3A_1334 : memref<1x64xf32, #tpu.memory_space<hbm>>) target(%dma_start3A_1332 : memref<1x64xf32, #tpu.memory_space<vmem>>) target_semaphore(%arg17 : memref<!tpu.dma_semaphore, #tpu.memory_space<semaphore_mem>>)
    %slice3A_1335 = vector.extract_strided_slice %get3A_1178 {offsets = [6], sizes = [1], strides = [1]} : vector<16xi32> to vector<1xi32>
    %squeeze3A_1336 = vector.extract %slice3A_1335[0] : i32 from vector<1xi32>
    %dma_start3A_1337 = arith.constant 54 : i32
    %dma_start3A_1338 = arith.constant 0 : i32
    %dma_start3A_1339 = tpu.memref_slice %arg14[%dma_start3A_1337, %dma_start3A_1338] : memref<128x64xf32, #tpu.memory_space<vmem>> -> memref<1x64xf32, #tpu.memory_space<vmem>>
    %dma_start3A_1340 = arith.constant 0 : i32
    %dma_start3A_1341 = tpu.memref_slice %arg4[%squeeze3A_1336, %dma_start3A_1340] : memref<1000000x64xf32, #tpu.memory_space<hbm>> -> memref<1x64xf32, #tpu.memory_space<hbm>>
    %dma_start3A_1342 = arith.constant 54 : i32
    %dma_start3A_1343 = arith.constant 0 : i32
    %dma_start3A_1344 = tpu.memref_slice %arg14[%dma_start3A_1342, %dma_start3A_1343] : memref<128x64xf32, #tpu.memory_space<vmem>> -> memref<1x64xf32, #tpu.memory_space<vmem>>
    %dma_start3A_1345 = arith.constant 0 : i32
    %dma_start3A_1346 = tpu.memref_slice %arg4[%squeeze3A_1336, %dma_start3A_1345] : memref<1000000x64xf32, #tpu.memory_space<hbm>> -> memref<1x64xf32, #tpu.memory_space<hbm>>
    tpu.enqueue_dma source(%dma_start3A_1346 : memref<1x64xf32, #tpu.memory_space<hbm>>) target(%dma_start3A_1344 : memref<1x64xf32, #tpu.memory_space<vmem>>) target_semaphore(%arg17 : memref<!tpu.dma_semaphore, #tpu.memory_space<semaphore_mem>>)
    %slice3A_1347 = vector.extract_strided_slice %get3A_1175 {offsets = [7], sizes = [1], strides = [1]} : vector<16xi32> to vector<1xi32>
    %squeeze3A_1348 = vector.extract %slice3A_1347[0] : i32 from vector<1xi32>
    %dma_start3A_1349 = arith.constant 55 : i32
    %dma_start3A_1350 = arith.constant 0 : i32
    %dma_start3A_1351 = tpu.memref_slice %arg13[%dma_start3A_1349, %dma_start3A_1350] : memref<128x64xf32, #tpu.memory_space<vmem>> -> memref<1x64xf32, #tpu.memory_space<vmem>>
    %dma_start3A_1352 = arith.constant 0 : i32
    %dma_start3A_1353 = tpu.memref_slice %arg4[%squeeze3A_1348, %dma_start3A_1352] : memref<1000000x64xf32, #tpu.memory_space<hbm>> -> memref<1x64xf32, #tpu.memory_space<hbm>>
    %dma_start3A_1354 = arith.constant 55 : i32
    %dma_start3A_1355 = arith.constant 0 : i32
    %dma_start3A_1356 = tpu.memref_slice %arg13[%dma_start3A_1354, %dma_start3A_1355] : memref<128x64xf32, #tpu.memory_space<vmem>> -> memref<1x64xf32, #tpu.memory_space<vmem>>
    %dma_start3A_1357 = arith.constant 0 : i32
    %dma_start3A_1358 = tpu.memref_slice %arg4[%squeeze3A_1348, %dma_start3A_1357] : memref<1000000x64xf32, #tpu.memory_space<hbm>> -> memref<1x64xf32, #tpu.memory_space<hbm>>
    tpu.enqueue_dma source(%dma_start3A_1358 : memref<1x64xf32, #tpu.memory_space<hbm>>) target(%dma_start3A_1356 : memref<1x64xf32, #tpu.memory_space<vmem>>) target_semaphore(%arg17 : memref<!tpu.dma_semaphore, #tpu.memory_space<semaphore_mem>>)
    %slice3A_1359 = vector.extract_strided_slice %get3A_1178 {offsets = [7], sizes = [1], strides = [1]} : vector<16xi32> to vector<1xi32>
    %squeeze3A_1360 = vector.extract %slice3A_1359[0] : i32 from vector<1xi32>
    %dma_start3A_1361 = arith.constant 55 : i32
    %dma_start3A_1362 = arith.constant 0 : i32
    %dma_start3A_1363 = tpu.memref_slice %arg14[%dma_start3A_1361, %dma_start3A_1362] : memref<128x64xf32, #tpu.memory_space<vmem>> -> memref<1x64xf32, #tpu.memory_space<vmem>>
    %dma_start3A_1364 = arith.constant 0 : i32
    %dma_start3A_1365 = tpu.memref_slice %arg4[%squeeze3A_1360, %dma_start3A_1364] : memref<1000000x64xf32, #tpu.memory_space<hbm>> -> memref<1x64xf32, #tpu.memory_space<hbm>>
    %dma_start3A_1366 = arith.constant 55 : i32
    %dma_start3A_1367 = arith.constant 0 : i32
    %dma_start3A_1368 = tpu.memref_slice %arg14[%dma_start3A_1366, %dma_start3A_1367] : memref<128x64xf32, #tpu.memory_space<vmem>> -> memref<1x64xf32, #tpu.memory_space<vmem>>
    %dma_start3A_1369 = arith.constant 0 : i32
    %dma_start3A_1370 = tpu.memref_slice %arg4[%squeeze3A_1360, %dma_start3A_1369] : memref<1000000x64xf32, #tpu.memory_space<hbm>> -> memref<1x64xf32, #tpu.memory_space<hbm>>
    tpu.enqueue_dma source(%dma_start3A_1370 : memref<1x64xf32, #tpu.memory_space<hbm>>) target(%dma_start3A_1368 : memref<1x64xf32, #tpu.memory_space<vmem>>) target_semaphore(%arg17 : memref<!tpu.dma_semaphore, #tpu.memory_space<semaphore_mem>>)
    %slice3A_1371 = vector.extract_strided_slice %get3A_1175 {offsets = [8], sizes = [1], strides = [1]} : vector<16xi32> to vector<1xi32>
    %squeeze3A_1372 = vector.extract %slice3A_1371[0] : i32 from vector<1xi32>
    %dma_start3A_1373 = arith.constant 56 : i32
    %dma_start3A_1374 = arith.constant 0 : i32
    %dma_start3A_1375 = tpu.memref_slice %arg13[%dma_start3A_1373, %dma_start3A_1374] : memref<128x64xf32, #tpu.memory_space<vmem>> -> memref<1x64xf32, #tpu.memory_space<vmem>>
    %dma_start3A_1376 = arith.constant 0 : i32
    %dma_start3A_1377 = tpu.memref_slice %arg4[%squeeze3A_1372, %dma_start3A_1376] : memref<1000000x64xf32, #tpu.memory_space<hbm>> -> memref<1x64xf32, #tpu.memory_space<hbm>>
    %dma_start3A_1378 = arith.constant 56 : i32
    %dma_start3A_1379 = arith.constant 0 : i32
    %dma_start3A_1380 = tpu.memref_slice %arg13[%dma_start3A_1378, %dma_start3A_1379] : memref<128x64xf32, #tpu.memory_space<vmem>> -> memref<1x64xf32, #tpu.memory_space<vmem>>
    %dma_start3A_1381 = arith.constant 0 : i32
    %dma_start3A_1382 = tpu.memref_slice %arg4[%squeeze3A_1372, %dma_start3A_1381] : memref<1000000x64xf32, #tpu.memory_space<hbm>> -> memref<1x64xf32, #tpu.memory_space<hbm>>
    tpu.enqueue_dma source(%dma_start3A_1382 : memref<1x64xf32, #tpu.memory_space<hbm>>) target(%dma_start3A_1380 : memref<1x64xf32, #tpu.memory_space<vmem>>) target_semaphore(%arg17 : memref<!tpu.dma_semaphore, #tpu.memory_space<semaphore_mem>>)
    %slice3A_1383 = vector.extract_strided_slice %get3A_1178 {offsets = [8], sizes = [1], strides = [1]} : vector<16xi32> to vector<1xi32>
    %squeeze3A_1384 = vector.extract %slice3A_1383[0] : i32 from vector<1xi32>
    %dma_start3A_1385 = arith.constant 56 : i32
    %dma_start3A_1386 = arith.constant 0 : i32
    %dma_start3A_1387 = tpu.memref_slice %arg14[%dma_start3A_1385, %dma_start3A_1386] : memref<128x64xf32, #tpu.memory_space<vmem>> -> memref<1x64xf32, #tpu.memory_space<vmem>>
    %dma_start3A_1388 = arith.constant 0 : i32
    %dma_start3A_1389 = tpu.memref_slice %arg4[%squeeze3A_1384, %dma_start3A_1388] : memref<1000000x64xf32, #tpu.memory_space<hbm>> -> memref<1x64xf32, #tpu.memory_space<hbm>>
    %dma_start3A_1390 = arith.constant 56 : i32
    %dma_start3A_1391 = arith.constant 0 : i32
    %dma_start3A_1392 = tpu.memref_slice %arg14[%dma_start3A_1390, %dma_start3A_1391] : memref<128x64xf32, #tpu.memory_space<vmem>> -> memref<1x64xf32, #tpu.memory_space<vmem>>
    %dma_start3A_1393 = arith.constant 0 : i32
    %dma_start3A_1394 = tpu.memref_slice %arg4[%squeeze3A_1384, %dma_start3A_1393] : memref<1000000x64xf32, #tpu.memory_space<hbm>> -> memref<1x64xf32, #tpu.memory_space<hbm>>
    tpu.enqueue_dma source(%dma_start3A_1394 : memref<1x64xf32, #tpu.memory_space<hbm>>) target(%dma_start3A_1392 : memref<1x64xf32, #tpu.memory_space<vmem>>) target_semaphore(%arg17 : memref<!tpu.dma_semaphore, #tpu.memory_space<semaphore_mem>>)
    %slice3A_1395 = vector.extract_strided_slice %get3A_1175 {offsets = [9], sizes = [1], strides = [1]} : vector<16xi32> to vector<1xi32>
    %squeeze3A_1396 = vector.extract %slice3A_1395[0] : i32 from vector<1xi32>
    %dma_start3A_1397 = arith.constant 57 : i32
    %dma_start3A_1398 = arith.constant 0 : i32
    %dma_start3A_1399 = tpu.memref_slice %arg13[%dma_start3A_1397, %dma_start3A_1398] : memref<128x64xf32, #tpu.memory_space<vmem>> -> memref<1x64xf32, #tpu.memory_space<vmem>>
    %dma_start3A_1400 = arith.constant 0 : i32
    %dma_start3A_1401 = tpu.memref_slice %arg4[%squeeze3A_1396, %dma_start3A_1400] : memref<1000000x64xf32, #tpu.memory_space<hbm>> -> memref<1x64xf32, #tpu.memory_space<hbm>>
    %dma_start3A_1402 = arith.constant 57 : i32
    %dma_start3A_1403 = arith.constant 0 : i32
    %dma_start3A_1404 = tpu.memref_slice %arg13[%dma_start3A_1402, %dma_start3A_1403] : memref<128x64xf32, #tpu.memory_space<vmem>> -> memref<1x64xf32, #tpu.memory_space<vmem>>
    %dma_start3A_1405 = arith.constant 0 : i32
    %dma_start3A_1406 = tpu.memref_slice %arg4[%squeeze3A_1396, %dma_start3A_1405] : memref<1000000x64xf32, #tpu.memory_space<hbm>> -> memref<1x64xf32, #tpu.memory_space<hbm>>
    tpu.enqueue_dma source(%dma_start3A_1406 : memref<1x64xf32, #tpu.memory_space<hbm>>) target(%dma_start3A_1404 : memref<1x64xf32, #tpu.memory_space<vmem>>) target_semaphore(%arg17 : memref<!tpu.dma_semaphore, #tpu.memory_space<semaphore_mem>>)
    %slice3A_1407 = vector.extract_strided_slice %get3A_1178 {offsets = [9], sizes = [1], strides = [1]} : vector<16xi32> to vector<1xi32>
    %squeeze3A_1408 = vector.extract %slice3A_1407[0] : i32 from vector<1xi32>
    %dma_start3A_1409 = arith.constant 57 : i32
    %dma_start3A_1410 = arith.constant 0 : i32
    %dma_start3A_1411 = tpu.memref_slice %arg14[%dma_start3A_1409, %dma_start3A_1410] : memref<128x64xf32, #tpu.memory_space<vmem>> -> memref<1x64xf32, #tpu.memory_space<vmem>>
    %dma_start3A_1412 = arith.constant 0 : i32
    %dma_start3A_1413 = tpu.memref_slice %arg4[%squeeze3A_1408, %dma_start3A_1412] : memref<1000000x64xf32, #tpu.memory_space<hbm>> -> memref<1x64xf32, #tpu.memory_space<hbm>>
    %dma_start3A_1414 = arith.constant 57 : i32
    %dma_start3A_1415 = arith.constant 0 : i32
    %dma_start3A_1416 = tpu.memref_slice %arg14[%dma_start3A_1414, %dma_start3A_1415] : memref<128x64xf32, #tpu.memory_space<vmem>> -> memref<1x64xf32, #tpu.memory_space<vmem>>
    %dma_start3A_1417 = arith.constant 0 : i32
    %dma_start3A_1418 = tpu.memref_slice %arg4[%squeeze3A_1408, %dma_start3A_1417] : memref<1000000x64xf32, #tpu.memory_space<hbm>> -> memref<1x64xf32, #tpu.memory_space<hbm>>
    tpu.enqueue_dma source(%dma_start3A_1418 : memref<1x64xf32, #tpu.memory_space<hbm>>) target(%dma_start3A_1416 : memref<1x64xf32, #tpu.memory_space<vmem>>) target_semaphore(%arg17 : memref<!tpu.dma_semaphore, #tpu.memory_space<semaphore_mem>>)
    %slice3A_1419 = vector.extract_strided_slice %get3A_1175 {offsets = [10], sizes = [1], strides = [1]} : vector<16xi32> to vector<1xi32>
    %squeeze3A_1420 = vector.extract %slice3A_1419[0] : i32 from vector<1xi32>
    %dma_start3A_1421 = arith.constant 58 : i32
    %dma_start3A_1422 = arith.constant 0 : i32
    %dma_start3A_1423 = tpu.memref_slice %arg13[%dma_start3A_1421, %dma_start3A_1422] : memref<128x64xf32, #tpu.memory_space<vmem>> -> memref<1x64xf32, #tpu.memory_space<vmem>>
    %dma_start3A_1424 = arith.constant 0 : i32
    %dma_start3A_1425 = tpu.memref_slice %arg4[%squeeze3A_1420, %dma_start3A_1424] : memref<1000000x64xf32, #tpu.memory_space<hbm>> -> memref<1x64xf32, #tpu.memory_space<hbm>>
    %dma_start3A_1426 = arith.constant 58 : i32
    %dma_start3A_1427 = arith.constant 0 : i32
    %dma_start3A_1428 = tpu.memref_slice %arg13[%dma_start3A_1426, %dma_start3A_1427] : memref<128x64xf32, #tpu.memory_space<vmem>> -> memref<1x64xf32, #tpu.memory_space<vmem>>
    %dma_start3A_1429 = arith.constant 0 : i32
    %dma_start3A_1430 = tpu.memref_slice %arg4[%squeeze3A_1420, %dma_start3A_1429] : memref<1000000x64xf32, #tpu.memory_space<hbm>> -> memref<1x64xf32, #tpu.memory_space<hbm>>
    tpu.enqueue_dma source(%dma_start3A_1430 : memref<1x64xf32, #tpu.memory_space<hbm>>) target(%dma_start3A_1428 : memref<1x64xf32, #tpu.memory_space<vmem>>) target_semaphore(%arg17 : memref<!tpu.dma_semaphore, #tpu.memory_space<semaphore_mem>>)
    %slice3A_1431 = vector.extract_strided_slice %get3A_1178 {offsets = [10], sizes = [1], strides = [1]} : vector<16xi32> to vector<1xi32>
    %squeeze3A_1432 = vector.extract %slice3A_1431[0] : i32 from vector<1xi32>
    %dma_start3A_1433 = arith.constant 58 : i32
    %dma_start3A_1434 = arith.constant 0 : i32
    %dma_start3A_1435 = tpu.memref_slice %arg14[%dma_start3A_1433, %dma_start3A_1434] : memref<128x64xf32, #tpu.memory_space<vmem>> -> memref<1x64xf32, #tpu.memory_space<vmem>>
    %dma_start3A_1436 = arith.constant 0 : i32
    %dma_start3A_1437 = tpu.memref_slice %arg4[%squeeze3A_1432, %dma_start3A_1436] : memref<1000000x64xf32, #tpu.memory_space<hbm>> -> memref<1x64xf32, #tpu.memory_space<hbm>>
    %dma_start3A_1438 = arith.constant 58 : i32
    %dma_start3A_1439 = arith.constant 0 : i32
    %dma_start3A_1440 = tpu.memref_slice %arg14[%dma_start3A_1438, %dma_start3A_1439] : memref<128x64xf32, #tpu.memory_space<vmem>> -> memref<1x64xf32, #tpu.memory_space<vmem>>
    %dma_start3A_1441 = arith.constant 0 : i32
    %dma_start3A_1442 = tpu.memref_slice %arg4[%squeeze3A_1432, %dma_start3A_1441] : memref<1000000x64xf32, #tpu.memory_space<hbm>> -> memref<1x64xf32, #tpu.memory_space<hbm>>
    tpu.enqueue_dma source(%dma_start3A_1442 : memref<1x64xf32, #tpu.memory_space<hbm>>) target(%dma_start3A_1440 : memref<1x64xf32, #tpu.memory_space<vmem>>) target_semaphore(%arg17 : memref<!tpu.dma_semaphore, #tpu.memory_space<semaphore_mem>>)
    %slice3A_1443 = vector.extract_strided_slice %get3A_1175 {offsets = [11], sizes = [1], strides = [1]} : vector<16xi32> to vector<1xi32>
    %squeeze3A_1444 = vector.extract %slice3A_1443[0] : i32 from vector<1xi32>
    %dma_start3A_1445 = arith.constant 59 : i32
    %dma_start3A_1446 = arith.constant 0 : i32
    %dma_start3A_1447 = tpu.memref_slice %arg13[%dma_start3A_1445, %dma_start3A_1446] : memref<128x64xf32, #tpu.memory_space<vmem>> -> memref<1x64xf32, #tpu.memory_space<vmem>>
    %dma_start3A_1448 = arith.constant 0 : i32
    %dma_start3A_1449 = tpu.memref_slice %arg4[%squeeze3A_1444, %dma_start3A_1448] : memref<1000000x64xf32, #tpu.memory_space<hbm>> -> memref<1x64xf32, #tpu.memory_space<hbm>>
    %dma_start3A_1450 = arith.constant 59 : i32
    %dma_start3A_1451 = arith.constant 0 : i32
    %dma_start3A_1452 = tpu.memref_slice %arg13[%dma_start3A_1450, %dma_start3A_1451] : memref<128x64xf32, #tpu.memory_space<vmem>> -> memref<1x64xf32, #tpu.memory_space<vmem>>
    %dma_start3A_1453 = arith.constant 0 : i32
    %dma_start3A_1454 = tpu.memref_slice %arg4[%squeeze3A_1444, %dma_start3A_1453] : memref<1000000x64xf32, #tpu.memory_space<hbm>> -> memref<1x64xf32, #tpu.memory_space<hbm>>
    tpu.enqueue_dma source(%dma_start3A_1454 : memref<1x64xf32, #tpu.memory_space<hbm>>) target(%dma_start3A_1452 : memref<1x64xf32, #tpu.memory_space<vmem>>) target_semaphore(%arg17 : memref<!tpu.dma_semaphore, #tpu.memory_space<semaphore_mem>>)
    %slice3A_1455 = vector.extract_strided_slice %get3A_1178 {offsets = [11], sizes = [1], strides = [1]} : vector<16xi32> to vector<1xi32>
    %squeeze3A_1456 = vector.extract %slice3A_1455[0] : i32 from vector<1xi32>
    %dma_start3A_1457 = arith.constant 59 : i32
    %dma_start3A_1458 = arith.constant 0 : i32
    %dma_start3A_1459 = tpu.memref_slice %arg14[%dma_start3A_1457, %dma_start3A_1458] : memref<128x64xf32, #tpu.memory_space<vmem>> -> memref<1x64xf32, #tpu.memory_space<vmem>>
    %dma_start3A_1460 = arith.constant 0 : i32
    %dma_start3A_1461 = tpu.memref_slice %arg4[%squeeze3A_1456, %dma_start3A_1460] : memref<1000000x64xf32, #tpu.memory_space<hbm>> -> memref<1x64xf32, #tpu.memory_space<hbm>>
    %dma_start3A_1462 = arith.constant 59 : i32
    %dma_start3A_1463 = arith.constant 0 : i32
    %dma_start3A_1464 = tpu.memref_slice %arg14[%dma_start3A_1462, %dma_start3A_1463] : memref<128x64xf32, #tpu.memory_space<vmem>> -> memref<1x64xf32, #tpu.memory_space<vmem>>
    %dma_start3A_1465 = arith.constant 0 : i32
    %dma_start3A_1466 = tpu.memref_slice %arg4[%squeeze3A_1456, %dma_start3A_1465] : memref<1000000x64xf32, #tpu.memory_space<hbm>> -> memref<1x64xf32, #tpu.memory_space<hbm>>
    tpu.enqueue_dma source(%dma_start3A_1466 : memref<1x64xf32, #tpu.memory_space<hbm>>) target(%dma_start3A_1464 : memref<1x64xf32, #tpu.memory_space<vmem>>) target_semaphore(%arg17 : memref<!tpu.dma_semaphore, #tpu.memory_space<semaphore_mem>>)
    %slice3A_1467 = vector.extract_strided_slice %get3A_1175 {offsets = [12], sizes = [1], strides = [1]} : vector<16xi32> to vector<1xi32>
    %squeeze3A_1468 = vector.extract %slice3A_1467[0] : i32 from vector<1xi32>
    %dma_start3A_1469 = arith.constant 60 : i32
    %dma_start3A_1470 = arith.constant 0 : i32
    %dma_start3A_1471 = tpu.memref_slice %arg13[%dma_start3A_1469, %dma_start3A_1470] : memref<128x64xf32, #tpu.memory_space<vmem>> -> memref<1x64xf32, #tpu.memory_space<vmem>>
    %dma_start3A_1472 = arith.constant 0 : i32
    %dma_start3A_1473 = tpu.memref_slice %arg4[%squeeze3A_1468, %dma_start3A_1472] : memref<1000000x64xf32, #tpu.memory_space<hbm>> -> memref<1x64xf32, #tpu.memory_space<hbm>>
    %dma_start3A_1474 = arith.constant 60 : i32
    %dma_start3A_1475 = arith.constant 0 : i32
    %dma_start3A_1476 = tpu.memref_slice %arg13[%dma_start3A_1474, %dma_start3A_1475] : memref<128x64xf32, #tpu.memory_space<vmem>> -> memref<1x64xf32, #tpu.memory_space<vmem>>
    %dma_start3A_1477 = arith.constant 0 : i32
    %dma_start3A_1478 = tpu.memref_slice %arg4[%squeeze3A_1468, %dma_start3A_1477] : memref<1000000x64xf32, #tpu.memory_space<hbm>> -> memref<1x64xf32, #tpu.memory_space<hbm>>
    tpu.enqueue_dma source(%dma_start3A_1478 : memref<1x64xf32, #tpu.memory_space<hbm>>) target(%dma_start3A_1476 : memref<1x64xf32, #tpu.memory_space<vmem>>) target_semaphore(%arg17 : memref<!tpu.dma_semaphore, #tpu.memory_space<semaphore_mem>>)
    %slice3A_1479 = vector.extract_strided_slice %get3A_1178 {offsets = [12], sizes = [1], strides = [1]} : vector<16xi32> to vector<1xi32>
    %squeeze3A_1480 = vector.extract %slice3A_1479[0] : i32 from vector<1xi32>
    %dma_start3A_1481 = arith.constant 60 : i32
    %dma_start3A_1482 = arith.constant 0 : i32
    %dma_start3A_1483 = tpu.memref_slice %arg14[%dma_start3A_1481, %dma_start3A_1482] : memref<128x64xf32, #tpu.memory_space<vmem>> -> memref<1x64xf32, #tpu.memory_space<vmem>>
    %dma_start3A_1484 = arith.constant 0 : i32
    %dma_start3A_1485 = tpu.memref_slice %arg4[%squeeze3A_1480, %dma_start3A_1484] : memref<1000000x64xf32, #tpu.memory_space<hbm>> -> memref<1x64xf32, #tpu.memory_space<hbm>>
    %dma_start3A_1486 = arith.constant 60 : i32
    %dma_start3A_1487 = arith.constant 0 : i32
    %dma_start3A_1488 = tpu.memref_slice %arg14[%dma_start3A_1486, %dma_start3A_1487] : memref<128x64xf32, #tpu.memory_space<vmem>> -> memref<1x64xf32, #tpu.memory_space<vmem>>
    %dma_start3A_1489 = arith.constant 0 : i32
    %dma_start3A_1490 = tpu.memref_slice %arg4[%squeeze3A_1480, %dma_start3A_1489] : memref<1000000x64xf32, #tpu.memory_space<hbm>> -> memref<1x64xf32, #tpu.memory_space<hbm>>
    tpu.enqueue_dma source(%dma_start3A_1490 : memref<1x64xf32, #tpu.memory_space<hbm>>) target(%dma_start3A_1488 : memref<1x64xf32, #tpu.memory_space<vmem>>) target_semaphore(%arg17 : memref<!tpu.dma_semaphore, #tpu.memory_space<semaphore_mem>>)
    %slice3A_1491 = vector.extract_strided_slice %get3A_1175 {offsets = [13], sizes = [1], strides = [1]} : vector<16xi32> to vector<1xi32>
    %squeeze3A_1492 = vector.extract %slice3A_1491[0] : i32 from vector<1xi32>
    %dma_start3A_1493 = arith.constant 61 : i32
    %dma_start3A_1494 = arith.constant 0 : i32
    %dma_start3A_1495 = tpu.memref_slice %arg13[%dma_start3A_1493, %dma_start3A_1494] : memref<128x64xf32, #tpu.memory_space<vmem>> -> memref<1x64xf32, #tpu.memory_space<vmem>>
    %dma_start3A_1496 = arith.constant 0 : i32
    %dma_start3A_1497 = tpu.memref_slice %arg4[%squeeze3A_1492, %dma_start3A_1496] : memref<1000000x64xf32, #tpu.memory_space<hbm>> -> memref<1x64xf32, #tpu.memory_space<hbm>>
    %dma_start3A_1498 = arith.constant 61 : i32
    %dma_start3A_1499 = arith.constant 0 : i32
    %dma_start3A_1500 = tpu.memref_slice %arg13[%dma_start3A_1498, %dma_start3A_1499] : memref<128x64xf32, #tpu.memory_space<vmem>> -> memref<1x64xf32, #tpu.memory_space<vmem>>
    %dma_start3A_1501 = arith.constant 0 : i32
    %dma_start3A_1502 = tpu.memref_slice %arg4[%squeeze3A_1492, %dma_start3A_1501] : memref<1000000x64xf32, #tpu.memory_space<hbm>> -> memref<1x64xf32, #tpu.memory_space<hbm>>
    tpu.enqueue_dma source(%dma_start3A_1502 : memref<1x64xf32, #tpu.memory_space<hbm>>) target(%dma_start3A_1500 : memref<1x64xf32, #tpu.memory_space<vmem>>) target_semaphore(%arg17 : memref<!tpu.dma_semaphore, #tpu.memory_space<semaphore_mem>>)
    %slice3A_1503 = vector.extract_strided_slice %get3A_1178 {offsets = [13], sizes = [1], strides = [1]} : vector<16xi32> to vector<1xi32>
    %squeeze3A_1504 = vector.extract %slice3A_1503[0] : i32 from vector<1xi32>
    %dma_start3A_1505 = arith.constant 61 : i32
    %dma_start3A_1506 = arith.constant 0 : i32
    %dma_start3A_1507 = tpu.memref_slice %arg14[%dma_start3A_1505, %dma_start3A_1506] : memref<128x64xf32, #tpu.memory_space<vmem>> -> memref<1x64xf32, #tpu.memory_space<vmem>>
    %dma_start3A_1508 = arith.constant 0 : i32
    %dma_start3A_1509 = tpu.memref_slice %arg4[%squeeze3A_1504, %dma_start3A_1508] : memref<1000000x64xf32, #tpu.memory_space<hbm>> -> memref<1x64xf32, #tpu.memory_space<hbm>>
    %dma_start3A_1510 = arith.constant 61 : i32
    %dma_start3A_1511 = arith.constant 0 : i32
    %dma_start3A_1512 = tpu.memref_slice %arg14[%dma_start3A_1510, %dma_start3A_1511] : memref<128x64xf32, #tpu.memory_space<vmem>> -> memref<1x64xf32, #tpu.memory_space<vmem>>
    %dma_start3A_1513 = arith.constant 0 : i32
    %dma_start3A_1514 = tpu.memref_slice %arg4[%squeeze3A_1504, %dma_start3A_1513] : memref<1000000x64xf32, #tpu.memory_space<hbm>> -> memref<1x64xf32, #tpu.memory_space<hbm>>
    tpu.enqueue_dma source(%dma_start3A_1514 : memref<1x64xf32, #tpu.memory_space<hbm>>) target(%dma_start3A_1512 : memref<1x64xf32, #tpu.memory_space<vmem>>) target_semaphore(%arg17 : memref<!tpu.dma_semaphore, #tpu.memory_space<semaphore_mem>>)
    %slice3A_1515 = vector.extract_strided_slice %get3A_1175 {offsets = [14], sizes = [1], strides = [1]} : vector<16xi32> to vector<1xi32>
    %squeeze3A_1516 = vector.extract %slice3A_1515[0] : i32 from vector<1xi32>
    %dma_start3A_1517 = arith.constant 62 : i32
    %dma_start3A_1518 = arith.constant 0 : i32
    %dma_start3A_1519 = tpu.memref_slice %arg13[%dma_start3A_1517, %dma_start3A_1518] : memref<128x64xf32, #tpu.memory_space<vmem>> -> memref<1x64xf32, #tpu.memory_space<vmem>>
    %dma_start3A_1520 = arith.constant 0 : i32
    %dma_start3A_1521 = tpu.memref_slice %arg4[%squeeze3A_1516, %dma_start3A_1520] : memref<1000000x64xf32, #tpu.memory_space<hbm>> -> memref<1x64xf32, #tpu.memory_space<hbm>>
    %dma_start3A_1522 = arith.constant 62 : i32
    %dma_start3A_1523 = arith.constant 0 : i32
    %dma_start3A_1524 = tpu.memref_slice %arg13[%dma_start3A_1522, %dma_start3A_1523] : memref<128x64xf32, #tpu.memory_space<vmem>> -> memref<1x64xf32, #tpu.memory_space<vmem>>
    %dma_start3A_1525 = arith.constant 0 : i32
    %dma_start3A_1526 = tpu.memref_slice %arg4[%squeeze3A_1516, %dma_start3A_1525] : memref<1000000x64xf32, #tpu.memory_space<hbm>> -> memref<1x64xf32, #tpu.memory_space<hbm>>
    tpu.enqueue_dma source(%dma_start3A_1526 : memref<1x64xf32, #tpu.memory_space<hbm>>) target(%dma_start3A_1524 : memref<1x64xf32, #tpu.memory_space<vmem>>) target_semaphore(%arg17 : memref<!tpu.dma_semaphore, #tpu.memory_space<semaphore_mem>>)
    %slice3A_1527 = vector.extract_strided_slice %get3A_1178 {offsets = [14], sizes = [1], strides = [1]} : vector<16xi32> to vector<1xi32>
    %squeeze3A_1528 = vector.extract %slice3A_1527[0] : i32 from vector<1xi32>
    %dma_start3A_1529 = arith.constant 62 : i32
    %dma_start3A_1530 = arith.constant 0 : i32
    %dma_start3A_1531 = tpu.memref_slice %arg14[%dma_start3A_1529, %dma_start3A_1530] : memref<128x64xf32, #tpu.memory_space<vmem>> -> memref<1x64xf32, #tpu.memory_space<vmem>>
    %dma_start3A_1532 = arith.constant 0 : i32
    %dma_start3A_1533 = tpu.memref_slice %arg4[%squeeze3A_1528, %dma_start3A_1532] : memref<1000000x64xf32, #tpu.memory_space<hbm>> -> memref<1x64xf32, #tpu.memory_space<hbm>>
    %dma_start3A_1534 = arith.constant 62 : i32
    %dma_start3A_1535 = arith.constant 0 : i32
    %dma_start3A_1536 = tpu.memref_slice %arg14[%dma_start3A_1534, %dma_start3A_1535] : memref<128x64xf32, #tpu.memory_space<vmem>> -> memref<1x64xf32, #tpu.memory_space<vmem>>
    %dma_start3A_1537 = arith.constant 0 : i32
    %dma_start3A_1538 = tpu.memref_slice %arg4[%squeeze3A_1528, %dma_start3A_1537] : memref<1000000x64xf32, #tpu.memory_space<hbm>> -> memref<1x64xf32, #tpu.memory_space<hbm>>
    tpu.enqueue_dma source(%dma_start3A_1538 : memref<1x64xf32, #tpu.memory_space<hbm>>) target(%dma_start3A_1536 : memref<1x64xf32, #tpu.memory_space<vmem>>) target_semaphore(%arg17 : memref<!tpu.dma_semaphore, #tpu.memory_space<semaphore_mem>>)
    %slice3A_1539 = vector.extract_strided_slice %get3A_1175 {offsets = [15], sizes = [1], strides = [1]} : vector<16xi32> to vector<1xi32>
    %squeeze3A_1540 = vector.extract %slice3A_1539[0] : i32 from vector<1xi32>
    %dma_start3A_1541 = arith.constant 63 : i32
    %dma_start3A_1542 = arith.constant 0 : i32
    %dma_start3A_1543 = tpu.memref_slice %arg13[%dma_start3A_1541, %dma_start3A_1542] : memref<128x64xf32, #tpu.memory_space<vmem>> -> memref<1x64xf32, #tpu.memory_space<vmem>>
    %dma_start3A_1544 = arith.constant 0 : i32
    %dma_start3A_1545 = tpu.memref_slice %arg4[%squeeze3A_1540, %dma_start3A_1544] : memref<1000000x64xf32, #tpu.memory_space<hbm>> -> memref<1x64xf32, #tpu.memory_space<hbm>>
    %dma_start3A_1546 = arith.constant 63 : i32
    %dma_start3A_1547 = arith.constant 0 : i32
    %dma_start3A_1548 = tpu.memref_slice %arg13[%dma_start3A_1546, %dma_start3A_1547] : memref<128x64xf32, #tpu.memory_space<vmem>> -> memref<1x64xf32, #tpu.memory_space<vmem>>
    %dma_start3A_1549 = arith.constant 0 : i32
    %dma_start3A_1550 = tpu.memref_slice %arg4[%squeeze3A_1540, %dma_start3A_1549] : memref<1000000x64xf32, #tpu.memory_space<hbm>> -> memref<1x64xf32, #tpu.memory_space<hbm>>
    tpu.enqueue_dma source(%dma_start3A_1550 : memref<1x64xf32, #tpu.memory_space<hbm>>) target(%dma_start3A_1548 : memref<1x64xf32, #tpu.memory_space<vmem>>) target_semaphore(%arg17 : memref<!tpu.dma_semaphore, #tpu.memory_space<semaphore_mem>>)
    %slice3A_1551 = vector.extract_strided_slice %get3A_1178 {offsets = [15], sizes = [1], strides = [1]} : vector<16xi32> to vector<1xi32>
    %squeeze3A_1552 = vector.extract %slice3A_1551[0] : i32 from vector<1xi32>
    %dma_start3A_1553 = arith.constant 63 : i32
    %dma_start3A_1554 = arith.constant 0 : i32
    %dma_start3A_1555 = tpu.memref_slice %arg14[%dma_start3A_1553, %dma_start3A_1554] : memref<128x64xf32, #tpu.memory_space<vmem>> -> memref<1x64xf32, #tpu.memory_space<vmem>>
    %dma_start3A_1556 = arith.constant 0 : i32
    %dma_start3A_1557 = tpu.memref_slice %arg4[%squeeze3A_1552, %dma_start3A_1556] : memref<1000000x64xf32, #tpu.memory_space<hbm>> -> memref<1x64xf32, #tpu.memory_space<hbm>>
    %dma_start3A_1558 = arith.constant 63 : i32
    %dma_start3A_1559 = arith.constant 0 : i32
    %dma_start3A_1560 = tpu.memref_slice %arg14[%dma_start3A_1558, %dma_start3A_1559] : memref<128x64xf32, #tpu.memory_space<vmem>> -> memref<1x64xf32, #tpu.memory_space<vmem>>
    %dma_start3A_1561 = arith.constant 0 : i32
    %dma_start3A_1562 = tpu.memref_slice %arg4[%squeeze3A_1552, %dma_start3A_1561] : memref<1000000x64xf32, #tpu.memory_space<hbm>> -> memref<1x64xf32, #tpu.memory_space<hbm>>
    tpu.enqueue_dma source(%dma_start3A_1562 : memref<1x64xf32, #tpu.memory_space<hbm>>) target(%dma_start3A_1560 : memref<1x64xf32, #tpu.memory_space<vmem>>) target_semaphore(%arg17 : memref<!tpu.dma_semaphore, #tpu.memory_space<semaphore_mem>>)
    %get3A_1563 = arith.constant 64 : index
    %get3A_1564 = tpu.vector_load %arg11[%get3A_1563] {strides = array<i32>} : memref<128xi32, #tpu.memory_space<vmem>>, vector<16xi32>,
    %get3A_1565 = vector.shape_cast %get3A_1564 : vector<16xi32> to vector<16xi32>
    %get3A_1566 = arith.constant 64 : index
    %get3A_1567 = tpu.vector_load %arg12[%get3A_1566] {strides = array<i32>} : memref<128xi32, #tpu.memory_space<vmem>>, vector<16xi32>,
    %get3A_1568 = vector.shape_cast %get3A_1567 : vector<16xi32> to vector<16xi32>
    %slice3A_1569 = vector.extract_strided_slice %get3A_1565 {offsets = [0], sizes = [1], strides = [1]} : vector<16xi32> to vector<1xi32>
    %squeeze3A_1570 = vector.extract %slice3A_1569[0] : i32 from vector<1xi32>
    %dma_start3A_1571 = arith.constant 64 : i32
    %dma_start3A_1572 = arith.constant 0 : i32
    %dma_start3A_1573 = tpu.memref_slice %arg13[%dma_start3A_1571, %dma_start3A_1572] : memref<128x64xf32, #tpu.memory_space<vmem>> -> memref<1x64xf32, #tpu.memory_space<vmem>>
    %dma_start3A_1574 = arith.constant 0 : i32
    %dma_start3A_1575 = tpu.memref_slice %arg4[%squeeze3A_1570, %dma_start3A_1574] : memref<1000000x64xf32, #tpu.memory_space<hbm>> -> memref<1x64xf32, #tpu.memory_space<hbm>>
    %dma_start3A_1576 = arith.constant 64 : i32
    %dma_start3A_1577 = arith.constant 0 : i32
    %dma_start3A_1578 = tpu.memref_slice %arg13[%dma_start3A_1576, %dma_start3A_1577] : memref<128x64xf32, #tpu.memory_space<vmem>> -> memref<1x64xf32, #tpu.memory_space<vmem>>
    %dma_start3A_1579 = arith.constant 0 : i32
    %dma_start3A_1580 = tpu.memref_slice %arg4[%squeeze3A_1570, %dma_start3A_1579] : memref<1000000x64xf32, #tpu.memory_space<hbm>> -> memref<1x64xf32, #tpu.memory_space<hbm>>
    tpu.enqueue_dma source(%dma_start3A_1580 : memref<1x64xf32, #tpu.memory_space<hbm>>) target(%dma_start3A_1578 : memref<1x64xf32, #tpu.memory_space<vmem>>) target_semaphore(%arg17 : memref<!tpu.dma_semaphore, #tpu.memory_space<semaphore_mem>>)
    %slice3A_1581 = vector.extract_strided_slice %get3A_1568 {offsets = [0], sizes = [1], strides = [1]} : vector<16xi32> to vector<1xi32>
    %squeeze3A_1582 = vector.extract %slice3A_1581[0] : i32 from vector<1xi32>
    %dma_start3A_1583 = arith.constant 64 : i32
    %dma_start3A_1584 = arith.constant 0 : i32
    %dma_start3A_1585 = tpu.memref_slice %arg14[%dma_start3A_1583, %dma_start3A_1584] : memref<128x64xf32, #tpu.memory_space<vmem>> -> memref<1x64xf32, #tpu.memory_space<vmem>>
    %dma_start3A_1586 = arith.constant 0 : i32
    %dma_start3A_1587 = tpu.memref_slice %arg4[%squeeze3A_1582, %dma_start3A_1586] : memref<1000000x64xf32, #tpu.memory_space<hbm>> -> memref<1x64xf32, #tpu.memory_space<hbm>>
    %dma_start3A_1588 = arith.constant 64 : i32
    %dma_start3A_1589 = arith.constant 0 : i32
    %dma_start3A_1590 = tpu.memref_slice %arg14[%dma_start3A_1588, %dma_start3A_1589] : memref<128x64xf32, #tpu.memory_space<vmem>> -> memref<1x64xf32, #tpu.memory_space<vmem>>
    %dma_start3A_1591 = arith.constant 0 : i32
    %dma_start3A_1592 = tpu.memref_slice %arg4[%squeeze3A_1582, %dma_start3A_1591] : memref<1000000x64xf32, #tpu.memory_space<hbm>> -> memref<1x64xf32, #tpu.memory_space<hbm>>
    tpu.enqueue_dma source(%dma_start3A_1592 : memref<1x64xf32, #tpu.memory_space<hbm>>) target(%dma_start3A_1590 : memref<1x64xf32, #tpu.memory_space<vmem>>) target_semaphore(%arg17 : memref<!tpu.dma_semaphore, #tpu.memory_space<semaphore_mem>>)
    %slice3A_1593 = vector.extract_strided_slice %get3A_1565 {offsets = [1], sizes = [1], strides = [1]} : vector<16xi32> to vector<1xi32>
    %squeeze3A_1594 = vector.extract %slice3A_1593[0] : i32 from vector<1xi32>
    %dma_start3A_1595 = arith.constant 65 : i32
    %dma_start3A_1596 = arith.constant 0 : i32
    %dma_start3A_1597 = tpu.memref_slice %arg13[%dma_start3A_1595, %dma_start3A_1596] : memref<128x64xf32, #tpu.memory_space<vmem>> -> memref<1x64xf32, #tpu.memory_space<vmem>>
    %dma_start3A_1598 = arith.constant 0 : i32
    %dma_start3A_1599 = tpu.memref_slice %arg4[%squeeze3A_1594, %dma_start3A_1598] : memref<1000000x64xf32, #tpu.memory_space<hbm>> -> memref<1x64xf32, #tpu.memory_space<hbm>>
    %dma_start3A_1600 = arith.constant 65 : i32
    %dma_start3A_1601 = arith.constant 0 : i32
    %dma_start3A_1602 = tpu.memref_slice %arg13[%dma_start3A_1600, %dma_start3A_1601] : memref<128x64xf32, #tpu.memory_space<vmem>> -> memref<1x64xf32, #tpu.memory_space<vmem>>
    %dma_start3A_1603 = arith.constant 0 : i32
    %dma_start3A_1604 = tpu.memref_slice %arg4[%squeeze3A_1594, %dma_start3A_1603] : memref<1000000x64xf32, #tpu.memory_space<hbm>> -> memref<1x64xf32, #tpu.memory_space<hbm>>
    tpu.enqueue_dma source(%dma_start3A_1604 : memref<1x64xf32, #tpu.memory_space<hbm>>) target(%dma_start3A_1602 : memref<1x64xf32, #tpu.memory_space<vmem>>) target_semaphore(%arg17 : memref<!tpu.dma_semaphore, #tpu.memory_space<semaphore_mem>>)
    %slice3A_1605 = vector.extract_strided_slice %get3A_1568 {offsets = [1], sizes = [1], strides = [1]} : vector<16xi32> to vector<1xi32>
    %squeeze3A_1606 = vector.extract %slice3A_1605[0] : i32 from vector<1xi32>
    %dma_start3A_1607 = arith.constant 65 : i32
    %dma_start3A_1608 = arith.constant 0 : i32
    %dma_start3A_1609 = tpu.memref_slice %arg14[%dma_start3A_1607, %dma_start3A_1608] : memref<128x64xf32, #tpu.memory_space<vmem>> -> memref<1x64xf32, #tpu.memory_space<vmem>>
    %dma_start3A_1610 = arith.constant 0 : i32
    %dma_start3A_1611 = tpu.memref_slice %arg4[%squeeze3A_1606, %dma_start3A_1610] : memref<1000000x64xf32, #tpu.memory_space<hbm>> -> memref<1x64xf32, #tpu.memory_space<hbm>>
    %dma_start3A_1612 = arith.constant 65 : i32
    %dma_start3A_1613 = arith.constant 0 : i32
    %dma_start3A_1614 = tpu.memref_slice %arg14[%dma_start3A_1612, %dma_start3A_1613] : memref<128x64xf32, #tpu.memory_space<vmem>> -> memref<1x64xf32, #tpu.memory_space<vmem>>
    %dma_start3A_1615 = arith.constant 0 : i32
    %dma_start3A_1616 = tpu.memref_slice %arg4[%squeeze3A_1606, %dma_start3A_1615] : memref<1000000x64xf32, #tpu.memory_space<hbm>> -> memref<1x64xf32, #tpu.memory_space<hbm>>
    tpu.enqueue_dma source(%dma_start3A_1616 : memref<1x64xf32, #tpu.memory_space<hbm>>) target(%dma_start3A_1614 : memref<1x64xf32, #tpu.memory_space<vmem>>) target_semaphore(%arg17 : memref<!tpu.dma_semaphore, #tpu.memory_space<semaphore_mem>>)
    %slice3A_1617 = vector.extract_strided_slice %get3A_1565 {offsets = [2], sizes = [1], strides = [1]} : vector<16xi32> to vector<1xi32>
    %squeeze3A_1618 = vector.extract %slice3A_1617[0] : i32 from vector<1xi32>
    %dma_start3A_1619 = arith.constant 66 : i32
    %dma_start3A_1620 = arith.constant 0 : i32
    %dma_start3A_1621 = tpu.memref_slice %arg13[%dma_start3A_1619, %dma_start3A_1620] : memref<128x64xf32, #tpu.memory_space<vmem>> -> memref<1x64xf32, #tpu.memory_space<vmem>>
    %dma_start3A_1622 = arith.constant 0 : i32
    %dma_start3A_1623 = tpu.memref_slice %arg4[%squeeze3A_1618, %dma_start3A_1622] : memref<1000000x64xf32, #tpu.memory_space<hbm>> -> memref<1x64xf32, #tpu.memory_space<hbm>>
    %dma_start3A_1624 = arith.constant 66 : i32
    %dma_start3A_1625 = arith.constant 0 : i32
    %dma_start3A_1626 = tpu.memref_slice %arg13[%dma_start3A_1624, %dma_start3A_1625] : memref<128x64xf32, #tpu.memory_space<vmem>> -> memref<1x64xf32, #tpu.memory_space<vmem>>
    %dma_start3A_1627 = arith.constant 0 : i32
    %dma_start3A_1628 = tpu.memref_slice %arg4[%squeeze3A_1618, %dma_start3A_1627] : memref<1000000x64xf32, #tpu.memory_space<hbm>> -> memref<1x64xf32, #tpu.memory_space<hbm>>
    tpu.enqueue_dma source(%dma_start3A_1628 : memref<1x64xf32, #tpu.memory_space<hbm>>) target(%dma_start3A_1626 : memref<1x64xf32, #tpu.memory_space<vmem>>) target_semaphore(%arg17 : memref<!tpu.dma_semaphore, #tpu.memory_space<semaphore_mem>>)
    %slice3A_1629 = vector.extract_strided_slice %get3A_1568 {offsets = [2], sizes = [1], strides = [1]} : vector<16xi32> to vector<1xi32>
    %squeeze3A_1630 = vector.extract %slice3A_1629[0] : i32 from vector<1xi32>
    %dma_start3A_1631 = arith.constant 66 : i32
    %dma_start3A_1632 = arith.constant 0 : i32
    %dma_start3A_1633 = tpu.memref_slice %arg14[%dma_start3A_1631, %dma_start3A_1632] : memref<128x64xf32, #tpu.memory_space<vmem>> -> memref<1x64xf32, #tpu.memory_space<vmem>>
    %dma_start3A_1634 = arith.constant 0 : i32
    %dma_start3A_1635 = tpu.memref_slice %arg4[%squeeze3A_1630, %dma_start3A_1634] : memref<1000000x64xf32, #tpu.memory_space<hbm>> -> memref<1x64xf32, #tpu.memory_space<hbm>>
    %dma_start3A_1636 = arith.constant 66 : i32
    %dma_start3A_1637 = arith.constant 0 : i32
    %dma_start3A_1638 = tpu.memref_slice %arg14[%dma_start3A_1636, %dma_start3A_1637] : memref<128x64xf32, #tpu.memory_space<vmem>> -> memref<1x64xf32, #tpu.memory_space<vmem>>
    %dma_start3A_1639 = arith.constant 0 : i32
    %dma_start3A_1640 = tpu.memref_slice %arg4[%squeeze3A_1630, %dma_start3A_1639] : memref<1000000x64xf32, #tpu.memory_space<hbm>> -> memref<1x64xf32, #tpu.memory_space<hbm>>
    tpu.enqueue_dma source(%dma_start3A_1640 : memref<1x64xf32, #tpu.memory_space<hbm>>) target(%dma_start3A_1638 : memref<1x64xf32, #tpu.memory_space<vmem>>) target_semaphore(%arg17 : memref<!tpu.dma_semaphore, #tpu.memory_space<semaphore_mem>>)
    %slice3A_1641 = vector.extract_strided_slice %get3A_1565 {offsets = [3], sizes = [1], strides = [1]} : vector<16xi32> to vector<1xi32>
    %squeeze3A_1642 = vector.extract %slice3A_1641[0] : i32 from vector<1xi32>
    %dma_start3A_1643 = arith.constant 67 : i32
    %dma_start3A_1644 = arith.constant 0 : i32
    %dma_start3A_1645 = tpu.memref_slice %arg13[%dma_start3A_1643, %dma_start3A_1644] : memref<128x64xf32, #tpu.memory_space<vmem>> -> memref<1x64xf32, #tpu.memory_space<vmem>>
    %dma_start3A_1646 = arith.constant 0 : i32
    %dma_start3A_1647 = tpu.memref_slice %arg4[%squeeze3A_1642, %dma_start3A_1646] : memref<1000000x64xf32, #tpu.memory_space<hbm>> -> memref<1x64xf32, #tpu.memory_space<hbm>>
    %dma_start3A_1648 = arith.constant 67 : i32
    %dma_start3A_1649 = arith.constant 0 : i32
    %dma_start3A_1650 = tpu.memref_slice %arg13[%dma_start3A_1648, %dma_start3A_1649] : memref<128x64xf32, #tpu.memory_space<vmem>> -> memref<1x64xf32, #tpu.memory_space<vmem>>
    %dma_start3A_1651 = arith.constant 0 : i32
    %dma_start3A_1652 = tpu.memref_slice %arg4[%squeeze3A_1642, %dma_start3A_1651] : memref<1000000x64xf32, #tpu.memory_space<hbm>> -> memref<1x64xf32, #tpu.memory_space<hbm>>
    tpu.enqueue_dma source(%dma_start3A_1652 : memref<1x64xf32, #tpu.memory_space<hbm>>) target(%dma_start3A_1650 : memref<1x64xf32, #tpu.memory_space<vmem>>) target_semaphore(%arg17 : memref<!tpu.dma_semaphore, #tpu.memory_space<semaphore_mem>>)
    %slice3A_1653 = vector.extract_strided_slice %get3A_1568 {offsets = [3], sizes = [1], strides = [1]} : vector<16xi32> to vector<1xi32>
    %squeeze3A_1654 = vector.extract %slice3A_1653[0] : i32 from vector<1xi32>
    %dma_start3A_1655 = arith.constant 67 : i32
    %dma_start3A_1656 = arith.constant 0 : i32
    %dma_start3A_1657 = tpu.memref_slice %arg14[%dma_start3A_1655, %dma_start3A_1656] : memref<128x64xf32, #tpu.memory_space<vmem>> -> memref<1x64xf32, #tpu.memory_space<vmem>>
    %dma_start3A_1658 = arith.constant 0 : i32
    %dma_start3A_1659 = tpu.memref_slice %arg4[%squeeze3A_1654, %dma_start3A_1658] : memref<1000000x64xf32, #tpu.memory_space<hbm>> -> memref<1x64xf32, #tpu.memory_space<hbm>>
    %dma_start3A_1660 = arith.constant 67 : i32
    %dma_start3A_1661 = arith.constant 0 : i32
    %dma_start3A_1662 = tpu.memref_slice %arg14[%dma_start3A_1660, %dma_start3A_1661] : memref<128x64xf32, #tpu.memory_space<vmem>> -> memref<1x64xf32, #tpu.memory_space<vmem>>
    %dma_start3A_1663 = arith.constant 0 : i32
    %dma_start3A_1664 = tpu.memref_slice %arg4[%squeeze3A_1654, %dma_start3A_1663] : memref<1000000x64xf32, #tpu.memory_space<hbm>> -> memref<1x64xf32, #tpu.memory_space<hbm>>
    tpu.enqueue_dma source(%dma_start3A_1664 : memref<1x64xf32, #tpu.memory_space<hbm>>) target(%dma_start3A_1662 : memref<1x64xf32, #tpu.memory_space<vmem>>) target_semaphore(%arg17 : memref<!tpu.dma_semaphore, #tpu.memory_space<semaphore_mem>>)
    %slice3A_1665 = vector.extract_strided_slice %get3A_1565 {offsets = [4], sizes = [1], strides = [1]} : vector<16xi32> to vector<1xi32>
    %squeeze3A_1666 = vector.extract %slice3A_1665[0] : i32 from vector<1xi32>
    %dma_start3A_1667 = arith.constant 68 : i32
    %dma_start3A_1668 = arith.constant 0 : i32
    %dma_start3A_1669 = tpu.memref_slice %arg13[%dma_start3A_1667, %dma_start3A_1668] : memref<128x64xf32, #tpu.memory_space<vmem>> -> memref<1x64xf32, #tpu.memory_space<vmem>>
    %dma_start3A_1670 = arith.constant 0 : i32
    %dma_start3A_1671 = tpu.memref_slice %arg4[%squeeze3A_1666, %dma_start3A_1670] : memref<1000000x64xf32, #tpu.memory_space<hbm>> -> memref<1x64xf32, #tpu.memory_space<hbm>>
    %dma_start3A_1672 = arith.constant 68 : i32
    %dma_start3A_1673 = arith.constant 0 : i32
    %dma_start3A_1674 = tpu.memref_slice %arg13[%dma_start3A_1672, %dma_start3A_1673] : memref<128x64xf32, #tpu.memory_space<vmem>> -> memref<1x64xf32, #tpu.memory_space<vmem>>
    %dma_start3A_1675 = arith.constant 0 : i32
    %dma_start3A_1676 = tpu.memref_slice %arg4[%squeeze3A_1666, %dma_start3A_1675] : memref<1000000x64xf32, #tpu.memory_space<hbm>> -> memref<1x64xf32, #tpu.memory_space<hbm>>
    tpu.enqueue_dma source(%dma_start3A_1676 : memref<1x64xf32, #tpu.memory_space<hbm>>) target(%dma_start3A_1674 : memref<1x64xf32, #tpu.memory_space<vmem>>) target_semaphore(%arg17 : memref<!tpu.dma_semaphore, #tpu.memory_space<semaphore_mem>>)
    %slice3A_1677 = vector.extract_strided_slice %get3A_1568 {offsets = [4], sizes = [1], strides = [1]} : vector<16xi32> to vector<1xi32>
    %squeeze3A_1678 = vector.extract %slice3A_1677[0] : i32 from vector<1xi32>
    %dma_start3A_1679 = arith.constant 68 : i32
    %dma_start3A_1680 = arith.constant 0 : i32
    %dma_start3A_1681 = tpu.memref_slice %arg14[%dma_start3A_1679, %dma_start3A_1680] : memref<128x64xf32, #tpu.memory_space<vmem>> -> memref<1x64xf32, #tpu.memory_space<vmem>>
    %dma_start3A_1682 = arith.constant 0 : i32
    %dma_start3A_1683 = tpu.memref_slice %arg4[%squeeze3A_1678, %dma_start3A_1682] : memref<1000000x64xf32, #tpu.memory_space<hbm>> -> memref<1x64xf32, #tpu.memory_space<hbm>>
    %dma_start3A_1684 = arith.constant 68 : i32
    %dma_start3A_1685 = arith.constant 0 : i32
    %dma_start3A_1686 = tpu.memref_slice %arg14[%dma_start3A_1684, %dma_start3A_1685] : memref<128x64xf32, #tpu.memory_space<vmem>> -> memref<1x64xf32, #tpu.memory_space<vmem>>
    %dma_start3A_1687 = arith.constant 0 : i32
    %dma_start3A_1688 = tpu.memref_slice %arg4[%squeeze3A_1678, %dma_start3A_1687] : memref<1000000x64xf32, #tpu.memory_space<hbm>> -> memref<1x64xf32, #tpu.memory_space<hbm>>
    tpu.enqueue_dma source(%dma_start3A_1688 : memref<1x64xf32, #tpu.memory_space<hbm>>) target(%dma_start3A_1686 : memref<1x64xf32, #tpu.memory_space<vmem>>) target_semaphore(%arg17 : memref<!tpu.dma_semaphore, #tpu.memory_space<semaphore_mem>>)
    %slice3A_1689 = vector.extract_strided_slice %get3A_1565 {offsets = [5], sizes = [1], strides = [1]} : vector<16xi32> to vector<1xi32>
    %squeeze3A_1690 = vector.extract %slice3A_1689[0] : i32 from vector<1xi32>
    %dma_start3A_1691 = arith.constant 69 : i32
    %dma_start3A_1692 = arith.constant 0 : i32
    %dma_start3A_1693 = tpu.memref_slice %arg13[%dma_start3A_1691, %dma_start3A_1692] : memref<128x64xf32, #tpu.memory_space<vmem>> -> memref<1x64xf32, #tpu.memory_space<vmem>>
    %dma_start3A_1694 = arith.constant 0 : i32
    %dma_start3A_1695 = tpu.memref_slice %arg4[%squeeze3A_1690, %dma_start3A_1694] : memref<1000000x64xf32, #tpu.memory_space<hbm>> -> memref<1x64xf32, #tpu.memory_space<hbm>>
    %dma_start3A_1696 = arith.constant 69 : i32
    %dma_start3A_1697 = arith.constant 0 : i32
    %dma_start3A_1698 = tpu.memref_slice %arg13[%dma_start3A_1696, %dma_start3A_1697] : memref<128x64xf32, #tpu.memory_space<vmem>> -> memref<1x64xf32, #tpu.memory_space<vmem>>
    %dma_start3A_1699 = arith.constant 0 : i32
    %dma_start3A_1700 = tpu.memref_slice %arg4[%squeeze3A_1690, %dma_start3A_1699] : memref<1000000x64xf32, #tpu.memory_space<hbm>> -> memref<1x64xf32, #tpu.memory_space<hbm>>
    tpu.enqueue_dma source(%dma_start3A_1700 : memref<1x64xf32, #tpu.memory_space<hbm>>) target(%dma_start3A_1698 : memref<1x64xf32, #tpu.memory_space<vmem>>) target_semaphore(%arg17 : memref<!tpu.dma_semaphore, #tpu.memory_space<semaphore_mem>>)
    %slice3A_1701 = vector.extract_strided_slice %get3A_1568 {offsets = [5], sizes = [1], strides = [1]} : vector<16xi32> to vector<1xi32>
    %squeeze3A_1702 = vector.extract %slice3A_1701[0] : i32 from vector<1xi32>
    %dma_start3A_1703 = arith.constant 69 : i32
    %dma_start3A_1704 = arith.constant 0 : i32
    %dma_start3A_1705 = tpu.memref_slice %arg14[%dma_start3A_1703, %dma_start3A_1704] : memref<128x64xf32, #tpu.memory_space<vmem>> -> memref<1x64xf32, #tpu.memory_space<vmem>>
    %dma_start3A_1706 = arith.constant 0 : i32
    %dma_start3A_1707 = tpu.memref_slice %arg4[%squeeze3A_1702, %dma_start3A_1706] : memref<1000000x64xf32, #tpu.memory_space<hbm>> -> memref<1x64xf32, #tpu.memory_space<hbm>>
    %dma_start3A_1708 = arith.constant 69 : i32
    %dma_start3A_1709 = arith.constant 0 : i32
    %dma_start3A_1710 = tpu.memref_slice %arg14[%dma_start3A_1708, %dma_start3A_1709] : memref<128x64xf32, #tpu.memory_space<vmem>> -> memref<1x64xf32, #tpu.memory_space<vmem>>
    %dma_start3A_1711 = arith.constant 0 : i32
    %dma_start3A_1712 = tpu.memref_slice %arg4[%squeeze3A_1702, %dma_start3A_1711] : memref<1000000x64xf32, #tpu.memory_space<hbm>> -> memref<1x64xf32, #tpu.memory_space<hbm>>
    tpu.enqueue_dma source(%dma_start3A_1712 : memref<1x64xf32, #tpu.memory_space<hbm>>) target(%dma_start3A_1710 : memref<1x64xf32, #tpu.memory_space<vmem>>) target_semaphore(%arg17 : memref<!tpu.dma_semaphore, #tpu.memory_space<semaphore_mem>>)
    %slice3A_1713 = vector.extract_strided_slice %get3A_1565 {offsets = [6], sizes = [1], strides = [1]} : vector<16xi32> to vector<1xi32>
    %squeeze3A_1714 = vector.extract %slice3A_1713[0] : i32 from vector<1xi32>
    %dma_start3A_1715 = arith.constant 70 : i32
    %dma_start3A_1716 = arith.constant 0 : i32
    %dma_start3A_1717 = tpu.memref_slice %arg13[%dma_start3A_1715, %dma_start3A_1716] : memref<128x64xf32, #tpu.memory_space<vmem>> -> memref<1x64xf32, #tpu.memory_space<vmem>>
    %dma_start3A_1718 = arith.constant 0 : i32
    %dma_start3A_1719 = tpu.memref_slice %arg4[%squeeze3A_1714, %dma_start3A_1718] : memref<1000000x64xf32, #tpu.memory_space<hbm>> -> memref<1x64xf32, #tpu.memory_space<hbm>>
    %dma_start3A_1720 = arith.constant 70 : i32
    %dma_start3A_1721 = arith.constant 0 : i32
    %dma_start3A_1722 = tpu.memref_slice %arg13[%dma_start3A_1720, %dma_start3A_1721] : memref<128x64xf32, #tpu.memory_space<vmem>> -> memref<1x64xf32, #tpu.memory_space<vmem>>
    %dma_start3A_1723 = arith.constant 0 : i32
    %dma_start3A_1724 = tpu.memref_slice %arg4[%squeeze3A_1714, %dma_start3A_1723] : memref<1000000x64xf32, #tpu.memory_space<hbm>> -> memref<1x64xf32, #tpu.memory_space<hbm>>
    tpu.enqueue_dma source(%dma_start3A_1724 : memref<1x64xf32, #tpu.memory_space<hbm>>) target(%dma_start3A_1722 : memref<1x64xf32, #tpu.memory_space<vmem>>) target_semaphore(%arg17 : memref<!tpu.dma_semaphore, #tpu.memory_space<semaphore_mem>>)
    %slice3A_1725 = vector.extract_strided_slice %get3A_1568 {offsets = [6], sizes = [1], strides = [1]} : vector<16xi32> to vector<1xi32>
    %squeeze3A_1726 = vector.extract %slice3A_1725[0] : i32 from vector<1xi32>
    %dma_start3A_1727 = arith.constant 70 : i32
    %dma_start3A_1728 = arith.constant 0 : i32
    %dma_start3A_1729 = tpu.memref_slice %arg14[%dma_start3A_1727, %dma_start3A_1728] : memref<128x64xf32, #tpu.memory_space<vmem>> -> memref<1x64xf32, #tpu.memory_space<vmem>>
    %dma_start3A_1730 = arith.constant 0 : i32
    %dma_start3A_1731 = tpu.memref_slice %arg4[%squeeze3A_1726, %dma_start3A_1730] : memref<1000000x64xf32, #tpu.memory_space<hbm>> -> memref<1x64xf32, #tpu.memory_space<hbm>>
    %dma_start3A_1732 = arith.constant 70 : i32
    %dma_start3A_1733 = arith.constant 0 : i32
    %dma_start3A_1734 = tpu.memref_slice %arg14[%dma_start3A_1732, %dma_start3A_1733] : memref<128x64xf32, #tpu.memory_space<vmem>> -> memref<1x64xf32, #tpu.memory_space<vmem>>
    %dma_start3A_1735 = arith.constant 0 : i32
    %dma_start3A_1736 = tpu.memref_slice %arg4[%squeeze3A_1726, %dma_start3A_1735] : memref<1000000x64xf32, #tpu.memory_space<hbm>> -> memref<1x64xf32, #tpu.memory_space<hbm>>
    tpu.enqueue_dma source(%dma_start3A_1736 : memref<1x64xf32, #tpu.memory_space<hbm>>) target(%dma_start3A_1734 : memref<1x64xf32, #tpu.memory_space<vmem>>) target_semaphore(%arg17 : memref<!tpu.dma_semaphore, #tpu.memory_space<semaphore_mem>>)
    %slice3A_1737 = vector.extract_strided_slice %get3A_1565 {offsets = [7], sizes = [1], strides = [1]} : vector<16xi32> to vector<1xi32>
    %squeeze3A_1738 = vector.extract %slice3A_1737[0] : i32 from vector<1xi32>
    %dma_start3A_1739 = arith.constant 71 : i32
    %dma_start3A_1740 = arith.constant 0 : i32
    %dma_start3A_1741 = tpu.memref_slice %arg13[%dma_start3A_1739, %dma_start3A_1740] : memref<128x64xf32, #tpu.memory_space<vmem>> -> memref<1x64xf32, #tpu.memory_space<vmem>>
    %dma_start3A_1742 = arith.constant 0 : i32
    %dma_start3A_1743 = tpu.memref_slice %arg4[%squeeze3A_1738, %dma_start3A_1742] : memref<1000000x64xf32, #tpu.memory_space<hbm>> -> memref<1x64xf32, #tpu.memory_space<hbm>>
    %dma_start3A_1744 = arith.constant 71 : i32
    %dma_start3A_1745 = arith.constant 0 : i32
    %dma_start3A_1746 = tpu.memref_slice %arg13[%dma_start3A_1744, %dma_start3A_1745] : memref<128x64xf32, #tpu.memory_space<vmem>> -> memref<1x64xf32, #tpu.memory_space<vmem>>
    %dma_start3A_1747 = arith.constant 0 : i32
    %dma_start3A_1748 = tpu.memref_slice %arg4[%squeeze3A_1738, %dma_start3A_1747] : memref<1000000x64xf32, #tpu.memory_space<hbm>> -> memref<1x64xf32, #tpu.memory_space<hbm>>
    tpu.enqueue_dma source(%dma_start3A_1748 : memref<1x64xf32, #tpu.memory_space<hbm>>) target(%dma_start3A_1746 : memref<1x64xf32, #tpu.memory_space<vmem>>) target_semaphore(%arg17 : memref<!tpu.dma_semaphore, #tpu.memory_space<semaphore_mem>>)
    %slice3A_1749 = vector.extract_strided_slice %get3A_1568 {offsets = [7], sizes = [1], strides = [1]} : vector<16xi32> to vector<1xi32>
    %squeeze3A_1750 = vector.extract %slice3A_1749[0] : i32 from vector<1xi32>
    %dma_start3A_1751 = arith.constant 71 : i32
    %dma_start3A_1752 = arith.constant 0 : i32
    %dma_start3A_1753 = tpu.memref_slice %arg14[%dma_start3A_1751, %dma_start3A_1752] : memref<128x64xf32, #tpu.memory_space<vmem>> -> memref<1x64xf32, #tpu.memory_space<vmem>>
    %dma_start3A_1754 = arith.constant 0 : i32
    %dma_start3A_1755 = tpu.memref_slice %arg4[%squeeze3A_1750, %dma_start3A_1754] : memref<1000000x64xf32, #tpu.memory_space<hbm>> -> memref<1x64xf32, #tpu.memory_space<hbm>>
    %dma_start3A_1756 = arith.constant 71 : i32
    %dma_start3A_1757 = arith.constant 0 : i32
    %dma_start3A_1758 = tpu.memref_slice %arg14[%dma_start3A_1756, %dma_start3A_1757] : memref<128x64xf32, #tpu.memory_space<vmem>> -> memref<1x64xf32, #tpu.memory_space<vmem>>
    %dma_start3A_1759 = arith.constant 0 : i32
    %dma_start3A_1760 = tpu.memref_slice %arg4[%squeeze3A_1750, %dma_start3A_1759] : memref<1000000x64xf32, #tpu.memory_space<hbm>> -> memref<1x64xf32, #tpu.memory_space<hbm>>
    tpu.enqueue_dma source(%dma_start3A_1760 : memref<1x64xf32, #tpu.memory_space<hbm>>) target(%dma_start3A_1758 : memref<1x64xf32, #tpu.memory_space<vmem>>) target_semaphore(%arg17 : memref<!tpu.dma_semaphore, #tpu.memory_space<semaphore_mem>>)
    %slice3A_1761 = vector.extract_strided_slice %get3A_1565 {offsets = [8], sizes = [1], strides = [1]} : vector<16xi32> to vector<1xi32>
    %squeeze3A_1762 = vector.extract %slice3A_1761[0] : i32 from vector<1xi32>
    %dma_start3A_1763 = arith.constant 72 : i32
    %dma_start3A_1764 = arith.constant 0 : i32
    %dma_start3A_1765 = tpu.memref_slice %arg13[%dma_start3A_1763, %dma_start3A_1764] : memref<128x64xf32, #tpu.memory_space<vmem>> -> memref<1x64xf32, #tpu.memory_space<vmem>>
    %dma_start3A_1766 = arith.constant 0 : i32
    %dma_start3A_1767 = tpu.memref_slice %arg4[%squeeze3A_1762, %dma_start3A_1766] : memref<1000000x64xf32, #tpu.memory_space<hbm>> -> memref<1x64xf32, #tpu.memory_space<hbm>>
    %dma_start3A_1768 = arith.constant 72 : i32
    %dma_start3A_1769 = arith.constant 0 : i32
    %dma_start3A_1770 = tpu.memref_slice %arg13[%dma_start3A_1768, %dma_start3A_1769] : memref<128x64xf32, #tpu.memory_space<vmem>> -> memref<1x64xf32, #tpu.memory_space<vmem>>
    %dma_start3A_1771 = arith.constant 0 : i32
    %dma_start3A_1772 = tpu.memref_slice %arg4[%squeeze3A_1762, %dma_start3A_1771] : memref<1000000x64xf32, #tpu.memory_space<hbm>> -> memref<1x64xf32, #tpu.memory_space<hbm>>
    tpu.enqueue_dma source(%dma_start3A_1772 : memref<1x64xf32, #tpu.memory_space<hbm>>) target(%dma_start3A_1770 : memref<1x64xf32, #tpu.memory_space<vmem>>) target_semaphore(%arg17 : memref<!tpu.dma_semaphore, #tpu.memory_space<semaphore_mem>>)
    %slice3A_1773 = vector.extract_strided_slice %get3A_1568 {offsets = [8], sizes = [1], strides = [1]} : vector<16xi32> to vector<1xi32>
    %squeeze3A_1774 = vector.extract %slice3A_1773[0] : i32 from vector<1xi32>
    %dma_start3A_1775 = arith.constant 72 : i32
    %dma_start3A_1776 = arith.constant 0 : i32
    %dma_start3A_1777 = tpu.memref_slice %arg14[%dma_start3A_1775, %dma_start3A_1776] : memref<128x64xf32, #tpu.memory_space<vmem>> -> memref<1x64xf32, #tpu.memory_space<vmem>>
    %dma_start3A_1778 = arith.constant 0 : i32
    %dma_start3A_1779 = tpu.memref_slice %arg4[%squeeze3A_1774, %dma_start3A_1778] : memref<1000000x64xf32, #tpu.memory_space<hbm>> -> memref<1x64xf32, #tpu.memory_space<hbm>>
    %dma_start3A_1780 = arith.constant 72 : i32
    %dma_start3A_1781 = arith.constant 0 : i32
    %dma_start3A_1782 = tpu.memref_slice %arg14[%dma_start3A_1780, %dma_start3A_1781] : memref<128x64xf32, #tpu.memory_space<vmem>> -> memref<1x64xf32, #tpu.memory_space<vmem>>
    %dma_start3A_1783 = arith.constant 0 : i32
    %dma_start3A_1784 = tpu.memref_slice %arg4[%squeeze3A_1774, %dma_start3A_1783] : memref<1000000x64xf32, #tpu.memory_space<hbm>> -> memref<1x64xf32, #tpu.memory_space<hbm>>
    tpu.enqueue_dma source(%dma_start3A_1784 : memref<1x64xf32, #tpu.memory_space<hbm>>) target(%dma_start3A_1782 : memref<1x64xf32, #tpu.memory_space<vmem>>) target_semaphore(%arg17 : memref<!tpu.dma_semaphore, #tpu.memory_space<semaphore_mem>>)
    %slice3A_1785 = vector.extract_strided_slice %get3A_1565 {offsets = [9], sizes = [1], strides = [1]} : vector<16xi32> to vector<1xi32>
    %squeeze3A_1786 = vector.extract %slice3A_1785[0] : i32 from vector<1xi32>
    %dma_start3A_1787 = arith.constant 73 : i32
    %dma_start3A_1788 = arith.constant 0 : i32
    %dma_start3A_1789 = tpu.memref_slice %arg13[%dma_start3A_1787, %dma_start3A_1788] : memref<128x64xf32, #tpu.memory_space<vmem>> -> memref<1x64xf32, #tpu.memory_space<vmem>>
    %dma_start3A_1790 = arith.constant 0 : i32
    %dma_start3A_1791 = tpu.memref_slice %arg4[%squeeze3A_1786, %dma_start3A_1790] : memref<1000000x64xf32, #tpu.memory_space<hbm>> -> memref<1x64xf32, #tpu.memory_space<hbm>>
    %dma_start3A_1792 = arith.constant 73 : i32
    %dma_start3A_1793 = arith.constant 0 : i32
    %dma_start3A_1794 = tpu.memref_slice %arg13[%dma_start3A_1792, %dma_start3A_1793] : memref<128x64xf32, #tpu.memory_space<vmem>> -> memref<1x64xf32, #tpu.memory_space<vmem>>
    %dma_start3A_1795 = arith.constant 0 : i32
    %dma_start3A_1796 = tpu.memref_slice %arg4[%squeeze3A_1786, %dma_start3A_1795] : memref<1000000x64xf32, #tpu.memory_space<hbm>> -> memref<1x64xf32, #tpu.memory_space<hbm>>
    tpu.enqueue_dma source(%dma_start3A_1796 : memref<1x64xf32, #tpu.memory_space<hbm>>) target(%dma_start3A_1794 : memref<1x64xf32, #tpu.memory_space<vmem>>) target_semaphore(%arg17 : memref<!tpu.dma_semaphore, #tpu.memory_space<semaphore_mem>>)
    %slice3A_1797 = vector.extract_strided_slice %get3A_1568 {offsets = [9], sizes = [1], strides = [1]} : vector<16xi32> to vector<1xi32>
    %squeeze3A_1798 = vector.extract %slice3A_1797[0] : i32 from vector<1xi32>
    %dma_start3A_1799 = arith.constant 73 : i32
    %dma_start3A_1800 = arith.constant 0 : i32
    %dma_start3A_1801 = tpu.memref_slice %arg14[%dma_start3A_1799, %dma_start3A_1800] : memref<128x64xf32, #tpu.memory_space<vmem>> -> memref<1x64xf32, #tpu.memory_space<vmem>>
    %dma_start3A_1802 = arith.constant 0 : i32
    %dma_start3A_1803 = tpu.memref_slice %arg4[%squeeze3A_1798, %dma_start3A_1802] : memref<1000000x64xf32, #tpu.memory_space<hbm>> -> memref<1x64xf32, #tpu.memory_space<hbm>>
    %dma_start3A_1804 = arith.constant 73 : i32
    %dma_start3A_1805 = arith.constant 0 : i32
    %dma_start3A_1806 = tpu.memref_slice %arg14[%dma_start3A_1804, %dma_start3A_1805] : memref<128x64xf32, #tpu.memory_space<vmem>> -> memref<1x64xf32, #tpu.memory_space<vmem>>
    %dma_start3A_1807 = arith.constant 0 : i32
    %dma_start3A_1808 = tpu.memref_slice %arg4[%squeeze3A_1798, %dma_start3A_1807] : memref<1000000x64xf32, #tpu.memory_space<hbm>> -> memref<1x64xf32, #tpu.memory_space<hbm>>
    tpu.enqueue_dma source(%dma_start3A_1808 : memref<1x64xf32, #tpu.memory_space<hbm>>) target(%dma_start3A_1806 : memref<1x64xf32, #tpu.memory_space<vmem>>) target_semaphore(%arg17 : memref<!tpu.dma_semaphore, #tpu.memory_space<semaphore_mem>>)
    %slice3A_1809 = vector.extract_strided_slice %get3A_1565 {offsets = [10], sizes = [1], strides = [1]} : vector<16xi32> to vector<1xi32>
    %squeeze3A_1810 = vector.extract %slice3A_1809[0] : i32 from vector<1xi32>
    %dma_start3A_1811 = arith.constant 74 : i32
    %dma_start3A_1812 = arith.constant 0 : i32
    %dma_start3A_1813 = tpu.memref_slice %arg13[%dma_start3A_1811, %dma_start3A_1812] : memref<128x64xf32, #tpu.memory_space<vmem>> -> memref<1x64xf32, #tpu.memory_space<vmem>>
    %dma_start3A_1814 = arith.constant 0 : i32
    %dma_start3A_1815 = tpu.memref_slice %arg4[%squeeze3A_1810, %dma_start3A_1814] : memref<1000000x64xf32, #tpu.memory_space<hbm>> -> memref<1x64xf32, #tpu.memory_space<hbm>>
    %dma_start3A_1816 = arith.constant 74 : i32
    %dma_start3A_1817 = arith.constant 0 : i32
    %dma_start3A_1818 = tpu.memref_slice %arg13[%dma_start3A_1816, %dma_start3A_1817] : memref<128x64xf32, #tpu.memory_space<vmem>> -> memref<1x64xf32, #tpu.memory_space<vmem>>
    %dma_start3A_1819 = arith.constant 0 : i32
    %dma_start3A_1820 = tpu.memref_slice %arg4[%squeeze3A_1810, %dma_start3A_1819] : memref<1000000x64xf32, #tpu.memory_space<hbm>> -> memref<1x64xf32, #tpu.memory_space<hbm>>
    tpu.enqueue_dma source(%dma_start3A_1820 : memref<1x64xf32, #tpu.memory_space<hbm>>) target(%dma_start3A_1818 : memref<1x64xf32, #tpu.memory_space<vmem>>) target_semaphore(%arg17 : memref<!tpu.dma_semaphore, #tpu.memory_space<semaphore_mem>>)
    %slice3A_1821 = vector.extract_strided_slice %get3A_1568 {offsets = [10], sizes = [1], strides = [1]} : vector<16xi32> to vector<1xi32>
    %squeeze3A_1822 = vector.extract %slice3A_1821[0] : i32 from vector<1xi32>
    %dma_start3A_1823 = arith.constant 74 : i32
    %dma_start3A_1824 = arith.constant 0 : i32
    %dma_start3A_1825 = tpu.memref_slice %arg14[%dma_start3A_1823, %dma_start3A_1824] : memref<128x64xf32, #tpu.memory_space<vmem>> -> memref<1x64xf32, #tpu.memory_space<vmem>>
    %dma_start3A_1826 = arith.constant 0 : i32
    %dma_start3A_1827 = tpu.memref_slice %arg4[%squeeze3A_1822, %dma_start3A_1826] : memref<1000000x64xf32, #tpu.memory_space<hbm>> -> memref<1x64xf32, #tpu.memory_space<hbm>>
    %dma_start3A_1828 = arith.constant 74 : i32
    %dma_start3A_1829 = arith.constant 0 : i32
    %dma_start3A_1830 = tpu.memref_slice %arg14[%dma_start3A_1828, %dma_start3A_1829] : memref<128x64xf32, #tpu.memory_space<vmem>> -> memref<1x64xf32, #tpu.memory_space<vmem>>
    %dma_start3A_1831 = arith.constant 0 : i32
    %dma_start3A_1832 = tpu.memref_slice %arg4[%squeeze3A_1822, %dma_start3A_1831] : memref<1000000x64xf32, #tpu.memory_space<hbm>> -> memref<1x64xf32, #tpu.memory_space<hbm>>
    tpu.enqueue_dma source(%dma_start3A_1832 : memref<1x64xf32, #tpu.memory_space<hbm>>) target(%dma_start3A_1830 : memref<1x64xf32, #tpu.memory_space<vmem>>) target_semaphore(%arg17 : memref<!tpu.dma_semaphore, #tpu.memory_space<semaphore_mem>>)
    %slice3A_1833 = vector.extract_strided_slice %get3A_1565 {offsets = [11], sizes = [1], strides = [1]} : vector<16xi32> to vector<1xi32>
    %squeeze3A_1834 = vector.extract %slice3A_1833[0] : i32 from vector<1xi32>
    %dma_start3A_1835 = arith.constant 75 : i32
    %dma_start3A_1836 = arith.constant 0 : i32
    %dma_start3A_1837 = tpu.memref_slice %arg13[%dma_start3A_1835, %dma_start3A_1836] : memref<128x64xf32, #tpu.memory_space<vmem>> -> memref<1x64xf32, #tpu.memory_space<vmem>>
    %dma_start3A_1838 = arith.constant 0 : i32
    %dma_start3A_1839 = tpu.memref_slice %arg4[%squeeze3A_1834, %dma_start3A_1838] : memref<1000000x64xf32, #tpu.memory_space<hbm>> -> memref<1x64xf32, #tpu.memory_space<hbm>>
    %dma_start3A_1840 = arith.constant 75 : i32
    %dma_start3A_1841 = arith.constant 0 : i32
    %dma_start3A_1842 = tpu.memref_slice %arg13[%dma_start3A_1840, %dma_start3A_1841] : memref<128x64xf32, #tpu.memory_space<vmem>> -> memref<1x64xf32, #tpu.memory_space<vmem>>
    %dma_start3A_1843 = arith.constant 0 : i32
    %dma_start3A_1844 = tpu.memref_slice %arg4[%squeeze3A_1834, %dma_start3A_1843] : memref<1000000x64xf32, #tpu.memory_space<hbm>> -> memref<1x64xf32, #tpu.memory_space<hbm>>
    tpu.enqueue_dma source(%dma_start3A_1844 : memref<1x64xf32, #tpu.memory_space<hbm>>) target(%dma_start3A_1842 : memref<1x64xf32, #tpu.memory_space<vmem>>) target_semaphore(%arg17 : memref<!tpu.dma_semaphore, #tpu.memory_space<semaphore_mem>>)
    %slice3A_1845 = vector.extract_strided_slice %get3A_1568 {offsets = [11], sizes = [1], strides = [1]} : vector<16xi32> to vector<1xi32>
    %squeeze3A_1846 = vector.extract %slice3A_1845[0] : i32 from vector<1xi32>
    %dma_start3A_1847 = arith.constant 75 : i32
    %dma_start3A_1848 = arith.constant 0 : i32
    %dma_start3A_1849 = tpu.memref_slice %arg14[%dma_start3A_1847, %dma_start3A_1848] : memref<128x64xf32, #tpu.memory_space<vmem>> -> memref<1x64xf32, #tpu.memory_space<vmem>>
    %dma_start3A_1850 = arith.constant 0 : i32
    %dma_start3A_1851 = tpu.memref_slice %arg4[%squeeze3A_1846, %dma_start3A_1850] : memref<1000000x64xf32, #tpu.memory_space<hbm>> -> memref<1x64xf32, #tpu.memory_space<hbm>>
    %dma_start3A_1852 = arith.constant 75 : i32
    %dma_start3A_1853 = arith.constant 0 : i32
    %dma_start3A_1854 = tpu.memref_slice %arg14[%dma_start3A_1852, %dma_start3A_1853] : memref<128x64xf32, #tpu.memory_space<vmem>> -> memref<1x64xf32, #tpu.memory_space<vmem>>
    %dma_start3A_1855 = arith.constant 0 : i32
    %dma_start3A_1856 = tpu.memref_slice %arg4[%squeeze3A_1846, %dma_start3A_1855] : memref<1000000x64xf32, #tpu.memory_space<hbm>> -> memref<1x64xf32, #tpu.memory_space<hbm>>
    tpu.enqueue_dma source(%dma_start3A_1856 : memref<1x64xf32, #tpu.memory_space<hbm>>) target(%dma_start3A_1854 : memref<1x64xf32, #tpu.memory_space<vmem>>) target_semaphore(%arg17 : memref<!tpu.dma_semaphore, #tpu.memory_space<semaphore_mem>>)
    %slice3A_1857 = vector.extract_strided_slice %get3A_1565 {offsets = [12], sizes = [1], strides = [1]} : vector<16xi32> to vector<1xi32>
    %squeeze3A_1858 = vector.extract %slice3A_1857[0] : i32 from vector<1xi32>
    %dma_start3A_1859 = arith.constant 76 : i32
    %dma_start3A_1860 = arith.constant 0 : i32
    %dma_start3A_1861 = tpu.memref_slice %arg13[%dma_start3A_1859, %dma_start3A_1860] : memref<128x64xf32, #tpu.memory_space<vmem>> -> memref<1x64xf32, #tpu.memory_space<vmem>>
    %dma_start3A_1862 = arith.constant 0 : i32
    %dma_start3A_1863 = tpu.memref_slice %arg4[%squeeze3A_1858, %dma_start3A_1862] : memref<1000000x64xf32, #tpu.memory_space<hbm>> -> memref<1x64xf32, #tpu.memory_space<hbm>>
    %dma_start3A_1864 = arith.constant 76 : i32
    %dma_start3A_1865 = arith.constant 0 : i32
    %dma_start3A_1866 = tpu.memref_slice %arg13[%dma_start3A_1864, %dma_start3A_1865] : memref<128x64xf32, #tpu.memory_space<vmem>> -> memref<1x64xf32, #tpu.memory_space<vmem>>
    %dma_start3A_1867 = arith.constant 0 : i32
    %dma_start3A_1868 = tpu.memref_slice %arg4[%squeeze3A_1858, %dma_start3A_1867] : memref<1000000x64xf32, #tpu.memory_space<hbm>> -> memref<1x64xf32, #tpu.memory_space<hbm>>
    tpu.enqueue_dma source(%dma_start3A_1868 : memref<1x64xf32, #tpu.memory_space<hbm>>) target(%dma_start3A_1866 : memref<1x64xf32, #tpu.memory_space<vmem>>) target_semaphore(%arg17 : memref<!tpu.dma_semaphore, #tpu.memory_space<semaphore_mem>>)
    %slice3A_1869 = vector.extract_strided_slice %get3A_1568 {offsets = [12], sizes = [1], strides = [1]} : vector<16xi32> to vector<1xi32>
    %squeeze3A_1870 = vector.extract %slice3A_1869[0] : i32 from vector<1xi32>
    %dma_start3A_1871 = arith.constant 76 : i32
    %dma_start3A_1872 = arith.constant 0 : i32
    %dma_start3A_1873 = tpu.memref_slice %arg14[%dma_start3A_1871, %dma_start3A_1872] : memref<128x64xf32, #tpu.memory_space<vmem>> -> memref<1x64xf32, #tpu.memory_space<vmem>>
    %dma_start3A_1874 = arith.constant 0 : i32
    %dma_start3A_1875 = tpu.memref_slice %arg4[%squeeze3A_1870, %dma_start3A_1874] : memref<1000000x64xf32, #tpu.memory_space<hbm>> -> memref<1x64xf32, #tpu.memory_space<hbm>>
    %dma_start3A_1876 = arith.constant 76 : i32
    %dma_start3A_1877 = arith.constant 0 : i32
    %dma_start3A_1878 = tpu.memref_slice %arg14[%dma_start3A_1876, %dma_start3A_1877] : memref<128x64xf32, #tpu.memory_space<vmem>> -> memref<1x64xf32, #tpu.memory_space<vmem>>
    %dma_start3A_1879 = arith.constant 0 : i32
    %dma_start3A_1880 = tpu.memref_slice %arg4[%squeeze3A_1870, %dma_start3A_1879] : memref<1000000x64xf32, #tpu.memory_space<hbm>> -> memref<1x64xf32, #tpu.memory_space<hbm>>
    tpu.enqueue_dma source(%dma_start3A_1880 : memref<1x64xf32, #tpu.memory_space<hbm>>) target(%dma_start3A_1878 : memref<1x64xf32, #tpu.memory_space<vmem>>) target_semaphore(%arg17 : memref<!tpu.dma_semaphore, #tpu.memory_space<semaphore_mem>>)
    %slice3A_1881 = vector.extract_strided_slice %get3A_1565 {offsets = [13], sizes = [1], strides = [1]} : vector<16xi32> to vector<1xi32>
    %squeeze3A_1882 = vector.extract %slice3A_1881[0] : i32 from vector<1xi32>
    %dma_start3A_1883 = arith.constant 77 : i32
    %dma_start3A_1884 = arith.constant 0 : i32
    %dma_start3A_1885 = tpu.memref_slice %arg13[%dma_start3A_1883, %dma_start3A_1884] : memref<128x64xf32, #tpu.memory_space<vmem>> -> memref<1x64xf32, #tpu.memory_space<vmem>>
    %dma_start3A_1886 = arith.constant 0 : i32
    %dma_start3A_1887 = tpu.memref_slice %arg4[%squeeze3A_1882, %dma_start3A_1886] : memref<1000000x64xf32, #tpu.memory_space<hbm>> -> memref<1x64xf32, #tpu.memory_space<hbm>>
    %dma_start3A_1888 = arith.constant 77 : i32
    %dma_start3A_1889 = arith.constant 0 : i32
    %dma_start3A_1890 = tpu.memref_slice %arg13[%dma_start3A_1888, %dma_start3A_1889] : memref<128x64xf32, #tpu.memory_space<vmem>> -> memref<1x64xf32, #tpu.memory_space<vmem>>
    %dma_start3A_1891 = arith.constant 0 : i32
    %dma_start3A_1892 = tpu.memref_slice %arg4[%squeeze3A_1882, %dma_start3A_1891] : memref<1000000x64xf32, #tpu.memory_space<hbm>> -> memref<1x64xf32, #tpu.memory_space<hbm>>
    tpu.enqueue_dma source(%dma_start3A_1892 : memref<1x64xf32, #tpu.memory_space<hbm>>) target(%dma_start3A_1890 : memref<1x64xf32, #tpu.memory_space<vmem>>) target_semaphore(%arg17 : memref<!tpu.dma_semaphore, #tpu.memory_space<semaphore_mem>>)
    %slice3A_1893 = vector.extract_strided_slice %get3A_1568 {offsets = [13], sizes = [1], strides = [1]} : vector<16xi32> to vector<1xi32>
    %squeeze3A_1894 = vector.extract %slice3A_1893[0] : i32 from vector<1xi32>
    %dma_start3A_1895 = arith.constant 77 : i32
    %dma_start3A_1896 = arith.constant 0 : i32
    %dma_start3A_1897 = tpu.memref_slice %arg14[%dma_start3A_1895, %dma_start3A_1896] : memref<128x64xf32, #tpu.memory_space<vmem>> -> memref<1x64xf32, #tpu.memory_space<vmem>>
    %dma_start3A_1898 = arith.constant 0 : i32
    %dma_start3A_1899 = tpu.memref_slice %arg4[%squeeze3A_1894, %dma_start3A_1898] : memref<1000000x64xf32, #tpu.memory_space<hbm>> -> memref<1x64xf32, #tpu.memory_space<hbm>>
    %dma_start3A_1900 = arith.constant 77 : i32
    %dma_start3A_1901 = arith.constant 0 : i32
    %dma_start3A_1902 = tpu.memref_slice %arg14[%dma_start3A_1900, %dma_start3A_1901] : memref<128x64xf32, #tpu.memory_space<vmem>> -> memref<1x64xf32, #tpu.memory_space<vmem>>
    %dma_start3A_1903 = arith.constant 0 : i32
    %dma_start3A_1904 = tpu.memref_slice %arg4[%squeeze3A_1894, %dma_start3A_1903] : memref<1000000x64xf32, #tpu.memory_space<hbm>> -> memref<1x64xf32, #tpu.memory_space<hbm>>
    tpu.enqueue_dma source(%dma_start3A_1904 : memref<1x64xf32, #tpu.memory_space<hbm>>) target(%dma_start3A_1902 : memref<1x64xf32, #tpu.memory_space<vmem>>) target_semaphore(%arg17 : memref<!tpu.dma_semaphore, #tpu.memory_space<semaphore_mem>>)
    %slice3A_1905 = vector.extract_strided_slice %get3A_1565 {offsets = [14], sizes = [1], strides = [1]} : vector<16xi32> to vector<1xi32>
    %squeeze3A_1906 = vector.extract %slice3A_1905[0] : i32 from vector<1xi32>
    %dma_start3A_1907 = arith.constant 78 : i32
    %dma_start3A_1908 = arith.constant 0 : i32
    %dma_start3A_1909 = tpu.memref_slice %arg13[%dma_start3A_1907, %dma_start3A_1908] : memref<128x64xf32, #tpu.memory_space<vmem>> -> memref<1x64xf32, #tpu.memory_space<vmem>>
    %dma_start3A_1910 = arith.constant 0 : i32
    %dma_start3A_1911 = tpu.memref_slice %arg4[%squeeze3A_1906, %dma_start3A_1910] : memref<1000000x64xf32, #tpu.memory_space<hbm>> -> memref<1x64xf32, #tpu.memory_space<hbm>>
    %dma_start3A_1912 = arith.constant 78 : i32
    %dma_start3A_1913 = arith.constant 0 : i32
    %dma_start3A_1914 = tpu.memref_slice %arg13[%dma_start3A_1912, %dma_start3A_1913] : memref<128x64xf32, #tpu.memory_space<vmem>> -> memref<1x64xf32, #tpu.memory_space<vmem>>
    %dma_start3A_1915 = arith.constant 0 : i32
    %dma_start3A_1916 = tpu.memref_slice %arg4[%squeeze3A_1906, %dma_start3A_1915] : memref<1000000x64xf32, #tpu.memory_space<hbm>> -> memref<1x64xf32, #tpu.memory_space<hbm>>
    tpu.enqueue_dma source(%dma_start3A_1916 : memref<1x64xf32, #tpu.memory_space<hbm>>) target(%dma_start3A_1914 : memref<1x64xf32, #tpu.memory_space<vmem>>) target_semaphore(%arg17 : memref<!tpu.dma_semaphore, #tpu.memory_space<semaphore_mem>>)
    %slice3A_1917 = vector.extract_strided_slice %get3A_1568 {offsets = [14], sizes = [1], strides = [1]} : vector<16xi32> to vector<1xi32>
    %squeeze3A_1918 = vector.extract %slice3A_1917[0] : i32 from vector<1xi32>
    %dma_start3A_1919 = arith.constant 78 : i32
    %dma_start3A_1920 = arith.constant 0 : i32
    %dma_start3A_1921 = tpu.memref_slice %arg14[%dma_start3A_1919, %dma_start3A_1920] : memref<128x64xf32, #tpu.memory_space<vmem>> -> memref<1x64xf32, #tpu.memory_space<vmem>>
    %dma_start3A_1922 = arith.constant 0 : i32
    %dma_start3A_1923 = tpu.memref_slice %arg4[%squeeze3A_1918, %dma_start3A_1922] : memref<1000000x64xf32, #tpu.memory_space<hbm>> -> memref<1x64xf32, #tpu.memory_space<hbm>>
    %dma_start3A_1924 = arith.constant 78 : i32
    %dma_start3A_1925 = arith.constant 0 : i32
    %dma_start3A_1926 = tpu.memref_slice %arg14[%dma_start3A_1924, %dma_start3A_1925] : memref<128x64xf32, #tpu.memory_space<vmem>> -> memref<1x64xf32, #tpu.memory_space<vmem>>
    %dma_start3A_1927 = arith.constant 0 : i32
    %dma_start3A_1928 = tpu.memref_slice %arg4[%squeeze3A_1918, %dma_start3A_1927] : memref<1000000x64xf32, #tpu.memory_space<hbm>> -> memref<1x64xf32, #tpu.memory_space<hbm>>
    tpu.enqueue_dma source(%dma_start3A_1928 : memref<1x64xf32, #tpu.memory_space<hbm>>) target(%dma_start3A_1926 : memref<1x64xf32, #tpu.memory_space<vmem>>) target_semaphore(%arg17 : memref<!tpu.dma_semaphore, #tpu.memory_space<semaphore_mem>>)
    %slice3A_1929 = vector.extract_strided_slice %get3A_1565 {offsets = [15], sizes = [1], strides = [1]} : vector<16xi32> to vector<1xi32>
    %squeeze3A_1930 = vector.extract %slice3A_1929[0] : i32 from vector<1xi32>
    %dma_start3A_1931 = arith.constant 79 : i32
    %dma_start3A_1932 = arith.constant 0 : i32
    %dma_start3A_1933 = tpu.memref_slice %arg13[%dma_start3A_1931, %dma_start3A_1932] : memref<128x64xf32, #tpu.memory_space<vmem>> -> memref<1x64xf32, #tpu.memory_space<vmem>>
    %dma_start3A_1934 = arith.constant 0 : i32
    %dma_start3A_1935 = tpu.memref_slice %arg4[%squeeze3A_1930, %dma_start3A_1934] : memref<1000000x64xf32, #tpu.memory_space<hbm>> -> memref<1x64xf32, #tpu.memory_space<hbm>>
    %dma_start3A_1936 = arith.constant 79 : i32
    %dma_start3A_1937 = arith.constant 0 : i32
    %dma_start3A_1938 = tpu.memref_slice %arg13[%dma_start3A_1936, %dma_start3A_1937] : memref<128x64xf32, #tpu.memory_space<vmem>> -> memref<1x64xf32, #tpu.memory_space<vmem>>
    %dma_start3A_1939 = arith.constant 0 : i32
    %dma_start3A_1940 = tpu.memref_slice %arg4[%squeeze3A_1930, %dma_start3A_1939] : memref<1000000x64xf32, #tpu.memory_space<hbm>> -> memref<1x64xf32, #tpu.memory_space<hbm>>
    tpu.enqueue_dma source(%dma_start3A_1940 : memref<1x64xf32, #tpu.memory_space<hbm>>) target(%dma_start3A_1938 : memref<1x64xf32, #tpu.memory_space<vmem>>) target_semaphore(%arg17 : memref<!tpu.dma_semaphore, #tpu.memory_space<semaphore_mem>>)
    %slice3A_1941 = vector.extract_strided_slice %get3A_1568 {offsets = [15], sizes = [1], strides = [1]} : vector<16xi32> to vector<1xi32>
    %squeeze3A_1942 = vector.extract %slice3A_1941[0] : i32 from vector<1xi32>
    %dma_start3A_1943 = arith.constant 79 : i32
    %dma_start3A_1944 = arith.constant 0 : i32
    %dma_start3A_1945 = tpu.memref_slice %arg14[%dma_start3A_1943, %dma_start3A_1944] : memref<128x64xf32, #tpu.memory_space<vmem>> -> memref<1x64xf32, #tpu.memory_space<vmem>>
    %dma_start3A_1946 = arith.constant 0 : i32
    %dma_start3A_1947 = tpu.memref_slice %arg4[%squeeze3A_1942, %dma_start3A_1946] : memref<1000000x64xf32, #tpu.memory_space<hbm>> -> memref<1x64xf32, #tpu.memory_space<hbm>>
    %dma_start3A_1948 = arith.constant 79 : i32
    %dma_start3A_1949 = arith.constant 0 : i32
    %dma_start3A_1950 = tpu.memref_slice %arg14[%dma_start3A_1948, %dma_start3A_1949] : memref<128x64xf32, #tpu.memory_space<vmem>> -> memref<1x64xf32, #tpu.memory_space<vmem>>
    %dma_start3A_1951 = arith.constant 0 : i32
    %dma_start3A_1952 = tpu.memref_slice %arg4[%squeeze3A_1942, %dma_start3A_1951] : memref<1000000x64xf32, #tpu.memory_space<hbm>> -> memref<1x64xf32, #tpu.memory_space<hbm>>
    tpu.enqueue_dma source(%dma_start3A_1952 : memref<1x64xf32, #tpu.memory_space<hbm>>) target(%dma_start3A_1950 : memref<1x64xf32, #tpu.memory_space<vmem>>) target_semaphore(%arg17 : memref<!tpu.dma_semaphore, #tpu.memory_space<semaphore_mem>>)
    %get3A_1953 = arith.constant 80 : index
    %get3A_1954 = tpu.vector_load %arg11[%get3A_1953] {strides = array<i32>} : memref<128xi32, #tpu.memory_space<vmem>>, vector<16xi32>,
    %get3A_1955 = vector.shape_cast %get3A_1954 : vector<16xi32> to vector<16xi32>
    %get3A_1956 = arith.constant 80 : index
    %get3A_1957 = tpu.vector_load %arg12[%get3A_1956] {strides = array<i32>} : memref<128xi32, #tpu.memory_space<vmem>>, vector<16xi32>,
    %get3A_1958 = vector.shape_cast %get3A_1957 : vector<16xi32> to vector<16xi32>
    %slice3A_1959 = vector.extract_strided_slice %get3A_1955 {offsets = [0], sizes = [1], strides = [1]} : vector<16xi32> to vector<1xi32>
    %squeeze3A_1960 = vector.extract %slice3A_1959[0] : i32 from vector<1xi32>
    %dma_start3A_1961 = arith.constant 80 : i32
    %dma_start3A_1962 = arith.constant 0 : i32
    %dma_start3A_1963 = tpu.memref_slice %arg13[%dma_start3A_1961, %dma_start3A_1962] : memref<128x64xf32, #tpu.memory_space<vmem>> -> memref<1x64xf32, #tpu.memory_space<vmem>>
    %dma_start3A_1964 = arith.constant 0 : i32
    %dma_start3A_1965 = tpu.memref_slice %arg4[%squeeze3A_1960, %dma_start3A_1964] : memref<1000000x64xf32, #tpu.memory_space<hbm>> -> memref<1x64xf32, #tpu.memory_space<hbm>>
    %dma_start3A_1966 = arith.constant 80 : i32
    %dma_start3A_1967 = arith.constant 0 : i32
    %dma_start3A_1968 = tpu.memref_slice %arg13[%dma_start3A_1966, %dma_start3A_1967] : memref<128x64xf32, #tpu.memory_space<vmem>> -> memref<1x64xf32, #tpu.memory_space<vmem>>
    %dma_start3A_1969 = arith.constant 0 : i32
    %dma_start3A_1970 = tpu.memref_slice %arg4[%squeeze3A_1960, %dma_start3A_1969] : memref<1000000x64xf32, #tpu.memory_space<hbm>> -> memref<1x64xf32, #tpu.memory_space<hbm>>
    tpu.enqueue_dma source(%dma_start3A_1970 : memref<1x64xf32, #tpu.memory_space<hbm>>) target(%dma_start3A_1968 : memref<1x64xf32, #tpu.memory_space<vmem>>) target_semaphore(%arg17 : memref<!tpu.dma_semaphore, #tpu.memory_space<semaphore_mem>>)
    %slice3A_1971 = vector.extract_strided_slice %get3A_1958 {offsets = [0], sizes = [1], strides = [1]} : vector<16xi32> to vector<1xi32>
    %squeeze3A_1972 = vector.extract %slice3A_1971[0] : i32 from vector<1xi32>
    %dma_start3A_1973 = arith.constant 80 : i32
    %dma_start3A_1974 = arith.constant 0 : i32
    %dma_start3A_1975 = tpu.memref_slice %arg14[%dma_start3A_1973, %dma_start3A_1974] : memref<128x64xf32, #tpu.memory_space<vmem>> -> memref<1x64xf32, #tpu.memory_space<vmem>>
    %dma_start3A_1976 = arith.constant 0 : i32
    %dma_start3A_1977 = tpu.memref_slice %arg4[%squeeze3A_1972, %dma_start3A_1976] : memref<1000000x64xf32, #tpu.memory_space<hbm>> -> memref<1x64xf32, #tpu.memory_space<hbm>>
    %dma_start3A_1978 = arith.constant 80 : i32
    %dma_start3A_1979 = arith.constant 0 : i32
    %dma_start3A_1980 = tpu.memref_slice %arg14[%dma_start3A_1978, %dma_start3A_1979] : memref<128x64xf32, #tpu.memory_space<vmem>> -> memref<1x64xf32, #tpu.memory_space<vmem>>
    %dma_start3A_1981 = arith.constant 0 : i32
    %dma_start3A_1982 = tpu.memref_slice %arg4[%squeeze3A_1972, %dma_start3A_1981] : memref<1000000x64xf32, #tpu.memory_space<hbm>> -> memref<1x64xf32, #tpu.memory_space<hbm>>
    tpu.enqueue_dma source(%dma_start3A_1982 : memref<1x64xf32, #tpu.memory_space<hbm>>) target(%dma_start3A_1980 : memref<1x64xf32, #tpu.memory_space<vmem>>) target_semaphore(%arg17 : memref<!tpu.dma_semaphore, #tpu.memory_space<semaphore_mem>>)
    %slice3A_1983 = vector.extract_strided_slice %get3A_1955 {offsets = [1], sizes = [1], strides = [1]} : vector<16xi32> to vector<1xi32>
    %squeeze3A_1984 = vector.extract %slice3A_1983[0] : i32 from vector<1xi32>
    %dma_start3A_1985 = arith.constant 81 : i32
    %dma_start3A_1986 = arith.constant 0 : i32
    %dma_start3A_1987 = tpu.memref_slice %arg13[%dma_start3A_1985, %dma_start3A_1986] : memref<128x64xf32, #tpu.memory_space<vmem>> -> memref<1x64xf32, #tpu.memory_space<vmem>>
    %dma_start3A_1988 = arith.constant 0 : i32
    %dma_start3A_1989 = tpu.memref_slice %arg4[%squeeze3A_1984, %dma_start3A_1988] : memref<1000000x64xf32, #tpu.memory_space<hbm>> -> memref<1x64xf32, #tpu.memory_space<hbm>>
    %dma_start3A_1990 = arith.constant 81 : i32
    %dma_start3A_1991 = arith.constant 0 : i32
    %dma_start3A_1992 = tpu.memref_slice %arg13[%dma_start3A_1990, %dma_start3A_1991] : memref<128x64xf32, #tpu.memory_space<vmem>> -> memref<1x64xf32, #tpu.memory_space<vmem>>
    %dma_start3A_1993 = arith.constant 0 : i32
    %dma_start3A_1994 = tpu.memref_slice %arg4[%squeeze3A_1984, %dma_start3A_1993] : memref<1000000x64xf32, #tpu.memory_space<hbm>> -> memref<1x64xf32, #tpu.memory_space<hbm>>
    tpu.enqueue_dma source(%dma_start3A_1994 : memref<1x64xf32, #tpu.memory_space<hbm>>) target(%dma_start3A_1992 : memref<1x64xf32, #tpu.memory_space<vmem>>) target_semaphore(%arg17 : memref<!tpu.dma_semaphore, #tpu.memory_space<semaphore_mem>>)
    %slice3A_1995 = vector.extract_strided_slice %get3A_1958 {offsets = [1], sizes = [1], strides = [1]} : vector<16xi32> to vector<1xi32>
    %squeeze3A_1996 = vector.extract %slice3A_1995[0] : i32 from vector<1xi32>
    %dma_start3A_1997 = arith.constant 81 : i32
    %dma_start3A_1998 = arith.constant 0 : i32
    %dma_start3A_1999 = tpu.memref_slice %arg14[%dma_start3A_1997, %dma_start3A_1998] : memref<128x64xf32, #tpu.memory_space<vmem>> -> memref<1x64xf32, #tpu.memory_space<vmem>>
    %dma_start3A_2000 = arith.constant 0 : i32
    %dma_start3A_2001 = tpu.memref_slice %arg4[%squeeze3A_1996, %dma_start3A_2000] : memref<1000000x64xf32, #tpu.memory_space<hbm>> -> memref<1x64xf32, #tpu.memory_space<hbm>>
    %dma_start3A_2002 = arith.constant 81 : i32
    %dma_start3A_2003 = arith.constant 0 : i32
    %dma_start3A_2004 = tpu.memref_slice %arg14[%dma_start3A_2002, %dma_start3A_2003] : memref<128x64xf32, #tpu.memory_space<vmem>> -> memref<1x64xf32, #tpu.memory_space<vmem>>
    %dma_start3A_2005 = arith.constant 0 : i32
    %dma_start3A_2006 = tpu.memref_slice %arg4[%squeeze3A_1996, %dma_start3A_2005] : memref<1000000x64xf32, #tpu.memory_space<hbm>> -> memref<1x64xf32, #tpu.memory_space<hbm>>
    tpu.enqueue_dma source(%dma_start3A_2006 : memref<1x64xf32, #tpu.memory_space<hbm>>) target(%dma_start3A_2004 : memref<1x64xf32, #tpu.memory_space<vmem>>) target_semaphore(%arg17 : memref<!tpu.dma_semaphore, #tpu.memory_space<semaphore_mem>>)
    %slice3A_2007 = vector.extract_strided_slice %get3A_1955 {offsets = [2], sizes = [1], strides = [1]} : vector<16xi32> to vector<1xi32>
    %squeeze3A_2008 = vector.extract %slice3A_2007[0] : i32 from vector<1xi32>
    %dma_start3A_2009 = arith.constant 82 : i32
    %dma_start3A_2010 = arith.constant 0 : i32
    %dma_start3A_2011 = tpu.memref_slice %arg13[%dma_start3A_2009, %dma_start3A_2010] : memref<128x64xf32, #tpu.memory_space<vmem>> -> memref<1x64xf32, #tpu.memory_space<vmem>>
    %dma_start3A_2012 = arith.constant 0 : i32
    %dma_start3A_2013 = tpu.memref_slice %arg4[%squeeze3A_2008, %dma_start3A_2012] : memref<1000000x64xf32, #tpu.memory_space<hbm>> -> memref<1x64xf32, #tpu.memory_space<hbm>>
    %dma_start3A_2014 = arith.constant 82 : i32
    %dma_start3A_2015 = arith.constant 0 : i32
    %dma_start3A_2016 = tpu.memref_slice %arg13[%dma_start3A_2014, %dma_start3A_2015] : memref<128x64xf32, #tpu.memory_space<vmem>> -> memref<1x64xf32, #tpu.memory_space<vmem>>
    %dma_start3A_2017 = arith.constant 0 : i32
    %dma_start3A_2018 = tpu.memref_slice %arg4[%squeeze3A_2008, %dma_start3A_2017] : memref<1000000x64xf32, #tpu.memory_space<hbm>> -> memref<1x64xf32, #tpu.memory_space<hbm>>
    tpu.enqueue_dma source(%dma_start3A_2018 : memref<1x64xf32, #tpu.memory_space<hbm>>) target(%dma_start3A_2016 : memref<1x64xf32, #tpu.memory_space<vmem>>) target_semaphore(%arg17 : memref<!tpu.dma_semaphore, #tpu.memory_space<semaphore_mem>>)
    %slice3A_2019 = vector.extract_strided_slice %get3A_1958 {offsets = [2], sizes = [1], strides = [1]} : vector<16xi32> to vector<1xi32>
    %squeeze3A_2020 = vector.extract %slice3A_2019[0] : i32 from vector<1xi32>
    %dma_start3A_2021 = arith.constant 82 : i32
    %dma_start3A_2022 = arith.constant 0 : i32
    %dma_start3A_2023 = tpu.memref_slice %arg14[%dma_start3A_2021, %dma_start3A_2022] : memref<128x64xf32, #tpu.memory_space<vmem>> -> memref<1x64xf32, #tpu.memory_space<vmem>>
    %dma_start3A_2024 = arith.constant 0 : i32
    %dma_start3A_2025 = tpu.memref_slice %arg4[%squeeze3A_2020, %dma_start3A_2024] : memref<1000000x64xf32, #tpu.memory_space<hbm>> -> memref<1x64xf32, #tpu.memory_space<hbm>>
    %dma_start3A_2026 = arith.constant 82 : i32
    %dma_start3A_2027 = arith.constant 0 : i32
    %dma_start3A_2028 = tpu.memref_slice %arg14[%dma_start3A_2026, %dma_start3A_2027] : memref<128x64xf32, #tpu.memory_space<vmem>> -> memref<1x64xf32, #tpu.memory_space<vmem>>
    %dma_start3A_2029 = arith.constant 0 : i32
    %dma_start3A_2030 = tpu.memref_slice %arg4[%squeeze3A_2020, %dma_start3A_2029] : memref<1000000x64xf32, #tpu.memory_space<hbm>> -> memref<1x64xf32, #tpu.memory_space<hbm>>
    tpu.enqueue_dma source(%dma_start3A_2030 : memref<1x64xf32, #tpu.memory_space<hbm>>) target(%dma_start3A_2028 : memref<1x64xf32, #tpu.memory_space<vmem>>) target_semaphore(%arg17 : memref<!tpu.dma_semaphore, #tpu.memory_space<semaphore_mem>>)
    %slice3A_2031 = vector.extract_strided_slice %get3A_1955 {offsets = [3], sizes = [1], strides = [1]} : vector<16xi32> to vector<1xi32>
    %squeeze3A_2032 = vector.extract %slice3A_2031[0] : i32 from vector<1xi32>
    %dma_start3A_2033 = arith.constant 83 : i32
    %dma_start3A_2034 = arith.constant 0 : i32
    %dma_start3A_2035 = tpu.memref_slice %arg13[%dma_start3A_2033, %dma_start3A_2034] : memref<128x64xf32, #tpu.memory_space<vmem>> -> memref<1x64xf32, #tpu.memory_space<vmem>>
    %dma_start3A_2036 = arith.constant 0 : i32
    %dma_start3A_2037 = tpu.memref_slice %arg4[%squeeze3A_2032, %dma_start3A_2036] : memref<1000000x64xf32, #tpu.memory_space<hbm>> -> memref<1x64xf32, #tpu.memory_space<hbm>>
    %dma_start3A_2038 = arith.constant 83 : i32
    %dma_start3A_2039 = arith.constant 0 : i32
    %dma_start3A_2040 = tpu.memref_slice %arg13[%dma_start3A_2038, %dma_start3A_2039] : memref<128x64xf32, #tpu.memory_space<vmem>> -> memref<1x64xf32, #tpu.memory_space<vmem>>
    %dma_start3A_2041 = arith.constant 0 : i32
    %dma_start3A_2042 = tpu.memref_slice %arg4[%squeeze3A_2032, %dma_start3A_2041] : memref<1000000x64xf32, #tpu.memory_space<hbm>> -> memref<1x64xf32, #tpu.memory_space<hbm>>
    tpu.enqueue_dma source(%dma_start3A_2042 : memref<1x64xf32, #tpu.memory_space<hbm>>) target(%dma_start3A_2040 : memref<1x64xf32, #tpu.memory_space<vmem>>) target_semaphore(%arg17 : memref<!tpu.dma_semaphore, #tpu.memory_space<semaphore_mem>>)
    %slice3A_2043 = vector.extract_strided_slice %get3A_1958 {offsets = [3], sizes = [1], strides = [1]} : vector<16xi32> to vector<1xi32>
    %squeeze3A_2044 = vector.extract %slice3A_2043[0] : i32 from vector<1xi32>
    %dma_start3A_2045 = arith.constant 83 : i32
    %dma_start3A_2046 = arith.constant 0 : i32
    %dma_start3A_2047 = tpu.memref_slice %arg14[%dma_start3A_2045, %dma_start3A_2046] : memref<128x64xf32, #tpu.memory_space<vmem>> -> memref<1x64xf32, #tpu.memory_space<vmem>>
    %dma_start3A_2048 = arith.constant 0 : i32
    %dma_start3A_2049 = tpu.memref_slice %arg4[%squeeze3A_2044, %dma_start3A_2048] : memref<1000000x64xf32, #tpu.memory_space<hbm>> -> memref<1x64xf32, #tpu.memory_space<hbm>>
    %dma_start3A_2050 = arith.constant 83 : i32
    %dma_start3A_2051 = arith.constant 0 : i32
    %dma_start3A_2052 = tpu.memref_slice %arg14[%dma_start3A_2050, %dma_start3A_2051] : memref<128x64xf32, #tpu.memory_space<vmem>> -> memref<1x64xf32, #tpu.memory_space<vmem>>
    %dma_start3A_2053 = arith.constant 0 : i32
    %dma_start3A_2054 = tpu.memref_slice %arg4[%squeeze3A_2044, %dma_start3A_2053] : memref<1000000x64xf32, #tpu.memory_space<hbm>> -> memref<1x64xf32, #tpu.memory_space<hbm>>
    tpu.enqueue_dma source(%dma_start3A_2054 : memref<1x64xf32, #tpu.memory_space<hbm>>) target(%dma_start3A_2052 : memref<1x64xf32, #tpu.memory_space<vmem>>) target_semaphore(%arg17 : memref<!tpu.dma_semaphore, #tpu.memory_space<semaphore_mem>>)
    %slice3A_2055 = vector.extract_strided_slice %get3A_1955 {offsets = [4], sizes = [1], strides = [1]} : vector<16xi32> to vector<1xi32>
    %squeeze3A_2056 = vector.extract %slice3A_2055[0] : i32 from vector<1xi32>
    %dma_start3A_2057 = arith.constant 84 : i32
    %dma_start3A_2058 = arith.constant 0 : i32
    %dma_start3A_2059 = tpu.memref_slice %arg13[%dma_start3A_2057, %dma_start3A_2058] : memref<128x64xf32, #tpu.memory_space<vmem>> -> memref<1x64xf32, #tpu.memory_space<vmem>>
    %dma_start3A_2060 = arith.constant 0 : i32
    %dma_start3A_2061 = tpu.memref_slice %arg4[%squeeze3A_2056, %dma_start3A_2060] : memref<1000000x64xf32, #tpu.memory_space<hbm>> -> memref<1x64xf32, #tpu.memory_space<hbm>>
    %dma_start3A_2062 = arith.constant 84 : i32
    %dma_start3A_2063 = arith.constant 0 : i32
    %dma_start3A_2064 = tpu.memref_slice %arg13[%dma_start3A_2062, %dma_start3A_2063] : memref<128x64xf32, #tpu.memory_space<vmem>> -> memref<1x64xf32, #tpu.memory_space<vmem>>
    %dma_start3A_2065 = arith.constant 0 : i32
    %dma_start3A_2066 = tpu.memref_slice %arg4[%squeeze3A_2056, %dma_start3A_2065] : memref<1000000x64xf32, #tpu.memory_space<hbm>> -> memref<1x64xf32, #tpu.memory_space<hbm>>
    tpu.enqueue_dma source(%dma_start3A_2066 : memref<1x64xf32, #tpu.memory_space<hbm>>) target(%dma_start3A_2064 : memref<1x64xf32, #tpu.memory_space<vmem>>) target_semaphore(%arg17 : memref<!tpu.dma_semaphore, #tpu.memory_space<semaphore_mem>>)
    %slice3A_2067 = vector.extract_strided_slice %get3A_1958 {offsets = [4], sizes = [1], strides = [1]} : vector<16xi32> to vector<1xi32>
    %squeeze3A_2068 = vector.extract %slice3A_2067[0] : i32 from vector<1xi32>
    %dma_start3A_2069 = arith.constant 84 : i32
    %dma_start3A_2070 = arith.constant 0 : i32
    %dma_start3A_2071 = tpu.memref_slice %arg14[%dma_start3A_2069, %dma_start3A_2070] : memref<128x64xf32, #tpu.memory_space<vmem>> -> memref<1x64xf32, #tpu.memory_space<vmem>>
    %dma_start3A_2072 = arith.constant 0 : i32
    %dma_start3A_2073 = tpu.memref_slice %arg4[%squeeze3A_2068, %dma_start3A_2072] : memref<1000000x64xf32, #tpu.memory_space<hbm>> -> memref<1x64xf32, #tpu.memory_space<hbm>>
    %dma_start3A_2074 = arith.constant 84 : i32
    %dma_start3A_2075 = arith.constant 0 : i32
    %dma_start3A_2076 = tpu.memref_slice %arg14[%dma_start3A_2074, %dma_start3A_2075] : memref<128x64xf32, #tpu.memory_space<vmem>> -> memref<1x64xf32, #tpu.memory_space<vmem>>
    %dma_start3A_2077 = arith.constant 0 : i32
    %dma_start3A_2078 = tpu.memref_slice %arg4[%squeeze3A_2068, %dma_start3A_2077] : memref<1000000x64xf32, #tpu.memory_space<hbm>> -> memref<1x64xf32, #tpu.memory_space<hbm>>
    tpu.enqueue_dma source(%dma_start3A_2078 : memref<1x64xf32, #tpu.memory_space<hbm>>) target(%dma_start3A_2076 : memref<1x64xf32, #tpu.memory_space<vmem>>) target_semaphore(%arg17 : memref<!tpu.dma_semaphore, #tpu.memory_space<semaphore_mem>>)
    %slice3A_2079 = vector.extract_strided_slice %get3A_1955 {offsets = [5], sizes = [1], strides = [1]} : vector<16xi32> to vector<1xi32>
    %squeeze3A_2080 = vector.extract %slice3A_2079[0] : i32 from vector<1xi32>
    %dma_start3A_2081 = arith.constant 85 : i32
    %dma_start3A_2082 = arith.constant 0 : i32
    %dma_start3A_2083 = tpu.memref_slice %arg13[%dma_start3A_2081, %dma_start3A_2082] : memref<128x64xf32, #tpu.memory_space<vmem>> -> memref<1x64xf32, #tpu.memory_space<vmem>>
    %dma_start3A_2084 = arith.constant 0 : i32
    %dma_start3A_2085 = tpu.memref_slice %arg4[%squeeze3A_2080, %dma_start3A_2084] : memref<1000000x64xf32, #tpu.memory_space<hbm>> -> memref<1x64xf32, #tpu.memory_space<hbm>>
    %dma_start3A_2086 = arith.constant 85 : i32
    %dma_start3A_2087 = arith.constant 0 : i32
    %dma_start3A_2088 = tpu.memref_slice %arg13[%dma_start3A_2086, %dma_start3A_2087] : memref<128x64xf32, #tpu.memory_space<vmem>> -> memref<1x64xf32, #tpu.memory_space<vmem>>
    %dma_start3A_2089 = arith.constant 0 : i32
    %dma_start3A_2090 = tpu.memref_slice %arg4[%squeeze3A_2080, %dma_start3A_2089] : memref<1000000x64xf32, #tpu.memory_space<hbm>> -> memref<1x64xf32, #tpu.memory_space<hbm>>
    tpu.enqueue_dma source(%dma_start3A_2090 : memref<1x64xf32, #tpu.memory_space<hbm>>) target(%dma_start3A_2088 : memref<1x64xf32, #tpu.memory_space<vmem>>) target_semaphore(%arg17 : memref<!tpu.dma_semaphore, #tpu.memory_space<semaphore_mem>>)
    %slice3A_2091 = vector.extract_strided_slice %get3A_1958 {offsets = [5], sizes = [1], strides = [1]} : vector<16xi32> to vector<1xi32>
    %squeeze3A_2092 = vector.extract %slice3A_2091[0] : i32 from vector<1xi32>
    %dma_start3A_2093 = arith.constant 85 : i32
    %dma_start3A_2094 = arith.constant 0 : i32
    %dma_start3A_2095 = tpu.memref_slice %arg14[%dma_start3A_2093, %dma_start3A_2094] : memref<128x64xf32, #tpu.memory_space<vmem>> -> memref<1x64xf32, #tpu.memory_space<vmem>>
    %dma_start3A_2096 = arith.constant 0 : i32
    %dma_start3A_2097 = tpu.memref_slice %arg4[%squeeze3A_2092, %dma_start3A_2096] : memref<1000000x64xf32, #tpu.memory_space<hbm>> -> memref<1x64xf32, #tpu.memory_space<hbm>>
    %dma_start3A_2098 = arith.constant 85 : i32
    %dma_start3A_2099 = arith.constant 0 : i32
    %dma_start3A_2100 = tpu.memref_slice %arg14[%dma_start3A_2098, %dma_start3A_2099] : memref<128x64xf32, #tpu.memory_space<vmem>> -> memref<1x64xf32, #tpu.memory_space<vmem>>
    %dma_start3A_2101 = arith.constant 0 : i32
    %dma_start3A_2102 = tpu.memref_slice %arg4[%squeeze3A_2092, %dma_start3A_2101] : memref<1000000x64xf32, #tpu.memory_space<hbm>> -> memref<1x64xf32, #tpu.memory_space<hbm>>
    tpu.enqueue_dma source(%dma_start3A_2102 : memref<1x64xf32, #tpu.memory_space<hbm>>) target(%dma_start3A_2100 : memref<1x64xf32, #tpu.memory_space<vmem>>) target_semaphore(%arg17 : memref<!tpu.dma_semaphore, #tpu.memory_space<semaphore_mem>>)
    %slice3A_2103 = vector.extract_strided_slice %get3A_1955 {offsets = [6], sizes = [1], strides = [1]} : vector<16xi32> to vector<1xi32>
    %squeeze3A_2104 = vector.extract %slice3A_2103[0] : i32 from vector<1xi32>
    %dma_start3A_2105 = arith.constant 86 : i32
    %dma_start3A_2106 = arith.constant 0 : i32
    %dma_start3A_2107 = tpu.memref_slice %arg13[%dma_start3A_2105, %dma_start3A_2106] : memref<128x64xf32, #tpu.memory_space<vmem>> -> memref<1x64xf32, #tpu.memory_space<vmem>>
    %dma_start3A_2108 = arith.constant 0 : i32
    %dma_start3A_2109 = tpu.memref_slice %arg4[%squeeze3A_2104, %dma_start3A_2108] : memref<1000000x64xf32, #tpu.memory_space<hbm>> -> memref<1x64xf32, #tpu.memory_space<hbm>>
    %dma_start3A_2110 = arith.constant 86 : i32
    %dma_start3A_2111 = arith.constant 0 : i32
    %dma_start3A_2112 = tpu.memref_slice %arg13[%dma_start3A_2110, %dma_start3A_2111] : memref<128x64xf32, #tpu.memory_space<vmem>> -> memref<1x64xf32, #tpu.memory_space<vmem>>
    %dma_start3A_2113 = arith.constant 0 : i32
    %dma_start3A_2114 = tpu.memref_slice %arg4[%squeeze3A_2104, %dma_start3A_2113] : memref<1000000x64xf32, #tpu.memory_space<hbm>> -> memref<1x64xf32, #tpu.memory_space<hbm>>
    tpu.enqueue_dma source(%dma_start3A_2114 : memref<1x64xf32, #tpu.memory_space<hbm>>) target(%dma_start3A_2112 : memref<1x64xf32, #tpu.memory_space<vmem>>) target_semaphore(%arg17 : memref<!tpu.dma_semaphore, #tpu.memory_space<semaphore_mem>>)
    %slice3A_2115 = vector.extract_strided_slice %get3A_1958 {offsets = [6], sizes = [1], strides = [1]} : vector<16xi32> to vector<1xi32>
    %squeeze3A_2116 = vector.extract %slice3A_2115[0] : i32 from vector<1xi32>
    %dma_start3A_2117 = arith.constant 86 : i32
    %dma_start3A_2118 = arith.constant 0 : i32
    %dma_start3A_2119 = tpu.memref_slice %arg14[%dma_start3A_2117, %dma_start3A_2118] : memref<128x64xf32, #tpu.memory_space<vmem>> -> memref<1x64xf32, #tpu.memory_space<vmem>>
    %dma_start3A_2120 = arith.constant 0 : i32
    %dma_start3A_2121 = tpu.memref_slice %arg4[%squeeze3A_2116, %dma_start3A_2120] : memref<1000000x64xf32, #tpu.memory_space<hbm>> -> memref<1x64xf32, #tpu.memory_space<hbm>>
    %dma_start3A_2122 = arith.constant 86 : i32
    %dma_start3A_2123 = arith.constant 0 : i32
    %dma_start3A_2124 = tpu.memref_slice %arg14[%dma_start3A_2122, %dma_start3A_2123] : memref<128x64xf32, #tpu.memory_space<vmem>> -> memref<1x64xf32, #tpu.memory_space<vmem>>
    %dma_start3A_2125 = arith.constant 0 : i32
    %dma_start3A_2126 = tpu.memref_slice %arg4[%squeeze3A_2116, %dma_start3A_2125] : memref<1000000x64xf32, #tpu.memory_space<hbm>> -> memref<1x64xf32, #tpu.memory_space<hbm>>
    tpu.enqueue_dma source(%dma_start3A_2126 : memref<1x64xf32, #tpu.memory_space<hbm>>) target(%dma_start3A_2124 : memref<1x64xf32, #tpu.memory_space<vmem>>) target_semaphore(%arg17 : memref<!tpu.dma_semaphore, #tpu.memory_space<semaphore_mem>>)
    %slice3A_2127 = vector.extract_strided_slice %get3A_1955 {offsets = [7], sizes = [1], strides = [1]} : vector<16xi32> to vector<1xi32>
    %squeeze3A_2128 = vector.extract %slice3A_2127[0] : i32 from vector<1xi32>
    %dma_start3A_2129 = arith.constant 87 : i32
    %dma_start3A_2130 = arith.constant 0 : i32
    %dma_start3A_2131 = tpu.memref_slice %arg13[%dma_start3A_2129, %dma_start3A_2130] : memref<128x64xf32, #tpu.memory_space<vmem>> -> memref<1x64xf32, #tpu.memory_space<vmem>>
    %dma_start3A_2132 = arith.constant 0 : i32
    %dma_start3A_2133 = tpu.memref_slice %arg4[%squeeze3A_2128, %dma_start3A_2132] : memref<1000000x64xf32, #tpu.memory_space<hbm>> -> memref<1x64xf32, #tpu.memory_space<hbm>>
    %dma_start3A_2134 = arith.constant 87 : i32
    %dma_start3A_2135 = arith.constant 0 : i32
    %dma_start3A_2136 = tpu.memref_slice %arg13[%dma_start3A_2134, %dma_start3A_2135] : memref<128x64xf32, #tpu.memory_space<vmem>> -> memref<1x64xf32, #tpu.memory_space<vmem>>
    %dma_start3A_2137 = arith.constant 0 : i32
    %dma_start3A_2138 = tpu.memref_slice %arg4[%squeeze3A_2128, %dma_start3A_2137] : memref<1000000x64xf32, #tpu.memory_space<hbm>> -> memref<1x64xf32, #tpu.memory_space<hbm>>
    tpu.enqueue_dma source(%dma_start3A_2138 : memref<1x64xf32, #tpu.memory_space<hbm>>) target(%dma_start3A_2136 : memref<1x64xf32, #tpu.memory_space<vmem>>) target_semaphore(%arg17 : memref<!tpu.dma_semaphore, #tpu.memory_space<semaphore_mem>>)
    %slice3A_2139 = vector.extract_strided_slice %get3A_1958 {offsets = [7], sizes = [1], strides = [1]} : vector<16xi32> to vector<1xi32>
    %squeeze3A_2140 = vector.extract %slice3A_2139[0] : i32 from vector<1xi32>
    %dma_start3A_2141 = arith.constant 87 : i32
    %dma_start3A_2142 = arith.constant 0 : i32
    %dma_start3A_2143 = tpu.memref_slice %arg14[%dma_start3A_2141, %dma_start3A_2142] : memref<128x64xf32, #tpu.memory_space<vmem>> -> memref<1x64xf32, #tpu.memory_space<vmem>>
    %dma_start3A_2144 = arith.constant 0 : i32
    %dma_start3A_2145 = tpu.memref_slice %arg4[%squeeze3A_2140, %dma_start3A_2144] : memref<1000000x64xf32, #tpu.memory_space<hbm>> -> memref<1x64xf32, #tpu.memory_space<hbm>>
    %dma_start3A_2146 = arith.constant 87 : i32
    %dma_start3A_2147 = arith.constant 0 : i32
    %dma_start3A_2148 = tpu.memref_slice %arg14[%dma_start3A_2146, %dma_start3A_2147] : memref<128x64xf32, #tpu.memory_space<vmem>> -> memref<1x64xf32, #tpu.memory_space<vmem>>
    %dma_start3A_2149 = arith.constant 0 : i32
    %dma_start3A_2150 = tpu.memref_slice %arg4[%squeeze3A_2140, %dma_start3A_2149] : memref<1000000x64xf32, #tpu.memory_space<hbm>> -> memref<1x64xf32, #tpu.memory_space<hbm>>
    tpu.enqueue_dma source(%dma_start3A_2150 : memref<1x64xf32, #tpu.memory_space<hbm>>) target(%dma_start3A_2148 : memref<1x64xf32, #tpu.memory_space<vmem>>) target_semaphore(%arg17 : memref<!tpu.dma_semaphore, #tpu.memory_space<semaphore_mem>>)
    %slice3A_2151 = vector.extract_strided_slice %get3A_1955 {offsets = [8], sizes = [1], strides = [1]} : vector<16xi32> to vector<1xi32>
    %squeeze3A_2152 = vector.extract %slice3A_2151[0] : i32 from vector<1xi32>
    %dma_start3A_2153 = arith.constant 88 : i32
    %dma_start3A_2154 = arith.constant 0 : i32
    %dma_start3A_2155 = tpu.memref_slice %arg13[%dma_start3A_2153, %dma_start3A_2154] : memref<128x64xf32, #tpu.memory_space<vmem>> -> memref<1x64xf32, #tpu.memory_space<vmem>>
    %dma_start3A_2156 = arith.constant 0 : i32
    %dma_start3A_2157 = tpu.memref_slice %arg4[%squeeze3A_2152, %dma_start3A_2156] : memref<1000000x64xf32, #tpu.memory_space<hbm>> -> memref<1x64xf32, #tpu.memory_space<hbm>>
    %dma_start3A_2158 = arith.constant 88 : i32
    %dma_start3A_2159 = arith.constant 0 : i32
    %dma_start3A_2160 = tpu.memref_slice %arg13[%dma_start3A_2158, %dma_start3A_2159] : memref<128x64xf32, #tpu.memory_space<vmem>> -> memref<1x64xf32, #tpu.memory_space<vmem>>
    %dma_start3A_2161 = arith.constant 0 : i32
    %dma_start3A_2162 = tpu.memref_slice %arg4[%squeeze3A_2152, %dma_start3A_2161] : memref<1000000x64xf32, #tpu.memory_space<hbm>> -> memref<1x64xf32, #tpu.memory_space<hbm>>
    tpu.enqueue_dma source(%dma_start3A_2162 : memref<1x64xf32, #tpu.memory_space<hbm>>) target(%dma_start3A_2160 : memref<1x64xf32, #tpu.memory_space<vmem>>) target_semaphore(%arg17 : memref<!tpu.dma_semaphore, #tpu.memory_space<semaphore_mem>>)
    %slice3A_2163 = vector.extract_strided_slice %get3A_1958 {offsets = [8], sizes = [1], strides = [1]} : vector<16xi32> to vector<1xi32>
    %squeeze3A_2164 = vector.extract %slice3A_2163[0] : i32 from vector<1xi32>
    %dma_start3A_2165 = arith.constant 88 : i32
    %dma_start3A_2166 = arith.constant 0 : i32
    %dma_start3A_2167 = tpu.memref_slice %arg14[%dma_start3A_2165, %dma_start3A_2166] : memref<128x64xf32, #tpu.memory_space<vmem>> -> memref<1x64xf32, #tpu.memory_space<vmem>>
    %dma_start3A_2168 = arith.constant 0 : i32
    %dma_start3A_2169 = tpu.memref_slice %arg4[%squeeze3A_2164, %dma_start3A_2168] : memref<1000000x64xf32, #tpu.memory_space<hbm>> -> memref<1x64xf32, #tpu.memory_space<hbm>>
    %dma_start3A_2170 = arith.constant 88 : i32
    %dma_start3A_2171 = arith.constant 0 : i32
    %dma_start3A_2172 = tpu.memref_slice %arg14[%dma_start3A_2170, %dma_start3A_2171] : memref<128x64xf32, #tpu.memory_space<vmem>> -> memref<1x64xf32, #tpu.memory_space<vmem>>
    %dma_start3A_2173 = arith.constant 0 : i32
    %dma_start3A_2174 = tpu.memref_slice %arg4[%squeeze3A_2164, %dma_start3A_2173] : memref<1000000x64xf32, #tpu.memory_space<hbm>> -> memref<1x64xf32, #tpu.memory_space<hbm>>
    tpu.enqueue_dma source(%dma_start3A_2174 : memref<1x64xf32, #tpu.memory_space<hbm>>) target(%dma_start3A_2172 : memref<1x64xf32, #tpu.memory_space<vmem>>) target_semaphore(%arg17 : memref<!tpu.dma_semaphore, #tpu.memory_space<semaphore_mem>>)
    %slice3A_2175 = vector.extract_strided_slice %get3A_1955 {offsets = [9], sizes = [1], strides = [1]} : vector<16xi32> to vector<1xi32>
    %squeeze3A_2176 = vector.extract %slice3A_2175[0] : i32 from vector<1xi32>
    %dma_start3A_2177 = arith.constant 89 : i32
    %dma_start3A_2178 = arith.constant 0 : i32
    %dma_start3A_2179 = tpu.memref_slice %arg13[%dma_start3A_2177, %dma_start3A_2178] : memref<128x64xf32, #tpu.memory_space<vmem>> -> memref<1x64xf32, #tpu.memory_space<vmem>>
    %dma_start3A_2180 = arith.constant 0 : i32
    %dma_start3A_2181 = tpu.memref_slice %arg4[%squeeze3A_2176, %dma_start3A_2180] : memref<1000000x64xf32, #tpu.memory_space<hbm>> -> memref<1x64xf32, #tpu.memory_space<hbm>>
    %dma_start3A_2182 = arith.constant 89 : i32
    %dma_start3A_2183 = arith.constant 0 : i32
    %dma_start3A_2184 = tpu.memref_slice %arg13[%dma_start3A_2182, %dma_start3A_2183] : memref<128x64xf32, #tpu.memory_space<vmem>> -> memref<1x64xf32, #tpu.memory_space<vmem>>
    %dma_start3A_2185 = arith.constant 0 : i32
    %dma_start3A_2186 = tpu.memref_slice %arg4[%squeeze3A_2176, %dma_start3A_2185] : memref<1000000x64xf32, #tpu.memory_space<hbm>> -> memref<1x64xf32, #tpu.memory_space<hbm>>
    tpu.enqueue_dma source(%dma_start3A_2186 : memref<1x64xf32, #tpu.memory_space<hbm>>) target(%dma_start3A_2184 : memref<1x64xf32, #tpu.memory_space<vmem>>) target_semaphore(%arg17 : memref<!tpu.dma_semaphore, #tpu.memory_space<semaphore_mem>>)
    %slice3A_2187 = vector.extract_strided_slice %get3A_1958 {offsets = [9], sizes = [1], strides = [1]} : vector<16xi32> to vector<1xi32>
    %squeeze3A_2188 = vector.extract %slice3A_2187[0] : i32 from vector<1xi32>
    %dma_start3A_2189 = arith.constant 89 : i32
    %dma_start3A_2190 = arith.constant 0 : i32
    %dma_start3A_2191 = tpu.memref_slice %arg14[%dma_start3A_2189, %dma_start3A_2190] : memref<128x64xf32, #tpu.memory_space<vmem>> -> memref<1x64xf32, #tpu.memory_space<vmem>>
    %dma_start3A_2192 = arith.constant 0 : i32
    %dma_start3A_2193 = tpu.memref_slice %arg4[%squeeze3A_2188, %dma_start3A_2192] : memref<1000000x64xf32, #tpu.memory_space<hbm>> -> memref<1x64xf32, #tpu.memory_space<hbm>>
    %dma_start3A_2194 = arith.constant 89 : i32
    %dma_start3A_2195 = arith.constant 0 : i32
    %dma_start3A_2196 = tpu.memref_slice %arg14[%dma_start3A_2194, %dma_start3A_2195] : memref<128x64xf32, #tpu.memory_space<vmem>> -> memref<1x64xf32, #tpu.memory_space<vmem>>
    %dma_start3A_2197 = arith.constant 0 : i32
    %dma_start3A_2198 = tpu.memref_slice %arg4[%squeeze3A_2188, %dma_start3A_2197] : memref<1000000x64xf32, #tpu.memory_space<hbm>> -> memref<1x64xf32, #tpu.memory_space<hbm>>
    tpu.enqueue_dma source(%dma_start3A_2198 : memref<1x64xf32, #tpu.memory_space<hbm>>) target(%dma_start3A_2196 : memref<1x64xf32, #tpu.memory_space<vmem>>) target_semaphore(%arg17 : memref<!tpu.dma_semaphore, #tpu.memory_space<semaphore_mem>>)
    %slice3A_2199 = vector.extract_strided_slice %get3A_1955 {offsets = [10], sizes = [1], strides = [1]} : vector<16xi32> to vector<1xi32>
    %squeeze3A_2200 = vector.extract %slice3A_2199[0] : i32 from vector<1xi32>
    %dma_start3A_2201 = arith.constant 90 : i32
    %dma_start3A_2202 = arith.constant 0 : i32
    %dma_start3A_2203 = tpu.memref_slice %arg13[%dma_start3A_2201, %dma_start3A_2202] : memref<128x64xf32, #tpu.memory_space<vmem>> -> memref<1x64xf32, #tpu.memory_space<vmem>>
    %dma_start3A_2204 = arith.constant 0 : i32
    %dma_start3A_2205 = tpu.memref_slice %arg4[%squeeze3A_2200, %dma_start3A_2204] : memref<1000000x64xf32, #tpu.memory_space<hbm>> -> memref<1x64xf32, #tpu.memory_space<hbm>>
    %dma_start3A_2206 = arith.constant 90 : i32
    %dma_start3A_2207 = arith.constant 0 : i32
    %dma_start3A_2208 = tpu.memref_slice %arg13[%dma_start3A_2206, %dma_start3A_2207] : memref<128x64xf32, #tpu.memory_space<vmem>> -> memref<1x64xf32, #tpu.memory_space<vmem>>
    %dma_start3A_2209 = arith.constant 0 : i32
    %dma_start3A_2210 = tpu.memref_slice %arg4[%squeeze3A_2200, %dma_start3A_2209] : memref<1000000x64xf32, #tpu.memory_space<hbm>> -> memref<1x64xf32, #tpu.memory_space<hbm>>
    tpu.enqueue_dma source(%dma_start3A_2210 : memref<1x64xf32, #tpu.memory_space<hbm>>) target(%dma_start3A_2208 : memref<1x64xf32, #tpu.memory_space<vmem>>) target_semaphore(%arg17 : memref<!tpu.dma_semaphore, #tpu.memory_space<semaphore_mem>>)
    %slice3A_2211 = vector.extract_strided_slice %get3A_1958 {offsets = [10], sizes = [1], strides = [1]} : vector<16xi32> to vector<1xi32>
    %squeeze3A_2212 = vector.extract %slice3A_2211[0] : i32 from vector<1xi32>
    %dma_start3A_2213 = arith.constant 90 : i32
    %dma_start3A_2214 = arith.constant 0 : i32
    %dma_start3A_2215 = tpu.memref_slice %arg14[%dma_start3A_2213, %dma_start3A_2214] : memref<128x64xf32, #tpu.memory_space<vmem>> -> memref<1x64xf32, #tpu.memory_space<vmem>>
    %dma_start3A_2216 = arith.constant 0 : i32
    %dma_start3A_2217 = tpu.memref_slice %arg4[%squeeze3A_2212, %dma_start3A_2216] : memref<1000000x64xf32, #tpu.memory_space<hbm>> -> memref<1x64xf32, #tpu.memory_space<hbm>>
    %dma_start3A_2218 = arith.constant 90 : i32
    %dma_start3A_2219 = arith.constant 0 : i32
    %dma_start3A_2220 = tpu.memref_slice %arg14[%dma_start3A_2218, %dma_start3A_2219] : memref<128x64xf32, #tpu.memory_space<vmem>> -> memref<1x64xf32, #tpu.memory_space<vmem>>
    %dma_start3A_2221 = arith.constant 0 : i32
    %dma_start3A_2222 = tpu.memref_slice %arg4[%squeeze3A_2212, %dma_start3A_2221] : memref<1000000x64xf32, #tpu.memory_space<hbm>> -> memref<1x64xf32, #tpu.memory_space<hbm>>
    tpu.enqueue_dma source(%dma_start3A_2222 : memref<1x64xf32, #tpu.memory_space<hbm>>) target(%dma_start3A_2220 : memref<1x64xf32, #tpu.memory_space<vmem>>) target_semaphore(%arg17 : memref<!tpu.dma_semaphore, #tpu.memory_space<semaphore_mem>>)
    %slice3A_2223 = vector.extract_strided_slice %get3A_1955 {offsets = [11], sizes = [1], strides = [1]} : vector<16xi32> to vector<1xi32>
    %squeeze3A_2224 = vector.extract %slice3A_2223[0] : i32 from vector<1xi32>
    %dma_start3A_2225 = arith.constant 91 : i32
    %dma_start3A_2226 = arith.constant 0 : i32
    %dma_start3A_2227 = tpu.memref_slice %arg13[%dma_start3A_2225, %dma_start3A_2226] : memref<128x64xf32, #tpu.memory_space<vmem>> -> memref<1x64xf32, #tpu.memory_space<vmem>>
    %dma_start3A_2228 = arith.constant 0 : i32
    %dma_start3A_2229 = tpu.memref_slice %arg4[%squeeze3A_2224, %dma_start3A_2228] : memref<1000000x64xf32, #tpu.memory_space<hbm>> -> memref<1x64xf32, #tpu.memory_space<hbm>>
    %dma_start3A_2230 = arith.constant 91 : i32
    %dma_start3A_2231 = arith.constant 0 : i32
    %dma_start3A_2232 = tpu.memref_slice %arg13[%dma_start3A_2230, %dma_start3A_2231] : memref<128x64xf32, #tpu.memory_space<vmem>> -> memref<1x64xf32, #tpu.memory_space<vmem>>
    %dma_start3A_2233 = arith.constant 0 : i32
    %dma_start3A_2234 = tpu.memref_slice %arg4[%squeeze3A_2224, %dma_start3A_2233] : memref<1000000x64xf32, #tpu.memory_space<hbm>> -> memref<1x64xf32, #tpu.memory_space<hbm>>
    tpu.enqueue_dma source(%dma_start3A_2234 : memref<1x64xf32, #tpu.memory_space<hbm>>) target(%dma_start3A_2232 : memref<1x64xf32, #tpu.memory_space<vmem>>) target_semaphore(%arg17 : memref<!tpu.dma_semaphore, #tpu.memory_space<semaphore_mem>>)
    %slice3A_2235 = vector.extract_strided_slice %get3A_1958 {offsets = [11], sizes = [1], strides = [1]} : vector<16xi32> to vector<1xi32>
    %squeeze3A_2236 = vector.extract %slice3A_2235[0] : i32 from vector<1xi32>
    %dma_start3A_2237 = arith.constant 91 : i32
    %dma_start3A_2238 = arith.constant 0 : i32
    %dma_start3A_2239 = tpu.memref_slice %arg14[%dma_start3A_2237, %dma_start3A_2238] : memref<128x64xf32, #tpu.memory_space<vmem>> -> memref<1x64xf32, #tpu.memory_space<vmem>>
    %dma_start3A_2240 = arith.constant 0 : i32
    %dma_start3A_2241 = tpu.memref_slice %arg4[%squeeze3A_2236, %dma_start3A_2240] : memref<1000000x64xf32, #tpu.memory_space<hbm>> -> memref<1x64xf32, #tpu.memory_space<hbm>>
    %dma_start3A_2242 = arith.constant 91 : i32
    %dma_start3A_2243 = arith.constant 0 : i32
    %dma_start3A_2244 = tpu.memref_slice %arg14[%dma_start3A_2242, %dma_start3A_2243] : memref<128x64xf32, #tpu.memory_space<vmem>> -> memref<1x64xf32, #tpu.memory_space<vmem>>
    %dma_start3A_2245 = arith.constant 0 : i32
    %dma_start3A_2246 = tpu.memref_slice %arg4[%squeeze3A_2236, %dma_start3A_2245] : memref<1000000x64xf32, #tpu.memory_space<hbm>> -> memref<1x64xf32, #tpu.memory_space<hbm>>
    tpu.enqueue_dma source(%dma_start3A_2246 : memref<1x64xf32, #tpu.memory_space<hbm>>) target(%dma_start3A_2244 : memref<1x64xf32, #tpu.memory_space<vmem>>) target_semaphore(%arg17 : memref<!tpu.dma_semaphore, #tpu.memory_space<semaphore_mem>>)
    %slice3A_2247 = vector.extract_strided_slice %get3A_1955 {offsets = [12], sizes = [1], strides = [1]} : vector<16xi32> to vector<1xi32>
    %squeeze3A_2248 = vector.extract %slice3A_2247[0] : i32 from vector<1xi32>
    %dma_start3A_2249 = arith.constant 92 : i32
    %dma_start3A_2250 = arith.constant 0 : i32
    %dma_start3A_2251 = tpu.memref_slice %arg13[%dma_start3A_2249, %dma_start3A_2250] : memref<128x64xf32, #tpu.memory_space<vmem>> -> memref<1x64xf32, #tpu.memory_space<vmem>>
    %dma_start3A_2252 = arith.constant 0 : i32
    %dma_start3A_2253 = tpu.memref_slice %arg4[%squeeze3A_2248, %dma_start3A_2252] : memref<1000000x64xf32, #tpu.memory_space<hbm>> -> memref<1x64xf32, #tpu.memory_space<hbm>>
    %dma_start3A_2254 = arith.constant 92 : i32
    %dma_start3A_2255 = arith.constant 0 : i32
    %dma_start3A_2256 = tpu.memref_slice %arg13[%dma_start3A_2254, %dma_start3A_2255] : memref<128x64xf32, #tpu.memory_space<vmem>> -> memref<1x64xf32, #tpu.memory_space<vmem>>
    %dma_start3A_2257 = arith.constant 0 : i32
    %dma_start3A_2258 = tpu.memref_slice %arg4[%squeeze3A_2248, %dma_start3A_2257] : memref<1000000x64xf32, #tpu.memory_space<hbm>> -> memref<1x64xf32, #tpu.memory_space<hbm>>
    tpu.enqueue_dma source(%dma_start3A_2258 : memref<1x64xf32, #tpu.memory_space<hbm>>) target(%dma_start3A_2256 : memref<1x64xf32, #tpu.memory_space<vmem>>) target_semaphore(%arg17 : memref<!tpu.dma_semaphore, #tpu.memory_space<semaphore_mem>>)
    %slice3A_2259 = vector.extract_strided_slice %get3A_1958 {offsets = [12], sizes = [1], strides = [1]} : vector<16xi32> to vector<1xi32>
    %squeeze3A_2260 = vector.extract %slice3A_2259[0] : i32 from vector<1xi32>
    %dma_start3A_2261 = arith.constant 92 : i32
    %dma_start3A_2262 = arith.constant 0 : i32
    %dma_start3A_2263 = tpu.memref_slice %arg14[%dma_start3A_2261, %dma_start3A_2262] : memref<128x64xf32, #tpu.memory_space<vmem>> -> memref<1x64xf32, #tpu.memory_space<vmem>>
    %dma_start3A_2264 = arith.constant 0 : i32
    %dma_start3A_2265 = tpu.memref_slice %arg4[%squeeze3A_2260, %dma_start3A_2264] : memref<1000000x64xf32, #tpu.memory_space<hbm>> -> memref<1x64xf32, #tpu.memory_space<hbm>>
    %dma_start3A_2266 = arith.constant 92 : i32
    %dma_start3A_2267 = arith.constant 0 : i32
    %dma_start3A_2268 = tpu.memref_slice %arg14[%dma_start3A_2266, %dma_start3A_2267] : memref<128x64xf32, #tpu.memory_space<vmem>> -> memref<1x64xf32, #tpu.memory_space<vmem>>
    %dma_start3A_2269 = arith.constant 0 : i32
    %dma_start3A_2270 = tpu.memref_slice %arg4[%squeeze3A_2260, %dma_start3A_2269] : memref<1000000x64xf32, #tpu.memory_space<hbm>> -> memref<1x64xf32, #tpu.memory_space<hbm>>
    tpu.enqueue_dma source(%dma_start3A_2270 : memref<1x64xf32, #tpu.memory_space<hbm>>) target(%dma_start3A_2268 : memref<1x64xf32, #tpu.memory_space<vmem>>) target_semaphore(%arg17 : memref<!tpu.dma_semaphore, #tpu.memory_space<semaphore_mem>>)
    %slice3A_2271 = vector.extract_strided_slice %get3A_1955 {offsets = [13], sizes = [1], strides = [1]} : vector<16xi32> to vector<1xi32>
    %squeeze3A_2272 = vector.extract %slice3A_2271[0] : i32 from vector<1xi32>
    %dma_start3A_2273 = arith.constant 93 : i32
    %dma_start3A_2274 = arith.constant 0 : i32
    %dma_start3A_2275 = tpu.memref_slice %arg13[%dma_start3A_2273, %dma_start3A_2274] : memref<128x64xf32, #tpu.memory_space<vmem>> -> memref<1x64xf32, #tpu.memory_space<vmem>>
    %dma_start3A_2276 = arith.constant 0 : i32
    %dma_start3A_2277 = tpu.memref_slice %arg4[%squeeze3A_2272, %dma_start3A_2276] : memref<1000000x64xf32, #tpu.memory_space<hbm>> -> memref<1x64xf32, #tpu.memory_space<hbm>>
    %dma_start3A_2278 = arith.constant 93 : i32
    %dma_start3A_2279 = arith.constant 0 : i32
    %dma_start3A_2280 = tpu.memref_slice %arg13[%dma_start3A_2278, %dma_start3A_2279] : memref<128x64xf32, #tpu.memory_space<vmem>> -> memref<1x64xf32, #tpu.memory_space<vmem>>
    %dma_start3A_2281 = arith.constant 0 : i32
    %dma_start3A_2282 = tpu.memref_slice %arg4[%squeeze3A_2272, %dma_start3A_2281] : memref<1000000x64xf32, #tpu.memory_space<hbm>> -> memref<1x64xf32, #tpu.memory_space<hbm>>
    tpu.enqueue_dma source(%dma_start3A_2282 : memref<1x64xf32, #tpu.memory_space<hbm>>) target(%dma_start3A_2280 : memref<1x64xf32, #tpu.memory_space<vmem>>) target_semaphore(%arg17 : memref<!tpu.dma_semaphore, #tpu.memory_space<semaphore_mem>>)
    %slice3A_2283 = vector.extract_strided_slice %get3A_1958 {offsets = [13], sizes = [1], strides = [1]} : vector<16xi32> to vector<1xi32>
    %squeeze3A_2284 = vector.extract %slice3A_2283[0] : i32 from vector<1xi32>
    %dma_start3A_2285 = arith.constant 93 : i32
    %dma_start3A_2286 = arith.constant 0 : i32
    %dma_start3A_2287 = tpu.memref_slice %arg14[%dma_start3A_2285, %dma_start3A_2286] : memref<128x64xf32, #tpu.memory_space<vmem>> -> memref<1x64xf32, #tpu.memory_space<vmem>>
    %dma_start3A_2288 = arith.constant 0 : i32
    %dma_start3A_2289 = tpu.memref_slice %arg4[%squeeze3A_2284, %dma_start3A_2288] : memref<1000000x64xf32, #tpu.memory_space<hbm>> -> memref<1x64xf32, #tpu.memory_space<hbm>>
    %dma_start3A_2290 = arith.constant 93 : i32
    %dma_start3A_2291 = arith.constant 0 : i32
    %dma_start3A_2292 = tpu.memref_slice %arg14[%dma_start3A_2290, %dma_start3A_2291] : memref<128x64xf32, #tpu.memory_space<vmem>> -> memref<1x64xf32, #tpu.memory_space<vmem>>
    %dma_start3A_2293 = arith.constant 0 : i32
    %dma_start3A_2294 = tpu.memref_slice %arg4[%squeeze3A_2284, %dma_start3A_2293] : memref<1000000x64xf32, #tpu.memory_space<hbm>> -> memref<1x64xf32, #tpu.memory_space<hbm>>
    tpu.enqueue_dma source(%dma_start3A_2294 : memref<1x64xf32, #tpu.memory_space<hbm>>) target(%dma_start3A_2292 : memref<1x64xf32, #tpu.memory_space<vmem>>) target_semaphore(%arg17 : memref<!tpu.dma_semaphore, #tpu.memory_space<semaphore_mem>>)
    %slice3A_2295 = vector.extract_strided_slice %get3A_1955 {offsets = [14], sizes = [1], strides = [1]} : vector<16xi32> to vector<1xi32>
    %squeeze3A_2296 = vector.extract %slice3A_2295[0] : i32 from vector<1xi32>
    %dma_start3A_2297 = arith.constant 94 : i32
    %dma_start3A_2298 = arith.constant 0 : i32
    %dma_start3A_2299 = tpu.memref_slice %arg13[%dma_start3A_2297, %dma_start3A_2298] : memref<128x64xf32, #tpu.memory_space<vmem>> -> memref<1x64xf32, #tpu.memory_space<vmem>>
    %dma_start3A_2300 = arith.constant 0 : i32
    %dma_start3A_2301 = tpu.memref_slice %arg4[%squeeze3A_2296, %dma_start3A_2300] : memref<1000000x64xf32, #tpu.memory_space<hbm>> -> memref<1x64xf32, #tpu.memory_space<hbm>>
    %dma_start3A_2302 = arith.constant 94 : i32
    %dma_start3A_2303 = arith.constant 0 : i32
    %dma_start3A_2304 = tpu.memref_slice %arg13[%dma_start3A_2302, %dma_start3A_2303] : memref<128x64xf32, #tpu.memory_space<vmem>> -> memref<1x64xf32, #tpu.memory_space<vmem>>
    %dma_start3A_2305 = arith.constant 0 : i32
    %dma_start3A_2306 = tpu.memref_slice %arg4[%squeeze3A_2296, %dma_start3A_2305] : memref<1000000x64xf32, #tpu.memory_space<hbm>> -> memref<1x64xf32, #tpu.memory_space<hbm>>
    tpu.enqueue_dma source(%dma_start3A_2306 : memref<1x64xf32, #tpu.memory_space<hbm>>) target(%dma_start3A_2304 : memref<1x64xf32, #tpu.memory_space<vmem>>) target_semaphore(%arg17 : memref<!tpu.dma_semaphore, #tpu.memory_space<semaphore_mem>>)
    %slice3A_2307 = vector.extract_strided_slice %get3A_1958 {offsets = [14], sizes = [1], strides = [1]} : vector<16xi32> to vector<1xi32>
    %squeeze3A_2308 = vector.extract %slice3A_2307[0] : i32 from vector<1xi32>
    %dma_start3A_2309 = arith.constant 94 : i32
    %dma_start3A_2310 = arith.constant 0 : i32
    %dma_start3A_2311 = tpu.memref_slice %arg14[%dma_start3A_2309, %dma_start3A_2310] : memref<128x64xf32, #tpu.memory_space<vmem>> -> memref<1x64xf32, #tpu.memory_space<vmem>>
    %dma_start3A_2312 = arith.constant 0 : i32
    %dma_start3A_2313 = tpu.memref_slice %arg4[%squeeze3A_2308, %dma_start3A_2312] : memref<1000000x64xf32, #tpu.memory_space<hbm>> -> memref<1x64xf32, #tpu.memory_space<hbm>>
    %dma_start3A_2314 = arith.constant 94 : i32
    %dma_start3A_2315 = arith.constant 0 : i32
    %dma_start3A_2316 = tpu.memref_slice %arg14[%dma_start3A_2314, %dma_start3A_2315] : memref<128x64xf32, #tpu.memory_space<vmem>> -> memref<1x64xf32, #tpu.memory_space<vmem>>
    %dma_start3A_2317 = arith.constant 0 : i32
    %dma_start3A_2318 = tpu.memref_slice %arg4[%squeeze3A_2308, %dma_start3A_2317] : memref<1000000x64xf32, #tpu.memory_space<hbm>> -> memref<1x64xf32, #tpu.memory_space<hbm>>
    tpu.enqueue_dma source(%dma_start3A_2318 : memref<1x64xf32, #tpu.memory_space<hbm>>) target(%dma_start3A_2316 : memref<1x64xf32, #tpu.memory_space<vmem>>) target_semaphore(%arg17 : memref<!tpu.dma_semaphore, #tpu.memory_space<semaphore_mem>>)
    %slice3A_2319 = vector.extract_strided_slice %get3A_1955 {offsets = [15], sizes = [1], strides = [1]} : vector<16xi32> to vector<1xi32>
    %squeeze3A_2320 = vector.extract %slice3A_2319[0] : i32 from vector<1xi32>
    %dma_start3A_2321 = arith.constant 95 : i32
    %dma_start3A_2322 = arith.constant 0 : i32
    %dma_start3A_2323 = tpu.memref_slice %arg13[%dma_start3A_2321, %dma_start3A_2322] : memref<128x64xf32, #tpu.memory_space<vmem>> -> memref<1x64xf32, #tpu.memory_space<vmem>>
    %dma_start3A_2324 = arith.constant 0 : i32
    %dma_start3A_2325 = tpu.memref_slice %arg4[%squeeze3A_2320, %dma_start3A_2324] : memref<1000000x64xf32, #tpu.memory_space<hbm>> -> memref<1x64xf32, #tpu.memory_space<hbm>>
    %dma_start3A_2326 = arith.constant 95 : i32
    %dma_start3A_2327 = arith.constant 0 : i32
    %dma_start3A_2328 = tpu.memref_slice %arg13[%dma_start3A_2326, %dma_start3A_2327] : memref<128x64xf32, #tpu.memory_space<vmem>> -> memref<1x64xf32, #tpu.memory_space<vmem>>
    %dma_start3A_2329 = arith.constant 0 : i32
    %dma_start3A_2330 = tpu.memref_slice %arg4[%squeeze3A_2320, %dma_start3A_2329] : memref<1000000x64xf32, #tpu.memory_space<hbm>> -> memref<1x64xf32, #tpu.memory_space<hbm>>
    tpu.enqueue_dma source(%dma_start3A_2330 : memref<1x64xf32, #tpu.memory_space<hbm>>) target(%dma_start3A_2328 : memref<1x64xf32, #tpu.memory_space<vmem>>) target_semaphore(%arg17 : memref<!tpu.dma_semaphore, #tpu.memory_space<semaphore_mem>>)
    %slice3A_2331 = vector.extract_strided_slice %get3A_1958 {offsets = [15], sizes = [1], strides = [1]} : vector<16xi32> to vector<1xi32>
    %squeeze3A_2332 = vector.extract %slice3A_2331[0] : i32 from vector<1xi32>
    %dma_start3A_2333 = arith.constant 95 : i32
    %dma_start3A_2334 = arith.constant 0 : i32
    %dma_start3A_2335 = tpu.memref_slice %arg14[%dma_start3A_2333, %dma_start3A_2334] : memref<128x64xf32, #tpu.memory_space<vmem>> -> memref<1x64xf32, #tpu.memory_space<vmem>>
    %dma_start3A_2336 = arith.constant 0 : i32
    %dma_start3A_2337 = tpu.memref_slice %arg4[%squeeze3A_2332, %dma_start3A_2336] : memref<1000000x64xf32, #tpu.memory_space<hbm>> -> memref<1x64xf32, #tpu.memory_space<hbm>>
    %dma_start3A_2338 = arith.constant 95 : i32
    %dma_start3A_2339 = arith.constant 0 : i32
    %dma_start3A_2340 = tpu.memref_slice %arg14[%dma_start3A_2338, %dma_start3A_2339] : memref<128x64xf32, #tpu.memory_space<vmem>> -> memref<1x64xf32, #tpu.memory_space<vmem>>
    %dma_start3A_2341 = arith.constant 0 : i32
    %dma_start3A_2342 = tpu.memref_slice %arg4[%squeeze3A_2332, %dma_start3A_2341] : memref<1000000x64xf32, #tpu.memory_space<hbm>> -> memref<1x64xf32, #tpu.memory_space<hbm>>
    tpu.enqueue_dma source(%dma_start3A_2342 : memref<1x64xf32, #tpu.memory_space<hbm>>) target(%dma_start3A_2340 : memref<1x64xf32, #tpu.memory_space<vmem>>) target_semaphore(%arg17 : memref<!tpu.dma_semaphore, #tpu.memory_space<semaphore_mem>>)
    %get3A_2343 = arith.constant 96 : index
    %get3A_2344 = tpu.vector_load %arg11[%get3A_2343] {strides = array<i32>} : memref<128xi32, #tpu.memory_space<vmem>>, vector<16xi32>,
    %get3A_2345 = vector.shape_cast %get3A_2344 : vector<16xi32> to vector<16xi32>
    %get3A_2346 = arith.constant 96 : index
    %get3A_2347 = tpu.vector_load %arg12[%get3A_2346] {strides = array<i32>} : memref<128xi32, #tpu.memory_space<vmem>>, vector<16xi32>,
    %get3A_2348 = vector.shape_cast %get3A_2347 : vector<16xi32> to vector<16xi32>
    %slice3A_2349 = vector.extract_strided_slice %get3A_2345 {offsets = [0], sizes = [1], strides = [1]} : vector<16xi32> to vector<1xi32>
    %squeeze3A_2350 = vector.extract %slice3A_2349[0] : i32 from vector<1xi32>
    %dma_start3A_2351 = arith.constant 96 : i32
    %dma_start3A_2352 = arith.constant 0 : i32
    %dma_start3A_2353 = tpu.memref_slice %arg13[%dma_start3A_2351, %dma_start3A_2352] : memref<128x64xf32, #tpu.memory_space<vmem>> -> memref<1x64xf32, #tpu.memory_space<vmem>>
    %dma_start3A_2354 = arith.constant 0 : i32
    %dma_start3A_2355 = tpu.memref_slice %arg4[%squeeze3A_2350, %dma_start3A_2354] : memref<1000000x64xf32, #tpu.memory_space<hbm>> -> memref<1x64xf32, #tpu.memory_space<hbm>>
    %dma_start3A_2356 = arith.constant 96 : i32
    %dma_start3A_2357 = arith.constant 0 : i32
    %dma_start3A_2358 = tpu.memref_slice %arg13[%dma_start3A_2356, %dma_start3A_2357] : memref<128x64xf32, #tpu.memory_space<vmem>> -> memref<1x64xf32, #tpu.memory_space<vmem>>
    %dma_start3A_2359 = arith.constant 0 : i32
    %dma_start3A_2360 = tpu.memref_slice %arg4[%squeeze3A_2350, %dma_start3A_2359] : memref<1000000x64xf32, #tpu.memory_space<hbm>> -> memref<1x64xf32, #tpu.memory_space<hbm>>
    tpu.enqueue_dma source(%dma_start3A_2360 : memref<1x64xf32, #tpu.memory_space<hbm>>) target(%dma_start3A_2358 : memref<1x64xf32, #tpu.memory_space<vmem>>) target_semaphore(%arg17 : memref<!tpu.dma_semaphore, #tpu.memory_space<semaphore_mem>>)
    %slice3A_2361 = vector.extract_strided_slice %get3A_2348 {offsets = [0], sizes = [1], strides = [1]} : vector<16xi32> to vector<1xi32>
    %squeeze3A_2362 = vector.extract %slice3A_2361[0] : i32 from vector<1xi32>
    %dma_start3A_2363 = arith.constant 96 : i32
    %dma_start3A_2364 = arith.constant 0 : i32
    %dma_start3A_2365 = tpu.memref_slice %arg14[%dma_start3A_2363, %dma_start3A_2364] : memref<128x64xf32, #tpu.memory_space<vmem>> -> memref<1x64xf32, #tpu.memory_space<vmem>>
    %dma_start3A_2366 = arith.constant 0 : i32
    %dma_start3A_2367 = tpu.memref_slice %arg4[%squeeze3A_2362, %dma_start3A_2366] : memref<1000000x64xf32, #tpu.memory_space<hbm>> -> memref<1x64xf32, #tpu.memory_space<hbm>>
    %dma_start3A_2368 = arith.constant 96 : i32
    %dma_start3A_2369 = arith.constant 0 : i32
    %dma_start3A_2370 = tpu.memref_slice %arg14[%dma_start3A_2368, %dma_start3A_2369] : memref<128x64xf32, #tpu.memory_space<vmem>> -> memref<1x64xf32, #tpu.memory_space<vmem>>
    %dma_start3A_2371 = arith.constant 0 : i32
    %dma_start3A_2372 = tpu.memref_slice %arg4[%squeeze3A_2362, %dma_start3A_2371] : memref<1000000x64xf32, #tpu.memory_space<hbm>> -> memref<1x64xf32, #tpu.memory_space<hbm>>
    tpu.enqueue_dma source(%dma_start3A_2372 : memref<1x64xf32, #tpu.memory_space<hbm>>) target(%dma_start3A_2370 : memref<1x64xf32, #tpu.memory_space<vmem>>) target_semaphore(%arg17 : memref<!tpu.dma_semaphore, #tpu.memory_space<semaphore_mem>>)
    %slice3A_2373 = vector.extract_strided_slice %get3A_2345 {offsets = [1], sizes = [1], strides = [1]} : vector<16xi32> to vector<1xi32>
    %squeeze3A_2374 = vector.extract %slice3A_2373[0] : i32 from vector<1xi32>
    %dma_start3A_2375 = arith.constant 97 : i32
    %dma_start3A_2376 = arith.constant 0 : i32
    %dma_start3A_2377 = tpu.memref_slice %arg13[%dma_start3A_2375, %dma_start3A_2376] : memref<128x64xf32, #tpu.memory_space<vmem>> -> memref<1x64xf32, #tpu.memory_space<vmem>>
    %dma_start3A_2378 = arith.constant 0 : i32
    %dma_start3A_2379 = tpu.memref_slice %arg4[%squeeze3A_2374, %dma_start3A_2378] : memref<1000000x64xf32, #tpu.memory_space<hbm>> -> memref<1x64xf32, #tpu.memory_space<hbm>>
    %dma_start3A_2380 = arith.constant 97 : i32
    %dma_start3A_2381 = arith.constant 0 : i32
    %dma_start3A_2382 = tpu.memref_slice %arg13[%dma_start3A_2380, %dma_start3A_2381] : memref<128x64xf32, #tpu.memory_space<vmem>> -> memref<1x64xf32, #tpu.memory_space<vmem>>
    %dma_start3A_2383 = arith.constant 0 : i32
    %dma_start3A_2384 = tpu.memref_slice %arg4[%squeeze3A_2374, %dma_start3A_2383] : memref<1000000x64xf32, #tpu.memory_space<hbm>> -> memref<1x64xf32, #tpu.memory_space<hbm>>
    tpu.enqueue_dma source(%dma_start3A_2384 : memref<1x64xf32, #tpu.memory_space<hbm>>) target(%dma_start3A_2382 : memref<1x64xf32, #tpu.memory_space<vmem>>) target_semaphore(%arg17 : memref<!tpu.dma_semaphore, #tpu.memory_space<semaphore_mem>>)
    %slice3A_2385 = vector.extract_strided_slice %get3A_2348 {offsets = [1], sizes = [1], strides = [1]} : vector<16xi32> to vector<1xi32>
    %squeeze3A_2386 = vector.extract %slice3A_2385[0] : i32 from vector<1xi32>
    %dma_start3A_2387 = arith.constant 97 : i32
    %dma_start3A_2388 = arith.constant 0 : i32
    %dma_start3A_2389 = tpu.memref_slice %arg14[%dma_start3A_2387, %dma_start3A_2388] : memref<128x64xf32, #tpu.memory_space<vmem>> -> memref<1x64xf32, #tpu.memory_space<vmem>>
    %dma_start3A_2390 = arith.constant 0 : i32
    %dma_start3A_2391 = tpu.memref_slice %arg4[%squeeze3A_2386, %dma_start3A_2390] : memref<1000000x64xf32, #tpu.memory_space<hbm>> -> memref<1x64xf32, #tpu.memory_space<hbm>>
    %dma_start3A_2392 = arith.constant 97 : i32
    %dma_start3A_2393 = arith.constant 0 : i32
    %dma_start3A_2394 = tpu.memref_slice %arg14[%dma_start3A_2392, %dma_start3A_2393] : memref<128x64xf32, #tpu.memory_space<vmem>> -> memref<1x64xf32, #tpu.memory_space<vmem>>
    %dma_start3A_2395 = arith.constant 0 : i32
    %dma_start3A_2396 = tpu.memref_slice %arg4[%squeeze3A_2386, %dma_start3A_2395] : memref<1000000x64xf32, #tpu.memory_space<hbm>> -> memref<1x64xf32, #tpu.memory_space<hbm>>
    tpu.enqueue_dma source(%dma_start3A_2396 : memref<1x64xf32, #tpu.memory_space<hbm>>) target(%dma_start3A_2394 : memref<1x64xf32, #tpu.memory_space<vmem>>) target_semaphore(%arg17 : memref<!tpu.dma_semaphore, #tpu.memory_space<semaphore_mem>>)
    %slice3A_2397 = vector.extract_strided_slice %get3A_2345 {offsets = [2], sizes = [1], strides = [1]} : vector<16xi32> to vector<1xi32>
    %squeeze3A_2398 = vector.extract %slice3A_2397[0] : i32 from vector<1xi32>
    %dma_start3A_2399 = arith.constant 98 : i32
    %dma_start3A_2400 = arith.constant 0 : i32
    %dma_start3A_2401 = tpu.memref_slice %arg13[%dma_start3A_2399, %dma_start3A_2400] : memref<128x64xf32, #tpu.memory_space<vmem>> -> memref<1x64xf32, #tpu.memory_space<vmem>>
    %dma_start3A_2402 = arith.constant 0 : i32
    %dma_start3A_2403 = tpu.memref_slice %arg4[%squeeze3A_2398, %dma_start3A_2402] : memref<1000000x64xf32, #tpu.memory_space<hbm>> -> memref<1x64xf32, #tpu.memory_space<hbm>>
    %dma_start3A_2404 = arith.constant 98 : i32
    %dma_start3A_2405 = arith.constant 0 : i32
    %dma_start3A_2406 = tpu.memref_slice %arg13[%dma_start3A_2404, %dma_start3A_2405] : memref<128x64xf32, #tpu.memory_space<vmem>> -> memref<1x64xf32, #tpu.memory_space<vmem>>
    %dma_start3A_2407 = arith.constant 0 : i32
    %dma_start3A_2408 = tpu.memref_slice %arg4[%squeeze3A_2398, %dma_start3A_2407] : memref<1000000x64xf32, #tpu.memory_space<hbm>> -> memref<1x64xf32, #tpu.memory_space<hbm>>
    tpu.enqueue_dma source(%dma_start3A_2408 : memref<1x64xf32, #tpu.memory_space<hbm>>) target(%dma_start3A_2406 : memref<1x64xf32, #tpu.memory_space<vmem>>) target_semaphore(%arg17 : memref<!tpu.dma_semaphore, #tpu.memory_space<semaphore_mem>>)
    %slice3A_2409 = vector.extract_strided_slice %get3A_2348 {offsets = [2], sizes = [1], strides = [1]} : vector<16xi32> to vector<1xi32>
    %squeeze3A_2410 = vector.extract %slice3A_2409[0] : i32 from vector<1xi32>
    %dma_start3A_2411 = arith.constant 98 : i32
    %dma_start3A_2412 = arith.constant 0 : i32
    %dma_start3A_2413 = tpu.memref_slice %arg14[%dma_start3A_2411, %dma_start3A_2412] : memref<128x64xf32, #tpu.memory_space<vmem>> -> memref<1x64xf32, #tpu.memory_space<vmem>>
    %dma_start3A_2414 = arith.constant 0 : i32
    %dma_start3A_2415 = tpu.memref_slice %arg4[%squeeze3A_2410, %dma_start3A_2414] : memref<1000000x64xf32, #tpu.memory_space<hbm>> -> memref<1x64xf32, #tpu.memory_space<hbm>>
    %dma_start3A_2416 = arith.constant 98 : i32
    %dma_start3A_2417 = arith.constant 0 : i32
    %dma_start3A_2418 = tpu.memref_slice %arg14[%dma_start3A_2416, %dma_start3A_2417] : memref<128x64xf32, #tpu.memory_space<vmem>> -> memref<1x64xf32, #tpu.memory_space<vmem>>
    %dma_start3A_2419 = arith.constant 0 : i32
    %dma_start3A_2420 = tpu.memref_slice %arg4[%squeeze3A_2410, %dma_start3A_2419] : memref<1000000x64xf32, #tpu.memory_space<hbm>> -> memref<1x64xf32, #tpu.memory_space<hbm>>
    tpu.enqueue_dma source(%dma_start3A_2420 : memref<1x64xf32, #tpu.memory_space<hbm>>) target(%dma_start3A_2418 : memref<1x64xf32, #tpu.memory_space<vmem>>) target_semaphore(%arg17 : memref<!tpu.dma_semaphore, #tpu.memory_space<semaphore_mem>>)
    %slice3A_2421 = vector.extract_strided_slice %get3A_2345 {offsets = [3], sizes = [1], strides = [1]} : vector<16xi32> to vector<1xi32>
    %squeeze3A_2422 = vector.extract %slice3A_2421[0] : i32 from vector<1xi32>
    %dma_start3A_2423 = arith.constant 99 : i32
    %dma_start3A_2424 = arith.constant 0 : i32
    %dma_start3A_2425 = tpu.memref_slice %arg13[%dma_start3A_2423, %dma_start3A_2424] : memref<128x64xf32, #tpu.memory_space<vmem>> -> memref<1x64xf32, #tpu.memory_space<vmem>>
    %dma_start3A_2426 = arith.constant 0 : i32
    %dma_start3A_2427 = tpu.memref_slice %arg4[%squeeze3A_2422, %dma_start3A_2426] : memref<1000000x64xf32, #tpu.memory_space<hbm>> -> memref<1x64xf32, #tpu.memory_space<hbm>>
    %dma_start3A_2428 = arith.constant 99 : i32
    %dma_start3A_2429 = arith.constant 0 : i32
    %dma_start3A_2430 = tpu.memref_slice %arg13[%dma_start3A_2428, %dma_start3A_2429] : memref<128x64xf32, #tpu.memory_space<vmem>> -> memref<1x64xf32, #tpu.memory_space<vmem>>
    %dma_start3A_2431 = arith.constant 0 : i32
    %dma_start3A_2432 = tpu.memref_slice %arg4[%squeeze3A_2422, %dma_start3A_2431] : memref<1000000x64xf32, #tpu.memory_space<hbm>> -> memref<1x64xf32, #tpu.memory_space<hbm>>
    tpu.enqueue_dma source(%dma_start3A_2432 : memref<1x64xf32, #tpu.memory_space<hbm>>) target(%dma_start3A_2430 : memref<1x64xf32, #tpu.memory_space<vmem>>) target_semaphore(%arg17 : memref<!tpu.dma_semaphore, #tpu.memory_space<semaphore_mem>>)
    %slice3A_2433 = vector.extract_strided_slice %get3A_2348 {offsets = [3], sizes = [1], strides = [1]} : vector<16xi32> to vector<1xi32>
    %squeeze3A_2434 = vector.extract %slice3A_2433[0] : i32 from vector<1xi32>
    %dma_start3A_2435 = arith.constant 99 : i32
    %dma_start3A_2436 = arith.constant 0 : i32
    %dma_start3A_2437 = tpu.memref_slice %arg14[%dma_start3A_2435, %dma_start3A_2436] : memref<128x64xf32, #tpu.memory_space<vmem>> -> memref<1x64xf32, #tpu.memory_space<vmem>>
    %dma_start3A_2438 = arith.constant 0 : i32
    %dma_start3A_2439 = tpu.memref_slice %arg4[%squeeze3A_2434, %dma_start3A_2438] : memref<1000000x64xf32, #tpu.memory_space<hbm>> -> memref<1x64xf32, #tpu.memory_space<hbm>>
    %dma_start3A_2440 = arith.constant 99 : i32
    %dma_start3A_2441 = arith.constant 0 : i32
    %dma_start3A_2442 = tpu.memref_slice %arg14[%dma_start3A_2440, %dma_start3A_2441] : memref<128x64xf32, #tpu.memory_space<vmem>> -> memref<1x64xf32, #tpu.memory_space<vmem>>
    %dma_start3A_2443 = arith.constant 0 : i32
    %dma_start3A_2444 = tpu.memref_slice %arg4[%squeeze3A_2434, %dma_start3A_2443] : memref<1000000x64xf32, #tpu.memory_space<hbm>> -> memref<1x64xf32, #tpu.memory_space<hbm>>
    tpu.enqueue_dma source(%dma_start3A_2444 : memref<1x64xf32, #tpu.memory_space<hbm>>) target(%dma_start3A_2442 : memref<1x64xf32, #tpu.memory_space<vmem>>) target_semaphore(%arg17 : memref<!tpu.dma_semaphore, #tpu.memory_space<semaphore_mem>>)
    %slice3A_2445 = vector.extract_strided_slice %get3A_2345 {offsets = [4], sizes = [1], strides = [1]} : vector<16xi32> to vector<1xi32>
    %squeeze3A_2446 = vector.extract %slice3A_2445[0] : i32 from vector<1xi32>
    %dma_start3A_2447 = arith.constant 100 : i32
    %dma_start3A_2448 = arith.constant 0 : i32
    %dma_start3A_2449 = tpu.memref_slice %arg13[%dma_start3A_2447, %dma_start3A_2448] : memref<128x64xf32, #tpu.memory_space<vmem>> -> memref<1x64xf32, #tpu.memory_space<vmem>>
    %dma_start3A_2450 = arith.constant 0 : i32
    %dma_start3A_2451 = tpu.memref_slice %arg4[%squeeze3A_2446, %dma_start3A_2450] : memref<1000000x64xf32, #tpu.memory_space<hbm>> -> memref<1x64xf32, #tpu.memory_space<hbm>>
    %dma_start3A_2452 = arith.constant 100 : i32
    %dma_start3A_2453 = arith.constant 0 : i32
    %dma_start3A_2454 = tpu.memref_slice %arg13[%dma_start3A_2452, %dma_start3A_2453] : memref<128x64xf32, #tpu.memory_space<vmem>> -> memref<1x64xf32, #tpu.memory_space<vmem>>
    %dma_start3A_2455 = arith.constant 0 : i32
    %dma_start3A_2456 = tpu.memref_slice %arg4[%squeeze3A_2446, %dma_start3A_2455] : memref<1000000x64xf32, #tpu.memory_space<hbm>> -> memref<1x64xf32, #tpu.memory_space<hbm>>
    tpu.enqueue_dma source(%dma_start3A_2456 : memref<1x64xf32, #tpu.memory_space<hbm>>) target(%dma_start3A_2454 : memref<1x64xf32, #tpu.memory_space<vmem>>) target_semaphore(%arg17 : memref<!tpu.dma_semaphore, #tpu.memory_space<semaphore_mem>>)
    %slice3A_2457 = vector.extract_strided_slice %get3A_2348 {offsets = [4], sizes = [1], strides = [1]} : vector<16xi32> to vector<1xi32>
    %squeeze3A_2458 = vector.extract %slice3A_2457[0] : i32 from vector<1xi32>
    %dma_start3A_2459 = arith.constant 100 : i32
    %dma_start3A_2460 = arith.constant 0 : i32
    %dma_start3A_2461 = tpu.memref_slice %arg14[%dma_start3A_2459, %dma_start3A_2460] : memref<128x64xf32, #tpu.memory_space<vmem>> -> memref<1x64xf32, #tpu.memory_space<vmem>>
    %dma_start3A_2462 = arith.constant 0 : i32
    %dma_start3A_2463 = tpu.memref_slice %arg4[%squeeze3A_2458, %dma_start3A_2462] : memref<1000000x64xf32, #tpu.memory_space<hbm>> -> memref<1x64xf32, #tpu.memory_space<hbm>>
    %dma_start3A_2464 = arith.constant 100 : i32
    %dma_start3A_2465 = arith.constant 0 : i32
    %dma_start3A_2466 = tpu.memref_slice %arg14[%dma_start3A_2464, %dma_start3A_2465] : memref<128x64xf32, #tpu.memory_space<vmem>> -> memref<1x64xf32, #tpu.memory_space<vmem>>
    %dma_start3A_2467 = arith.constant 0 : i32
    %dma_start3A_2468 = tpu.memref_slice %arg4[%squeeze3A_2458, %dma_start3A_2467] : memref<1000000x64xf32, #tpu.memory_space<hbm>> -> memref<1x64xf32, #tpu.memory_space<hbm>>
    tpu.enqueue_dma source(%dma_start3A_2468 : memref<1x64xf32, #tpu.memory_space<hbm>>) target(%dma_start3A_2466 : memref<1x64xf32, #tpu.memory_space<vmem>>) target_semaphore(%arg17 : memref<!tpu.dma_semaphore, #tpu.memory_space<semaphore_mem>>)
    %slice3A_2469 = vector.extract_strided_slice %get3A_2345 {offsets = [5], sizes = [1], strides = [1]} : vector<16xi32> to vector<1xi32>
    %squeeze3A_2470 = vector.extract %slice3A_2469[0] : i32 from vector<1xi32>
    %dma_start3A_2471 = arith.constant 101 : i32
    %dma_start3A_2472 = arith.constant 0 : i32
    %dma_start3A_2473 = tpu.memref_slice %arg13[%dma_start3A_2471, %dma_start3A_2472] : memref<128x64xf32, #tpu.memory_space<vmem>> -> memref<1x64xf32, #tpu.memory_space<vmem>>
    %dma_start3A_2474 = arith.constant 0 : i32
    %dma_start3A_2475 = tpu.memref_slice %arg4[%squeeze3A_2470, %dma_start3A_2474] : memref<1000000x64xf32, #tpu.memory_space<hbm>> -> memref<1x64xf32, #tpu.memory_space<hbm>>
    %dma_start3A_2476 = arith.constant 101 : i32
    %dma_start3A_2477 = arith.constant 0 : i32
    %dma_start3A_2478 = tpu.memref_slice %arg13[%dma_start3A_2476, %dma_start3A_2477] : memref<128x64xf32, #tpu.memory_space<vmem>> -> memref<1x64xf32, #tpu.memory_space<vmem>>
    %dma_start3A_2479 = arith.constant 0 : i32
    %dma_start3A_2480 = tpu.memref_slice %arg4[%squeeze3A_2470, %dma_start3A_2479] : memref<1000000x64xf32, #tpu.memory_space<hbm>> -> memref<1x64xf32, #tpu.memory_space<hbm>>
    tpu.enqueue_dma source(%dma_start3A_2480 : memref<1x64xf32, #tpu.memory_space<hbm>>) target(%dma_start3A_2478 : memref<1x64xf32, #tpu.memory_space<vmem>>) target_semaphore(%arg17 : memref<!tpu.dma_semaphore, #tpu.memory_space<semaphore_mem>>)
    %slice3A_2481 = vector.extract_strided_slice %get3A_2348 {offsets = [5], sizes = [1], strides = [1]} : vector<16xi32> to vector<1xi32>
    %squeeze3A_2482 = vector.extract %slice3A_2481[0] : i32 from vector<1xi32>
    %dma_start3A_2483 = arith.constant 101 : i32
    %dma_start3A_2484 = arith.constant 0 : i32
    %dma_start3A_2485 = tpu.memref_slice %arg14[%dma_start3A_2483, %dma_start3A_2484] : memref<128x64xf32, #tpu.memory_space<vmem>> -> memref<1x64xf32, #tpu.memory_space<vmem>>
    %dma_start3A_2486 = arith.constant 0 : i32
    %dma_start3A_2487 = tpu.memref_slice %arg4[%squeeze3A_2482, %dma_start3A_2486] : memref<1000000x64xf32, #tpu.memory_space<hbm>> -> memref<1x64xf32, #tpu.memory_space<hbm>>
    %dma_start3A_2488 = arith.constant 101 : i32
    %dma_start3A_2489 = arith.constant 0 : i32
    %dma_start3A_2490 = tpu.memref_slice %arg14[%dma_start3A_2488, %dma_start3A_2489] : memref<128x64xf32, #tpu.memory_space<vmem>> -> memref<1x64xf32, #tpu.memory_space<vmem>>
    %dma_start3A_2491 = arith.constant 0 : i32
    %dma_start3A_2492 = tpu.memref_slice %arg4[%squeeze3A_2482, %dma_start3A_2491] : memref<1000000x64xf32, #tpu.memory_space<hbm>> -> memref<1x64xf32, #tpu.memory_space<hbm>>
    tpu.enqueue_dma source(%dma_start3A_2492 : memref<1x64xf32, #tpu.memory_space<hbm>>) target(%dma_start3A_2490 : memref<1x64xf32, #tpu.memory_space<vmem>>) target_semaphore(%arg17 : memref<!tpu.dma_semaphore, #tpu.memory_space<semaphore_mem>>)
    %slice3A_2493 = vector.extract_strided_slice %get3A_2345 {offsets = [6], sizes = [1], strides = [1]} : vector<16xi32> to vector<1xi32>
    %squeeze3A_2494 = vector.extract %slice3A_2493[0] : i32 from vector<1xi32>
    %dma_start3A_2495 = arith.constant 102 : i32
    %dma_start3A_2496 = arith.constant 0 : i32
    %dma_start3A_2497 = tpu.memref_slice %arg13[%dma_start3A_2495, %dma_start3A_2496] : memref<128x64xf32, #tpu.memory_space<vmem>> -> memref<1x64xf32, #tpu.memory_space<vmem>>
    %dma_start3A_2498 = arith.constant 0 : i32
    %dma_start3A_2499 = tpu.memref_slice %arg4[%squeeze3A_2494, %dma_start3A_2498] : memref<1000000x64xf32, #tpu.memory_space<hbm>> -> memref<1x64xf32, #tpu.memory_space<hbm>>
    %dma_start3A_2500 = arith.constant 102 : i32
    %dma_start3A_2501 = arith.constant 0 : i32
    %dma_start3A_2502 = tpu.memref_slice %arg13[%dma_start3A_2500, %dma_start3A_2501] : memref<128x64xf32, #tpu.memory_space<vmem>> -> memref<1x64xf32, #tpu.memory_space<vmem>>
    %dma_start3A_2503 = arith.constant 0 : i32
    %dma_start3A_2504 = tpu.memref_slice %arg4[%squeeze3A_2494, %dma_start3A_2503] : memref<1000000x64xf32, #tpu.memory_space<hbm>> -> memref<1x64xf32, #tpu.memory_space<hbm>>
    tpu.enqueue_dma source(%dma_start3A_2504 : memref<1x64xf32, #tpu.memory_space<hbm>>) target(%dma_start3A_2502 : memref<1x64xf32, #tpu.memory_space<vmem>>) target_semaphore(%arg17 : memref<!tpu.dma_semaphore, #tpu.memory_space<semaphore_mem>>)
    %slice3A_2505 = vector.extract_strided_slice %get3A_2348 {offsets = [6], sizes = [1], strides = [1]} : vector<16xi32> to vector<1xi32>
    %squeeze3A_2506 = vector.extract %slice3A_2505[0] : i32 from vector<1xi32>
    %dma_start3A_2507 = arith.constant 102 : i32
    %dma_start3A_2508 = arith.constant 0 : i32
    %dma_start3A_2509 = tpu.memref_slice %arg14[%dma_start3A_2507, %dma_start3A_2508] : memref<128x64xf32, #tpu.memory_space<vmem>> -> memref<1x64xf32, #tpu.memory_space<vmem>>
    %dma_start3A_2510 = arith.constant 0 : i32
    %dma_start3A_2511 = tpu.memref_slice %arg4[%squeeze3A_2506, %dma_start3A_2510] : memref<1000000x64xf32, #tpu.memory_space<hbm>> -> memref<1x64xf32, #tpu.memory_space<hbm>>
    %dma_start3A_2512 = arith.constant 102 : i32
    %dma_start3A_2513 = arith.constant 0 : i32
    %dma_start3A_2514 = tpu.memref_slice %arg14[%dma_start3A_2512, %dma_start3A_2513] : memref<128x64xf32, #tpu.memory_space<vmem>> -> memref<1x64xf32, #tpu.memory_space<vmem>>
    %dma_start3A_2515 = arith.constant 0 : i32
    %dma_start3A_2516 = tpu.memref_slice %arg4[%squeeze3A_2506, %dma_start3A_2515] : memref<1000000x64xf32, #tpu.memory_space<hbm>> -> memref<1x64xf32, #tpu.memory_space<hbm>>
    tpu.enqueue_dma source(%dma_start3A_2516 : memref<1x64xf32, #tpu.memory_space<hbm>>) target(%dma_start3A_2514 : memref<1x64xf32, #tpu.memory_space<vmem>>) target_semaphore(%arg17 : memref<!tpu.dma_semaphore, #tpu.memory_space<semaphore_mem>>)
    %slice3A_2517 = vector.extract_strided_slice %get3A_2345 {offsets = [7], sizes = [1], strides = [1]} : vector<16xi32> to vector<1xi32>
    %squeeze3A_2518 = vector.extract %slice3A_2517[0] : i32 from vector<1xi32>
    %dma_start3A_2519 = arith.constant 103 : i32
    %dma_start3A_2520 = arith.constant 0 : i32
    %dma_start3A_2521 = tpu.memref_slice %arg13[%dma_start3A_2519, %dma_start3A_2520] : memref<128x64xf32, #tpu.memory_space<vmem>> -> memref<1x64xf32, #tpu.memory_space<vmem>>
    %dma_start3A_2522 = arith.constant 0 : i32
    %dma_start3A_2523 = tpu.memref_slice %arg4[%squeeze3A_2518, %dma_start3A_2522] : memref<1000000x64xf32, #tpu.memory_space<hbm>> -> memref<1x64xf32, #tpu.memory_space<hbm>>
    %dma_start3A_2524 = arith.constant 103 : i32
    %dma_start3A_2525 = arith.constant 0 : i32
    %dma_start3A_2526 = tpu.memref_slice %arg13[%dma_start3A_2524, %dma_start3A_2525] : memref<128x64xf32, #tpu.memory_space<vmem>> -> memref<1x64xf32, #tpu.memory_space<vmem>>
    %dma_start3A_2527 = arith.constant 0 : i32
    %dma_start3A_2528 = tpu.memref_slice %arg4[%squeeze3A_2518, %dma_start3A_2527] : memref<1000000x64xf32, #tpu.memory_space<hbm>> -> memref<1x64xf32, #tpu.memory_space<hbm>>
    tpu.enqueue_dma source(%dma_start3A_2528 : memref<1x64xf32, #tpu.memory_space<hbm>>) target(%dma_start3A_2526 : memref<1x64xf32, #tpu.memory_space<vmem>>) target_semaphore(%arg17 : memref<!tpu.dma_semaphore, #tpu.memory_space<semaphore_mem>>)
    %slice3A_2529 = vector.extract_strided_slice %get3A_2348 {offsets = [7], sizes = [1], strides = [1]} : vector<16xi32> to vector<1xi32>
    %squeeze3A_2530 = vector.extract %slice3A_2529[0] : i32 from vector<1xi32>
    %dma_start3A_2531 = arith.constant 103 : i32
    %dma_start3A_2532 = arith.constant 0 : i32
    %dma_start3A_2533 = tpu.memref_slice %arg14[%dma_start3A_2531, %dma_start3A_2532] : memref<128x64xf32, #tpu.memory_space<vmem>> -> memref<1x64xf32, #tpu.memory_space<vmem>>
    %dma_start3A_2534 = arith.constant 0 : i32
    %dma_start3A_2535 = tpu.memref_slice %arg4[%squeeze3A_2530, %dma_start3A_2534] : memref<1000000x64xf32, #tpu.memory_space<hbm>> -> memref<1x64xf32, #tpu.memory_space<hbm>>
    %dma_start3A_2536 = arith.constant 103 : i32
    %dma_start3A_2537 = arith.constant 0 : i32
    %dma_start3A_2538 = tpu.memref_slice %arg14[%dma_start3A_2536, %dma_start3A_2537] : memref<128x64xf32, #tpu.memory_space<vmem>> -> memref<1x64xf32, #tpu.memory_space<vmem>>
    %dma_start3A_2539 = arith.constant 0 : i32
    %dma_start3A_2540 = tpu.memref_slice %arg4[%squeeze3A_2530, %dma_start3A_2539] : memref<1000000x64xf32, #tpu.memory_space<hbm>> -> memref<1x64xf32, #tpu.memory_space<hbm>>
    tpu.enqueue_dma source(%dma_start3A_2540 : memref<1x64xf32, #tpu.memory_space<hbm>>) target(%dma_start3A_2538 : memref<1x64xf32, #tpu.memory_space<vmem>>) target_semaphore(%arg17 : memref<!tpu.dma_semaphore, #tpu.memory_space<semaphore_mem>>)
    %slice3A_2541 = vector.extract_strided_slice %get3A_2345 {offsets = [8], sizes = [1], strides = [1]} : vector<16xi32> to vector<1xi32>
    %squeeze3A_2542 = vector.extract %slice3A_2541[0] : i32 from vector<1xi32>
    %dma_start3A_2543 = arith.constant 104 : i32
    %dma_start3A_2544 = arith.constant 0 : i32
    %dma_start3A_2545 = tpu.memref_slice %arg13[%dma_start3A_2543, %dma_start3A_2544] : memref<128x64xf32, #tpu.memory_space<vmem>> -> memref<1x64xf32, #tpu.memory_space<vmem>>
    %dma_start3A_2546 = arith.constant 0 : i32
    %dma_start3A_2547 = tpu.memref_slice %arg4[%squeeze3A_2542, %dma_start3A_2546] : memref<1000000x64xf32, #tpu.memory_space<hbm>> -> memref<1x64xf32, #tpu.memory_space<hbm>>
    %dma_start3A_2548 = arith.constant 104 : i32
    %dma_start3A_2549 = arith.constant 0 : i32
    %dma_start3A_2550 = tpu.memref_slice %arg13[%dma_start3A_2548, %dma_start3A_2549] : memref<128x64xf32, #tpu.memory_space<vmem>> -> memref<1x64xf32, #tpu.memory_space<vmem>>
    %dma_start3A_2551 = arith.constant 0 : i32
    %dma_start3A_2552 = tpu.memref_slice %arg4[%squeeze3A_2542, %dma_start3A_2551] : memref<1000000x64xf32, #tpu.memory_space<hbm>> -> memref<1x64xf32, #tpu.memory_space<hbm>>
    tpu.enqueue_dma source(%dma_start3A_2552 : memref<1x64xf32, #tpu.memory_space<hbm>>) target(%dma_start3A_2550 : memref<1x64xf32, #tpu.memory_space<vmem>>) target_semaphore(%arg17 : memref<!tpu.dma_semaphore, #tpu.memory_space<semaphore_mem>>)
    %slice3A_2553 = vector.extract_strided_slice %get3A_2348 {offsets = [8], sizes = [1], strides = [1]} : vector<16xi32> to vector<1xi32>
    %squeeze3A_2554 = vector.extract %slice3A_2553[0] : i32 from vector<1xi32>
    %dma_start3A_2555 = arith.constant 104 : i32
    %dma_start3A_2556 = arith.constant 0 : i32
    %dma_start3A_2557 = tpu.memref_slice %arg14[%dma_start3A_2555, %dma_start3A_2556] : memref<128x64xf32, #tpu.memory_space<vmem>> -> memref<1x64xf32, #tpu.memory_space<vmem>>
    %dma_start3A_2558 = arith.constant 0 : i32
    %dma_start3A_2559 = tpu.memref_slice %arg4[%squeeze3A_2554, %dma_start3A_2558] : memref<1000000x64xf32, #tpu.memory_space<hbm>> -> memref<1x64xf32, #tpu.memory_space<hbm>>
    %dma_start3A_2560 = arith.constant 104 : i32
    %dma_start3A_2561 = arith.constant 0 : i32
    %dma_start3A_2562 = tpu.memref_slice %arg14[%dma_start3A_2560, %dma_start3A_2561] : memref<128x64xf32, #tpu.memory_space<vmem>> -> memref<1x64xf32, #tpu.memory_space<vmem>>
    %dma_start3A_2563 = arith.constant 0 : i32
    %dma_start3A_2564 = tpu.memref_slice %arg4[%squeeze3A_2554, %dma_start3A_2563] : memref<1000000x64xf32, #tpu.memory_space<hbm>> -> memref<1x64xf32, #tpu.memory_space<hbm>>
    tpu.enqueue_dma source(%dma_start3A_2564 : memref<1x64xf32, #tpu.memory_space<hbm>>) target(%dma_start3A_2562 : memref<1x64xf32, #tpu.memory_space<vmem>>) target_semaphore(%arg17 : memref<!tpu.dma_semaphore, #tpu.memory_space<semaphore_mem>>)
    %slice3A_2565 = vector.extract_strided_slice %get3A_2345 {offsets = [9], sizes = [1], strides = [1]} : vector<16xi32> to vector<1xi32>
    %squeeze3A_2566 = vector.extract %slice3A_2565[0] : i32 from vector<1xi32>
    %dma_start3A_2567 = arith.constant 105 : i32
    %dma_start3A_2568 = arith.constant 0 : i32
    %dma_start3A_2569 = tpu.memref_slice %arg13[%dma_start3A_2567, %dma_start3A_2568] : memref<128x64xf32, #tpu.memory_space<vmem>> -> memref<1x64xf32, #tpu.memory_space<vmem>>
    %dma_start3A_2570 = arith.constant 0 : i32
    %dma_start3A_2571 = tpu.memref_slice %arg4[%squeeze3A_2566, %dma_start3A_2570] : memref<1000000x64xf32, #tpu.memory_space<hbm>> -> memref<1x64xf32, #tpu.memory_space<hbm>>
    %dma_start3A_2572 = arith.constant 105 : i32
    %dma_start3A_2573 = arith.constant 0 : i32
    %dma_start3A_2574 = tpu.memref_slice %arg13[%dma_start3A_2572, %dma_start3A_2573] : memref<128x64xf32, #tpu.memory_space<vmem>> -> memref<1x64xf32, #tpu.memory_space<vmem>>
    %dma_start3A_2575 = arith.constant 0 : i32
    %dma_start3A_2576 = tpu.memref_slice %arg4[%squeeze3A_2566, %dma_start3A_2575] : memref<1000000x64xf32, #tpu.memory_space<hbm>> -> memref<1x64xf32, #tpu.memory_space<hbm>>
    tpu.enqueue_dma source(%dma_start3A_2576 : memref<1x64xf32, #tpu.memory_space<hbm>>) target(%dma_start3A_2574 : memref<1x64xf32, #tpu.memory_space<vmem>>) target_semaphore(%arg17 : memref<!tpu.dma_semaphore, #tpu.memory_space<semaphore_mem>>)
    %slice3A_2577 = vector.extract_strided_slice %get3A_2348 {offsets = [9], sizes = [1], strides = [1]} : vector<16xi32> to vector<1xi32>
    %squeeze3A_2578 = vector.extract %slice3A_2577[0] : i32 from vector<1xi32>
    %dma_start3A_2579 = arith.constant 105 : i32
    %dma_start3A_2580 = arith.constant 0 : i32
    %dma_start3A_2581 = tpu.memref_slice %arg14[%dma_start3A_2579, %dma_start3A_2580] : memref<128x64xf32, #tpu.memory_space<vmem>> -> memref<1x64xf32, #tpu.memory_space<vmem>>
    %dma_start3A_2582 = arith.constant 0 : i32
    %dma_start3A_2583 = tpu.memref_slice %arg4[%squeeze3A_2578, %dma_start3A_2582] : memref<1000000x64xf32, #tpu.memory_space<hbm>> -> memref<1x64xf32, #tpu.memory_space<hbm>>
    %dma_start3A_2584 = arith.constant 105 : i32
    %dma_start3A_2585 = arith.constant 0 : i32
    %dma_start3A_2586 = tpu.memref_slice %arg14[%dma_start3A_2584, %dma_start3A_2585] : memref<128x64xf32, #tpu.memory_space<vmem>> -> memref<1x64xf32, #tpu.memory_space<vmem>>
    %dma_start3A_2587 = arith.constant 0 : i32
    %dma_start3A_2588 = tpu.memref_slice %arg4[%squeeze3A_2578, %dma_start3A_2587] : memref<1000000x64xf32, #tpu.memory_space<hbm>> -> memref<1x64xf32, #tpu.memory_space<hbm>>
    tpu.enqueue_dma source(%dma_start3A_2588 : memref<1x64xf32, #tpu.memory_space<hbm>>) target(%dma_start3A_2586 : memref<1x64xf32, #tpu.memory_space<vmem>>) target_semaphore(%arg17 : memref<!tpu.dma_semaphore, #tpu.memory_space<semaphore_mem>>)
    %slice3A_2589 = vector.extract_strided_slice %get3A_2345 {offsets = [10], sizes = [1], strides = [1]} : vector<16xi32> to vector<1xi32>
    %squeeze3A_2590 = vector.extract %slice3A_2589[0] : i32 from vector<1xi32>
    %dma_start3A_2591 = arith.constant 106 : i32
    %dma_start3A_2592 = arith.constant 0 : i32
    %dma_start3A_2593 = tpu.memref_slice %arg13[%dma_start3A_2591, %dma_start3A_2592] : memref<128x64xf32, #tpu.memory_space<vmem>> -> memref<1x64xf32, #tpu.memory_space<vmem>>
    %dma_start3A_2594 = arith.constant 0 : i32
    %dma_start3A_2595 = tpu.memref_slice %arg4[%squeeze3A_2590, %dma_start3A_2594] : memref<1000000x64xf32, #tpu.memory_space<hbm>> -> memref<1x64xf32, #tpu.memory_space<hbm>>
    %dma_start3A_2596 = arith.constant 106 : i32
    %dma_start3A_2597 = arith.constant 0 : i32
    %dma_start3A_2598 = tpu.memref_slice %arg13[%dma_start3A_2596, %dma_start3A_2597] : memref<128x64xf32, #tpu.memory_space<vmem>> -> memref<1x64xf32, #tpu.memory_space<vmem>>
    %dma_start3A_2599 = arith.constant 0 : i32
    %dma_start3A_2600 = tpu.memref_slice %arg4[%squeeze3A_2590, %dma_start3A_2599] : memref<1000000x64xf32, #tpu.memory_space<hbm>> -> memref<1x64xf32, #tpu.memory_space<hbm>>
    tpu.enqueue_dma source(%dma_start3A_2600 : memref<1x64xf32, #tpu.memory_space<hbm>>) target(%dma_start3A_2598 : memref<1x64xf32, #tpu.memory_space<vmem>>) target_semaphore(%arg17 : memref<!tpu.dma_semaphore, #tpu.memory_space<semaphore_mem>>)
    %slice3A_2601 = vector.extract_strided_slice %get3A_2348 {offsets = [10], sizes = [1], strides = [1]} : vector<16xi32> to vector<1xi32>
    %squeeze3A_2602 = vector.extract %slice3A_2601[0] : i32 from vector<1xi32>
    %dma_start3A_2603 = arith.constant 106 : i32
    %dma_start3A_2604 = arith.constant 0 : i32
    %dma_start3A_2605 = tpu.memref_slice %arg14[%dma_start3A_2603, %dma_start3A_2604] : memref<128x64xf32, #tpu.memory_space<vmem>> -> memref<1x64xf32, #tpu.memory_space<vmem>>
    %dma_start3A_2606 = arith.constant 0 : i32
    %dma_start3A_2607 = tpu.memref_slice %arg4[%squeeze3A_2602, %dma_start3A_2606] : memref<1000000x64xf32, #tpu.memory_space<hbm>> -> memref<1x64xf32, #tpu.memory_space<hbm>>
    %dma_start3A_2608 = arith.constant 106 : i32
    %dma_start3A_2609 = arith.constant 0 : i32
    %dma_start3A_2610 = tpu.memref_slice %arg14[%dma_start3A_2608, %dma_start3A_2609] : memref<128x64xf32, #tpu.memory_space<vmem>> -> memref<1x64xf32, #tpu.memory_space<vmem>>
    %dma_start3A_2611 = arith.constant 0 : i32
    %dma_start3A_2612 = tpu.memref_slice %arg4[%squeeze3A_2602, %dma_start3A_2611] : memref<1000000x64xf32, #tpu.memory_space<hbm>> -> memref<1x64xf32, #tpu.memory_space<hbm>>
    tpu.enqueue_dma source(%dma_start3A_2612 : memref<1x64xf32, #tpu.memory_space<hbm>>) target(%dma_start3A_2610 : memref<1x64xf32, #tpu.memory_space<vmem>>) target_semaphore(%arg17 : memref<!tpu.dma_semaphore, #tpu.memory_space<semaphore_mem>>)
    %slice3A_2613 = vector.extract_strided_slice %get3A_2345 {offsets = [11], sizes = [1], strides = [1]} : vector<16xi32> to vector<1xi32>
    %squeeze3A_2614 = vector.extract %slice3A_2613[0] : i32 from vector<1xi32>
    %dma_start3A_2615 = arith.constant 107 : i32
    %dma_start3A_2616 = arith.constant 0 : i32
    %dma_start3A_2617 = tpu.memref_slice %arg13[%dma_start3A_2615, %dma_start3A_2616] : memref<128x64xf32, #tpu.memory_space<vmem>> -> memref<1x64xf32, #tpu.memory_space<vmem>>
    %dma_start3A_2618 = arith.constant 0 : i32
    %dma_start3A_2619 = tpu.memref_slice %arg4[%squeeze3A_2614, %dma_start3A_2618] : memref<1000000x64xf32, #tpu.memory_space<hbm>> -> memref<1x64xf32, #tpu.memory_space<hbm>>
    %dma_start3A_2620 = arith.constant 107 : i32
    %dma_start3A_2621 = arith.constant 0 : i32
    %dma_start3A_2622 = tpu.memref_slice %arg13[%dma_start3A_2620, %dma_start3A_2621] : memref<128x64xf32, #tpu.memory_space<vmem>> -> memref<1x64xf32, #tpu.memory_space<vmem>>
    %dma_start3A_2623 = arith.constant 0 : i32
    %dma_start3A_2624 = tpu.memref_slice %arg4[%squeeze3A_2614, %dma_start3A_2623] : memref<1000000x64xf32, #tpu.memory_space<hbm>> -> memref<1x64xf32, #tpu.memory_space<hbm>>
    tpu.enqueue_dma source(%dma_start3A_2624 : memref<1x64xf32, #tpu.memory_space<hbm>>) target(%dma_start3A_2622 : memref<1x64xf32, #tpu.memory_space<vmem>>) target_semaphore(%arg17 : memref<!tpu.dma_semaphore, #tpu.memory_space<semaphore_mem>>)
    %slice3A_2625 = vector.extract_strided_slice %get3A_2348 {offsets = [11], sizes = [1], strides = [1]} : vector<16xi32> to vector<1xi32>
    %squeeze3A_2626 = vector.extract %slice3A_2625[0] : i32 from vector<1xi32>
    %dma_start3A_2627 = arith.constant 107 : i32
    %dma_start3A_2628 = arith.constant 0 : i32
    %dma_start3A_2629 = tpu.memref_slice %arg14[%dma_start3A_2627, %dma_start3A_2628] : memref<128x64xf32, #tpu.memory_space<vmem>> -> memref<1x64xf32, #tpu.memory_space<vmem>>
    %dma_start3A_2630 = arith.constant 0 : i32
    %dma_start3A_2631 = tpu.memref_slice %arg4[%squeeze3A_2626, %dma_start3A_2630] : memref<1000000x64xf32, #tpu.memory_space<hbm>> -> memref<1x64xf32, #tpu.memory_space<hbm>>
    %dma_start3A_2632 = arith.constant 107 : i32
    %dma_start3A_2633 = arith.constant 0 : i32
    %dma_start3A_2634 = tpu.memref_slice %arg14[%dma_start3A_2632, %dma_start3A_2633] : memref<128x64xf32, #tpu.memory_space<vmem>> -> memref<1x64xf32, #tpu.memory_space<vmem>>
    %dma_start3A_2635 = arith.constant 0 : i32
    %dma_start3A_2636 = tpu.memref_slice %arg4[%squeeze3A_2626, %dma_start3A_2635] : memref<1000000x64xf32, #tpu.memory_space<hbm>> -> memref<1x64xf32, #tpu.memory_space<hbm>>
    tpu.enqueue_dma source(%dma_start3A_2636 : memref<1x64xf32, #tpu.memory_space<hbm>>) target(%dma_start3A_2634 : memref<1x64xf32, #tpu.memory_space<vmem>>) target_semaphore(%arg17 : memref<!tpu.dma_semaphore, #tpu.memory_space<semaphore_mem>>)
    %slice3A_2637 = vector.extract_strided_slice %get3A_2345 {offsets = [12], sizes = [1], strides = [1]} : vector<16xi32> to vector<1xi32>
    %squeeze3A_2638 = vector.extract %slice3A_2637[0] : i32 from vector<1xi32>
    %dma_start3A_2639 = arith.constant 108 : i32
    %dma_start3A_2640 = arith.constant 0 : i32
    %dma_start3A_2641 = tpu.memref_slice %arg13[%dma_start3A_2639, %dma_start3A_2640] : memref<128x64xf32, #tpu.memory_space<vmem>> -> memref<1x64xf32, #tpu.memory_space<vmem>>
    %dma_start3A_2642 = arith.constant 0 : i32
    %dma_start3A_2643 = tpu.memref_slice %arg4[%squeeze3A_2638, %dma_start3A_2642] : memref<1000000x64xf32, #tpu.memory_space<hbm>> -> memref<1x64xf32, #tpu.memory_space<hbm>>
    %dma_start3A_2644 = arith.constant 108 : i32
    %dma_start3A_2645 = arith.constant 0 : i32
    %dma_start3A_2646 = tpu.memref_slice %arg13[%dma_start3A_2644, %dma_start3A_2645] : memref<128x64xf32, #tpu.memory_space<vmem>> -> memref<1x64xf32, #tpu.memory_space<vmem>>
    %dma_start3A_2647 = arith.constant 0 : i32
    %dma_start3A_2648 = tpu.memref_slice %arg4[%squeeze3A_2638, %dma_start3A_2647] : memref<1000000x64xf32, #tpu.memory_space<hbm>> -> memref<1x64xf32, #tpu.memory_space<hbm>>
    tpu.enqueue_dma source(%dma_start3A_2648 : memref<1x64xf32, #tpu.memory_space<hbm>>) target(%dma_start3A_2646 : memref<1x64xf32, #tpu.memory_space<vmem>>) target_semaphore(%arg17 : memref<!tpu.dma_semaphore, #tpu.memory_space<semaphore_mem>>)
    %slice3A_2649 = vector.extract_strided_slice %get3A_2348 {offsets = [12], sizes = [1], strides = [1]} : vector<16xi32> to vector<1xi32>
    %squeeze3A_2650 = vector.extract %slice3A_2649[0] : i32 from vector<1xi32>
    %dma_start3A_2651 = arith.constant 108 : i32
    %dma_start3A_2652 = arith.constant 0 : i32
    %dma_start3A_2653 = tpu.memref_slice %arg14[%dma_start3A_2651, %dma_start3A_2652] : memref<128x64xf32, #tpu.memory_space<vmem>> -> memref<1x64xf32, #tpu.memory_space<vmem>>
    %dma_start3A_2654 = arith.constant 0 : i32
    %dma_start3A_2655 = tpu.memref_slice %arg4[%squeeze3A_2650, %dma_start3A_2654] : memref<1000000x64xf32, #tpu.memory_space<hbm>> -> memref<1x64xf32, #tpu.memory_space<hbm>>
    %dma_start3A_2656 = arith.constant 108 : i32
    %dma_start3A_2657 = arith.constant 0 : i32
    %dma_start3A_2658 = tpu.memref_slice %arg14[%dma_start3A_2656, %dma_start3A_2657] : memref<128x64xf32, #tpu.memory_space<vmem>> -> memref<1x64xf32, #tpu.memory_space<vmem>>
    %dma_start3A_2659 = arith.constant 0 : i32
    %dma_start3A_2660 = tpu.memref_slice %arg4[%squeeze3A_2650, %dma_start3A_2659] : memref<1000000x64xf32, #tpu.memory_space<hbm>> -> memref<1x64xf32, #tpu.memory_space<hbm>>
    tpu.enqueue_dma source(%dma_start3A_2660 : memref<1x64xf32, #tpu.memory_space<hbm>>) target(%dma_start3A_2658 : memref<1x64xf32, #tpu.memory_space<vmem>>) target_semaphore(%arg17 : memref<!tpu.dma_semaphore, #tpu.memory_space<semaphore_mem>>)
    %slice3A_2661 = vector.extract_strided_slice %get3A_2345 {offsets = [13], sizes = [1], strides = [1]} : vector<16xi32> to vector<1xi32>
    %squeeze3A_2662 = vector.extract %slice3A_2661[0] : i32 from vector<1xi32>
    %dma_start3A_2663 = arith.constant 109 : i32
    %dma_start3A_2664 = arith.constant 0 : i32
    %dma_start3A_2665 = tpu.memref_slice %arg13[%dma_start3A_2663, %dma_start3A_2664] : memref<128x64xf32, #tpu.memory_space<vmem>> -> memref<1x64xf32, #tpu.memory_space<vmem>>
    %dma_start3A_2666 = arith.constant 0 : i32
    %dma_start3A_2667 = tpu.memref_slice %arg4[%squeeze3A_2662, %dma_start3A_2666] : memref<1000000x64xf32, #tpu.memory_space<hbm>> -> memref<1x64xf32, #tpu.memory_space<hbm>>
    %dma_start3A_2668 = arith.constant 109 : i32
    %dma_start3A_2669 = arith.constant 0 : i32
    %dma_start3A_2670 = tpu.memref_slice %arg13[%dma_start3A_2668, %dma_start3A_2669] : memref<128x64xf32, #tpu.memory_space<vmem>> -> memref<1x64xf32, #tpu.memory_space<vmem>>
    %dma_start3A_2671 = arith.constant 0 : i32
    %dma_start3A_2672 = tpu.memref_slice %arg4[%squeeze3A_2662, %dma_start3A_2671] : memref<1000000x64xf32, #tpu.memory_space<hbm>> -> memref<1x64xf32, #tpu.memory_space<hbm>>
    tpu.enqueue_dma source(%dma_start3A_2672 : memref<1x64xf32, #tpu.memory_space<hbm>>) target(%dma_start3A_2670 : memref<1x64xf32, #tpu.memory_space<vmem>>) target_semaphore(%arg17 : memref<!tpu.dma_semaphore, #tpu.memory_space<semaphore_mem>>)
    %slice3A_2673 = vector.extract_strided_slice %get3A_2348 {offsets = [13], sizes = [1], strides = [1]} : vector<16xi32> to vector<1xi32>
    %squeeze3A_2674 = vector.extract %slice3A_2673[0] : i32 from vector<1xi32>
    %dma_start3A_2675 = arith.constant 109 : i32
    %dma_start3A_2676 = arith.constant 0 : i32
    %dma_start3A_2677 = tpu.memref_slice %arg14[%dma_start3A_2675, %dma_start3A_2676] : memref<128x64xf32, #tpu.memory_space<vmem>> -> memref<1x64xf32, #tpu.memory_space<vmem>>
    %dma_start3A_2678 = arith.constant 0 : i32
    %dma_start3A_2679 = tpu.memref_slice %arg4[%squeeze3A_2674, %dma_start3A_2678] : memref<1000000x64xf32, #tpu.memory_space<hbm>> -> memref<1x64xf32, #tpu.memory_space<hbm>>
    %dma_start3A_2680 = arith.constant 109 : i32
    %dma_start3A_2681 = arith.constant 0 : i32
    %dma_start3A_2682 = tpu.memref_slice %arg14[%dma_start3A_2680, %dma_start3A_2681] : memref<128x64xf32, #tpu.memory_space<vmem>> -> memref<1x64xf32, #tpu.memory_space<vmem>>
    %dma_start3A_2683 = arith.constant 0 : i32
    %dma_start3A_2684 = tpu.memref_slice %arg4[%squeeze3A_2674, %dma_start3A_2683] : memref<1000000x64xf32, #tpu.memory_space<hbm>> -> memref<1x64xf32, #tpu.memory_space<hbm>>
    tpu.enqueue_dma source(%dma_start3A_2684 : memref<1x64xf32, #tpu.memory_space<hbm>>) target(%dma_start3A_2682 : memref<1x64xf32, #tpu.memory_space<vmem>>) target_semaphore(%arg17 : memref<!tpu.dma_semaphore, #tpu.memory_space<semaphore_mem>>)
    %slice3A_2685 = vector.extract_strided_slice %get3A_2345 {offsets = [14], sizes = [1], strides = [1]} : vector<16xi32> to vector<1xi32>
    %squeeze3A_2686 = vector.extract %slice3A_2685[0] : i32 from vector<1xi32>
    %dma_start3A_2687 = arith.constant 110 : i32
    %dma_start3A_2688 = arith.constant 0 : i32
    %dma_start3A_2689 = tpu.memref_slice %arg13[%dma_start3A_2687, %dma_start3A_2688] : memref<128x64xf32, #tpu.memory_space<vmem>> -> memref<1x64xf32, #tpu.memory_space<vmem>>
    %dma_start3A_2690 = arith.constant 0 : i32
    %dma_start3A_2691 = tpu.memref_slice %arg4[%squeeze3A_2686, %dma_start3A_2690] : memref<1000000x64xf32, #tpu.memory_space<hbm>> -> memref<1x64xf32, #tpu.memory_space<hbm>>
    %dma_start3A_2692 = arith.constant 110 : i32
    %dma_start3A_2693 = arith.constant 0 : i32
    %dma_start3A_2694 = tpu.memref_slice %arg13[%dma_start3A_2692, %dma_start3A_2693] : memref<128x64xf32, #tpu.memory_space<vmem>> -> memref<1x64xf32, #tpu.memory_space<vmem>>
    %dma_start3A_2695 = arith.constant 0 : i32
    %dma_start3A_2696 = tpu.memref_slice %arg4[%squeeze3A_2686, %dma_start3A_2695] : memref<1000000x64xf32, #tpu.memory_space<hbm>> -> memref<1x64xf32, #tpu.memory_space<hbm>>
    tpu.enqueue_dma source(%dma_start3A_2696 : memref<1x64xf32, #tpu.memory_space<hbm>>) target(%dma_start3A_2694 : memref<1x64xf32, #tpu.memory_space<vmem>>) target_semaphore(%arg17 : memref<!tpu.dma_semaphore, #tpu.memory_space<semaphore_mem>>)
    %slice3A_2697 = vector.extract_strided_slice %get3A_2348 {offsets = [14], sizes = [1], strides = [1]} : vector<16xi32> to vector<1xi32>
    %squeeze3A_2698 = vector.extract %slice3A_2697[0] : i32 from vector<1xi32>
    %dma_start3A_2699 = arith.constant 110 : i32
    %dma_start3A_2700 = arith.constant 0 : i32
    %dma_start3A_2701 = tpu.memref_slice %arg14[%dma_start3A_2699, %dma_start3A_2700] : memref<128x64xf32, #tpu.memory_space<vmem>> -> memref<1x64xf32, #tpu.memory_space<vmem>>
    %dma_start3A_2702 = arith.constant 0 : i32
    %dma_start3A_2703 = tpu.memref_slice %arg4[%squeeze3A_2698, %dma_start3A_2702] : memref<1000000x64xf32, #tpu.memory_space<hbm>> -> memref<1x64xf32, #tpu.memory_space<hbm>>
    %dma_start3A_2704 = arith.constant 110 : i32
    %dma_start3A_2705 = arith.constant 0 : i32
    %dma_start3A_2706 = tpu.memref_slice %arg14[%dma_start3A_2704, %dma_start3A_2705] : memref<128x64xf32, #tpu.memory_space<vmem>> -> memref<1x64xf32, #tpu.memory_space<vmem>>
    %dma_start3A_2707 = arith.constant 0 : i32
    %dma_start3A_2708 = tpu.memref_slice %arg4[%squeeze3A_2698, %dma_start3A_2707] : memref<1000000x64xf32, #tpu.memory_space<hbm>> -> memref<1x64xf32, #tpu.memory_space<hbm>>
    tpu.enqueue_dma source(%dma_start3A_2708 : memref<1x64xf32, #tpu.memory_space<hbm>>) target(%dma_start3A_2706 : memref<1x64xf32, #tpu.memory_space<vmem>>) target_semaphore(%arg17 : memref<!tpu.dma_semaphore, #tpu.memory_space<semaphore_mem>>)
    %slice3A_2709 = vector.extract_strided_slice %get3A_2345 {offsets = [15], sizes = [1], strides = [1]} : vector<16xi32> to vector<1xi32>
    %squeeze3A_2710 = vector.extract %slice3A_2709[0] : i32 from vector<1xi32>
    %dma_start3A_2711 = arith.constant 111 : i32
    %dma_start3A_2712 = arith.constant 0 : i32
    %dma_start3A_2713 = tpu.memref_slice %arg13[%dma_start3A_2711, %dma_start3A_2712] : memref<128x64xf32, #tpu.memory_space<vmem>> -> memref<1x64xf32, #tpu.memory_space<vmem>>
    %dma_start3A_2714 = arith.constant 0 : i32
    %dma_start3A_2715 = tpu.memref_slice %arg4[%squeeze3A_2710, %dma_start3A_2714] : memref<1000000x64xf32, #tpu.memory_space<hbm>> -> memref<1x64xf32, #tpu.memory_space<hbm>>
    %dma_start3A_2716 = arith.constant 111 : i32
    %dma_start3A_2717 = arith.constant 0 : i32
    %dma_start3A_2718 = tpu.memref_slice %arg13[%dma_start3A_2716, %dma_start3A_2717] : memref<128x64xf32, #tpu.memory_space<vmem>> -> memref<1x64xf32, #tpu.memory_space<vmem>>
    %dma_start3A_2719 = arith.constant 0 : i32
    %dma_start3A_2720 = tpu.memref_slice %arg4[%squeeze3A_2710, %dma_start3A_2719] : memref<1000000x64xf32, #tpu.memory_space<hbm>> -> memref<1x64xf32, #tpu.memory_space<hbm>>
    tpu.enqueue_dma source(%dma_start3A_2720 : memref<1x64xf32, #tpu.memory_space<hbm>>) target(%dma_start3A_2718 : memref<1x64xf32, #tpu.memory_space<vmem>>) target_semaphore(%arg17 : memref<!tpu.dma_semaphore, #tpu.memory_space<semaphore_mem>>)
    %slice3A_2721 = vector.extract_strided_slice %get3A_2348 {offsets = [15], sizes = [1], strides = [1]} : vector<16xi32> to vector<1xi32>
    %squeeze3A_2722 = vector.extract %slice3A_2721[0] : i32 from vector<1xi32>
    %dma_start3A_2723 = arith.constant 111 : i32
    %dma_start3A_2724 = arith.constant 0 : i32
    %dma_start3A_2725 = tpu.memref_slice %arg14[%dma_start3A_2723, %dma_start3A_2724] : memref<128x64xf32, #tpu.memory_space<vmem>> -> memref<1x64xf32, #tpu.memory_space<vmem>>
    %dma_start3A_2726 = arith.constant 0 : i32
    %dma_start3A_2727 = tpu.memref_slice %arg4[%squeeze3A_2722, %dma_start3A_2726] : memref<1000000x64xf32, #tpu.memory_space<hbm>> -> memref<1x64xf32, #tpu.memory_space<hbm>>
    %dma_start3A_2728 = arith.constant 111 : i32
    %dma_start3A_2729 = arith.constant 0 : i32
    %dma_start3A_2730 = tpu.memref_slice %arg14[%dma_start3A_2728, %dma_start3A_2729] : memref<128x64xf32, #tpu.memory_space<vmem>> -> memref<1x64xf32, #tpu.memory_space<vmem>>
    %dma_start3A_2731 = arith.constant 0 : i32
    %dma_start3A_2732 = tpu.memref_slice %arg4[%squeeze3A_2722, %dma_start3A_2731] : memref<1000000x64xf32, #tpu.memory_space<hbm>> -> memref<1x64xf32, #tpu.memory_space<hbm>>
    tpu.enqueue_dma source(%dma_start3A_2732 : memref<1x64xf32, #tpu.memory_space<hbm>>) target(%dma_start3A_2730 : memref<1x64xf32, #tpu.memory_space<vmem>>) target_semaphore(%arg17 : memref<!tpu.dma_semaphore, #tpu.memory_space<semaphore_mem>>)
    %get3A_2733 = arith.constant 112 : index
    %get3A_2734 = tpu.vector_load %arg11[%get3A_2733] {strides = array<i32>} : memref<128xi32, #tpu.memory_space<vmem>>, vector<16xi32>,
    %get3A_2735 = vector.shape_cast %get3A_2734 : vector<16xi32> to vector<16xi32>
    %get3A_2736 = arith.constant 112 : index
    %get3A_2737 = tpu.vector_load %arg12[%get3A_2736] {strides = array<i32>} : memref<128xi32, #tpu.memory_space<vmem>>, vector<16xi32>,
    %get3A_2738 = vector.shape_cast %get3A_2737 : vector<16xi32> to vector<16xi32>
    %slice3A_2739 = vector.extract_strided_slice %get3A_2735 {offsets = [0], sizes = [1], strides = [1]} : vector<16xi32> to vector<1xi32>
    %squeeze3A_2740 = vector.extract %slice3A_2739[0] : i32 from vector<1xi32>
    %dma_start3A_2741 = arith.constant 112 : i32
    %dma_start3A_2742 = arith.constant 0 : i32
    %dma_start3A_2743 = tpu.memref_slice %arg13[%dma_start3A_2741, %dma_start3A_2742] : memref<128x64xf32, #tpu.memory_space<vmem>> -> memref<1x64xf32, #tpu.memory_space<vmem>>
    %dma_start3A_2744 = arith.constant 0 : i32
    %dma_start3A_2745 = tpu.memref_slice %arg4[%squeeze3A_2740, %dma_start3A_2744] : memref<1000000x64xf32, #tpu.memory_space<hbm>> -> memref<1x64xf32, #tpu.memory_space<hbm>>
    %dma_start3A_2746 = arith.constant 112 : i32
    %dma_start3A_2747 = arith.constant 0 : i32
    %dma_start3A_2748 = tpu.memref_slice %arg13[%dma_start3A_2746, %dma_start3A_2747] : memref<128x64xf32, #tpu.memory_space<vmem>> -> memref<1x64xf32, #tpu.memory_space<vmem>>
    %dma_start3A_2749 = arith.constant 0 : i32
    %dma_start3A_2750 = tpu.memref_slice %arg4[%squeeze3A_2740, %dma_start3A_2749] : memref<1000000x64xf32, #tpu.memory_space<hbm>> -> memref<1x64xf32, #tpu.memory_space<hbm>>
    tpu.enqueue_dma source(%dma_start3A_2750 : memref<1x64xf32, #tpu.memory_space<hbm>>) target(%dma_start3A_2748 : memref<1x64xf32, #tpu.memory_space<vmem>>) target_semaphore(%arg17 : memref<!tpu.dma_semaphore, #tpu.memory_space<semaphore_mem>>)
    %slice3A_2751 = vector.extract_strided_slice %get3A_2738 {offsets = [0], sizes = [1], strides = [1]} : vector<16xi32> to vector<1xi32>
    %squeeze3A_2752 = vector.extract %slice3A_2751[0] : i32 from vector<1xi32>
    %dma_start3A_2753 = arith.constant 112 : i32
    %dma_start3A_2754 = arith.constant 0 : i32
    %dma_start3A_2755 = tpu.memref_slice %arg14[%dma_start3A_2753, %dma_start3A_2754] : memref<128x64xf32, #tpu.memory_space<vmem>> -> memref<1x64xf32, #tpu.memory_space<vmem>>
    %dma_start3A_2756 = arith.constant 0 : i32
    %dma_start3A_2757 = tpu.memref_slice %arg4[%squeeze3A_2752, %dma_start3A_2756] : memref<1000000x64xf32, #tpu.memory_space<hbm>> -> memref<1x64xf32, #tpu.memory_space<hbm>>
    %dma_start3A_2758 = arith.constant 112 : i32
    %dma_start3A_2759 = arith.constant 0 : i32
    %dma_start3A_2760 = tpu.memref_slice %arg14[%dma_start3A_2758, %dma_start3A_2759] : memref<128x64xf32, #tpu.memory_space<vmem>> -> memref<1x64xf32, #tpu.memory_space<vmem>>
    %dma_start3A_2761 = arith.constant 0 : i32
    %dma_start3A_2762 = tpu.memref_slice %arg4[%squeeze3A_2752, %dma_start3A_2761] : memref<1000000x64xf32, #tpu.memory_space<hbm>> -> memref<1x64xf32, #tpu.memory_space<hbm>>
    tpu.enqueue_dma source(%dma_start3A_2762 : memref<1x64xf32, #tpu.memory_space<hbm>>) target(%dma_start3A_2760 : memref<1x64xf32, #tpu.memory_space<vmem>>) target_semaphore(%arg17 : memref<!tpu.dma_semaphore, #tpu.memory_space<semaphore_mem>>)
    %slice3A_2763 = vector.extract_strided_slice %get3A_2735 {offsets = [1], sizes = [1], strides = [1]} : vector<16xi32> to vector<1xi32>
    %squeeze3A_2764 = vector.extract %slice3A_2763[0] : i32 from vector<1xi32>
    %dma_start3A_2765 = arith.constant 113 : i32
    %dma_start3A_2766 = arith.constant 0 : i32
    %dma_start3A_2767 = tpu.memref_slice %arg13[%dma_start3A_2765, %dma_start3A_2766] : memref<128x64xf32, #tpu.memory_space<vmem>> -> memref<1x64xf32, #tpu.memory_space<vmem>>
    %dma_start3A_2768 = arith.constant 0 : i32
    %dma_start3A_2769 = tpu.memref_slice %arg4[%squeeze3A_2764, %dma_start3A_2768] : memref<1000000x64xf32, #tpu.memory_space<hbm>> -> memref<1x64xf32, #tpu.memory_space<hbm>>
    %dma_start3A_2770 = arith.constant 113 : i32
    %dma_start3A_2771 = arith.constant 0 : i32
    %dma_start3A_2772 = tpu.memref_slice %arg13[%dma_start3A_2770, %dma_start3A_2771] : memref<128x64xf32, #tpu.memory_space<vmem>> -> memref<1x64xf32, #tpu.memory_space<vmem>>
    %dma_start3A_2773 = arith.constant 0 : i32
    %dma_start3A_2774 = tpu.memref_slice %arg4[%squeeze3A_2764, %dma_start3A_2773] : memref<1000000x64xf32, #tpu.memory_space<hbm>> -> memref<1x64xf32, #tpu.memory_space<hbm>>
    tpu.enqueue_dma source(%dma_start3A_2774 : memref<1x64xf32, #tpu.memory_space<hbm>>) target(%dma_start3A_2772 : memref<1x64xf32, #tpu.memory_space<vmem>>) target_semaphore(%arg17 : memref<!tpu.dma_semaphore, #tpu.memory_space<semaphore_mem>>)
    %slice3A_2775 = vector.extract_strided_slice %get3A_2738 {offsets = [1], sizes = [1], strides = [1]} : vector<16xi32> to vector<1xi32>
    %squeeze3A_2776 = vector.extract %slice3A_2775[0] : i32 from vector<1xi32>
    %dma_start3A_2777 = arith.constant 113 : i32
    %dma_start3A_2778 = arith.constant 0 : i32
    %dma_start3A_2779 = tpu.memref_slice %arg14[%dma_start3A_2777, %dma_start3A_2778] : memref<128x64xf32, #tpu.memory_space<vmem>> -> memref<1x64xf32, #tpu.memory_space<vmem>>
    %dma_start3A_2780 = arith.constant 0 : i32
    %dma_start3A_2781 = tpu.memref_slice %arg4[%squeeze3A_2776, %dma_start3A_2780] : memref<1000000x64xf32, #tpu.memory_space<hbm>> -> memref<1x64xf32, #tpu.memory_space<hbm>>
    %dma_start3A_2782 = arith.constant 113 : i32
    %dma_start3A_2783 = arith.constant 0 : i32
    %dma_start3A_2784 = tpu.memref_slice %arg14[%dma_start3A_2782, %dma_start3A_2783] : memref<128x64xf32, #tpu.memory_space<vmem>> -> memref<1x64xf32, #tpu.memory_space<vmem>>
    %dma_start3A_2785 = arith.constant 0 : i32
    %dma_start3A_2786 = tpu.memref_slice %arg4[%squeeze3A_2776, %dma_start3A_2785] : memref<1000000x64xf32, #tpu.memory_space<hbm>> -> memref<1x64xf32, #tpu.memory_space<hbm>>
    tpu.enqueue_dma source(%dma_start3A_2786 : memref<1x64xf32, #tpu.memory_space<hbm>>) target(%dma_start3A_2784 : memref<1x64xf32, #tpu.memory_space<vmem>>) target_semaphore(%arg17 : memref<!tpu.dma_semaphore, #tpu.memory_space<semaphore_mem>>)
    %slice3A_2787 = vector.extract_strided_slice %get3A_2735 {offsets = [2], sizes = [1], strides = [1]} : vector<16xi32> to vector<1xi32>
    %squeeze3A_2788 = vector.extract %slice3A_2787[0] : i32 from vector<1xi32>
    %dma_start3A_2789 = arith.constant 114 : i32
    %dma_start3A_2790 = arith.constant 0 : i32
    %dma_start3A_2791 = tpu.memref_slice %arg13[%dma_start3A_2789, %dma_start3A_2790] : memref<128x64xf32, #tpu.memory_space<vmem>> -> memref<1x64xf32, #tpu.memory_space<vmem>>
    %dma_start3A_2792 = arith.constant 0 : i32
    %dma_start3A_2793 = tpu.memref_slice %arg4[%squeeze3A_2788, %dma_start3A_2792] : memref<1000000x64xf32, #tpu.memory_space<hbm>> -> memref<1x64xf32, #tpu.memory_space<hbm>>
    %dma_start3A_2794 = arith.constant 114 : i32
    %dma_start3A_2795 = arith.constant 0 : i32
    %dma_start3A_2796 = tpu.memref_slice %arg13[%dma_start3A_2794, %dma_start3A_2795] : memref<128x64xf32, #tpu.memory_space<vmem>> -> memref<1x64xf32, #tpu.memory_space<vmem>>
    %dma_start3A_2797 = arith.constant 0 : i32
    %dma_start3A_2798 = tpu.memref_slice %arg4[%squeeze3A_2788, %dma_start3A_2797] : memref<1000000x64xf32, #tpu.memory_space<hbm>> -> memref<1x64xf32, #tpu.memory_space<hbm>>
    tpu.enqueue_dma source(%dma_start3A_2798 : memref<1x64xf32, #tpu.memory_space<hbm>>) target(%dma_start3A_2796 : memref<1x64xf32, #tpu.memory_space<vmem>>) target_semaphore(%arg17 : memref<!tpu.dma_semaphore, #tpu.memory_space<semaphore_mem>>)
    %slice3A_2799 = vector.extract_strided_slice %get3A_2738 {offsets = [2], sizes = [1], strides = [1]} : vector<16xi32> to vector<1xi32>
    %squeeze3A_2800 = vector.extract %slice3A_2799[0] : i32 from vector<1xi32>
    %dma_start3A_2801 = arith.constant 114 : i32
    %dma_start3A_2802 = arith.constant 0 : i32
    %dma_start3A_2803 = tpu.memref_slice %arg14[%dma_start3A_2801, %dma_start3A_2802] : memref<128x64xf32, #tpu.memory_space<vmem>> -> memref<1x64xf32, #tpu.memory_space<vmem>>
    %dma_start3A_2804 = arith.constant 0 : i32
    %dma_start3A_2805 = tpu.memref_slice %arg4[%squeeze3A_2800, %dma_start3A_2804] : memref<1000000x64xf32, #tpu.memory_space<hbm>> -> memref<1x64xf32, #tpu.memory_space<hbm>>
    %dma_start3A_2806 = arith.constant 114 : i32
    %dma_start3A_2807 = arith.constant 0 : i32
    %dma_start3A_2808 = tpu.memref_slice %arg14[%dma_start3A_2806, %dma_start3A_2807] : memref<128x64xf32, #tpu.memory_space<vmem>> -> memref<1x64xf32, #tpu.memory_space<vmem>>
    %dma_start3A_2809 = arith.constant 0 : i32
    %dma_start3A_2810 = tpu.memref_slice %arg4[%squeeze3A_2800, %dma_start3A_2809] : memref<1000000x64xf32, #tpu.memory_space<hbm>> -> memref<1x64xf32, #tpu.memory_space<hbm>>
    tpu.enqueue_dma source(%dma_start3A_2810 : memref<1x64xf32, #tpu.memory_space<hbm>>) target(%dma_start3A_2808 : memref<1x64xf32, #tpu.memory_space<vmem>>) target_semaphore(%arg17 : memref<!tpu.dma_semaphore, #tpu.memory_space<semaphore_mem>>)
    %slice3A_2811 = vector.extract_strided_slice %get3A_2735 {offsets = [3], sizes = [1], strides = [1]} : vector<16xi32> to vector<1xi32>
    %squeeze3A_2812 = vector.extract %slice3A_2811[0] : i32 from vector<1xi32>
    %dma_start3A_2813 = arith.constant 115 : i32
    %dma_start3A_2814 = arith.constant 0 : i32
    %dma_start3A_2815 = tpu.memref_slice %arg13[%dma_start3A_2813, %dma_start3A_2814] : memref<128x64xf32, #tpu.memory_space<vmem>> -> memref<1x64xf32, #tpu.memory_space<vmem>>
    %dma_start3A_2816 = arith.constant 0 : i32
    %dma_start3A_2817 = tpu.memref_slice %arg4[%squeeze3A_2812, %dma_start3A_2816] : memref<1000000x64xf32, #tpu.memory_space<hbm>> -> memref<1x64xf32, #tpu.memory_space<hbm>>
    %dma_start3A_2818 = arith.constant 115 : i32
    %dma_start3A_2819 = arith.constant 0 : i32
    %dma_start3A_2820 = tpu.memref_slice %arg13[%dma_start3A_2818, %dma_start3A_2819] : memref<128x64xf32, #tpu.memory_space<vmem>> -> memref<1x64xf32, #tpu.memory_space<vmem>>
    %dma_start3A_2821 = arith.constant 0 : i32
    %dma_start3A_2822 = tpu.memref_slice %arg4[%squeeze3A_2812, %dma_start3A_2821] : memref<1000000x64xf32, #tpu.memory_space<hbm>> -> memref<1x64xf32, #tpu.memory_space<hbm>>
    tpu.enqueue_dma source(%dma_start3A_2822 : memref<1x64xf32, #tpu.memory_space<hbm>>) target(%dma_start3A_2820 : memref<1x64xf32, #tpu.memory_space<vmem>>) target_semaphore(%arg17 : memref<!tpu.dma_semaphore, #tpu.memory_space<semaphore_mem>>)
    %slice3A_2823 = vector.extract_strided_slice %get3A_2738 {offsets = [3], sizes = [1], strides = [1]} : vector<16xi32> to vector<1xi32>
    %squeeze3A_2824 = vector.extract %slice3A_2823[0] : i32 from vector<1xi32>
    %dma_start3A_2825 = arith.constant 115 : i32
    %dma_start3A_2826 = arith.constant 0 : i32
    %dma_start3A_2827 = tpu.memref_slice %arg14[%dma_start3A_2825, %dma_start3A_2826] : memref<128x64xf32, #tpu.memory_space<vmem>> -> memref<1x64xf32, #tpu.memory_space<vmem>>
    %dma_start3A_2828 = arith.constant 0 : i32
    %dma_start3A_2829 = tpu.memref_slice %arg4[%squeeze3A_2824, %dma_start3A_2828] : memref<1000000x64xf32, #tpu.memory_space<hbm>> -> memref<1x64xf32, #tpu.memory_space<hbm>>
    %dma_start3A_2830 = arith.constant 115 : i32
    %dma_start3A_2831 = arith.constant 0 : i32
    %dma_start3A_2832 = tpu.memref_slice %arg14[%dma_start3A_2830, %dma_start3A_2831] : memref<128x64xf32, #tpu.memory_space<vmem>> -> memref<1x64xf32, #tpu.memory_space<vmem>>
    %dma_start3A_2833 = arith.constant 0 : i32
    %dma_start3A_2834 = tpu.memref_slice %arg4[%squeeze3A_2824, %dma_start3A_2833] : memref<1000000x64xf32, #tpu.memory_space<hbm>> -> memref<1x64xf32, #tpu.memory_space<hbm>>
    tpu.enqueue_dma source(%dma_start3A_2834 : memref<1x64xf32, #tpu.memory_space<hbm>>) target(%dma_start3A_2832 : memref<1x64xf32, #tpu.memory_space<vmem>>) target_semaphore(%arg17 : memref<!tpu.dma_semaphore, #tpu.memory_space<semaphore_mem>>)
    %slice3A_2835 = vector.extract_strided_slice %get3A_2735 {offsets = [4], sizes = [1], strides = [1]} : vector<16xi32> to vector<1xi32>
    %squeeze3A_2836 = vector.extract %slice3A_2835[0] : i32 from vector<1xi32>
    %dma_start3A_2837 = arith.constant 116 : i32
    %dma_start3A_2838 = arith.constant 0 : i32
    %dma_start3A_2839 = tpu.memref_slice %arg13[%dma_start3A_2837, %dma_start3A_2838] : memref<128x64xf32, #tpu.memory_space<vmem>> -> memref<1x64xf32, #tpu.memory_space<vmem>>
    %dma_start3A_2840 = arith.constant 0 : i32
    %dma_start3A_2841 = tpu.memref_slice %arg4[%squeeze3A_2836, %dma_start3A_2840] : memref<1000000x64xf32, #tpu.memory_space<hbm>> -> memref<1x64xf32, #tpu.memory_space<hbm>>
    %dma_start3A_2842 = arith.constant 116 : i32
    %dma_start3A_2843 = arith.constant 0 : i32
    %dma_start3A_2844 = tpu.memref_slice %arg13[%dma_start3A_2842, %dma_start3A_2843] : memref<128x64xf32, #tpu.memory_space<vmem>> -> memref<1x64xf32, #tpu.memory_space<vmem>>
    %dma_start3A_2845 = arith.constant 0 : i32
    %dma_start3A_2846 = tpu.memref_slice %arg4[%squeeze3A_2836, %dma_start3A_2845] : memref<1000000x64xf32, #tpu.memory_space<hbm>> -> memref<1x64xf32, #tpu.memory_space<hbm>>
    tpu.enqueue_dma source(%dma_start3A_2846 : memref<1x64xf32, #tpu.memory_space<hbm>>) target(%dma_start3A_2844 : memref<1x64xf32, #tpu.memory_space<vmem>>) target_semaphore(%arg17 : memref<!tpu.dma_semaphore, #tpu.memory_space<semaphore_mem>>)
    %slice3A_2847 = vector.extract_strided_slice %get3A_2738 {offsets = [4], sizes = [1], strides = [1]} : vector<16xi32> to vector<1xi32>
    %squeeze3A_2848 = vector.extract %slice3A_2847[0] : i32 from vector<1xi32>
    %dma_start3A_2849 = arith.constant 116 : i32
    %dma_start3A_2850 = arith.constant 0 : i32
    %dma_start3A_2851 = tpu.memref_slice %arg14[%dma_start3A_2849, %dma_start3A_2850] : memref<128x64xf32, #tpu.memory_space<vmem>> -> memref<1x64xf32, #tpu.memory_space<vmem>>
    %dma_start3A_2852 = arith.constant 0 : i32
    %dma_start3A_2853 = tpu.memref_slice %arg4[%squeeze3A_2848, %dma_start3A_2852] : memref<1000000x64xf32, #tpu.memory_space<hbm>> -> memref<1x64xf32, #tpu.memory_space<hbm>>
    %dma_start3A_2854 = arith.constant 116 : i32
    %dma_start3A_2855 = arith.constant 0 : i32
    %dma_start3A_2856 = tpu.memref_slice %arg14[%dma_start3A_2854, %dma_start3A_2855] : memref<128x64xf32, #tpu.memory_space<vmem>> -> memref<1x64xf32, #tpu.memory_space<vmem>>
    %dma_start3A_2857 = arith.constant 0 : i32
    %dma_start3A_2858 = tpu.memref_slice %arg4[%squeeze3A_2848, %dma_start3A_2857] : memref<1000000x64xf32, #tpu.memory_space<hbm>> -> memref<1x64xf32, #tpu.memory_space<hbm>>
    tpu.enqueue_dma source(%dma_start3A_2858 : memref<1x64xf32, #tpu.memory_space<hbm>>) target(%dma_start3A_2856 : memref<1x64xf32, #tpu.memory_space<vmem>>) target_semaphore(%arg17 : memref<!tpu.dma_semaphore, #tpu.memory_space<semaphore_mem>>)
    %slice3A_2859 = vector.extract_strided_slice %get3A_2735 {offsets = [5], sizes = [1], strides = [1]} : vector<16xi32> to vector<1xi32>
    %squeeze3A_2860 = vector.extract %slice3A_2859[0] : i32 from vector<1xi32>
    %dma_start3A_2861 = arith.constant 117 : i32
    %dma_start3A_2862 = arith.constant 0 : i32
    %dma_start3A_2863 = tpu.memref_slice %arg13[%dma_start3A_2861, %dma_start3A_2862] : memref<128x64xf32, #tpu.memory_space<vmem>> -> memref<1x64xf32, #tpu.memory_space<vmem>>
    %dma_start3A_2864 = arith.constant 0 : i32
    %dma_start3A_2865 = tpu.memref_slice %arg4[%squeeze3A_2860, %dma_start3A_2864] : memref<1000000x64xf32, #tpu.memory_space<hbm>> -> memref<1x64xf32, #tpu.memory_space<hbm>>
    %dma_start3A_2866 = arith.constant 117 : i32
    %dma_start3A_2867 = arith.constant 0 : i32
    %dma_start3A_2868 = tpu.memref_slice %arg13[%dma_start3A_2866, %dma_start3A_2867] : memref<128x64xf32, #tpu.memory_space<vmem>> -> memref<1x64xf32, #tpu.memory_space<vmem>>
    %dma_start3A_2869 = arith.constant 0 : i32
    %dma_start3A_2870 = tpu.memref_slice %arg4[%squeeze3A_2860, %dma_start3A_2869] : memref<1000000x64xf32, #tpu.memory_space<hbm>> -> memref<1x64xf32, #tpu.memory_space<hbm>>
    tpu.enqueue_dma source(%dma_start3A_2870 : memref<1x64xf32, #tpu.memory_space<hbm>>) target(%dma_start3A_2868 : memref<1x64xf32, #tpu.memory_space<vmem>>) target_semaphore(%arg17 : memref<!tpu.dma_semaphore, #tpu.memory_space<semaphore_mem>>)
    %slice3A_2871 = vector.extract_strided_slice %get3A_2738 {offsets = [5], sizes = [1], strides = [1]} : vector<16xi32> to vector<1xi32>
    %squeeze3A_2872 = vector.extract %slice3A_2871[0] : i32 from vector<1xi32>
    %dma_start3A_2873 = arith.constant 117 : i32
    %dma_start3A_2874 = arith.constant 0 : i32
    %dma_start3A_2875 = tpu.memref_slice %arg14[%dma_start3A_2873, %dma_start3A_2874] : memref<128x64xf32, #tpu.memory_space<vmem>> -> memref<1x64xf32, #tpu.memory_space<vmem>>
    %dma_start3A_2876 = arith.constant 0 : i32
    %dma_start3A_2877 = tpu.memref_slice %arg4[%squeeze3A_2872, %dma_start3A_2876] : memref<1000000x64xf32, #tpu.memory_space<hbm>> -> memref<1x64xf32, #tpu.memory_space<hbm>>
    %dma_start3A_2878 = arith.constant 117 : i32
    %dma_start3A_2879 = arith.constant 0 : i32
    %dma_start3A_2880 = tpu.memref_slice %arg14[%dma_start3A_2878, %dma_start3A_2879] : memref<128x64xf32, #tpu.memory_space<vmem>> -> memref<1x64xf32, #tpu.memory_space<vmem>>
    %dma_start3A_2881 = arith.constant 0 : i32
    %dma_start3A_2882 = tpu.memref_slice %arg4[%squeeze3A_2872, %dma_start3A_2881] : memref<1000000x64xf32, #tpu.memory_space<hbm>> -> memref<1x64xf32, #tpu.memory_space<hbm>>
    tpu.enqueue_dma source(%dma_start3A_2882 : memref<1x64xf32, #tpu.memory_space<hbm>>) target(%dma_start3A_2880 : memref<1x64xf32, #tpu.memory_space<vmem>>) target_semaphore(%arg17 : memref<!tpu.dma_semaphore, #tpu.memory_space<semaphore_mem>>)
    %slice3A_2883 = vector.extract_strided_slice %get3A_2735 {offsets = [6], sizes = [1], strides = [1]} : vector<16xi32> to vector<1xi32>
    %squeeze3A_2884 = vector.extract %slice3A_2883[0] : i32 from vector<1xi32>
    %dma_start3A_2885 = arith.constant 118 : i32
    %dma_start3A_2886 = arith.constant 0 : i32
    %dma_start3A_2887 = tpu.memref_slice %arg13[%dma_start3A_2885, %dma_start3A_2886] : memref<128x64xf32, #tpu.memory_space<vmem>> -> memref<1x64xf32, #tpu.memory_space<vmem>>
    %dma_start3A_2888 = arith.constant 0 : i32
    %dma_start3A_2889 = tpu.memref_slice %arg4[%squeeze3A_2884, %dma_start3A_2888] : memref<1000000x64xf32, #tpu.memory_space<hbm>> -> memref<1x64xf32, #tpu.memory_space<hbm>>
    %dma_start3A_2890 = arith.constant 118 : i32
    %dma_start3A_2891 = arith.constant 0 : i32
    %dma_start3A_2892 = tpu.memref_slice %arg13[%dma_start3A_2890, %dma_start3A_2891] : memref<128x64xf32, #tpu.memory_space<vmem>> -> memref<1x64xf32, #tpu.memory_space<vmem>>
    %dma_start3A_2893 = arith.constant 0 : i32
    %dma_start3A_2894 = tpu.memref_slice %arg4[%squeeze3A_2884, %dma_start3A_2893] : memref<1000000x64xf32, #tpu.memory_space<hbm>> -> memref<1x64xf32, #tpu.memory_space<hbm>>
    tpu.enqueue_dma source(%dma_start3A_2894 : memref<1x64xf32, #tpu.memory_space<hbm>>) target(%dma_start3A_2892 : memref<1x64xf32, #tpu.memory_space<vmem>>) target_semaphore(%arg17 : memref<!tpu.dma_semaphore, #tpu.memory_space<semaphore_mem>>)
    %slice3A_2895 = vector.extract_strided_slice %get3A_2738 {offsets = [6], sizes = [1], strides = [1]} : vector<16xi32> to vector<1xi32>
    %squeeze3A_2896 = vector.extract %slice3A_2895[0] : i32 from vector<1xi32>
    %dma_start3A_2897 = arith.constant 118 : i32
    %dma_start3A_2898 = arith.constant 0 : i32
    %dma_start3A_2899 = tpu.memref_slice %arg14[%dma_start3A_2897, %dma_start3A_2898] : memref<128x64xf32, #tpu.memory_space<vmem>> -> memref<1x64xf32, #tpu.memory_space<vmem>>
    %dma_start3A_2900 = arith.constant 0 : i32
    %dma_start3A_2901 = tpu.memref_slice %arg4[%squeeze3A_2896, %dma_start3A_2900] : memref<1000000x64xf32, #tpu.memory_space<hbm>> -> memref<1x64xf32, #tpu.memory_space<hbm>>
    %dma_start3A_2902 = arith.constant 118 : i32
    %dma_start3A_2903 = arith.constant 0 : i32
    %dma_start3A_2904 = tpu.memref_slice %arg14[%dma_start3A_2902, %dma_start3A_2903] : memref<128x64xf32, #tpu.memory_space<vmem>> -> memref<1x64xf32, #tpu.memory_space<vmem>>
    %dma_start3A_2905 = arith.constant 0 : i32
    %dma_start3A_2906 = tpu.memref_slice %arg4[%squeeze3A_2896, %dma_start3A_2905] : memref<1000000x64xf32, #tpu.memory_space<hbm>> -> memref<1x64xf32, #tpu.memory_space<hbm>>
    tpu.enqueue_dma source(%dma_start3A_2906 : memref<1x64xf32, #tpu.memory_space<hbm>>) target(%dma_start3A_2904 : memref<1x64xf32, #tpu.memory_space<vmem>>) target_semaphore(%arg17 : memref<!tpu.dma_semaphore, #tpu.memory_space<semaphore_mem>>)
    %slice3A_2907 = vector.extract_strided_slice %get3A_2735 {offsets = [7], sizes = [1], strides = [1]} : vector<16xi32> to vector<1xi32>
    %squeeze3A_2908 = vector.extract %slice3A_2907[0] : i32 from vector<1xi32>
    %dma_start3A_2909 = arith.constant 119 : i32
    %dma_start3A_2910 = arith.constant 0 : i32
    %dma_start3A_2911 = tpu.memref_slice %arg13[%dma_start3A_2909, %dma_start3A_2910] : memref<128x64xf32, #tpu.memory_space<vmem>> -> memref<1x64xf32, #tpu.memory_space<vmem>>
    %dma_start3A_2912 = arith.constant 0 : i32
    %dma_start3A_2913 = tpu.memref_slice %arg4[%squeeze3A_2908, %dma_start3A_2912] : memref<1000000x64xf32, #tpu.memory_space<hbm>> -> memref<1x64xf32, #tpu.memory_space<hbm>>
    %dma_start3A_2914 = arith.constant 119 : i32
    %dma_start3A_2915 = arith.constant 0 : i32
    %dma_start3A_2916 = tpu.memref_slice %arg13[%dma_start3A_2914, %dma_start3A_2915] : memref<128x64xf32, #tpu.memory_space<vmem>> -> memref<1x64xf32, #tpu.memory_space<vmem>>
    %dma_start3A_2917 = arith.constant 0 : i32
    %dma_start3A_2918 = tpu.memref_slice %arg4[%squeeze3A_2908, %dma_start3A_2917] : memref<1000000x64xf32, #tpu.memory_space<hbm>> -> memref<1x64xf32, #tpu.memory_space<hbm>>
    tpu.enqueue_dma source(%dma_start3A_2918 : memref<1x64xf32, #tpu.memory_space<hbm>>) target(%dma_start3A_2916 : memref<1x64xf32, #tpu.memory_space<vmem>>) target_semaphore(%arg17 : memref<!tpu.dma_semaphore, #tpu.memory_space<semaphore_mem>>)
    %slice3A_2919 = vector.extract_strided_slice %get3A_2738 {offsets = [7], sizes = [1], strides = [1]} : vector<16xi32> to vector<1xi32>
    %squeeze3A_2920 = vector.extract %slice3A_2919[0] : i32 from vector<1xi32>
    %dma_start3A_2921 = arith.constant 119 : i32
    %dma_start3A_2922 = arith.constant 0 : i32
    %dma_start3A_2923 = tpu.memref_slice %arg14[%dma_start3A_2921, %dma_start3A_2922] : memref<128x64xf32, #tpu.memory_space<vmem>> -> memref<1x64xf32, #tpu.memory_space<vmem>>
    %dma_start3A_2924 = arith.constant 0 : i32
    %dma_start3A_2925 = tpu.memref_slice %arg4[%squeeze3A_2920, %dma_start3A_2924] : memref<1000000x64xf32, #tpu.memory_space<hbm>> -> memref<1x64xf32, #tpu.memory_space<hbm>>
    %dma_start3A_2926 = arith.constant 119 : i32
    %dma_start3A_2927 = arith.constant 0 : i32
    %dma_start3A_2928 = tpu.memref_slice %arg14[%dma_start3A_2926, %dma_start3A_2927] : memref<128x64xf32, #tpu.memory_space<vmem>> -> memref<1x64xf32, #tpu.memory_space<vmem>>
    %dma_start3A_2929 = arith.constant 0 : i32
    %dma_start3A_2930 = tpu.memref_slice %arg4[%squeeze3A_2920, %dma_start3A_2929] : memref<1000000x64xf32, #tpu.memory_space<hbm>> -> memref<1x64xf32, #tpu.memory_space<hbm>>
    tpu.enqueue_dma source(%dma_start3A_2930 : memref<1x64xf32, #tpu.memory_space<hbm>>) target(%dma_start3A_2928 : memref<1x64xf32, #tpu.memory_space<vmem>>) target_semaphore(%arg17 : memref<!tpu.dma_semaphore, #tpu.memory_space<semaphore_mem>>)
    %slice3A_2931 = vector.extract_strided_slice %get3A_2735 {offsets = [8], sizes = [1], strides = [1]} : vector<16xi32> to vector<1xi32>
    %squeeze3A_2932 = vector.extract %slice3A_2931[0] : i32 from vector<1xi32>
    %dma_start3A_2933 = arith.constant 120 : i32
    %dma_start3A_2934 = arith.constant 0 : i32
    %dma_start3A_2935 = tpu.memref_slice %arg13[%dma_start3A_2933, %dma_start3A_2934] : memref<128x64xf32, #tpu.memory_space<vmem>> -> memref<1x64xf32, #tpu.memory_space<vmem>>
    %dma_start3A_2936 = arith.constant 0 : i32
    %dma_start3A_2937 = tpu.memref_slice %arg4[%squeeze3A_2932, %dma_start3A_2936] : memref<1000000x64xf32, #tpu.memory_space<hbm>> -> memref<1x64xf32, #tpu.memory_space<hbm>>
    %dma_start3A_2938 = arith.constant 120 : i32
    %dma_start3A_2939 = arith.constant 0 : i32
    %dma_start3A_2940 = tpu.memref_slice %arg13[%dma_start3A_2938, %dma_start3A_2939] : memref<128x64xf32, #tpu.memory_space<vmem>> -> memref<1x64xf32, #tpu.memory_space<vmem>>
    %dma_start3A_2941 = arith.constant 0 : i32
    %dma_start3A_2942 = tpu.memref_slice %arg4[%squeeze3A_2932, %dma_start3A_2941] : memref<1000000x64xf32, #tpu.memory_space<hbm>> -> memref<1x64xf32, #tpu.memory_space<hbm>>
    tpu.enqueue_dma source(%dma_start3A_2942 : memref<1x64xf32, #tpu.memory_space<hbm>>) target(%dma_start3A_2940 : memref<1x64xf32, #tpu.memory_space<vmem>>) target_semaphore(%arg17 : memref<!tpu.dma_semaphore, #tpu.memory_space<semaphore_mem>>)
    %slice3A_2943 = vector.extract_strided_slice %get3A_2738 {offsets = [8], sizes = [1], strides = [1]} : vector<16xi32> to vector<1xi32>
    %squeeze3A_2944 = vector.extract %slice3A_2943[0] : i32 from vector<1xi32>
    %dma_start3A_2945 = arith.constant 120 : i32
    %dma_start3A_2946 = arith.constant 0 : i32
    %dma_start3A_2947 = tpu.memref_slice %arg14[%dma_start3A_2945, %dma_start3A_2946] : memref<128x64xf32, #tpu.memory_space<vmem>> -> memref<1x64xf32, #tpu.memory_space<vmem>>
    %dma_start3A_2948 = arith.constant 0 : i32
    %dma_start3A_2949 = tpu.memref_slice %arg4[%squeeze3A_2944, %dma_start3A_2948] : memref<1000000x64xf32, #tpu.memory_space<hbm>> -> memref<1x64xf32, #tpu.memory_space<hbm>>
    %dma_start3A_2950 = arith.constant 120 : i32
    %dma_start3A_2951 = arith.constant 0 : i32
    %dma_start3A_2952 = tpu.memref_slice %arg14[%dma_start3A_2950, %dma_start3A_2951] : memref<128x64xf32, #tpu.memory_space<vmem>> -> memref<1x64xf32, #tpu.memory_space<vmem>>
    %dma_start3A_2953 = arith.constant 0 : i32
    %dma_start3A_2954 = tpu.memref_slice %arg4[%squeeze3A_2944, %dma_start3A_2953] : memref<1000000x64xf32, #tpu.memory_space<hbm>> -> memref<1x64xf32, #tpu.memory_space<hbm>>
    tpu.enqueue_dma source(%dma_start3A_2954 : memref<1x64xf32, #tpu.memory_space<hbm>>) target(%dma_start3A_2952 : memref<1x64xf32, #tpu.memory_space<vmem>>) target_semaphore(%arg17 : memref<!tpu.dma_semaphore, #tpu.memory_space<semaphore_mem>>)
    %slice3A_2955 = vector.extract_strided_slice %get3A_2735 {offsets = [9], sizes = [1], strides = [1]} : vector<16xi32> to vector<1xi32>
    %squeeze3A_2956 = vector.extract %slice3A_2955[0] : i32 from vector<1xi32>
    %dma_start3A_2957 = arith.constant 121 : i32
    %dma_start3A_2958 = arith.constant 0 : i32
    %dma_start3A_2959 = tpu.memref_slice %arg13[%dma_start3A_2957, %dma_start3A_2958] : memref<128x64xf32, #tpu.memory_space<vmem>> -> memref<1x64xf32, #tpu.memory_space<vmem>>
    %dma_start3A_2960 = arith.constant 0 : i32
    %dma_start3A_2961 = tpu.memref_slice %arg4[%squeeze3A_2956, %dma_start3A_2960] : memref<1000000x64xf32, #tpu.memory_space<hbm>> -> memref<1x64xf32, #tpu.memory_space<hbm>>
    %dma_start3A_2962 = arith.constant 121 : i32
    %dma_start3A_2963 = arith.constant 0 : i32
    %dma_start3A_2964 = tpu.memref_slice %arg13[%dma_start3A_2962, %dma_start3A_2963] : memref<128x64xf32, #tpu.memory_space<vmem>> -> memref<1x64xf32, #tpu.memory_space<vmem>>
    %dma_start3A_2965 = arith.constant 0 : i32
    %dma_start3A_2966 = tpu.memref_slice %arg4[%squeeze3A_2956, %dma_start3A_2965] : memref<1000000x64xf32, #tpu.memory_space<hbm>> -> memref<1x64xf32, #tpu.memory_space<hbm>>
    tpu.enqueue_dma source(%dma_start3A_2966 : memref<1x64xf32, #tpu.memory_space<hbm>>) target(%dma_start3A_2964 : memref<1x64xf32, #tpu.memory_space<vmem>>) target_semaphore(%arg17 : memref<!tpu.dma_semaphore, #tpu.memory_space<semaphore_mem>>)
    %slice3A_2967 = vector.extract_strided_slice %get3A_2738 {offsets = [9], sizes = [1], strides = [1]} : vector<16xi32> to vector<1xi32>
    %squeeze3A_2968 = vector.extract %slice3A_2967[0] : i32 from vector<1xi32>
    %dma_start3A_2969 = arith.constant 121 : i32
    %dma_start3A_2970 = arith.constant 0 : i32
    %dma_start3A_2971 = tpu.memref_slice %arg14[%dma_start3A_2969, %dma_start3A_2970] : memref<128x64xf32, #tpu.memory_space<vmem>> -> memref<1x64xf32, #tpu.memory_space<vmem>>
    %dma_start3A_2972 = arith.constant 0 : i32
    %dma_start3A_2973 = tpu.memref_slice %arg4[%squeeze3A_2968, %dma_start3A_2972] : memref<1000000x64xf32, #tpu.memory_space<hbm>> -> memref<1x64xf32, #tpu.memory_space<hbm>>
    %dma_start3A_2974 = arith.constant 121 : i32
    %dma_start3A_2975 = arith.constant 0 : i32
    %dma_start3A_2976 = tpu.memref_slice %arg14[%dma_start3A_2974, %dma_start3A_2975] : memref<128x64xf32, #tpu.memory_space<vmem>> -> memref<1x64xf32, #tpu.memory_space<vmem>>
    %dma_start3A_2977 = arith.constant 0 : i32
    %dma_start3A_2978 = tpu.memref_slice %arg4[%squeeze3A_2968, %dma_start3A_2977] : memref<1000000x64xf32, #tpu.memory_space<hbm>> -> memref<1x64xf32, #tpu.memory_space<hbm>>
    tpu.enqueue_dma source(%dma_start3A_2978 : memref<1x64xf32, #tpu.memory_space<hbm>>) target(%dma_start3A_2976 : memref<1x64xf32, #tpu.memory_space<vmem>>) target_semaphore(%arg17 : memref<!tpu.dma_semaphore, #tpu.memory_space<semaphore_mem>>)
    %slice3A_2979 = vector.extract_strided_slice %get3A_2735 {offsets = [10], sizes = [1], strides = [1]} : vector<16xi32> to vector<1xi32>
    %squeeze3A_2980 = vector.extract %slice3A_2979[0] : i32 from vector<1xi32>
    %dma_start3A_2981 = arith.constant 122 : i32
    %dma_start3A_2982 = arith.constant 0 : i32
    %dma_start3A_2983 = tpu.memref_slice %arg13[%dma_start3A_2981, %dma_start3A_2982] : memref<128x64xf32, #tpu.memory_space<vmem>> -> memref<1x64xf32, #tpu.memory_space<vmem>>
    %dma_start3A_2984 = arith.constant 0 : i32
    %dma_start3A_2985 = tpu.memref_slice %arg4[%squeeze3A_2980, %dma_start3A_2984] : memref<1000000x64xf32, #tpu.memory_space<hbm>> -> memref<1x64xf32, #tpu.memory_space<hbm>>
    %dma_start3A_2986 = arith.constant 122 : i32
    %dma_start3A_2987 = arith.constant 0 : i32
    %dma_start3A_2988 = tpu.memref_slice %arg13[%dma_start3A_2986, %dma_start3A_2987] : memref<128x64xf32, #tpu.memory_space<vmem>> -> memref<1x64xf32, #tpu.memory_space<vmem>>
    %dma_start3A_2989 = arith.constant 0 : i32
    %dma_start3A_2990 = tpu.memref_slice %arg4[%squeeze3A_2980, %dma_start3A_2989] : memref<1000000x64xf32, #tpu.memory_space<hbm>> -> memref<1x64xf32, #tpu.memory_space<hbm>>
    tpu.enqueue_dma source(%dma_start3A_2990 : memref<1x64xf32, #tpu.memory_space<hbm>>) target(%dma_start3A_2988 : memref<1x64xf32, #tpu.memory_space<vmem>>) target_semaphore(%arg17 : memref<!tpu.dma_semaphore, #tpu.memory_space<semaphore_mem>>)
    %slice3A_2991 = vector.extract_strided_slice %get3A_2738 {offsets = [10], sizes = [1], strides = [1]} : vector<16xi32> to vector<1xi32>
    %squeeze3A_2992 = vector.extract %slice3A_2991[0] : i32 from vector<1xi32>
    %dma_start3A_2993 = arith.constant 122 : i32
    %dma_start3A_2994 = arith.constant 0 : i32
    %dma_start3A_2995 = tpu.memref_slice %arg14[%dma_start3A_2993, %dma_start3A_2994] : memref<128x64xf32, #tpu.memory_space<vmem>> -> memref<1x64xf32, #tpu.memory_space<vmem>>
    %dma_start3A_2996 = arith.constant 0 : i32
    %dma_start3A_2997 = tpu.memref_slice %arg4[%squeeze3A_2992, %dma_start3A_2996] : memref<1000000x64xf32, #tpu.memory_space<hbm>> -> memref<1x64xf32, #tpu.memory_space<hbm>>
    %dma_start3A_2998 = arith.constant 122 : i32
    %dma_start3A_2999 = arith.constant 0 : i32
    %dma_start3A_3000 = tpu.memref_slice %arg14[%dma_start3A_2998, %dma_start3A_2999] : memref<128x64xf32, #tpu.memory_space<vmem>> -> memref<1x64xf32, #tpu.memory_space<vmem>>
    %dma_start3A_3001 = arith.constant 0 : i32
    %dma_start3A_3002 = tpu.memref_slice %arg4[%squeeze3A_2992, %dma_start3A_3001] : memref<1000000x64xf32, #tpu.memory_space<hbm>> -> memref<1x64xf32, #tpu.memory_space<hbm>>
    tpu.enqueue_dma source(%dma_start3A_3002 : memref<1x64xf32, #tpu.memory_space<hbm>>) target(%dma_start3A_3000 : memref<1x64xf32, #tpu.memory_space<vmem>>) target_semaphore(%arg17 : memref<!tpu.dma_semaphore, #tpu.memory_space<semaphore_mem>>)
    %slice3A_3003 = vector.extract_strided_slice %get3A_2735 {offsets = [11], sizes = [1], strides = [1]} : vector<16xi32> to vector<1xi32>
    %squeeze3A_3004 = vector.extract %slice3A_3003[0] : i32 from vector<1xi32>
    %dma_start3A_3005 = arith.constant 123 : i32
    %dma_start3A_3006 = arith.constant 0 : i32
    %dma_start3A_3007 = tpu.memref_slice %arg13[%dma_start3A_3005, %dma_start3A_3006] : memref<128x64xf32, #tpu.memory_space<vmem>> -> memref<1x64xf32, #tpu.memory_space<vmem>>
    %dma_start3A_3008 = arith.constant 0 : i32
    %dma_start3A_3009 = tpu.memref_slice %arg4[%squeeze3A_3004, %dma_start3A_3008] : memref<1000000x64xf32, #tpu.memory_space<hbm>> -> memref<1x64xf32, #tpu.memory_space<hbm>>
    %dma_start3A_3010 = arith.constant 123 : i32
    %dma_start3A_3011 = arith.constant 0 : i32
    %dma_start3A_3012 = tpu.memref_slice %arg13[%dma_start3A_3010, %dma_start3A_3011] : memref<128x64xf32, #tpu.memory_space<vmem>> -> memref<1x64xf32, #tpu.memory_space<vmem>>
    %dma_start3A_3013 = arith.constant 0 : i32
    %dma_start3A_3014 = tpu.memref_slice %arg4[%squeeze3A_3004, %dma_start3A_3013] : memref<1000000x64xf32, #tpu.memory_space<hbm>> -> memref<1x64xf32, #tpu.memory_space<hbm>>
    tpu.enqueue_dma source(%dma_start3A_3014 : memref<1x64xf32, #tpu.memory_space<hbm>>) target(%dma_start3A_3012 : memref<1x64xf32, #tpu.memory_space<vmem>>) target_semaphore(%arg17 : memref<!tpu.dma_semaphore, #tpu.memory_space<semaphore_mem>>)
    %slice3A_3015 = vector.extract_strided_slice %get3A_2738 {offsets = [11], sizes = [1], strides = [1]} : vector<16xi32> to vector<1xi32>
    %squeeze3A_3016 = vector.extract %slice3A_3015[0] : i32 from vector<1xi32>
    %dma_start3A_3017 = arith.constant 123 : i32
    %dma_start3A_3018 = arith.constant 0 : i32
    %dma_start3A_3019 = tpu.memref_slice %arg14[%dma_start3A_3017, %dma_start3A_3018] : memref<128x64xf32, #tpu.memory_space<vmem>> -> memref<1x64xf32, #tpu.memory_space<vmem>>
    %dma_start3A_3020 = arith.constant 0 : i32
    %dma_start3A_3021 = tpu.memref_slice %arg4[%squeeze3A_3016, %dma_start3A_3020] : memref<1000000x64xf32, #tpu.memory_space<hbm>> -> memref<1x64xf32, #tpu.memory_space<hbm>>
    %dma_start3A_3022 = arith.constant 123 : i32
    %dma_start3A_3023 = arith.constant 0 : i32
    %dma_start3A_3024 = tpu.memref_slice %arg14[%dma_start3A_3022, %dma_start3A_3023] : memref<128x64xf32, #tpu.memory_space<vmem>> -> memref<1x64xf32, #tpu.memory_space<vmem>>
    %dma_start3A_3025 = arith.constant 0 : i32
    %dma_start3A_3026 = tpu.memref_slice %arg4[%squeeze3A_3016, %dma_start3A_3025] : memref<1000000x64xf32, #tpu.memory_space<hbm>> -> memref<1x64xf32, #tpu.memory_space<hbm>>
    tpu.enqueue_dma source(%dma_start3A_3026 : memref<1x64xf32, #tpu.memory_space<hbm>>) target(%dma_start3A_3024 : memref<1x64xf32, #tpu.memory_space<vmem>>) target_semaphore(%arg17 : memref<!tpu.dma_semaphore, #tpu.memory_space<semaphore_mem>>)
    %slice3A_3027 = vector.extract_strided_slice %get3A_2735 {offsets = [12], sizes = [1], strides = [1]} : vector<16xi32> to vector<1xi32>
    %squeeze3A_3028 = vector.extract %slice3A_3027[0] : i32 from vector<1xi32>
    %dma_start3A_3029 = arith.constant 124 : i32
    %dma_start3A_3030 = arith.constant 0 : i32
    %dma_start3A_3031 = tpu.memref_slice %arg13[%dma_start3A_3029, %dma_start3A_3030] : memref<128x64xf32, #tpu.memory_space<vmem>> -> memref<1x64xf32, #tpu.memory_space<vmem>>
    %dma_start3A_3032 = arith.constant 0 : i32
    %dma_start3A_3033 = tpu.memref_slice %arg4[%squeeze3A_3028, %dma_start3A_3032] : memref<1000000x64xf32, #tpu.memory_space<hbm>> -> memref<1x64xf32, #tpu.memory_space<hbm>>
    %dma_start3A_3034 = arith.constant 124 : i32
    %dma_start3A_3035 = arith.constant 0 : i32
    %dma_start3A_3036 = tpu.memref_slice %arg13[%dma_start3A_3034, %dma_start3A_3035] : memref<128x64xf32, #tpu.memory_space<vmem>> -> memref<1x64xf32, #tpu.memory_space<vmem>>
    %dma_start3A_3037 = arith.constant 0 : i32
    %dma_start3A_3038 = tpu.memref_slice %arg4[%squeeze3A_3028, %dma_start3A_3037] : memref<1000000x64xf32, #tpu.memory_space<hbm>> -> memref<1x64xf32, #tpu.memory_space<hbm>>
    tpu.enqueue_dma source(%dma_start3A_3038 : memref<1x64xf32, #tpu.memory_space<hbm>>) target(%dma_start3A_3036 : memref<1x64xf32, #tpu.memory_space<vmem>>) target_semaphore(%arg17 : memref<!tpu.dma_semaphore, #tpu.memory_space<semaphore_mem>>)
    %slice3A_3039 = vector.extract_strided_slice %get3A_2738 {offsets = [12], sizes = [1], strides = [1]} : vector<16xi32> to vector<1xi32>
    %squeeze3A_3040 = vector.extract %slice3A_3039[0] : i32 from vector<1xi32>
    %dma_start3A_3041 = arith.constant 124 : i32
    %dma_start3A_3042 = arith.constant 0 : i32
    %dma_start3A_3043 = tpu.memref_slice %arg14[%dma_start3A_3041, %dma_start3A_3042] : memref<128x64xf32, #tpu.memory_space<vmem>> -> memref<1x64xf32, #tpu.memory_space<vmem>>
    %dma_start3A_3044 = arith.constant 0 : i32
    %dma_start3A_3045 = tpu.memref_slice %arg4[%squeeze3A_3040, %dma_start3A_3044] : memref<1000000x64xf32, #tpu.memory_space<hbm>> -> memref<1x64xf32, #tpu.memory_space<hbm>>
    %dma_start3A_3046 = arith.constant 124 : i32
    %dma_start3A_3047 = arith.constant 0 : i32
    %dma_start3A_3048 = tpu.memref_slice %arg14[%dma_start3A_3046, %dma_start3A_3047] : memref<128x64xf32, #tpu.memory_space<vmem>> -> memref<1x64xf32, #tpu.memory_space<vmem>>
    %dma_start3A_3049 = arith.constant 0 : i32
    %dma_start3A_3050 = tpu.memref_slice %arg4[%squeeze3A_3040, %dma_start3A_3049] : memref<1000000x64xf32, #tpu.memory_space<hbm>> -> memref<1x64xf32, #tpu.memory_space<hbm>>
    tpu.enqueue_dma source(%dma_start3A_3050 : memref<1x64xf32, #tpu.memory_space<hbm>>) target(%dma_start3A_3048 : memref<1x64xf32, #tpu.memory_space<vmem>>) target_semaphore(%arg17 : memref<!tpu.dma_semaphore, #tpu.memory_space<semaphore_mem>>)
    %slice3A_3051 = vector.extract_strided_slice %get3A_2735 {offsets = [13], sizes = [1], strides = [1]} : vector<16xi32> to vector<1xi32>
    %squeeze3A_3052 = vector.extract %slice3A_3051[0] : i32 from vector<1xi32>
    %dma_start3A_3053 = arith.constant 125 : i32
    %dma_start3A_3054 = arith.constant 0 : i32
    %dma_start3A_3055 = tpu.memref_slice %arg13[%dma_start3A_3053, %dma_start3A_3054] : memref<128x64xf32, #tpu.memory_space<vmem>> -> memref<1x64xf32, #tpu.memory_space<vmem>>
    %dma_start3A_3056 = arith.constant 0 : i32
    %dma_start3A_3057 = tpu.memref_slice %arg4[%squeeze3A_3052, %dma_start3A_3056] : memref<1000000x64xf32, #tpu.memory_space<hbm>> -> memref<1x64xf32, #tpu.memory_space<hbm>>
    %dma_start3A_3058 = arith.constant 125 : i32
    %dma_start3A_3059 = arith.constant 0 : i32
    %dma_start3A_3060 = tpu.memref_slice %arg13[%dma_start3A_3058, %dma_start3A_3059] : memref<128x64xf32, #tpu.memory_space<vmem>> -> memref<1x64xf32, #tpu.memory_space<vmem>>
    %dma_start3A_3061 = arith.constant 0 : i32
    %dma_start3A_3062 = tpu.memref_slice %arg4[%squeeze3A_3052, %dma_start3A_3061] : memref<1000000x64xf32, #tpu.memory_space<hbm>> -> memref<1x64xf32, #tpu.memory_space<hbm>>
    tpu.enqueue_dma source(%dma_start3A_3062 : memref<1x64xf32, #tpu.memory_space<hbm>>) target(%dma_start3A_3060 : memref<1x64xf32, #tpu.memory_space<vmem>>) target_semaphore(%arg17 : memref<!tpu.dma_semaphore, #tpu.memory_space<semaphore_mem>>)
    %slice3A_3063 = vector.extract_strided_slice %get3A_2738 {offsets = [13], sizes = [1], strides = [1]} : vector<16xi32> to vector<1xi32>
    %squeeze3A_3064 = vector.extract %slice3A_3063[0] : i32 from vector<1xi32>
    %dma_start3A_3065 = arith.constant 125 : i32
    %dma_start3A_3066 = arith.constant 0 : i32
    %dma_start3A_3067 = tpu.memref_slice %arg14[%dma_start3A_3065, %dma_start3A_3066] : memref<128x64xf32, #tpu.memory_space<vmem>> -> memref<1x64xf32, #tpu.memory_space<vmem>>
    %dma_start3A_3068 = arith.constant 0 : i32
    %dma_start3A_3069 = tpu.memref_slice %arg4[%squeeze3A_3064, %dma_start3A_3068] : memref<1000000x64xf32, #tpu.memory_space<hbm>> -> memref<1x64xf32, #tpu.memory_space<hbm>>
    %dma_start3A_3070 = arith.constant 125 : i32
    %dma_start3A_3071 = arith.constant 0 : i32
    %dma_start3A_3072 = tpu.memref_slice %arg14[%dma_start3A_3070, %dma_start3A_3071] : memref<128x64xf32, #tpu.memory_space<vmem>> -> memref<1x64xf32, #tpu.memory_space<vmem>>
    %dma_start3A_3073 = arith.constant 0 : i32
    %dma_start3A_3074 = tpu.memref_slice %arg4[%squeeze3A_3064, %dma_start3A_3073] : memref<1000000x64xf32, #tpu.memory_space<hbm>> -> memref<1x64xf32, #tpu.memory_space<hbm>>
    tpu.enqueue_dma source(%dma_start3A_3074 : memref<1x64xf32, #tpu.memory_space<hbm>>) target(%dma_start3A_3072 : memref<1x64xf32, #tpu.memory_space<vmem>>) target_semaphore(%arg17 : memref<!tpu.dma_semaphore, #tpu.memory_space<semaphore_mem>>)
    %slice3A_3075 = vector.extract_strided_slice %get3A_2735 {offsets = [14], sizes = [1], strides = [1]} : vector<16xi32> to vector<1xi32>
    %squeeze3A_3076 = vector.extract %slice3A_3075[0] : i32 from vector<1xi32>
    %dma_start3A_3077 = arith.constant 126 : i32
    %dma_start3A_3078 = arith.constant 0 : i32
    %dma_start3A_3079 = tpu.memref_slice %arg13[%dma_start3A_3077, %dma_start3A_3078] : memref<128x64xf32, #tpu.memory_space<vmem>> -> memref<1x64xf32, #tpu.memory_space<vmem>>
    %dma_start3A_3080 = arith.constant 0 : i32
    %dma_start3A_3081 = tpu.memref_slice %arg4[%squeeze3A_3076, %dma_start3A_3080] : memref<1000000x64xf32, #tpu.memory_space<hbm>> -> memref<1x64xf32, #tpu.memory_space<hbm>>
    %dma_start3A_3082 = arith.constant 126 : i32
    %dma_start3A_3083 = arith.constant 0 : i32
    %dma_start3A_3084 = tpu.memref_slice %arg13[%dma_start3A_3082, %dma_start3A_3083] : memref<128x64xf32, #tpu.memory_space<vmem>> -> memref<1x64xf32, #tpu.memory_space<vmem>>
    %dma_start3A_3085 = arith.constant 0 : i32
    %dma_start3A_3086 = tpu.memref_slice %arg4[%squeeze3A_3076, %dma_start3A_3085] : memref<1000000x64xf32, #tpu.memory_space<hbm>> -> memref<1x64xf32, #tpu.memory_space<hbm>>
    tpu.enqueue_dma source(%dma_start3A_3086 : memref<1x64xf32, #tpu.memory_space<hbm>>) target(%dma_start3A_3084 : memref<1x64xf32, #tpu.memory_space<vmem>>) target_semaphore(%arg17 : memref<!tpu.dma_semaphore, #tpu.memory_space<semaphore_mem>>)
    %slice3A_3087 = vector.extract_strided_slice %get3A_2738 {offsets = [14], sizes = [1], strides = [1]} : vector<16xi32> to vector<1xi32>
    %squeeze3A_3088 = vector.extract %slice3A_3087[0] : i32 from vector<1xi32>
    %dma_start3A_3089 = arith.constant 126 : i32
    %dma_start3A_3090 = arith.constant 0 : i32
    %dma_start3A_3091 = tpu.memref_slice %arg14[%dma_start3A_3089, %dma_start3A_3090] : memref<128x64xf32, #tpu.memory_space<vmem>> -> memref<1x64xf32, #tpu.memory_space<vmem>>
    %dma_start3A_3092 = arith.constant 0 : i32
    %dma_start3A_3093 = tpu.memref_slice %arg4[%squeeze3A_3088, %dma_start3A_3092] : memref<1000000x64xf32, #tpu.memory_space<hbm>> -> memref<1x64xf32, #tpu.memory_space<hbm>>
    %dma_start3A_3094 = arith.constant 126 : i32
    %dma_start3A_3095 = arith.constant 0 : i32
    %dma_start3A_3096 = tpu.memref_slice %arg14[%dma_start3A_3094, %dma_start3A_3095] : memref<128x64xf32, #tpu.memory_space<vmem>> -> memref<1x64xf32, #tpu.memory_space<vmem>>
    %dma_start3A_3097 = arith.constant 0 : i32
    %dma_start3A_3098 = tpu.memref_slice %arg4[%squeeze3A_3088, %dma_start3A_3097] : memref<1000000x64xf32, #tpu.memory_space<hbm>> -> memref<1x64xf32, #tpu.memory_space<hbm>>
    tpu.enqueue_dma source(%dma_start3A_3098 : memref<1x64xf32, #tpu.memory_space<hbm>>) target(%dma_start3A_3096 : memref<1x64xf32, #tpu.memory_space<vmem>>) target_semaphore(%arg17 : memref<!tpu.dma_semaphore, #tpu.memory_space<semaphore_mem>>)
    %slice3A_3099 = vector.extract_strided_slice %get3A_2735 {offsets = [15], sizes = [1], strides = [1]} : vector<16xi32> to vector<1xi32>
    %squeeze3A_3100 = vector.extract %slice3A_3099[0] : i32 from vector<1xi32>
    %dma_start3A_3101 = arith.constant 127 : i32
    %dma_start3A_3102 = arith.constant 0 : i32
    %dma_start3A_3103 = tpu.memref_slice %arg13[%dma_start3A_3101, %dma_start3A_3102] : memref<128x64xf32, #tpu.memory_space<vmem>> -> memref<1x64xf32, #tpu.memory_space<vmem>>
    %dma_start3A_3104 = arith.constant 0 : i32
    %dma_start3A_3105 = tpu.memref_slice %arg4[%squeeze3A_3100, %dma_start3A_3104] : memref<1000000x64xf32, #tpu.memory_space<hbm>> -> memref<1x64xf32, #tpu.memory_space<hbm>>
    %dma_start3A_3106 = arith.constant 127 : i32
    %dma_start3A_3107 = arith.constant 0 : i32
    %dma_start3A_3108 = tpu.memref_slice %arg13[%dma_start3A_3106, %dma_start3A_3107] : memref<128x64xf32, #tpu.memory_space<vmem>> -> memref<1x64xf32, #tpu.memory_space<vmem>>
    %dma_start3A_3109 = arith.constant 0 : i32
    %dma_start3A_3110 = tpu.memref_slice %arg4[%squeeze3A_3100, %dma_start3A_3109] : memref<1000000x64xf32, #tpu.memory_space<hbm>> -> memref<1x64xf32, #tpu.memory_space<hbm>>
    tpu.enqueue_dma source(%dma_start3A_3110 : memref<1x64xf32, #tpu.memory_space<hbm>>) target(%dma_start3A_3108 : memref<1x64xf32, #tpu.memory_space<vmem>>) target_semaphore(%arg17 : memref<!tpu.dma_semaphore, #tpu.memory_space<semaphore_mem>>)
    %slice3A_3111 = vector.extract_strided_slice %get3A_2738 {offsets = [15], sizes = [1], strides = [1]} : vector<16xi32> to vector<1xi32>
    %squeeze3A_3112 = vector.extract %slice3A_3111[0] : i32 from vector<1xi32>
    %dma_start3A_3113 = arith.constant 127 : i32
    %dma_start3A_3114 = arith.constant 0 : i32
    %dma_start3A_3115 = tpu.memref_slice %arg14[%dma_start3A_3113, %dma_start3A_3114] : memref<128x64xf32, #tpu.memory_space<vmem>> -> memref<1x64xf32, #tpu.memory_space<vmem>>
    %dma_start3A_3116 = arith.constant 0 : i32
    %dma_start3A_3117 = tpu.memref_slice %arg4[%squeeze3A_3112, %dma_start3A_3116] : memref<1000000x64xf32, #tpu.memory_space<hbm>> -> memref<1x64xf32, #tpu.memory_space<hbm>>
    %dma_start3A_3118 = arith.constant 127 : i32
    %dma_start3A_3119 = arith.constant 0 : i32
    %dma_start3A_3120 = tpu.memref_slice %arg14[%dma_start3A_3118, %dma_start3A_3119] : memref<128x64xf32, #tpu.memory_space<vmem>> -> memref<1x64xf32, #tpu.memory_space<vmem>>
    %dma_start3A_3121 = arith.constant 0 : i32
    %dma_start3A_3122 = tpu.memref_slice %arg4[%squeeze3A_3112, %dma_start3A_3121] : memref<1000000x64xf32, #tpu.memory_space<hbm>> -> memref<1x64xf32, #tpu.memory_space<hbm>>
    tpu.enqueue_dma source(%dma_start3A_3122 : memref<1x64xf32, #tpu.memory_space<hbm>>) target(%dma_start3A_3120 : memref<1x64xf32, #tpu.memory_space<vmem>>) target_semaphore(%arg17 : memref<!tpu.dma_semaphore, #tpu.memory_space<semaphore_mem>>)
    %dma_wait3A = arith.constant 0 : i32
    %dma_wait3A_3123 = arith.constant 0 : i32
    %dma_wait3A_3124 = tpu.memref_slice %arg4[%dma_wait3A, %dma_wait3A_3123] : memref<1000000x64xf32, #tpu.memory_space<hbm>> -> memref<128x64xf32, #tpu.memory_space<hbm>>
    %dma_wait3A_3125 = arith.constant 0 : i32
    %dma_wait3A_3126 = arith.constant 0 : i32
    %dma_wait3A_3127 = tpu.memref_slice %arg4[%dma_wait3A_3125, %dma_wait3A_3126] : memref<1000000x64xf32, #tpu.memory_space<hbm>> -> memref<128x64xf32, #tpu.memory_space<hbm>>
    tpu.wait_dma2 semaphore(%arg17 : memref<!tpu.dma_semaphore, #tpu.memory_space<semaphore_mem>>) src(%dma_wait3A_3127 : memref<128x64xf32, #tpu.memory_space<hbm>>) dst(%arg13 : memref<128x64xf32, #tpu.memory_space<vmem>>)
    %dma_wait3A_3128 = arith.constant 0 : i32
    %dma_wait3A_3129 = arith.constant 0 : i32
    %dma_wait3A_3130 = tpu.memref_slice %arg4[%dma_wait3A_3128, %dma_wait3A_3129] : memref<1000000x64xf32, #tpu.memory_space<hbm>> -> memref<128x64xf32, #tpu.memory_space<hbm>>
    %dma_wait3A_3131 = arith.constant 0 : i32
    %dma_wait3A_3132 = arith.constant 0 : i32
    %dma_wait3A_3133 = tpu.memref_slice %arg4[%dma_wait3A_3131, %dma_wait3A_3132] : memref<1000000x64xf32, #tpu.memory_space<hbm>> -> memref<128x64xf32, #tpu.memory_space<hbm>>
    tpu.wait_dma2 semaphore(%arg17 : memref<!tpu.dma_semaphore, #tpu.memory_space<semaphore_mem>>) src(%dma_wait3A_3133 : memref<128x64xf32, #tpu.memory_space<hbm>>) dst(%arg14 : memref<128x64xf32, #tpu.memory_space<vmem>>)
    %dma_wait3A_3134 = arith.constant 0 : i32
    %dma_wait3A_3135 = tpu.memref_slice %arg5[%dma_wait3A_3134] : memref<1000000xf32, #tpu.memory_space<hbm>> -> memref<1000000xf32, #tpu.memory_space<hbm>>
    tpu.wait_indirect_dma semaphore(%arg18 : memref<!tpu.dma_semaphore, #tpu.memory_space<semaphore_mem>>) src(%dma_wait3A_3135 : memref<1000000xf32, #tpu.memory_space<hbm>>) dst(%arg15 : memref<128xf32, #tpu.memory_space<vmem>>)
    %dma_wait3A_3136 = arith.constant 0 : i32
    %dma_wait3A_3137 = tpu.memref_slice %arg6[%dma_wait3A_3136] : memref<1000000xf32, #tpu.memory_space<hbm>> -> memref<1000000xf32, #tpu.memory_space<hbm>>
    tpu.wait_indirect_dma semaphore(%arg18 : memref<!tpu.dma_semaphore, #tpu.memory_space<semaphore_mem>>) src(%dma_wait3A_3137 : memref<1000000xf32, #tpu.memory_space<hbm>>) dst(%arg16 : memref<128xf32, #tpu.memory_space<vmem>>)
    "tpu.region"() ({
      %run_scoped3A = tpu.sem_alloc : memref<!tpu.dma_semaphore, #tpu.memory_space<semaphore_mem>>
      %dma_start3A_3138 = arith.constant 0 : i32
      %dma_start3A_3139 = tpu.memref_slice %arg7[%mul3A_2, %dma_start3A_3138] : memref<4096x64xf32, #tpu.memory_space<hbm>> -> memref<128x64xf32, #tpu.memory_space<hbm>>
      %dma_start3A_3140 = arith.constant 0 : i32
      %dma_start3A_3141 = tpu.memref_slice %arg7[%mul3A_2, %dma_start3A_3140] : memref<4096x64xf32, #tpu.memory_space<hbm>> -> memref<128x64xf32, #tpu.memory_space<hbm>>
      tpu.enqueue_dma source(%arg13 : memref<128x64xf32, #tpu.memory_space<vmem>>) target(%dma_start3A_3141 : memref<128x64xf32, #tpu.memory_space<hbm>>) target_semaphore(%run_scoped3A : memref<!tpu.dma_semaphore, #tpu.memory_space<semaphore_mem>>)
      %dma_wait3A_3142 = arith.constant 0 : i32
      %dma_wait3A_3143 = tpu.memref_slice %arg7[%mul3A_2, %dma_wait3A_3142] : memref<4096x64xf32, #tpu.memory_space<hbm>> -> memref<128x64xf32, #tpu.memory_space<hbm>>
      %dma_wait3A_3144 = arith.constant 0 : i32
      %dma_wait3A_3145 = tpu.memref_slice %arg7[%mul3A_2, %dma_wait3A_3144] : memref<4096x64xf32, #tpu.memory_space<hbm>> -> memref<128x64xf32, #tpu.memory_space<hbm>>
      tpu.wait_dma2 semaphore(%run_scoped3A : memref<!tpu.dma_semaphore, #tpu.memory_space<semaphore_mem>>) src(%arg13 : memref<128x64xf32, #tpu.memory_space<vmem>>) dst(%dma_wait3A_3145 : memref<128x64xf32, #tpu.memory_space<hbm>>)
      tpu.yield
    }) : () -> ()
    "tpu.region"() ({
      %run_scoped3A = tpu.sem_alloc : memref<!tpu.dma_semaphore, #tpu.memory_space<semaphore_mem>>
      %dma_start3A_3138 = arith.constant 0 : i32
      %dma_start3A_3139 = tpu.memref_slice %arg8[%mul3A_2, %dma_start3A_3138] : memref<4096x64xf32, #tpu.memory_space<hbm>> -> memref<128x64xf32, #tpu.memory_space<hbm>>
      %dma_start3A_3140 = arith.constant 0 : i32
      %dma_start3A_3141 = tpu.memref_slice %arg8[%mul3A_2, %dma_start3A_3140] : memref<4096x64xf32, #tpu.memory_space<hbm>> -> memref<128x64xf32, #tpu.memory_space<hbm>>
      tpu.enqueue_dma source(%arg14 : memref<128x64xf32, #tpu.memory_space<vmem>>) target(%dma_start3A_3141 : memref<128x64xf32, #tpu.memory_space<hbm>>) target_semaphore(%run_scoped3A : memref<!tpu.dma_semaphore, #tpu.memory_space<semaphore_mem>>)
      %dma_wait3A_3142 = arith.constant 0 : i32
      %dma_wait3A_3143 = tpu.memref_slice %arg8[%mul3A_2, %dma_wait3A_3142] : memref<4096x64xf32, #tpu.memory_space<hbm>> -> memref<128x64xf32, #tpu.memory_space<hbm>>
      %dma_wait3A_3144 = arith.constant 0 : i32
      %dma_wait3A_3145 = tpu.memref_slice %arg8[%mul3A_2, %dma_wait3A_3144] : memref<4096x64xf32, #tpu.memory_space<hbm>> -> memref<128x64xf32, #tpu.memory_space<hbm>>
      tpu.wait_dma2 semaphore(%run_scoped3A : memref<!tpu.dma_semaphore, #tpu.memory_space<semaphore_mem>>) src(%arg14 : memref<128x64xf32, #tpu.memory_space<vmem>>) dst(%dma_wait3A_3145 : memref<128x64xf32, #tpu.memory_space<hbm>>)
      tpu.yield
    }) : () -> ()
    "tpu.region"() ({
      %run_scoped3A = tpu.sem_alloc : memref<!tpu.dma_semaphore, #tpu.memory_space<semaphore_mem>>
      %dma_start3A_3138 = tpu.memref_slice %arg9[%mul3A_2] : memref<4096xf32, #tpu.memory_space<hbm>> -> memref<128xf32, #tpu.memory_space<hbm>>
      %dma_start3A_3139 = tpu.memref_slice %arg9[%mul3A_2] : memref<4096xf32, #tpu.memory_space<hbm>> -> memref<128xf32, #tpu.memory_space<hbm>>
      tpu.enqueue_dma source(%arg15 : memref<128xf32, #tpu.memory_space<vmem>>) target(%dma_start3A_3139 : memref<128xf32, #tpu.memory_space<hbm>>) target_semaphore(%run_scoped3A : memref<!tpu.dma_semaphore, #tpu.memory_space<semaphore_mem>>)
      %dma_wait3A_3140 = tpu.memref_slice %arg9[%mul3A_2] : memref<4096xf32, #tpu.memory_space<hbm>> -> memref<128xf32, #tpu.memory_space<hbm>>
      %dma_wait3A_3141 = tpu.memref_slice %arg9[%mul3A_2] : memref<4096xf32, #tpu.memory_space<hbm>> -> memref<128xf32, #tpu.memory_space<hbm>>
      tpu.wait_dma2 semaphore(%run_scoped3A : memref<!tpu.dma_semaphore, #tpu.memory_space<semaphore_mem>>) src(%arg15 : memref<128xf32, #tpu.memory_space<vmem>>) dst(%dma_wait3A_3141 : memref<128xf32, #tpu.memory_space<hbm>>)
      tpu.yield
    }) : () -> ()
    "tpu.region"() ({
      %run_scoped3A = tpu.sem_alloc : memref<!tpu.dma_semaphore, #tpu.memory_space<semaphore_mem>>
      %dma_start3A_3138 = tpu.memref_slice %arg10[%mul3A_2] : memref<4096xf32, #tpu.memory_space<hbm>> -> memref<128xf32, #tpu.memory_space<hbm>>
      %dma_start3A_3139 = tpu.memref_slice %arg10[%mul3A_2] : memref<4096xf32, #tpu.memory_space<hbm>> -> memref<128xf32, #tpu.memory_space<hbm>>
      tpu.enqueue_dma source(%arg16 : memref<128xf32, #tpu.memory_space<vmem>>) target(%dma_start3A_3139 : memref<128xf32, #tpu.memory_space<hbm>>) target_semaphore(%run_scoped3A : memref<!tpu.dma_semaphore, #tpu.memory_space<semaphore_mem>>)
      %dma_wait3A_3140 = tpu.memref_slice %arg10[%mul3A_2] : memref<4096xf32, #tpu.memory_space<hbm>> -> memref<128xf32, #tpu.memory_space<hbm>>
      %dma_wait3A_3141 = tpu.memref_slice %arg10[%mul3A_2] : memref<4096xf32, #tpu.memory_space<hbm>> -> memref<128xf32, #tpu.memory_space<hbm>>
      tpu.wait_dma2 semaphore(%run_scoped3A : memref<!tpu.dma_semaphore, #tpu.memory_space<semaphore_mem>>) src(%arg16 : memref<128xf32, #tpu.memory_space<vmem>>) dst(%dma_wait3A_3141 : memref<128xf32, #tpu.memory_space<hbm>>)
      tpu.yield
    }) : () -> ()
    return
  }
}

module attributes {stable_mosaic.version = 14 : i64} {
  func.func @_tc_body(%arg0: i32, %arg1: memref<1x1xf32, #tpu.memory_space<smem>>, %arg2: memref<512x64xf32, #tpu.memory_space<vmem>>, %arg3: memref<4096x64xf32, #tpu.memory_space<vmem>>, %arg4: memref<512x1xi32, #tpu.memory_space<vmem>>, %arg5: memref<200x64xf32, #tpu.memory_space<vmem>>, %arg6: memref<200x64xf32, #tpu.memory_space<vmem>>, %arg7: memref<512x1xf32, #tpu.memory_space<vmem>>, %arg8: memref<1x4096xf32, #tpu.memory_space<vmem>>, %arg9: memref<64x64xf32, #tpu.memory_space<vmem>>, %arg10: memref<64x64xf32, #tpu.memory_space<vmem>>, %arg11: memref<64x64xf32, #tpu.memory_space<vmem>>, %arg12: memref<512x4096xf32, #tpu.memory_space<vmem>>) attributes {dimension_semantics = [#tpu.dimension_semantics<arbitrary>], iteration_bounds = array<i64: 8>, scalar_prefetch = 0 : i64, scratch_operands = 0 : i64, tpu.core_type = #tpu.core_type<tc>, window_params = [{transform_indices = @transform_0, window_bounds = array<i64: 1, 1>}, {transform_indices = @transform_1, window_bounds = array<i64: 512, 64>}, {pipeline_mode = #tpu.pipeline_mode<synchronous>, transform_indices = @transform_2, window_bounds = array<i64: 4096, 64>}, {transform_indices = @transform_3, window_bounds = array<i64: 512, 1>}, {pipeline_mode = #tpu.pipeline_mode<synchronous>, transform_indices = @transform_4, window_bounds = array<i64: 200, 64>}, {pipeline_mode = #tpu.pipeline_mode<synchronous>, transform_indices = @transform_5, window_bounds = array<i64: 200, 64>}, {transform_indices = @transform_6, window_bounds = array<i64: 512, 1>}, {pipeline_mode = #tpu.pipeline_mode<synchronous>, transform_indices = @transform_7, window_bounds = array<i64: 1, 4096>}, {pipeline_mode = #tpu.pipeline_mode<synchronous>, transform_indices = @transform_8, window_bounds = array<i64: 64, 64>}, {pipeline_mode = #tpu.pipeline_mode<synchronous>, transform_indices = @transform_9, window_bounds = array<i64: 64, 64>}, {pipeline_mode = #tpu.pipeline_mode<synchronous>, transform_indices = @transform_10, window_bounds = array<i64: 64, 64>}, {transform_indices = @transform_11, window_bounds = array<i64: 512, 4096>}]} {
    %get3A = arith.constant 0 : index
    %get3A_0 = arith.constant 0 : index
    %get3A_1 = memref.load %arg1[%get3A, %get3A_0] : memref<1x1xf32, #tpu.memory_space<smem>>
    %get3A_2 = arith.constant 0 : index
    %get3A_3 = arith.constant 0 : index
    %get3A_4 = vector.load %arg2[%get3A_2, %get3A_3] : memref<512x64xf32, #tpu.memory_space<vmem>>, vector<512x64xf32>
    %get3A_5 = arith.constant 0 : index
    %get3A_6 = arith.constant 0 : index
    %get3A_7 = vector.load %arg3[%get3A_5, %get3A_6] : memref<4096x64xf32, #tpu.memory_space<vmem>>, vector<4096x64xf32>
    %iota3A = tpu.iota {dimensions = array<i32: 1>} : vector<512x200xi32>
    %get3A_8 = arith.constant 0 : index
    %get3A_9 = arith.constant 0 : index
    %get3A_10 = vector.load %arg4[%get3A_8, %get3A_9] : memref<512x1xi32, #tpu.memory_space<vmem>>, vector<512x1xi32>
    %eq3A = vector.broadcast %get3A_10 : vector<512x1xi32> to vector<512x200xi32>
    %eq3A_11 = arith.cmpi eq, %iota3A, %eq3A : vector<512x200xi32>
    %convert_element_type3A = arith.extui %eq3A_11 : vector<512x200xi1> to vector<512x200xi32>
    %convert_element_type3A_12 = arith.sitofp %convert_element_type3A : vector<512x200xi32> to vector<512x200xf32>
    %get3A_13 = arith.constant 0 : index
    %get3A_14 = arith.constant 0 : index
    %get3A_15 = vector.load %arg5[%get3A_13, %get3A_14] : memref<200x64xf32, #tpu.memory_space<vmem>>, vector<200x64xf32>
    %dot_general3A = arith.constant dense<0.000000e+00> : vector<512x64xf32>
    %dot_general3A_16 = tpu.matmul %convert_element_type3A_12, %get3A_15, %dot_general3A {dimension_numbers = #tpu.dot_dimension_numbers<[1], [0], [0], [1], [0, 0, 1, 1], [], []>, transpose_lhs_hint = false} : vector<512x200xf32>, vector<200x64xf32>, vector<512x64xf32> -> vector<512x64xf32>
    %get3A_17 = arith.constant 0 : index
    %get3A_18 = arith.constant 0 : index
    %get3A_19 = vector.load %arg6[%get3A_17, %get3A_18] : memref<200x64xf32, #tpu.memory_space<vmem>>, vector<200x64xf32>
    %dot_general3A_20 = arith.constant dense<0.000000e+00> : vector<512x64xf32>
    %dot_general3A_21 = tpu.matmul %convert_element_type3A_12, %get3A_19, %dot_general3A_20 {dimension_numbers = #tpu.dot_dimension_numbers<[1], [0], [0], [1], [0, 0, 1, 1], [], []>, transpose_lhs_hint = false} : vector<512x200xf32>, vector<200x64xf32>, vector<512x64xf32> -> vector<512x64xf32>
    %get3A_22 = arith.constant 0 : index
    %get3A_23 = arith.constant 0 : index
    %get3A_24 = vector.load %arg10[%get3A_22, %get3A_23] : memref<64x64xf32, #tpu.memory_space<vmem>>, vector<64x64xf32>
    %dot_general3A_25 = arith.constant dense<0.000000e+00> : vector<512x64xf32>
    %dot_general3A_26 = tpu.matmul %dot_general3A_16, %get3A_24, %dot_general3A_25 {dimension_numbers = #tpu.dot_dimension_numbers<[1], [0], [0], [1], [0, 0, 1, 1], [], []>, transpose_lhs_hint = false} : vector<512x64xf32>, vector<64x64xf32>, vector<512x64xf32> -> vector<512x64xf32>
    %get3A_27 = arith.constant 0 : index
    %get3A_28 = arith.constant 0 : index
    %get3A_29 = vector.load %arg11[%get3A_27, %get3A_28] : memref<64x64xf32, #tpu.memory_space<vmem>>, vector<64x64xf32>
    %dot_general3A_30 = arith.constant dense<0.000000e+00> : vector<512x64xf32>
    %dot_general3A_31 = tpu.matmul %dot_general3A_16, %get3A_29, %dot_general3A_30 {dimension_numbers = #tpu.dot_dimension_numbers<[1], [0], [0], [1], [0, 0, 1, 1], [], []>, transpose_lhs_hint = false} : vector<512x64xf32>, vector<64x64xf32>, vector<512x64xf32> -> vector<512x64xf32>
    %mul3A = arith.mulf %dot_general3A_26, %dot_general3A_26 : vector<512x64xf32>
    %mul3A_32 = arith.mulf %dot_general3A_31, %dot_general3A_31 : vector<512x64xf32>
    %add3A = arith.addf %mul3A, %mul3A_32 : vector<512x64xf32>
    %sqrt3A = math.sqrt %add3A : vector<512x64xf32>
    %max3A = arith.constant 1.000000e-15 : f32
    %max3A_33 = vector.broadcast %max3A : f32 to vector<512x64xf32>
    %max3A_34 = arith.maximumf %sqrt3A, %max3A_33 : vector<512x64xf32>
    %div3A = arith.constant 1.000000e+00 : f32
    %div3A_35 = vector.broadcast %div3A : f32 to vector<512x64xf32>
    %div3A_36 = arith.divf %div3A_35, %max3A_34 : vector<512x64xf32>
    %get3A_37 = arith.constant 0 : index
    %get3A_38 = arith.constant 0 : index
    %get3A_39 = vector.load %arg9[%get3A_37, %get3A_38] : memref<64x64xf32, #tpu.memory_space<vmem>>, vector<64x64xf32>
    %dot_general3A_40 = arith.constant dense<0.000000e+00> : vector<512x64xf32>
    %dot_general3A_41 = tpu.matmul %get3A_4, %get3A_39, %dot_general3A_40 {dimension_numbers = #tpu.dot_dimension_numbers<[1], [0], [0], [1], [0, 0, 1, 1], [], []>, transpose_lhs_hint = false} : vector<512x64xf32>, vector<64x64xf32>, vector<512x64xf32> -> vector<512x64xf32>
    %mul3A_42 = arith.mulf %dot_general3A_26, %get3A_4 : vector<512x64xf32>
    %mul3A_43 = arith.mulf %dot_general3A_31, %dot_general3A_41 : vector<512x64xf32>
    %add3A_44 = arith.addf %mul3A_42, %mul3A_43 : vector<512x64xf32>
    %mul3A_45 = arith.mulf %add3A_44, %div3A_36 : vector<512x64xf32>
    %iota3A_46 = tpu.iota {dimensions = array<i32: 1>} : vector<512x64xi32>
    %slice3A = vector.extract_strided_slice %mul3A_45 {offsets = [0, 0], sizes = [512, 1], strides = [1, 1]} : vector<512x64xf32> to vector<512x1xf32>
    %logistic3A = arith.negf %slice3A : vector<512x1xf32>
    %logistic3A_47 = math.exp %logistic3A : vector<512x1xf32>
    %logistic3A_48 = arith.constant 1.000000e+00 : f32
    %logistic3A_49 = vector.broadcast %logistic3A_48 : f32 to vector<512x1xf32>
    %logistic3A_50 = arith.addf %logistic3A_49, %logistic3A_47 : vector<512x1xf32>
    %logistic3A_51 = arith.divf %logistic3A_49, %logistic3A_50 : vector<512x1xf32>
    %mul3A_52 = vector.broadcast %get3A_1 : f32 to vector<512x1xf32>
    %mul3A_53 = arith.mulf %logistic3A_51, %mul3A_52 : vector<512x1xf32>
    %add3A_54 = arith.constant 1.100000e+00 : f32
    %add3A_55 = vector.broadcast %add3A_54 : f32 to vector<512x1xf32>
    %add3A_56 = arith.addf %mul3A_53, %add3A_55 : vector<512x1xf32>
    %add3A_57 = arith.addf %mul3A_45, %dot_general3A_21 : vector<512x64xf32>
    %gt3A = arith.constant 0 : i32
    %gt3A_58 = vector.broadcast %gt3A : i32 to vector<512x64xi32>
    %gt3A_59 = arith.cmpi sgt, %iota3A_46, %gt3A_58 : vector<512x64xi32>
    %jit3A = arith.constant 0.000000e+00 : f32
    %broadcast_in_dim3A = vector.broadcast %jit3A : f32 to vector<512x64xf32>
    %select_n3A = arith.select %gt3A_59, %add3A_57, %broadcast_in_dim3A : vector<512x64xi1>, vector<512x64xf32>
    %mul3A_60 = arith.mulf %select_n3A, %select_n3A : vector<512x64xf32>
    %reduce_sum3A = arith.constant dense<0.000000e+00> : vector<512xf32>
    %reduce_sum3A_61 = vector.multi_reduction <add>, %mul3A_60, %reduce_sum3A [1] : vector<512x64xf32> to vector<512xf32>
    %broadcast_in_dim3A_62 = vector.shape_cast %reduce_sum3A_61 : vector<512xf32> to vector<512x1xf32>
    %mul3A_63 = arith.mulf %add3A_56, %add3A_56 : vector<512x1xf32>
    %sub3A = arith.constant 1.000000e+00 : f32
    %sub3A_64 = vector.broadcast %sub3A : f32 to vector<512x1xf32>
    %sub3A_65 = arith.subf %mul3A_63, %sub3A_64 : vector<512x1xf32>
    %div3A_66 = arith.divf %sub3A_65, %broadcast_in_dim3A_62 : vector<512x1xf32>
    %sqrt3A_67 = math.sqrt %div3A_66 : vector<512x1xf32>
    %eq3A_68 = arith.constant 0 : i32
    %eq3A_69 = vector.broadcast %eq3A_68 : i32 to vector<512x64xi32>
    %eq3A_70 = arith.cmpi eq, %iota3A_46, %eq3A_69 : vector<512x64xi32>
    %neg3A = arith.constant 0.000000e+00 : f32
    %neg3A_71 = vector.broadcast %neg3A : f32 to vector<512x1xf32>
    %neg3A_72 = arith.subf %neg3A_71, %add3A_56 : vector<512x1xf32>
    %mul3A_73 = vector.broadcast %sqrt3A_67 : vector<512x1xf32> to vector<512x64xf32>
    %mul3A_74 = arith.mulf %add3A_57, %mul3A_73 : vector<512x64xf32>
    %broadcast_in_dim3A_75 = vector.shape_cast %neg3A_72 : vector<512x1xf32> to vector<512x1xf32>
    %broadcast_in_dim3A_76 = vector.broadcast %broadcast_in_dim3A_75 : vector<512x1xf32> to vector<512x64xf32>
    %select_n3A_77 = arith.select %eq3A_70, %broadcast_in_dim3A_76, %mul3A_74 : vector<512x64xi1>, vector<512x64xf32>
    %dot_general3A_78 = arith.constant dense<0.000000e+00> : vector<512x4096xf32>
    %dot_general3A_79 = tpu.matmul %select_n3A_77, %get3A_7, %dot_general3A_78 {dimension_numbers = #tpu.dot_dimension_numbers<[1], [1], [0], [0], [0, 0, 1, 0], [], []>, transpose_lhs_hint = false} : vector<512x64xf32>, vector<4096x64xf32>, vector<512x4096xf32> -> vector<512x4096xf32>
    %mul3A_80 = arith.constant 2.000000e+00 : f32
    %mul3A_81 = vector.broadcast %mul3A_80 : f32 to vector<512x4096xf32>
    %mul3A_82 = arith.mulf %mul3A_81, %dot_general3A_79 : vector<512x4096xf32>
    %add3A_83 = arith.constant 8.000000e+00 : f32
    %add3A_84 = vector.broadcast %add3A_83 : f32 to vector<512x4096xf32>
    %add3A_85 = arith.addf %add3A_84, %mul3A_82 : vector<512x4096xf32>
    %get3A_86 = arith.constant 0 : index
    %get3A_87 = arith.constant 0 : index
    %get3A_88 = vector.load %arg7[%get3A_86, %get3A_87] : memref<512x1xf32, #tpu.memory_space<vmem>>, vector<512x1xf32>
    %add3A_89 = vector.broadcast %get3A_88 : vector<512x1xf32> to vector<512x4096xf32>
    %add3A_90 = arith.addf %add3A_85, %add3A_89 : vector<512x4096xf32>
    %get3A_91 = arith.constant 0 : index
    %get3A_92 = arith.constant 0 : index
    %get3A_93 = vector.load %arg8[%get3A_91, %get3A_92] : memref<1x4096xf32, #tpu.memory_space<vmem>>, vector<1x4096xf32>
    %add3A_94 = vector.broadcast %get3A_93 : vector<1x4096xf32> to vector<512x4096xf32>
    %add3A_95 = arith.addf %add3A_90, %add3A_94 : vector<512x4096xf32>
    %swap3A = arith.constant 0 : index
    %swap3A_96 = arith.constant 0 : index
    %swap3A_97 = vector.load %arg12[%swap3A, %swap3A_96] : memref<512x4096xf32, #tpu.memory_space<vmem>>, vector<512x4096xf32>
    tpu.vector_store %arg12[%swap3A, %swap3A_96], %add3A_95 {strides = array<i32>} : memref<512x4096xf32, #tpu.memory_space<vmem>>, vector<512x4096xf32>,
    return
  }
  func.func @transform_0(%arg0: i32) -> (i32, i32) {
    %c0_i32 = arith.constant 0 : i32
    %c0_i32_0 = arith.constant 0 : i32
    %c0_i32_1 = arith.constant 0 : i32
    return %c0_i32, %c0_i32_0 : i32, i32
  }
  func.func @transform_1(%arg0: i32) -> (i32, i32) {
    %c0_i32 = arith.constant 0 : i32
    %c0_i32_0 = arith.constant 0 : i32
    return %arg0, %c0_i32 : i32, i32
  }
  func.func @transform_2(%arg0: i32) -> (i32, i32) {
    %c0_i32 = arith.constant 0 : i32
    %c0_i32_0 = arith.constant 0 : i32
    %c0_i32_1 = arith.constant 0 : i32
    return %c0_i32, %c0_i32_0 : i32, i32
  }
  func.func @transform_3(%arg0: i32) -> (i32, i32) {
    %c0_i32 = arith.constant 0 : i32
    %c0_i32_0 = arith.constant 0 : i32
    return %arg0, %c0_i32 : i32, i32
  }
  func.func @transform_4(%arg0: i32) -> (i32, i32) {
    %c0_i32 = arith.constant 0 : i32
    %c0_i32_0 = arith.constant 0 : i32
    %c0_i32_1 = arith.constant 0 : i32
    return %c0_i32, %c0_i32_0 : i32, i32
  }
  func.func @transform_5(%arg0: i32) -> (i32, i32) {
    %c0_i32 = arith.constant 0 : i32
    %c0_i32_0 = arith.constant 0 : i32
    %c0_i32_1 = arith.constant 0 : i32
    return %c0_i32, %c0_i32_0 : i32, i32
  }
  func.func @transform_6(%arg0: i32) -> (i32, i32) {
    %c0_i32 = arith.constant 0 : i32
    %c0_i32_0 = arith.constant 0 : i32
    return %arg0, %c0_i32 : i32, i32
  }
  func.func @transform_7(%arg0: i32) -> (i32, i32) {
    %c0_i32 = arith.constant 0 : i32
    %c0_i32_0 = arith.constant 0 : i32
    %c0_i32_1 = arith.constant 0 : i32
    return %c0_i32, %c0_i32_0 : i32, i32
  }
  func.func @transform_8(%arg0: i32) -> (i32, i32) {
    %c0_i32 = arith.constant 0 : i32
    %c0_i32_0 = arith.constant 0 : i32
    %c0_i32_1 = arith.constant 0 : i32
    return %c0_i32, %c0_i32_0 : i32, i32
  }
  func.func @transform_9(%arg0: i32) -> (i32, i32) {
    %c0_i32 = arith.constant 0 : i32
    %c0_i32_0 = arith.constant 0 : i32
    %c0_i32_1 = arith.constant 0 : i32
    return %c0_i32, %c0_i32_0 : i32, i32
  }
  func.func @transform_10(%arg0: i32) -> (i32, i32) {
    %c0_i32 = arith.constant 0 : i32
    %c0_i32_0 = arith.constant 0 : i32
    %c0_i32_1 = arith.constant 0 : i32
    return %c0_i32, %c0_i32_0 : i32, i32
  }
  func.func @transform_11(%arg0: i32) -> (i32, i32) {
    %c0_i32 = arith.constant 0 : i32
    %c0_i32_0 = arith.constant 0 : i32
    return %arg0, %c0_i32 : i32, i32
  }
}

</mosaic_0001>

<sc_bundles>
// kernel: kernel.4.cloned.1.call-start
scs
__scs_entry_jumppad:
0x0: {  	(pc) =	sbr.rel $0x88, $3  }
0x1: {  	(tag) =	ssettag $0x0;
	lr =	simm.s32 $0x1  }
0x2: {  	[smem:$0x3F98] =	sst lr;
	_ =	strace $0xD0000000  }
0x3: {  	_ = 	snop  }
0x4: {  	_ = 	snop  }
0x5: {  	_ = 	snop  }
0x6: {  	_ = 	snop  }
0x7: {  	_ = 	snop  }
__scs_overlays_trampoline_lowered:
0x8: {  	[smem:$0x3FA7] =	sst s0  }
0x9: {  	[smem:$0x3FA8] =	sst s1  }
0xa: {  	[smem:$0x3FA9] =	sst s2  }
0xb: {  	[smem:$0x3FAA] =	sst s3  }
0xc: {  	[smem:$0x3FAB] =	sst s4  }
0xd: {  	[smem:$0x3FAC] =	sst s5  }
0xe: {  	[smem:$0x3FAD] =	sst s6  }
0xf: {  	[smem:$0x3FAE] =	sst s7  }
0x10: {  	[smem:$0x3FAF] =	sst s8  }
0x11: {  	[smem:$0x3FB0] =	sst s9;
	s0 =	simm.s32 @!p0 $0x0  }
0x12: {  	s1 =	sld [smem:$0x3F96];
	s0 =	simm.s32 @p0 $0x1  }
0x13: {  	[smem:$0x3FB1] =	sst s0;
	s0 =	simm.s32 @!p1 $0x0  }
0x14: {  	s2 =	sld [smem:$0x3F95];
	s0 =	simm.s32 @p1 $0x1  }
0x15: {  	[smem:$0x3FB2] =	sst s0;
	s0 =	simm.s32 @!p2 $0x0  }
0x16: {  	s3 =	sld [smem:$0x3FDB];
	s0 =	simm.s32 @p2 $0x1  }
0x17: {  	s4 =	simm.s32 $0x1BF5;
	[smem:$0x3FB4] =	sst s0  }
0x18: {  	s0 =	sld [smem:$0x3F97];
	_ =	swait.ge [sflag:s4], $0x0  }
0x19: {  	s7 =	sld [smem:$0x3F98]  }
0x1a: {  	s8 =	sadd.s32 $0xFFFFE003, lr  }
0x1b: {  	s9 =	sadd.s32 $0xFFFFFEF7, lr;
	s5 =	simm.s32 $0xFFFFFFFF;
	p2 =	slt.u32 s8, $0xFFFFF086  }
0x1c: {  	p1 =	slt.u32 s9, $0xF7A;
	s5 =	simm.s32 @!p2 $0x0  }
0x1d: {  	s5 =	simm.s32 @p1 $0x1;
	p0 =	seq.s32 s7, s2  }
0x1e: {  	s7 =	smul.u32 @!p0 $0xF7A, s2;
	p2 =	seq.s32 @!p0 s5, $0x0  }
0x1f: {  	s9 =	smul.u32 $0xF7A, s1;
	s8 =	simm.s32 @!p0 $0x1BF5;
	p2 =	por !p2, p0  }
0x20: {  	[sflag:s8] =	ssyncset.s32 @!p0 $0xFFFFF086;
	s6 =	sadd.s32 @!p0 s3, s7;
	s7 =	simm.s32 @!p0 $0x108  }
0x21: {  	s3 =	sadd.s32 s3, s9;
	s6 =	sadd.s32 @!p0 $0x88, s6;
	s7 =	simm.s32 @p2 $0x1082  }
0x22: {  	[simem:s7], [sflag:s8] =	dma.local @!p0 [hbm:s6], $0xF7A  }
0x23: {  	s9 =	sor.u32 $0xD0000000, s2;
	s6 =	simm.s32 $0x108;
	_ =	swait.ge @!p0 [sflag:s8], $0x0  }
0x24: {  	s3 =	sadd.s32 $0x88, s3;
	s6 =	simm.s32 @!p1 $0x1082;
	[sflag:s4] =	ssyncset.s32 $0xFFFFF086  }
0x25: {  	[simem:s6], [sflag:s4] =	dma.local [hbm:s3], $0xF7A  }
0x26: {  	[smem:$0x3F98] =	sst s1;
	(tag) =	ssettag s2;
	_ =	strace s9  }
0x27: {  	s1 =	sld [smem:$0x3FA8]  }
0x28: {  	s2 =	sld [smem:$0x3FA9]  }
0x29: {  	s4 =	sld [smem:$0x3FAB]  }
0x2a: {  	p0 =	seq.s32 s5, $0x0;
	s5 =	sld [smem:$0x3FAC]  }
0x2b: {  	s6 =	sld [smem:$0x3FAD]  }
0x2c: {  	s7 =	sld [smem:$0x3FAE]  }
0x2d: {  	s3 =	simm.s32 $0x108;
	s8 =	sld [smem:$0x3FAF]  }
0x2e: {  	s3 =	simm.s32 @!p0 $0x1082;
	s9 =	sld [smem:$0x3FB0]  }
0x2f: {  	lr =	sadd.s32 s0, s3;
	s0 =	sld [smem:$0x3FA7]  }
0x30: {  	s3 =	sld [smem:$0x3FAA]  }
0x31: {  	[smem:$0x3FB3] =	sst s10  }
0x32: {  	s10 =	sld [smem:$0x3FB1];
	_ =	sdelay $0x3  }
0x33: {  	p0 =	seq.s32 s10, $0x1;
	s10 =	sld [smem:$0x3FB3];
	_ =	sdelay $0x3  }
0x34: {  	[smem:$0x3FB3] =	sst s10  }
0x35: {  	s10 =	sld [smem:$0x3FB2];
	_ =	sdelay $0x3  }
0x36: {  	p1 =	seq.s32 s10, $0x1;
	s10 =	sld [smem:$0x3FB3];
	_ =	sdelay $0x3  }
0x37: {  	[smem:$0x3FB3] =	sst s10  }
0x38: {  	s10 =	sld [smem:$0x3FB4]  }
0x39: {  	_ = 	snop;
	(pc) =	sbr.ind lr, $3  }
0x3a: {  	_ = 	snop  }
0x3b: {  	_ = 	snop  }
0x3c: {  	p2 =	seq.s32 s10, $0x1;
	s10 =	sld [smem:$0x3FB3]  }
0x3d: {  	_ =	shalt  }
0x3e: {  	_ =	shalt  }
0x3f: {  	_ =	shalt  }
0x40: {  	_ =	shalt  }
0x41: {  	_ =	shalt  }
0x42: {  	_ =	shalt  }
0x43: {  	_ =	shalt  }
0x44: {  	_ =	shalt  }
0x45: {  	_ =	shalt  }
0x46: {  	_ =	shalt  }
0x47: {  	_ =	shalt  }
0x48: {  	_ =	shalt  }
0x49: {  	_ =	shalt  }
0x4a: {  	_ =	shalt  }
0x4b: {  	_ =	shalt  }
0x4c: {  	_ =	shalt  }
0x4d: {  	_ =	shalt  }
0x4e: {  	_ =	shalt  }
0x4f: {  	_ =	shalt  }
0x50: {  	_ =	shalt  }
0x51: {  	_ =	shalt  }
0x52: {  	_ =	shalt  }
0x53: {  	_ =	shalt  }
0x54: {  	_ =	shalt  }
0x55: {  	_ =	shalt  }
0x56: {  	_ =	shalt  }
0x57: {  	_ =	shalt  }
0x58: {  	_ =	shalt  }
0x59: {  	_ =	shalt  }
0x5a: {  	_ =	shalt  }
0x5b: {  	_ =	shalt  }
0x5c: {  	_ =	shalt  }
0x5d: {  	_ =	shalt  }
0x5e: {  	_ =	shalt  }
0x5f: {  	_ =	shalt  }
0x60: {  	_ =	shalt  }
0x61: {  	_ =	shalt  }
0x62: {  	_ =	shalt  }
0x63: {  	_ =	shalt  }
0x64: {  	_ =	shalt  }
0x65: {  	_ =	shalt  }
0x66: {  	_ =	shalt  }
0x67: {  	_ =	shalt  }
0x68: {  	_ =	shalt  }
0x69: {  	_ =	shalt  }
0x6a: {  	_ =	shalt  }
0x6b: {  	_ =	shalt  }
0x6c: {  	_ =	shalt  }
0x6d: {  	_ =	shalt  }
0x6e: {  	_ =	shalt  }
0x6f: {  	_ =	shalt  }
0x70: {  	_ =	shalt  }
0x71: {  	_ =	shalt  }
0x72: {  	_ =	shalt  }
0x73: {  	_ =	shalt  }
0x74: {  	_ =	shalt  }
0x75: {  	_ =	shalt  }
0x76: {  	_ =	shalt  }
0x77: {  	_ =	shalt  }
0x78: {  	_ =	shalt  }
0x79: {  	_ =	shalt  }
0x7a: {  	_ =	shalt  }
0x7b: {  	_ =	shalt  }
0x7c: {  	_ =	shalt  }
0x7d: {  	_ =	shalt  }
0x7e: {  	_ =	shalt  }
0x7f: {  	_ =	shalt  }
0x80: {  	_ =	shalt  }
0x81: {  	_ =	shalt  }
0x82: {  	_ =	shalt  }
0x83: {  	_ =	shalt  }
0x84: {  	_ =	shalt  }
0x85: {  	_ =	shalt  }
0x86: {  	_ =	shalt  }
0x87: {  	_ =	shalt  }
.Lfunc_end0:
.L_simem_size_0:
called_computation_lowered:
.L_overlay_start_0:
0x88: {  	s2 =	sld [smem:$0x3FD9]  }
0x89: {  	s3 =	sld [smem:$0x3FFE];
	_ =	sdelay $0x1  }
0x8a: {  	s1 =	srdreg.scid  }
0x8b: {  	s0 =	sand.u32 $0x1, s1  }
0x8c: {  	s17 =	sshll.u32 s0, $0xA;
	s2 =	sadd.s32 s3, s2  }
0x8d: {  	s2 =	sadd.s32 s2, s17  }
0x8e: {  	[smem:$0x3FBF] =	sst s2  }
0x8f: {  	_ = 	snop  }
0x90: {  	s2 =	sld [smem:$0x3FC9]  }
0x91: {  	s18 =	sld [smem:$0x3FC7]  }
0x92: {  	s4 =	sld [smem:$0x3FC3]  }
0x93: {  	s5 =	sld [smem:$0x3FC2]  }
0x94: {  	s6 =	sld [smem:$0x3FD0];
	(tm) =	ssettm $0x1  }
0x95: {  	s7 =	sld [smem:$0x3FFB];
	_ =	sdelay $0x3  }
0x96: {  	_ =	strace s7  }
0x97: {  	s7 =	sld [smem:$0x3FFC];
	_ =	sdelay $0x3  }
0x98: {  	_ =	strace s7  }
0x99: {  	s7 =	sld [smem:$0x3FFD];
	_ =	sdelay $0x3  }
0x9a: {  	_ =	strace s7  }
0x9b: {  	_ =	strace $0x8FFFFFFF  }
0x9c: {  	s19 =	sld [smem:$0x3FDB];
	_ =	sdelay $0x1  }
0x9d: {  	s8 =	simm.s32 $_scs_section_size  }
0x9e: {  	s9 =	simm.s32 $_size__tile_overlayer_lowered;
	s10 =	simm.s32 $_tile_overlayer_lowered  }
0x9f: {  	s22 =	simm.s32 $0x1BFF;
	s21 =	sshll.u32 s10, $0x1;
	s7 =	sadd.s32 s8, s19  }
0xa0: {  	s11 =	simm.s32 $0x0;
	s20 =	sshll.u32 s9, $0x1;
	s9 =	sadd.s32 s21, s7  }
0xa1: {  	[timem:s11], [sflag:s22] =	dma.local [hbm:s9], s20  }
0xa2: {  	_ =	swait.ge [sflag:s22], s20  }
0xa3: {  	s8 =	ssub.s32 $0x0, s20;
	[sflag:s22] =	ssyncset.done $0x0  }
0xa4: {  	[sflag:s22] =	ssyncadd.s32 s8;
	_ =	sdelay $0x1  }
0xa5: {  	s23 =	simm.s32 $0x1B8B  }
0xa6: {  	_ =	swait.ge [sflag:s23], $0x1  }
0xa7: {  	[sflag:s23] =	ssyncset.done $0x0  }
0xa8: {  	s25 =	simm.s32 $0x1B8E;
	s24 =	sld [smem:$0x3FFE];
	[sflag:s23] =	ssyncadd.s32 $0xFFFFFFFF  }
0xa9: {  	s26 =	simm.s32 $execute0_lowered;
	[smem:$0x3FD2] =	sst s25  }
0xaa: {  	s9 =	sshll.u32 s26, $0x1;
	_ =	strace $0x80000046;
	[dreg:$0x1] =	wrdreg $0xFFFFFFFF  }
0xab: {  	s28 =	simm.s32 $_size_execute0_lowered;
	s7 =	sadd.s32 s7, s9;
	[dreg:$0x0] =	wrdreg $0x0  }
0xac: {  	s9 =	sshll.u32 s28, $0x1;
	[dreg:$0x2] =	wrdreg s7  }
0xad: {  	[dreg:$0x3] =	wrdreg s9  }
0xae: {  	[dreg:$0x4] =	wrdreg $0xC0  }
0xaf: {  	_ =	task [dreg:s11], $0x5FFFF  }
0xb0: {  	[dreg:$0x1] =	wrdreg $0xFFFFFFFF  }
0xb1: {  	[dreg:$0x0] =	wrdreg $0x60  }
0xb2: {  	[dreg:$0x2] =	wrdreg s2  }
0xb3: {  	[dreg:$0x3] =	wrdreg s18  }
0xb4: {  	[dreg:$0x4] =	wrdreg s24  }
0xb5: {  	[dreg:$0x5] =	wrdreg s4  }
0xb6: {  	[dreg:$0x6] =	wrdreg s5  }
0xb7: {  	[dreg:$0x7] =	wrdreg s6  }
0xb8: {  	[dreg:$0x8] =	wrdreg $0x9  }
0xb9: {  	_ =	task.clear_ibuf [dreg:s11], $0x9FFFF;
	_ =	strace $0x90000046  }
0xba: {  	s29 =	simm.s32 $0x9;
	_ =	strace $0x80000048  }
0xbb: {  	_ =	swait.ge [sflag:s29], $0x1  }
0xbc: {  	[sflag:s29] =	ssyncadd.s32 $0xFFFFFFFF  }
0xbd: {  	_ =	strace $0x90000048  }
0xbe: {  	_ =	sfence  }
0xbf: {  	s30 =	sld [smem:$0x0];
	_ =	sdelay $0x2  }
0xc0: {  	s31 =	sshll.u32 s1, $0xD;
	s1 =	sshrl.u32 s1, $0x2  }
0xc1: {  	s3 =	sand.u32 $0x4000, s31;
	s1 =	sadd.s32 s1, s30  }
0xc2: {  	s0 =	sor.u32 s3, s0;
	s1 =	sshll.u32 s1, $0x11  }
0xc3: {  	s0 =	sor.u32 s1, s0  }
0xc4: {  	s0 =	sadd.s32 $0x8F2B, s0  }
0xc5: {  	[sflag:s0] =	ssyncadd.remote.s32 $0x1  }
0xc6: {  	_ =	sfence.sel $0xFFFF  }
0xc7: {  	[dreg:$0x0] =	wrdreg $0xFFFFFFFF;
	(pc) =	sbr.abs _section_cstart, $3  }
0xc8: {  	[dreg:$0x1] =	wrdreg $0xFFFFFFFF  }
0xc9: {  	_ =	task.clear_ibuf [dreg:s11], $0x2FFFF;
	_ =	strace $0x9FFFFFFF  }
0xca: {  	(tm) =	ssettm $0x7FFFFFFF  }
0xcb: {  	_ =	shalt  }
tec
execute0_lowered:
.L_overlay_start_1:
0x0: {  	(tag) =	ssettag $0x1  }
0x1: {  	s5 =	rddreg [dreg:$0x0]  }
0x2: {  	s6 =	rddreg [dreg:$0x1]  }
0x3: {  	s3 =	rddreg [dreg:$0x2]  }
0x4: {  	s0 =	rddreg [dreg:$0x3]  }
0x5: {  	s21 =	rddreg [dreg:$0x4]  }
0x6: {  	s7 =	rddreg [dreg:$0x5]  }
0x7: {  	[dreg:$0x7] =	wrdreg s0  }
0x8: {  	s1 =	srdreg.scid;
	[dreg:$0x8] =	wrdreg s21  }
0x9: {  	s2 =	simm.s32 $0x0;
	s4 =	sand.u32 $0x1, s1;
	s1 =	rddreg [dreg:$0x6]  }
0xa: {  	s30 =	simm.s32 $0x180;
	[smem:$0x7FF] =	sst s2  }
0xb: {  	s31 =	simm.s32 $0x4180;
	_ =	strace $0x80000047;
	[dreg:$0xf] =	wrdreg s30  }
0xc: {  	s10 =	simm.s32 $0x300;
	[dreg:$0x10] =	wrdreg s31  }
0xd: {  	s11 =	simm.s32 $0x4300;
	[dreg:$0x15] =	wrdreg s10  }
0xe: {  	s12 =	simm.s32 $0x380;
	[dreg:$0x16] =	wrdreg s11  }
0xf: {  	s13 =	simm.s32 $0x4380;
	[dreg:$0x17] =	wrdreg s12  }
0x10: {  	s14 =	simm.s32 $0x400;
	[dreg:$0x18] =	wrdreg s13  }
0x11: {  	s15 =	simm.s32 $0x4400;
	[dreg:$0x19] =	wrdreg s14  }
0x12: {  	s16 =	simm.s32 $0x480;
	[dreg:$0x1a] =	wrdreg s15  }
0x13: {  	s17 =	simm.s32 $0x4480;
	[dreg:$0x1b] =	wrdreg s16  }
0x14: {  	s18 =	simm.s32 $0x500;
	[dreg:$0x1c] =	wrdreg s17  }
0x15: {  	s19 =	simm.s32 $0x4500;
	[dreg:$0x1d] =	wrdreg s18  }
0x16: {  	s20 =	simm.s32 $0x580;
	[dreg:$0x1e] =	wrdreg s19  }
0x17: {  	s21 =	simm.s32 $0x4580;
	[dreg:$0x1f] =	wrdreg s20  }
0x18: {  	[smem:$0x711] =	sst s21;
	s30 =	simm.s32 $0x4780  }
0x19: {  	s31 =	simm.s32 $0x800;
	[smem:$0x719] =	sst s30  }
0x1a: {  	s10 =	simm.s32 $0x4900;
	[smem:$0x71A] =	sst s31  }
0x1b: {  	s11 =	simm.s32 $0x980;
	[smem:$0x71F] =	sst s10  }
0x1c: {  	s12 =	simm.s32 $0x4980;
	[smem:$0x720] =	sst s11  }
0x1d: {  	s13 =	simm.s32 $0xA00;
	[smem:$0x721] =	sst s12  }
0x1e: {  	s14 =	simm.s32 $0x4A00;
	[smem:$0x722] =	sst s13  }
0x1f: {  	s15 =	simm.s32 $0xA80;
	[smem:$0x723] =	sst s14  }
0x20: {  	s16 =	simm.s32 $0x4A80;
	[smem:$0x724] =	sst s15  }
0x21: {  	s17 =	simm.s32 $0xB00;
	[smem:$0x725] =	sst s16  }
0x22: {  	s18 =	simm.s32 $0x4B00;
	[smem:$0x726] =	sst s17  }
0x23: {  	s19 =	simm.s32 $0xB80;
	[smem:$0x727] =	sst s18  }
0x24: {  	s20 =	simm.s32 $0x4B80;
	[smem:$0x728] =	sst s19  }
0x25: {  	s21 =	simm.s32 $0xC00;
	[smem:$0x729] =	sst s20  }
0x26: {  	[smem:$0x72A] =	sst s21;
	s30 =	simm.s32 $0xE00  }
0x27: {  	s31 =	simm.s32 $0x4E00;
	[smem:$0x732] =	sst s30  }
0x28: {  	s10 =	simm.s32 $0xF80;
	[smem:$0x733] =	sst s31  }
0x29: {  	s11 =	simm.s32 $0x4F80;
	[smem:$0x738] =	sst s10  }
0x2a: {  	s12 =	simm.s32 $0x1000;
	[smem:$0x739] =	sst s11  }
0x2b: {  	s13 =	simm.s32 $0x5000;
	[smem:$0x73A] =	sst s12  }
0x2c: {  	s14 =	simm.s32 $0x1080;
	[smem:$0x73B] =	sst s13  }
0x2d: {  	s15 =	simm.s32 $0x5080;
	[smem:$0x73C] =	sst s14  }
0x2e: {  	s16 =	simm.s32 $0x1100;
	[smem:$0x73D] =	sst s15  }
0x2f: {  	s17 =	simm.s32 $0x5100;
	[smem:$0x73E] =	sst s16  }
0x30: {  	s18 =	simm.s32 $0x1180;
	[smem:$0x73F] =	sst s17  }
0x31: {  	s19 =	simm.s32 $0x5180;
	[smem:$0x740] =	sst s18  }
0x32: {  	s20 =	simm.s32 $0x1200;
	[smem:$0x741] =	sst s19  }
0x33: {  	s21 =	simm.s32 $0x5200;
	[smem:$0x742] =	sst s20  }
0x34: {  	[smem:$0x743] =	sst s21;
	s30 =	simm.s32 $0x5400  }
0x35: {  	s31 =	simm.s32 $0x1480;
	[smem:$0x74B] =	sst s30  }
0x36: {  	s10 =	simm.s32 $0x5580;
	[smem:$0x74C] =	sst s31  }
0x37: {  	s11 =	simm.s32 $0x1600;
	[smem:$0x751] =	sst s10  }
0x38: {  	s12 =	simm.s32 $0x5600;
	[smem:$0x752] =	sst s11  }
0x39: {  	s13 =	simm.s32 $0x1680;
	[smem:$0x753] =	sst s12  }
0x3a: {  	s14 =	simm.s32 $0x5680;
	[smem:$0x754] =	sst s13  }
0x3b: {  	s15 =	simm.s32 $0x1700;
	[smem:$0x755] =	sst s14  }
0x3c: {  	s16 =	simm.s32 $0x5700;
	[smem:$0x756] =	sst s15  }
0x3d: {  	s0 =	stileid.u32;
	s17 =	simm.s32 $0x1780;
	[smem:$0x757] =	sst s16  }
0x3e: {  	s8 =	sshll.u32 s0, $0x8;
	s18 =	simm.s32 $0x5780;
	[smem:$0x758] =	sst s17  }
0x3f: {  	s9 =	sshll.u32 s4, $0x7;
	s19 =	simm.s32 $0x1800;
	[smem:$0x759] =	sst s18  }
0x40: {  	s8 =	sor.u32 s9, s8;
	s20 =	simm.s32 $0x5800;
	[smem:$0x75A] =	sst s19  }
0x41: {  	s9 =	sshrl.u32 s8, $0x3;
	s21 =	simm.s32 $0x1880;
	[smem:$0x75B] =	sst s20  }
0x42: {  	s5 =	sadd.s32 s5, s9;
	[smem:$0x75C] =	sst s21  }
0x43: {  	s8 =	sshll.u32 s8, $0x4;
	s22 =	sadd.s32 s6, s9;
	[dreg:$0x9] =	wrdreg s5  }
0x44: {  	s24 =	sadd.s32 s7, s8;
	[dreg:$0xa] =	wrdreg s22  }
0x45: {  	s6 =	simm.s32 $0x200;
	[dreg:$0xb] =	wrdreg s24  }
0x46: {  	s7 =	simm.s32 $0x4200;
	[dreg:$0x11] =	wrdreg s6  }
0x47: {  	s23 =	sadd.s32 s8, s3;
	s8 =	simm.s32 $0x280;
	[dreg:$0x12] =	wrdreg s7  }
0x48: {  	s25 =	sadd.s32 s9, s3;
	s9 =	simm.s32 $0x4280;
	[dreg:$0x13] =	wrdreg s8  }
0x49: {  	s30 =	simm.s32 $0x1A80;
	[dreg:$0x14] =	wrdreg s9  }
0x4a: {  	s31 =	simm.s32 $0x5A80;
	[smem:$0x764] =	sst s30  }
0x4b: {  	s10 =	simm.s32 $0x1C00;
	[smem:$0x765] =	sst s31  }
0x4c: {  	s11 =	simm.s32 $0x5C00;
	[smem:$0x76A] =	sst s10  }
0x4d: {  	s12 =	simm.s32 $0x1C80;
	[smem:$0x76B] =	sst s11  }
0x4e: {  	s13 =	simm.s32 $0x5C80;
	[smem:$0x76C] =	sst s12  }
0x4f: {  	s14 =	simm.s32 $0x1D00;
	[smem:$0x76D] =	sst s13  }
0x50: {  	s15 =	simm.s32 $0x5D00;
	[smem:$0x76E] =	sst s14  }
0x51: {  	s16 =	simm.s32 $0x1D80;
	[smem:$0x76F] =	sst s15  }
0x52: {  	s17 =	simm.s32 $0x5D80;
	[smem:$0x770] =	sst s16  }
0x53: {  	s18 =	simm.s32 $0x1E00;
	[smem:$0x771] =	sst s17  }
0x54: {  	s19 =	simm.s32 $0x5E00;
	[smem:$0x772] =	sst s18  }
0x55: {  	s20 =	simm.s32 $0x1E80;
	[smem:$0x773] =	sst s19  }
0x56: {  	s21 =	simm.s32 $0x5E80;
	[smem:$0x774] =	sst s20  }
0x57: {  	s26 =	sadd.s32 $0xF44000, s23;
	[smem:$0x775] =	sst s21  }
0x58: {  	s28 =	sadd.s32 $0xF43E00, s25;
	[dreg:$0xc] =	wrdreg s26  }
0x59: {  	s29 =	sadd.s32 $0xF54000, s25;
	[dreg:$0xd] =	wrdreg s28  }
0x5a: {  	s22 =	simm.s32 $0x600;
	[dreg:$0xe] =	wrdreg s29  }
0x5b: {  	s23 =	simm.s32 $0x4600;
	[smem:$0x712] =	sst s22  }
0x5c: {  	s24 =	simm.s32 $0x680;
	[smem:$0x713] =	sst s23  }
0x5d: {  	s25 =	simm.s32 $0x4680;
	[smem:$0x714] =	sst s24  }
0x5e: {  	s6 =	simm.s32 $0x4800;
	[smem:$0x715] =	sst s25  }
0x5f: {  	s7 =	simm.s32 $0x880;
	[smem:$0x71B] =	sst s6  }
0x60: {  	s8 =	simm.s32 $0x4880;
	[smem:$0x71C] =	sst s7  }
0x61: {  	s9 =	simm.s32 $0x900;
	[smem:$0x71D] =	sst s8  }
0x62: {  	s30 =	simm.s32 $0x6080;
	[smem:$0x71E] =	sst s9  }
0x63: {  	s31 =	simm.s32 $0x2100;
	[smem:$0x77D] =	sst s30  }
0x64: {  	s10 =	simm.s32 $0x6200;
	[smem:$0x77E] =	sst s31  }
0x65: {  	s11 =	simm.s32 $0x2280;
	[smem:$0x783] =	sst s10  }
0x66: {  	s12 =	simm.s32 $0x6280;
	[smem:$0x784] =	sst s11  }
0x67: {  	s13 =	simm.s32 $0x2300;
	[smem:$0x785] =	sst s12  }
0x68: {  	s14 =	simm.s32 $0x6300;
	[smem:$0x786] =	sst s13  }
0x69: {  	s15 =	simm.s32 $0x2380;
	[smem:$0x787] =	sst s14  }
0x6a: {  	s16 =	simm.s32 $0x6380;
	[smem:$0x788] =	sst s15  }
0x6b: {  	s17 =	simm.s32 $0x2400;
	[smem:$0x789] =	sst s16  }
0x6c: {  	s18 =	simm.s32 $0x6400;
	[smem:$0x78A] =	sst s17  }
0x6d: {  	s19 =	simm.s32 $0x2480;
	[smem:$0x78B] =	sst s18  }
0x6e: {  	s20 =	simm.s32 $0x6480;
	[smem:$0x78C] =	sst s19  }
0x6f: {  	s21 =	simm.s32 $0x2500;
	[smem:$0x78D] =	sst s20  }
0x70: {  	s26 =	simm.s32 $0x700;
	[smem:$0x78E] =	sst s21  }
0x71: {  	s28 =	simm.s32 $0x4700;
	[smem:$0x716] =	sst s26  }
0x72: {  	s29 =	simm.s32 $0x780;
	[smem:$0x717] =	sst s28  }
0x73: {  	s22 =	simm.s32 $0x4C00;
	[smem:$0x718] =	sst s29  }
0x74: {  	s23 =	simm.s32 $0xC80;
	[smem:$0x72B] =	sst s22  }
0x75: {  	s24 =	simm.s32 $0x4C80;
	[smem:$0x72C] =	sst s23  }
0x76: {  	s25 =	simm.s32 $0xD00;
	[smem:$0x72D] =	sst s24  }
0x77: {  	s6 =	simm.s32 $0xE80;
	[smem:$0x72E] =	sst s25  }
0x78: {  	s7 =	simm.s32 $0x4E80;
	[smem:$0x734] =	sst s6  }
0x79: {  	s8 =	simm.s32 $0xF00;
	[smem:$0x735] =	sst s7  }
0x7a: {  	s9 =	simm.s32 $0x4F00;
	[smem:$0x736] =	sst s8  }
0x7b: {  	s30 =	simm.s32 $0x2700;
	[smem:$0x737] =	sst s9  }
0x7c: {  	s31 =	simm.s32 $0x6700;
	[smem:$0x796] =	sst s30  }
0x7d: {  	s10 =	simm.s32 $0x2880;
	[smem:$0x797] =	sst s31  }
0x7e: {  	s11 =	simm.s32 $0x6880;
	[smem:$0x79C] =	sst s10  }
0x7f: {  	s12 =	simm.s32 $0x2900;
	[smem:$0x79D] =	sst s11  }
0x80: {  	s13 =	simm.s32 $0x6900;
	[smem:$0x79E] =	sst s12  }
0x81: {  	s14 =	simm.s32 $0x2980;
	[smem:$0x79F] =	sst s13  }
0x82: {  	s15 =	simm.s32 $0x6980;
	[smem:$0x7A0] =	sst s14  }
0x83: {  	s16 =	simm.s32 $0x2A00;
	[smem:$0x7A1] =	sst s15  }
0x84: {  	s17 =	simm.s32 $0x6A00;
	[smem:$0x7A2] =	sst s16  }
0x85: {  	s18 =	simm.s32 $0x2A80;
	[smem:$0x7A3] =	sst s17  }
0x86: {  	s19 =	simm.s32 $0x6A80;
	[smem:$0x7A4] =	sst s18  }
0x87: {  	s20 =	simm.s32 $0x2B00;
	[smem:$0x7A5] =	sst s19  }
0x88: {  	s21 =	simm.s32 $0x6B00;
	[smem:$0x7A6] =	sst s20  }
0x89: {  	s26 =	simm.s32 $0x4D00;
	[smem:$0x7A7] =	sst s21  }
0x8a: {  	s28 =	simm.s32 $0xD80;
	[smem:$0x72F] =	sst s26  }
0x8b: {  	s29 =	simm.s32 $0x4D80;
	[smem:$0x730] =	sst s28  }
0x8c: {  	s22 =	simm.s32 $0x1280;
	[smem:$0x731] =	sst s29  }
0x8d: {  	s23 =	simm.s32 $0x5280;
	[smem:$0x744] =	sst s22  }
0x8e: {  	s24 =	simm.s32 $0x1300;
	[smem:$0x745] =	sst s23  }
0x8f: {  	s25 =	simm.s32 $0x5300;
	[smem:$0x746] =	sst s24  }
0x90: {  	s6 =	simm.s32 $0x5480;
	[smem:$0x747] =	sst s25  }
0x91: {  	s7 =	simm.s32 $0x1500;
	[smem:$0x74D] =	sst s6  }
0x92: {  	s8 =	simm.s32 $0x5500;
	[smem:$0x74E] =	sst s7  }
0x93: {  	s9 =	simm.s32 $0x1580;
	[smem:$0x74F] =	sst s8  }
0x94: {  	s30 =	simm.s32 $0x6D00;
	[smem:$0x750] =	sst s9  }
0x95: {  	s31 =	simm.s32 $0x2D80;
	[smem:$0x7AF] =	sst s30  }
0x96: {  	s10 =	simm.s32 $0x6E80;
	[smem:$0x7B0] =	sst s31  }
0x97: {  	s11 =	simm.s32 $0x2F00;
	[smem:$0x7B5] =	sst s10  }
0x98: {  	s12 =	simm.s32 $0x6F00;
	[smem:$0x7B6] =	sst s11  }
0x99: {  	s13 =	simm.s32 $0x2F80;
	[smem:$0x7B7] =	sst s12  }
0x9a: {  	s14 =	simm.s32 $0x6F80;
	[smem:$0x7B8] =	sst s13  }
0x9b: {  	s15 =	simm.s32 $0x3000;
	[smem:$0x7B9] =	sst s14  }
0x9c: {  	s16 =	simm.s32 $0x7000;
	[smem:$0x7BA] =	sst s15  }
0x9d: {  	s17 =	simm.s32 $0x3080;
	[smem:$0x7BB] =	sst s16  }
0x9e: {  	s18 =	simm.s32 $0x7080;
	[smem:$0x7BC] =	sst s17  }
0x9f: {  	s19 =	simm.s32 $0x3100;
	[smem:$0x7BD] =	sst s18  }
0xa0: {  	s20 =	simm.s32 $0x7100;
	[smem:$0x7BE] =	sst s19  }
0xa1: {  	s21 =	simm.s32 $0x3180;
	[smem:$0x7BF] =	sst s20  }
0xa2: {  	s26 =	simm.s32 $0x1380;
	[smem:$0x7C0] =	sst s21  }
0xa3: {  	s28 =	simm.s32 $0x5380;
	[smem:$0x748] =	sst s26  }
0xa4: {  	s29 =	simm.s32 $0x1400;
	[smem:$0x749] =	sst s28  }
0xa5: {  	s22 =	simm.s32 $0x5880;
	[smem:$0x74A] =	sst s29  }
0xa6: {  	s23 =	simm.s32 $0x1900;
	[smem:$0x75D] =	sst s22  }
0xa7: {  	s24 =	simm.s32 $0x5900;
	[smem:$0x75E] =	sst s23  }
0xa8: {  	s25 =	simm.s32 $0x1980;
	[smem:$0x75F] =	sst s24  }
0xa9: {  	s6 =	simm.s32 $0x1B00;
	[smem:$0x760] =	sst s25  }
0xaa: {  	s7 =	simm.s32 $0x5B00;
	[smem:$0x766] =	sst s6  }
0xab: {  	s8 =	simm.s32 $0x1B80;
	[smem:$0x767] =	sst s7  }
0xac: {  	s9 =	simm.s32 $0x5B80;
	[smem:$0x768] =	sst s8  }
0xad: {  	s30 =	simm.s32 $0x3380;
	[smem:$0x769] =	sst s9  }
0xae: {  	s31 =	simm.s32 $0x7380;
	[smem:$0x7C8] =	sst s30  }
0xaf: {  	s10 =	simm.s32 $0x3500;
	[smem:$0x7C9] =	sst s31  }
0xb0: {  	s11 =	simm.s32 $0x7500;
	[smem:$0x7CE] =	sst s10  }
0xb1: {  	s12 =	simm.s32 $0x3580;
	[smem:$0x7CF] =	sst s11  }
0xb2: {  	s13 =	simm.s32 $0x7580;
	[smem:$0x7D0] =	sst s12  }
0xb3: {  	s14 =	simm.s32 $0x3600;
	[smem:$0x7D1] =	sst s13  }
0xb4: {  	s15 =	simm.s32 $0x7600;
	[smem:$0x7D2] =	sst s14  }
0xb5: {  	s16 =	simm.s32 $0x3680;
	[smem:$0x7D3] =	sst s15  }
0xb6: {  	s17 =	simm.s32 $0x7680;
	[smem:$0x7D4] =	sst s16  }
0xb7: {  	s18 =	simm.s32 $0x3700;
	[smem:$0x7D5] =	sst s17  }
0xb8: {  	s19 =	simm.s32 $0x7700;
	[smem:$0x7D6] =	sst s18  }
0xb9: {  	s20 =	simm.s32 $0x3780;
	[smem:$0x7D7] =	sst s19  }
0xba: {  	s21 =	simm.s32 $0x7780;
	[smem:$0x7D8] =	sst s20  }
0xbb: {  	s26 =	simm.s32 $0x5980;
	[smem:$0x7D9] =	sst s21  }
0xbc: {  	s28 =	simm.s32 $0x1A00;
	[smem:$0x761] =	sst s26  }
0xbd: {  	s29 =	simm.s32 $0x5A00;
	[smem:$0x762] =	sst s28  }
0xbe: {  	s22 =	simm.s32 $0x1F00;
	[smem:$0x763] =	sst s29  }
0xbf: {  	s23 =	simm.s32 $0x5F00;
	[smem:$0x776] =	sst s22  }
0xc0: {  	s24 =	simm.s32 $0x1F80;
	[smem:$0x777] =	sst s23  }
0xc1: {  	s25 =	simm.s32 $0x5F80;
	[smem:$0x778] =	sst s24  }
0xc2: {  	s6 =	simm.s32 $0x6100;
	[smem:$0x779] =	sst s25  }
0xc3: {  	s7 =	simm.s32 $0x2180;
	[smem:$0x77F] =	sst s6  }
0xc4: {  	s8 =	simm.s32 $0x6180;
	[smem:$0x780] =	sst s7  }
0xc5: {  	s9 =	simm.s32 $0x2200;
	[smem:$0x781] =	sst s8  }
0xc6: {  	s30 =	simm.s32 $0x7980;
	[smem:$0x782] =	sst s9  }
0xc7: {  	s31 =	simm.s32 $0x3A00;
	[smem:$0x7E1] =	sst s30  }
0xc8: {  	s10 =	simm.s32 $0x7B00;
	[smem:$0x7E2] =	sst s31  }
0xc9: {  	s11 =	simm.s32 $0x3B80;
	[smem:$0x7E7] =	sst s10  }
0xca: {  	s12 =	simm.s32 $0x7B80;
	[smem:$0x7E8] =	sst s11  }
0xcb: {  	s13 =	simm.s32 $0x3C00;
	[smem:$0x7E9] =	sst s12  }
0xcc: {  	s14 =	simm.s32 $0x7C00;
	[smem:$0x7EA] =	sst s13  }
0xcd: {  	s15 =	simm.s32 $0x3C80;
	[smem:$0x7EB] =	sst s14  }
0xce: {  	s16 =	simm.s32 $0x7C80;
	[smem:$0x7EC] =	sst s15  }
0xcf: {  	s17 =	simm.s32 $0x3D00;
	[smem:$0x7ED] =	sst s16  }
0xd0: {  	s18 =	simm.s32 $0x7D00;
	[smem:$0x7EE] =	sst s17  }
0xd1: {  	s19 =	simm.s32 $0x3D80;
	[smem:$0x7EF] =	sst s18  }
0xd2: {  	s20 =	simm.s32 $0x7D80;
	[smem:$0x7F0] =	sst s19  }
0xd3: {  	s21 =	simm.s32 $0x3E00;
	[smem:$0x7F1] =	sst s20  }
0xd4: {  	s26 =	simm.s32 $0x2000;
	[smem:$0x7F2] =	sst s21  }
0xd5: {  	s28 =	simm.s32 $0x6000;
	[smem:$0x77A] =	sst s26  }
0xd6: {  	s29 =	simm.s32 $0x2080;
	[smem:$0x77B] =	sst s28  }
0xd7: {  	s22 =	simm.s32 $0x6500;
	[smem:$0x77C] =	sst s29  }
0xd8: {  	s23 =	simm.s32 $0x2580;
	[smem:$0x78F] =	sst s22  }
0xd9: {  	s24 =	simm.s32 $0x6580;
	[smem:$0x790] =	sst s23  }
0xda: {  	s25 =	simm.s32 $0x2600;
	[smem:$0x791] =	sst s24  }
0xdb: {  	s6 =	simm.s32 $0x2780;
	[smem:$0x792] =	sst s25  }
0xdc: {  	s7 =	simm.s32 $0x6780;
	[smem:$0x798] =	sst s6  }
0xdd: {  	s8 =	simm.s32 $0x2800;
	[smem:$0x799] =	sst s7  }
0xde: {  	s9 =	simm.s32 $0x6800;
	[smem:$0x79A] =	sst s8  }
0xdf: {  	s30 =	simm.s32 $0x3F00;
	[smem:$0x79B] =	sst s9  }
0xe0: {  	s31 =	simm.s32 $0x3E80;
	[smem:$0x7F9] =	sst s30  }
0xe1: {  	s10 =	simm.s32 $0x7E80;
	[smem:$0x7FA] =	sst s31  }
0xe2: {  	s11 =	simm.s32 $0x4080;
	[smem:$0x7FB] =	sst s10  }
0xe3: {  	s12 =	simm.s32 $0x8080;
	[smem:$0x7FC] =	sst s11  }
0xe4: {  	s26 =	simm.s32 $0x6600;
	[smem:$0x7FD] =	sst s12  }
0xe5: {  	s28 =	simm.s32 $0x2680;
	[smem:$0x793] =	sst s26  }
0xe6: {  	s29 =	simm.s32 $0x6680;
	[smem:$0x794] =	sst s28  }
0xe7: {  	s22 =	simm.s32 $0x2B80;
	[smem:$0x795] =	sst s29  }
0xe8: {  	s23 =	simm.s32 $0x6B80;
	[smem:$0x7A8] =	sst s22  }
0xe9: {  	s24 =	simm.s32 $0x2C00;
	[smem:$0x7A9] =	sst s23  }
0xea: {  	s25 =	simm.s32 $0x6C00;
	[smem:$0x7AA] =	sst s24  }
0xeb: {  	s6 =	simm.s32 $0x6D80;
	[smem:$0x7AB] =	sst s25  }
0xec: {  	s7 =	simm.s32 $0x2E00;
	[smem:$0x7B1] =	sst s6  }
0xed: {  	s8 =	simm.s32 $0x6E00;
	[smem:$0x7B2] =	sst s7  }
0xee: {  	s9 =	simm.s32 $0x2E80;
	[smem:$0x7B3] =	sst s8  }
0xef: {  	s26 =	simm.s32 $0x2C80;
	[smem:$0x7B4] =	sst s9  }
0xf0: {  	s28 =	simm.s32 $0x6C80;
	[smem:$0x7AC] =	sst s26  }
0xf1: {  	s29 =	simm.s32 $0x2D00;
	[smem:$0x7AD] =	sst s28  }
0xf2: {  	s22 =	simm.s32 $0x7180;
	[smem:$0x7AE] =	sst s29  }
0xf3: {  	s23 =	simm.s32 $0x3200;
	[smem:$0x7C1] =	sst s22  }
0xf4: {  	s24 =	simm.s32 $0x7200;
	[smem:$0x7C2] =	sst s23  }
0xf5: {  	s25 =	simm.s32 $0x3280;
	[smem:$0x7C3] =	sst s24  }
0xf6: {  	s6 =	simm.s32 $0x3400;
	[smem:$0x7C4] =	sst s25  }
0xf7: {  	s7 =	simm.s32 $0x7400;
	[smem:$0x7CA] =	sst s6  }
0xf8: {  	s8 =	simm.s32 $0x3480;
	[smem:$0x7CB] =	sst s7  }
0xf9: {  	s9 =	simm.s32 $0x7480;
	[smem:$0x7CC] =	sst s8  }
0xfa: {  	s26 =	simm.s32 $0x7280;
	[smem:$0x7CD] =	sst s9  }
0xfb: {  	s28 =	simm.s32 $0x3300;
	[smem:$0x7C5] =	sst s26  }
0xfc: {  	s29 =	simm.s32 $0x7300;
	[smem:$0x7C6] =	sst s28  }
0xfd: {  	s22 =	simm.s32 $0x3800;
	[smem:$0x7C7] =	sst s29  }
0xfe: {  	s23 =	simm.s32 $0x7800;
	[smem:$0x7DA] =	sst s22  }
0xff: {  	s24 =	simm.s32 $0x3880;
	[smem:$0x7DB] =	sst s23  }
0x100: {  	s25 =	simm.s32 $0x7880;
	[smem:$0x7DC] =	sst s24  }
0x101: {  	s6 =	simm.s32 $0x7A00;
	[smem:$0x7DD] =	sst s25  }
0x102: {  	s7 =	simm.s32 $0x3A80;
	[smem:$0x7E3] =	sst s6  }
0x103: {  	s4 =	ssub.s32 $0x2, s4;
	s8 =	simm.s32 $0x7A80;
	[smem:$0x7E4] =	sst s7  }
0x104: {  	s3 =	sadd.s32 $0x1A00, s3;
	s9 =	simm.s32 $0x3B00;
	[smem:$0x7E5] =	sst s8  }
0x105: {  	s5 =	simm.s32 $0x3;
	s26 =	simm.s32 $0x3900;
	[smem:$0x7E6] =	sst s9  }
0x106: {  	s10 =	simm.s32 $0x4100;
	s28 =	simm.s32 $0x7900;
	[smem:$0x7DE] =	sst s26  }
0x107: {  	s11 =	simm.s32 $0x1;
	s29 =	simm.s32 $0x3980;
	[smem:$0x7DF] =	sst s28  }
0x108: {  	s12 =	simm.s32 $0x2;
	s22 =	simm.s32 $0x7E00;
	[smem:$0x7E0] =	sst s29  }
0x109: {  	s23 =	simm.s32 $0x3F80;
	s24 =	sshrl.u32 s4, $0x1;
	[smem:$0x7F3] =	sst s22  }
0x10a: {  	s25 =	simm.s32 $0x4000;
	s6 =	simm.s32 $0x80;
	[smem:$0x7F4] =	sst s23  }
0x10b: {  	s7 =	simm.s32 $0x8100;
	[smem:$0x7F5] =	sst s25;
	s26 =	simm.s32 $0x8000  }
0x10c: {  	s8 =	simm.s32 $0x8180;
	s28 =	simm.s32 $0x7F80;
	[smem:$0x7F6] =	sst s26  }
0x10d: {  	s4 =	ssub.s32 s4, s24;
	s29 =	simm.s32 $0x7F00;
	[smem:$0x7F7] =	sst s28  }
0x10e: {  	s9 =	simm.s32 $0x100;
	s4 =	smax.u32 s4, $0x1;
	[smem:$0x7F8] =	sst s29  }
.LBB2_1:
0x10f: {  	s13 =	rddreg [dreg:$0x9]  }
0x110: {  	[tilespmem:s2], [sflag:$0x3] =	stream.linear.gather [hbm4b:s13+s2], $0x80, $0x38;
	[tilespmem:$0x8200] =	vst v63  }
0x111: {  	_ =	swait.ge [sflag:s5], $0x80  }
0x112: {  	[sflag:s5] =	ssyncset.done $0x0  }
0x113: {  	s15 =	rddreg [dreg:$0xa];
	[sflag:s5] =	ssyncadd.s32 $0xFFFFFF80  }
0x114: {  	[tilespmem:s6], [sflag:$0x3] =	stream.linear.gather [hbm4b:s15+s2], $0x80, $0x38;
	[tilespmem:$0x8200] =	vst v63  }
0x115: {  	_ =	swait.ge [sflag:s5], $0x80  }
0x116: {  	[sflag:s5] =	ssyncset.done $0x0  }
0x117: {  	s16 =	rddreg [dreg:$0x7];
	[sflag:s5] =	ssyncadd.s32 $0xFFFFFF80  }
0x118: {  	[tilespmem:s7], [sflag:$0x2] =	stream.indirect.gather [hbm4b:s16+s6], $0x1, s2, s6, $0xb8;
	[tilespmem:$0x8200] =	vst v63  }
0x119: {  	s14 =	rddreg [dreg:$0x8]  }
0x11a: {  	[tilespmem:s8], [sflag:$0x2] =	stream.indirect.gather [hbm4b:s14+s6], $0x1, s6, s6, $0xb8;
	[tilespmem:$0x8200] =	vst v63  }
0x11b: {  	v0 =	vld [tilespmem:$0x0];
	_ =	sdelay $0x1  }
0x11c: {  	v2 =	vld [tilespmem:$0x80];
	_ =	sdelay $0x2  }
0x11d: {  	v1 =	vshll.u32 v0, $0x4  }
0x11e: {  	(v2sf) =	vpush v1, $0x0  }
0x11f: {  	v35 =	vshll.u32 v2, $0x4  }
0x120: {  	(v2sf) =	vpush v35, $0x0;
	_ =	sdelay $0x1  }
0x121: {  	(v2sf) =	vpush v1, $0x1;
	_ =	sdelay $0x2  }
0x122: {  	(v2sf) =	vpush v35, $0x1;
	_ =	sdelay $0x7  }
0x123: {  	s17 =	spop (v2sf);
	(v2sf) =	vpush v1, $0x2;
	_ =	sdelay $0x1  }
0x124: {  	s18 =	spop (v2sf);
	(v2sf) =	vpush v35, $0x2;
	_ =	sdelay $0x1  }
0x125: {  	s19 =	spop (v2sf);
	(v2sf) =	vpush v1, $0x3;
	_ =	sdelay $0x1  }
0x126: {  	s13 =	sand.u32 $0x1FFFFFF0, s17  }
0x127: {  	s13 =	sadd.s32 s3, s13;
	s21 =	spop (v2sf);
	(v2sf) =	vpush v35, $0x3  }
0x128: {  	[tilespmem:s9], [sflag:$0x1] =	stream.linear.gather [hbm4b:s13+s2], $0x80, $0x38;
	[tilespmem:$0x8200] =	vst v63  }
0x129: {  	s13 =	sand.u32 $0x1FFFFFF0, s18  }
0x12a: {  	s13 =	sadd.s32 s3, s13  }
0x12b: {  	[tilespmem:s10], [sflag:$0x1] =	stream.linear.gather [hbm4b:s13+s2], $0x80, $0x38;
	[tilespmem:$0x8200] =	vst v63  }
0x12c: {  	s13 =	sand.u32 $0x1FFFFFF0, s19  }
0x12d: {  	s20 =	rddreg [dreg:$0xf];
	s13 =	sadd.s32 s3, s13  }
0x12e: {  	[tilespmem:s20], [sflag:$0x1] =	stream.linear.gather [hbm4b:s13+s2], $0x80, $0x38;
	[tilespmem:$0x8200] =	vst v63  }
0x12f: {  	s23 =	spop (v2sf);
	(v2sf) =	vpush v1, $0x4  }
0x130: {  	s13 =	sand.u32 $0x1FFFFFF0, s21  }
0x131: {  	s22 =	rddreg [dreg:$0x10];
	s13 =	sadd.s32 s3, s13;
	s25 =	spop (v2sf);
	(v2sf) =	vpush v35, $0x4  }
0x132: {  	[tilespmem:s22], [sflag:$0x1] =	stream.linear.gather [hbm4b:s13+s2], $0x80, $0x38;
	[tilespmem:$0x8200] =	vst v63  }
0x133: {  	s13 =	sand.u32 $0x1FFFFFF0, s23;
	s28 =	spop (v2sf);
	(v2sf) =	vpush v1, $0x5  }
0x134: {  	s24 =	rddreg [dreg:$0x11];
	s13 =	sadd.s32 s3, s13  }
0x135: {  	[tilespmem:s24], [sflag:$0x1] =	stream.linear.gather [hbm4b:s13+s2], $0x80, $0x38;
	[tilespmem:$0x8200] =	vst v63  }
0x136: {  	s30 =	spop (v2sf);
	(v2sf) =	vpush v35, $0x5  }
0x137: {  	s13 =	sand.u32 $0x1FFFFFF0, s25  }
0x138: {  	s26 =	rddreg [dreg:$0x12];
	s13 =	sadd.s32 s3, s13  }
0x139: {  	[tilespmem:s26], [sflag:$0x1] =	stream.linear.gather [hbm4b:s13+s2], $0x80, $0x38;
	[tilespmem:$0x8200] =	vst v63  }
0x13a: {  	s13 =	sand.u32 $0x1FFFFFF0, s28  }
0x13b: {  	s29 =	rddreg [dreg:$0x13];
	s13 =	sadd.s32 s3, s13  }
0x13c: {  	[tilespmem:s29], [sflag:$0x1] =	stream.linear.gather [hbm4b:s13+s2], $0x80, $0x38;
	[tilespmem:$0x8200] =	vst v63  }
0x13d: {  	s13 =	sand.u32 $0x1FFFFFF0, s30  }
0x13e: {  	s31 =	rddreg [dreg:$0x14];
	s13 =	sadd.s32 s3, s13;
	s14 =	spop (v2sf);
	(v2sf) =	vpush v1, $0x6  }
0x13f: {  	[tilespmem:s31], [sflag:$0x1] =	stream.linear.gather [hbm4b:s13+s2], $0x80, $0x38;
	[tilespmem:$0x8200] =	vst v63  }
0x140: {  	s16 =	spop (v2sf);
	(v2sf) =	vpush v35, $0x6  }
0x141: {  	s13 =	sand.u32 $0x1FFFFFF0, s14  }
0x142: {  	s15 =	rddreg [dreg:$0x15];
	s13 =	sadd.s32 s3, s13;
	s18 =	spop (v2sf)  }
0x143: {  	(v2sf) =	vpush v1, $0x7;
	[tilespmem:s15], [sflag:$0x1] =	stream.linear.gather [hbm4b:s13+s2], $0x80, $0x38;
	[tilespmem:$0x8200] =	vst v63  }
0x144: {  	s13 =	sand.u32 $0x1FFFFFF0, s16  }
0x145: {  	s17 =	rddreg [dreg:$0x16];
	s20 =	spop (v2sf);
	s13 =	sadd.s32 s3, s13  }
0x146: {  	(v2sf) =	vpush v35, $0x7;
	[tilespmem:s17], [sflag:$0x1] =	stream.linear.gather [hbm4b:s13+s2], $0x80, $0x38;
	[tilespmem:$0x8200] =	vst v63  }
0x147: {  	s13 =	sand.u32 $0x1FFFFFF0, s18  }
0x148: {  	s19 =	rddreg [dreg:$0x17];
	s13 =	sadd.s32 s3, s13  }
0x149: {  	[tilespmem:s19], [sflag:$0x1] =	stream.linear.gather [hbm4b:s13+s2], $0x80, $0x38;
	[tilespmem:$0x8200] =	vst v63  }
0x14a: {  	s13 =	sand.u32 $0x1FFFFFF0, s20  }
0x14b: {  	s21 =	rddreg [dreg:$0x18];
	s13 =	sadd.s32 s3, s13  }
0x14c: {  	[tilespmem:s21], [sflag:$0x1] =	stream.linear.gather [hbm4b:s13+s2], $0x80, $0x38;
	[tilespmem:$0x8200] =	vst v63  }
0x14d: {  	s22 =	spop (v2sf)  }
0x14e: {  	s13 =	sand.u32 $0x1FFFFFF0, s22  }
0x14f: {  	s23 =	rddreg [dreg:$0x19];
	s24 =	spop (v2sf);
	s13 =	sadd.s32 s3, s13  }
0x150: {  	[tilespmem:s23], [sflag:$0x1] =	stream.linear.gather [hbm4b:s13+s2], $0x80, $0x38;
	[tilespmem:$0x8200] =	vst v63  }
0x151: {  	s13 =	sand.u32 $0x1FFFFFF0, s24  }
0x152: {  	s25 =	rddreg [dreg:$0x1a];
	s26 =	spop (v2sf);
	s13 =	sadd.s32 s3, s13  }
0x153: {  	[tilespmem:s25], [sflag:$0x1] =	stream.linear.gather [hbm4b:s13+s2], $0x80, $0x38;
	[tilespmem:$0x8200] =	vst v63  }
0x154: {  	s13 =	sand.u32 $0x1FFFFFF0, s26  }
0x155: {  	s28 =	rddreg [dreg:$0x1b];
	s29 =	spop (v2sf);
	s13 =	sadd.s32 s3, s13  }
0x156: {  	[tilespmem:s28], [sflag:$0x1] =	stream.linear.gather [hbm4b:s13+s2], $0x80, $0x38;
	[tilespmem:$0x8200] =	vst v63  }
0x157: {  	s14 =	rddreg [dreg:$0x1c];
	(v2sf) =	vpush v1, $0x8;
	_ =	sdelay $0x1  }
0x158: {  	(v2sf) =	vpush v35, $0x8;
	_ =	sdelay $0x1  }
0x159: {  	(v2sf) =	vpush v1, $0x9;
	_ =	sdelay $0x2  }
0x15a: {  	(v2sf) =	vpush v35, $0x9;
	_ =	sdelay $0x7  }
0x15b: {  	s30 =	spop (v2sf);
	(v2sf) =	vpush v1, $0xA;
	_ =	sdelay $0x1  }
0x15c: {  	s15 =	spop (v2sf);
	(v2sf) =	vpush v35, $0xA  }
0x15d: {  	s13 =	sand.u32 $0x1FFFFFF0, s29  }
0x15e: {  	s13 =	sadd.s32 s3, s13;
	s17 =	spop (v2sf);
	(v2sf) =	vpush v1, $0xB  }
0x15f: {  	[tilespmem:s14], [sflag:$0x1] =	stream.linear.gather [hbm4b:s13+s2], $0x80, $0x38;
	[tilespmem:$0x8200] =	vst v63  }
0x160: {  	s13 =	sand.u32 $0x1FFFFFF0, s30  }
0x161: {  	s31 =	rddreg [dreg:$0x1d];
	s13 =	sadd.s32 s3, s13;
	s19 =	spop (v2sf);
	(v2sf) =	vpush v35, $0xB  }
0x162: {  	[tilespmem:s31], [sflag:$0x1] =	stream.linear.gather [hbm4b:s13+s2], $0x80, $0x38;
	[tilespmem:$0x8200] =	vst v63  }
0x163: {  	s13 =	sand.u32 $0x1FFFFFF0, s15  }
0x164: {  	s16 =	rddreg [dreg:$0x1e];
	s13 =	sadd.s32 s3, s13  }
0x165: {  	[tilespmem:s16], [sflag:$0x1] =	stream.linear.gather [hbm4b:s13+s2], $0x80, $0x38;
	[tilespmem:$0x8200] =	vst v63  }
0x166: {  	s13 =	sand.u32 $0x1FFFFFF0, s17  }
0x167: {  	s18 =	rddreg [dreg:$0x1f];
	s13 =	sadd.s32 s3, s13  }
0x168: {  	[tilespmem:s18], [sflag:$0x1] =	stream.linear.gather [hbm4b:s13+s2], $0x80, $0x38;
	[tilespmem:$0x8200] =	vst v63  }
0x169: {  	s20 =	sld [smem:$0x711];
	s21 =	spop (v2sf);
	(v2sf) =	vpush v1, $0xC  }
0x16a: {  	s13 =	sand.u32 $0x1FFFFFF0, s19  }
0x16b: {  	s22 =	sld [smem:$0x712];
	s13 =	sadd.s32 s3, s13;
	s23 =	spop (v2sf);
	(v2sf) =	vpush v35, $0xC  }
0x16c: {  	[tilespmem:s20], [sflag:$0x1] =	stream.linear.gather [hbm4b:s13+s2], $0x80, $0x38;
	[tilespmem:$0x8200] =	vst v63  }
0x16d: {  	s13 =	sand.u32 $0x1FFFFFF0, s21;
	s25 =	spop (v2sf);
	(v2sf) =	vpush v1, $0xD  }
0x16e: {  	s13 =	sadd.s32 s3, s13  }
0x16f: {  	[tilespmem:s22], [sflag:$0x1] =	stream.linear.gather [hbm4b:s13+s2], $0x80, $0x38;
	[tilespmem:$0x8200] =	vst v63  }
0x170: {  	s24 =	sld [smem:$0x713];
	s28 =	spop (v2sf);
	(v2sf) =	vpush v35, $0xD  }
0x171: {  	s13 =	sand.u32 $0x1FFFFFF0, s23  }
0x172: {  	s26 =	sld [smem:$0x714];
	s13 =	sadd.s32 s3, s13  }
0x173: {  	[tilespmem:s24], [sflag:$0x1] =	stream.linear.gather [hbm4b:s13+s2], $0x80, $0x38;
	[tilespmem:$0x8200] =	vst v63  }
0x174: {  	s13 =	sand.u32 $0x1FFFFFF0, s25  }
0x175: {  	s29 =	sld [smem:$0x715];
	s13 =	sadd.s32 s3, s13  }
0x176: {  	[tilespmem:s26], [sflag:$0x1] =	stream.linear.gather [hbm4b:s13+s2], $0x80, $0x38;
	[tilespmem:$0x8200] =	vst v63  }
0x177: {  	s13 =	sand.u32 $0x1FFFFFF0, s28  }
0x178: {  	s13 =	sadd.s32 s3, s13;
	s30 =	spop (v2sf);
	(v2sf) =	vpush v1, $0xE  }
0x179: {  	[tilespmem:s29], [sflag:$0x1] =	stream.linear.gather [hbm4b:s13+s2], $0x80, $0x38;
	[tilespmem:$0x8200] =	vst v63  }
0x17a: {  	s31 =	sld [smem:$0x716];
	s15 =	spop (v2sf);
	(v2sf) =	vpush v35, $0xE  }
0x17b: {  	s13 =	sand.u32 $0x1FFFFFF0, s30  }
0x17c: {  	s16 =	sld [smem:$0x717];
	s13 =	sadd.s32 s3, s13;
	s17 =	spop (v2sf)  }
0x17d: {  	(v2sf) =	vpush v1, $0xF;
	[tilespmem:s31], [sflag:$0x1] =	stream.linear.gather [hbm4b:s13+s2], $0x80, $0x38;
	[tilespmem:$0x8200] =	vst v63  }
0x17e: {  	s13 =	sand.u32 $0x1FFFFFF0, s15  }
0x17f: {  	s18 =	sld [smem:$0x718];
	s19 =	spop (v2sf);
	s13 =	sadd.s32 s3, s13  }
0x180: {  	(v2sf) =	vpush v35, $0xF;
	[tilespmem:s16], [sflag:$0x1] =	stream.linear.gather [hbm4b:s13+s2], $0x80, $0x38;
	[tilespmem:$0x8200] =	vst v63  }
0x181: {  	s13 =	sand.u32 $0x1FFFFFF0, s17  }
0x182: {  	s20 =	sld [smem:$0x719];
	s13 =	sadd.s32 s3, s13  }
0x183: {  	[tilespmem:s18], [sflag:$0x1] =	stream.linear.gather [hbm4b:s13+s2], $0x80, $0x38;
	[tilespmem:$0x8200] =	vst v63  }
0x184: {  	s13 =	sand.u32 $0x1FFFFFF0, s19  }
0x185: {  	s13 =	sadd.s32 s3, s13  }
0x186: {  	[tilespmem:s20], [sflag:$0x1] =	stream.linear.gather [hbm4b:s13+s2], $0x80, $0x38;
	[tilespmem:$0x8200] =	vst v63  }
0x187: {  	s22 =	sld [smem:$0x71A];
	s21 =	spop (v2sf)  }
0x188: {  	s13 =	sand.u32 $0x1FFFFFF0, s21  }
0x189: {  	s24 =	sld [smem:$0x71B];
	s23 =	spop (v2sf);
	s13 =	sadd.s32 s3, s13  }
0x18a: {  	[tilespmem:s22], [sflag:$0x1] =	stream.linear.gather [hbm4b:s13+s2], $0x80, $0x38;
	[tilespmem:$0x8200] =	vst v63  }
0x18b: {  	s13 =	sand.u32 $0x1FFFFFF0, s23  }
0x18c: {  	s26 =	sld [smem:$0x71C];
	s25 =	spop (v2sf);
	s13 =	sadd.s32 s3, s13  }
0x18d: {  	[tilespmem:s24], [sflag:$0x1] =	stream.linear.gather [hbm4b:s13+s2], $0x80, $0x38;
	[tilespmem:$0x8200] =	vst v63  }
0x18e: {  	s13 =	sand.u32 $0x1FFFFFF0, s25  }
0x18f: {  	s29 =	sld [smem:$0x71D];
	s28 =	spop (v2sf);
	s13 =	sadd.s32 s3, s13  }
0x190: {  	[tilespmem:s26], [sflag:$0x1] =	stream.linear.gather [hbm4b:s13+s2], $0x80, $0x38;
	[tilespmem:$0x8200] =	vst v63  }
0x191: {  	s13 =	sand.u32 $0x1FFFFFF0, s28  }
0x192: {  	s13 =	sadd.s32 s3, s13  }
0x193: {  	[tilespmem:s29], [sflag:$0x1] =	stream.linear.gather [hbm4b:s13+s2], $0x80, $0x38;
	[tilespmem:$0x8200] =	vst v63  }
0x194: {  	v36 =	vld [tilespmem:$0x10];
	_ =	sdelay $0x1  }
0x195: {  	v37 =	vld [tilespmem:$0x90];
	_ =	sdelay $0x2  }
0x196: {  	v38 =	vshll.u32 v36, $0x4  }
0x197: {  	(v2sf) =	vpush v38, $0x0  }
0x198: {  	v39 =	vshll.u32 v37, $0x4  }
0x199: {  	(v2sf) =	vpush v39, $0x0;
	_ =	sdelay $0x1  }
0x19a: {  	(v2sf) =	vpush v38, $0x1;
	_ =	sdelay $0x2  }
0x19b: {  	(v2sf) =	vpush v39, $0x1;
	_ =	sdelay $0x7  }
0x19c: {  	s30 =	spop (v2sf);
	(v2sf) =	vpush v38, $0x2;
	_ =	sdelay $0x1  }
0x19d: {  	s15 =	spop (v2sf);
	(v2sf) =	vpush v39, $0x2;
	_ =	sdelay $0x1  }
0x19e: {  	s17 =	spop (v2sf);
	(v2sf) =	vpush v38, $0x3;
	_ =	sdelay $0x2  }
0x19f: {  	s19 =	spop (v2sf);
	(v2sf) =	vpush v39, $0x3;
	_ =	sdelay $0x3  }
0x1a0: {  	s31 =	sld [smem:$0x71E]  }
0x1a1: {  	s13 =	sand.u32 $0x1FFFFFF0, s30  }
0x1a2: {  	s13 =	sadd.s32 s3, s13  }
0x1a3: {  	[tilespmem:s31], [sflag:$0x1] =	stream.linear.gather [hbm4b:s13+s2], $0x80, $0x38;
	[tilespmem:$0x8200] =	vst v63  }
0x1a4: {  	s16 =	sld [smem:$0x71F];
	s21 =	spop (v2sf);
	(v2sf) =	vpush v38, $0x4  }
0x1a5: {  	s13 =	sand.u32 $0x1FFFFFF0, s15  }
0x1a6: {  	s18 =	sld [smem:$0x720];
	s13 =	sadd.s32 s3, s13;
	s23 =	spop (v2sf);
	(v2sf) =	vpush v39, $0x4  }
0x1a7: {  	[tilespmem:s16], [sflag:$0x1] =	stream.linear.gather [hbm4b:s13+s2], $0x80, $0x38;
	[tilespmem:$0x8200] =	vst v63  }
0x1a8: {  	s13 =	sand.u32 $0x1FFFFFF0, s17;
	s25 =	spop (v2sf);
	(v2sf) =	vpush v38, $0x5  }
0x1a9: {  	s13 =	sadd.s32 s3, s13  }
0x1aa: {  	[tilespmem:s18], [sflag:$0x1] =	stream.linear.gather [hbm4b:s13+s2], $0x80, $0x38;
	[tilespmem:$0x8200] =	vst v63  }
0x1ab: {  	s20 =	sld [smem:$0x721];
	s28 =	spop (v2sf);
	(v2sf) =	vpush v39, $0x5  }
0x1ac: {  	s13 =	sand.u32 $0x1FFFFFF0, s19  }
0x1ad: {  	s22 =	sld [smem:$0x722];
	s13 =	sadd.s32 s3, s13  }
0x1ae: {  	[tilespmem:s20], [sflag:$0x1] =	stream.linear.gather [hbm4b:s13+s2], $0x80, $0x38;
	[tilespmem:$0x8200] =	vst v63  }
0x1af: {  	s13 =	sand.u32 $0x1FFFFFF0, s21  }
0x1b0: {  	s24 =	sld [smem:$0x723];
	s13 =	sadd.s32 s3, s13  }
0x1b1: {  	[tilespmem:s22], [sflag:$0x1] =	stream.linear.gather [hbm4b:s13+s2], $0x80, $0x38;
	[tilespmem:$0x8200] =	vst v63  }
0x1b2: {  	s13 =	sand.u32 $0x1FFFFFF0, s23  }
0x1b3: {  	s13 =	sadd.s32 s3, s13;
	s30 =	spop (v2sf);
	(v2sf) =	vpush v38, $0x6  }
0x1b4: {  	[tilespmem:s24], [sflag:$0x1] =	stream.linear.gather [hbm4b:s13+s2], $0x80, $0x38;
	[tilespmem:$0x8200] =	vst v63  }
0x1b5: {  	s26 =	sld [smem:$0x724];
	s15 =	spop (v2sf);
	(v2sf) =	vpush v39, $0x6  }
0x1b6: {  	s13 =	sand.u32 $0x1FFFFFF0, s25  }
0x1b7: {  	s29 =	sld [smem:$0x725];
	s13 =	sadd.s32 s3, s13;
	s17 =	spop (v2sf);
	(v2sf) =	vpush v38, $0x7  }
0x1b8: {  	[tilespmem:s26], [sflag:$0x1] =	stream.linear.gather [hbm4b:s13+s2], $0x80, $0x38;
	[tilespmem:$0x8200] =	vst v63  }
0x1b9: {  	s13 =	sand.u32 $0x1FFFFFF0, s28  }
0x1ba: {  	s31 =	sld [smem:$0x726];
	s13 =	sadd.s32 s3, s13;
	s19 =	spop (v2sf);
	(v2sf) =	vpush v39, $0x7  }
0x1bb: {  	[tilespmem:s29], [sflag:$0x1] =	stream.linear.gather [hbm4b:s13+s2], $0x80, $0x38;
	[tilespmem:$0x8200] =	vst v63  }
0x1bc: {  	s13 =	sand.u32 $0x1FFFFFF0, s30  }
0x1bd: {  	s16 =	sld [smem:$0x727];
	s13 =	sadd.s32 s3, s13  }
0x1be: {  	[tilespmem:s31], [sflag:$0x1] =	stream.linear.gather [hbm4b:s13+s2], $0x80, $0x38;
	[tilespmem:$0x8200] =	vst v63  }
0x1bf: {  	s13 =	sand.u32 $0x1FFFFFF0, s15  }
0x1c0: {  	s13 =	sadd.s32 s3, s13  }
0x1c1: {  	[tilespmem:s16], [sflag:$0x1] =	stream.linear.gather [hbm4b:s13+s2], $0x80, $0x38;
	[tilespmem:$0x8200] =	vst v63  }
0x1c2: {  	s18 =	sld [smem:$0x728];
	s21 =	spop (v2sf);
	(v2sf) =	vpush v38, $0x8  }
0x1c3: {  	s13 =	sand.u32 $0x1FFFFFF0, s17  }
0x1c4: {  	s20 =	sld [smem:$0x729];
	s13 =	sadd.s32 s3, s13;
	s23 =	spop (v2sf);
	(v2sf) =	vpush v39, $0x8  }
0x1c5: {  	[tilespmem:s18], [sflag:$0x1] =	stream.linear.gather [hbm4b:s13+s2], $0x80, $0x38;
	[tilespmem:$0x8200] =	vst v63  }
0x1c6: {  	s13 =	sand.u32 $0x1FFFFFF0, s19;
	s25 =	spop (v2sf);
	(v2sf) =	vpush v38, $0x9  }
0x1c7: {  	s13 =	sadd.s32 s3, s13  }
0x1c8: {  	[tilespmem:s20], [sflag:$0x1] =	stream.linear.gather [hbm4b:s13+s2], $0x80, $0x38;
	[tilespmem:$0x8200] =	vst v63  }
0x1c9: {  	s22 =	sld [smem:$0x72A];
	s28 =	spop (v2sf);
	(v2sf) =	vpush v39, $0x9  }
0x1ca: {  	s13 =	sand.u32 $0x1FFFFFF0, s21  }
0x1cb: {  	s24 =	sld [smem:$0x72B];
	s13 =	sadd.s32 s3, s13  }
0x1cc: {  	[tilespmem:s22], [sflag:$0x1] =	stream.linear.gather [hbm4b:s13+s2], $0x80, $0x38;
	[tilespmem:$0x8200] =	vst v63  }
0x1cd: {  	s13 =	sand.u32 $0x1FFFFFF0, s23  }
0x1ce: {  	s26 =	sld [smem:$0x72C];
	s13 =	sadd.s32 s3, s13  }
0x1cf: {  	[tilespmem:s24], [sflag:$0x1] =	stream.linear.gather [hbm4b:s13+s2], $0x80, $0x38;
	[tilespmem:$0x8200] =	vst v63  }
0x1d0: {  	s13 =	sand.u32 $0x1FFFFFF0, s25  }
0x1d1: {  	s13 =	sadd.s32 s3, s13;
	s30 =	spop (v2sf);
	(v2sf) =	vpush v38, $0xA  }
0x1d2: {  	[tilespmem:s26], [sflag:$0x1] =	stream.linear.gather [hbm4b:s13+s2], $0x80, $0x38;
	[tilespmem:$0x8200] =	vst v63  }
0x1d3: {  	s29 =	sld [smem:$0x72D];
	s15 =	spop (v2sf);
	(v2sf) =	vpush v39, $0xA  }
0x1d4: {  	s13 =	sand.u32 $0x1FFFFFF0, s28  }
0x1d5: {  	s31 =	sld [smem:$0x72E];
	s13 =	sadd.s32 s3, s13;
	s17 =	spop (v2sf);
	(v2sf) =	vpush v38, $0xB  }
0x1d6: {  	[tilespmem:s29], [sflag:$0x1] =	stream.linear.gather [hbm4b:s13+s2], $0x80, $0x38;
	[tilespmem:$0x8200] =	vst v63  }
0x1d7: {  	s13 =	sand.u32 $0x1FFFFFF0, s30  }
0x1d8: {  	s16 =	sld [smem:$0x72F];
	s13 =	sadd.s32 s3, s13;
	s19 =	spop (v2sf);
	(v2sf) =	vpush v39, $0xB  }
0x1d9: {  	[tilespmem:s31], [sflag:$0x1] =	stream.linear.gather [hbm4b:s13+s2], $0x80, $0x38;
	[tilespmem:$0x8200] =	vst v63  }
0x1da: {  	s13 =	sand.u32 $0x1FFFFFF0, s15  }
0x1db: {  	s18 =	sld [smem:$0x730];
	s13 =	sadd.s32 s3, s13  }
0x1dc: {  	[tilespmem:s16], [sflag:$0x1] =	stream.linear.gather [hbm4b:s13+s2], $0x80, $0x38;
	[tilespmem:$0x8200] =	vst v63  }
0x1dd: {  	s13 =	sand.u32 $0x1FFFFFF0, s17  }
0x1de: {  	s13 =	sadd.s32 s3, s13  }
0x1df: {  	[tilespmem:s18], [sflag:$0x1] =	stream.linear.gather [hbm4b:s13+s2], $0x80, $0x38;
	[tilespmem:$0x8200] =	vst v63  }
0x1e0: {  	s20 =	sld [smem:$0x731];
	s21 =	spop (v2sf);
	(v2sf) =	vpush v38, $0xC  }
0x1e1: {  	s13 =	sand.u32 $0x1FFFFFF0, s19  }
0x1e2: {  	s22 =	sld [smem:$0x732];
	s13 =	sadd.s32 s3, s13;
	s23 =	spop (v2sf);
	(v2sf) =	vpush v39, $0xC  }
0x1e3: {  	[tilespmem:s20], [sflag:$0x1] =	stream.linear.gather [hbm4b:s13+s2], $0x80, $0x38;
	[tilespmem:$0x8200] =	vst v63  }
0x1e4: {  	s13 =	sand.u32 $0x1FFFFFF0, s21;
	s25 =	spop (v2sf);
	(v2sf) =	vpush v38, $0xD  }
0x1e5: {  	s13 =	sadd.s32 s3, s13  }
0x1e6: {  	[tilespmem:s22], [sflag:$0x1] =	stream.linear.gather [hbm4b:s13+s2], $0x80, $0x38;
	[tilespmem:$0x8200] =	vst v63  }
0x1e7: {  	s24 =	sld [smem:$0x733];
	s28 =	spop (v2sf);
	(v2sf) =	vpush v39, $0xD  }
0x1e8: {  	s13 =	sand.u32 $0x1FFFFFF0, s23  }
0x1e9: {  	s26 =	sld [smem:$0x734];
	s13 =	sadd.s32 s3, s13  }
0x1ea: {  	[tilespmem:s24], [sflag:$0x1] =	stream.linear.gather [hbm4b:s13+s2], $0x80, $0x38;
	[tilespmem:$0x8200] =	vst v63  }
0x1eb: {  	s13 =	sand.u32 $0x1FFFFFF0, s25  }
0x1ec: {  	s29 =	sld [smem:$0x735];
	s13 =	sadd.s32 s3, s13  }
0x1ed: {  	[tilespmem:s26], [sflag:$0x1] =	stream.linear.gather [hbm4b:s13+s2], $0x80, $0x38;
	[tilespmem:$0x8200] =	vst v63  }
0x1ee: {  	s13 =	sand.u32 $0x1FFFFFF0, s28  }
0x1ef: {  	s13 =	sadd.s32 s3, s13;
	s30 =	spop (v2sf);
	(v2sf) =	vpush v38, $0xE  }
0x1f0: {  	[tilespmem:s29], [sflag:$0x1] =	stream.linear.gather [hbm4b:s13+s2], $0x80, $0x38;
	[tilespmem:$0x8200] =	vst v63  }
0x1f1: {  	s31 =	sld [smem:$0x736];
	s15 =	spop (v2sf);
	(v2sf) =	vpush v39, $0xE  }
0x1f2: {  	s13 =	sand.u32 $0x1FFFFFF0, s30  }
0x1f3: {  	s16 =	sld [smem:$0x737];
	s13 =	sadd.s32 s3, s13;
	s17 =	spop (v2sf)  }
0x1f4: {  	(v2sf) =	vpush v38, $0xF;
	[tilespmem:s31], [sflag:$0x1] =	stream.linear.gather [hbm4b:s13+s2], $0x80, $0x38;
	[tilespmem:$0x8200] =	vst v63  }
0x1f5: {  	s13 =	sand.u32 $0x1FFFFFF0, s15  }
0x1f6: {  	s18 =	sld [smem:$0x738];
	s19 =	spop (v2sf);
	s13 =	sadd.s32 s3, s13  }
0x1f7: {  	(v2sf) =	vpush v39, $0xF;
	[tilespmem:s16], [sflag:$0x1] =	stream.linear.gather [hbm4b:s13+s2], $0x80, $0x38;
	[tilespmem:$0x8200] =	vst v63  }
0x1f8: {  	s13 =	sand.u32 $0x1FFFFFF0, s17  }
0x1f9: {  	s20 =	sld [smem:$0x739];
	s13 =	sadd.s32 s3, s13  }
0x1fa: {  	[tilespmem:s18], [sflag:$0x1] =	stream.linear.gather [hbm4b:s13+s2], $0x80, $0x38;
	[tilespmem:$0x8200] =	vst v63  }
0x1fb: {  	s13 =	sand.u32 $0x1FFFFFF0, s19  }
0x1fc: {  	s13 =	sadd.s32 s3, s13  }
0x1fd: {  	[tilespmem:s20], [sflag:$0x1] =	stream.linear.gather [hbm4b:s13+s2], $0x80, $0x38;
	[tilespmem:$0x8200] =	vst v63  }
0x1fe: {  	s22 =	sld [smem:$0x73A];
	s21 =	spop (v2sf)  }
0x1ff: {  	s13 =	sand.u32 $0x1FFFFFF0, s21  }
0x200: {  	s24 =	sld [smem:$0x73B];
	s23 =	spop (v2sf);
	s13 =	sadd.s32 s3, s13  }
0x201: {  	[tilespmem:s22], [sflag:$0x1] =	stream.linear.gather [hbm4b:s13+s2], $0x80, $0x38;
	[tilespmem:$0x8200] =	vst v63  }
0x202: {  	s13 =	sand.u32 $0x1FFFFFF0, s23  }
0x203: {  	s26 =	sld [smem:$0x73C];
	s25 =	spop (v2sf);
	s13 =	sadd.s32 s3, s13  }
0x204: {  	[tilespmem:s24], [sflag:$0x1] =	stream.linear.gather [hbm4b:s13+s2], $0x80, $0x38;
	[tilespmem:$0x8200] =	vst v63  }
0x205: {  	s13 =	sand.u32 $0x1FFFFFF0, s25  }
0x206: {  	s29 =	sld [smem:$0x73D];
	s28 =	spop (v2sf);
	s13 =	sadd.s32 s3, s13  }
0x207: {  	[tilespmem:s26], [sflag:$0x1] =	stream.linear.gather [hbm4b:s13+s2], $0x80, $0x38;
	[tilespmem:$0x8200] =	vst v63  }
0x208: {  	s13 =	sand.u32 $0x1FFFFFF0, s28  }
0x209: {  	s13 =	sadd.s32 s3, s13  }
0x20a: {  	[tilespmem:s29], [sflag:$0x1] =	stream.linear.gather [hbm4b:s13+s2], $0x80, $0x38;
	[tilespmem:$0x8200] =	vst v63  }
0x20b: {  	v40 =	vld [tilespmem:$0x20];
	_ =	sdelay $0x1  }
0x20c: {  	v41 =	vld [tilespmem:$0xA0];
	_ =	sdelay $0x2  }
0x20d: {  	v42 =	vshll.u32 v40, $0x4  }
0x20e: {  	(v2sf) =	vpush v42, $0x0  }
0x20f: {  	v43 =	vshll.u32 v41, $0x4  }
0x210: {  	(v2sf) =	vpush v43, $0x0;
	_ =	sdelay $0x1  }
0x211: {  	(v2sf) =	vpush v42, $0x1;
	_ =	sdelay $0x2  }
0x212: {  	(v2sf) =	vpush v43, $0x1;
	_ =	sdelay $0x7  }
0x213: {  	s30 =	spop (v2sf);
	(v2sf) =	vpush v42, $0x2;
	_ =	sdelay $0x1  }
0x214: {  	s15 =	spop (v2sf);
	(v2sf) =	vpush v43, $0x2;
	_ =	sdelay $0x1  }
0x215: {  	s17 =	spop (v2sf);
	(v2sf) =	vpush v42, $0x3;
	_ =	sdelay $0x2  }
0x216: {  	s19 =	spop (v2sf);
	(v2sf) =	vpush v43, $0x3;
	_ =	sdelay $0x3  }
0x217: {  	s31 =	sld [smem:$0x73E]  }
0x218: {  	s13 =	sand.u32 $0x1FFFFFF0, s30  }
0x219: {  	s13 =	sadd.s32 s3, s13  }
0x21a: {  	[tilespmem:s31], [sflag:$0x1] =	stream.linear.gather [hbm4b:s13+s2], $0x80, $0x38;
	[tilespmem:$0x8200] =	vst v63  }
0x21b: {  	s16 =	sld [smem:$0x73F];
	s21 =	spop (v2sf);
	(v2sf) =	vpush v42, $0x4  }
0x21c: {  	s13 =	sand.u32 $0x1FFFFFF0, s15  }
0x21d: {  	s18 =	sld [smem:$0x740];
	s13 =	sadd.s32 s3, s13;
	s23 =	spop (v2sf);
	(v2sf) =	vpush v43, $0x4  }
0x21e: {  	[tilespmem:s16], [sflag:$0x1] =	stream.linear.gather [hbm4b:s13+s2], $0x80, $0x38;
	[tilespmem:$0x8200] =	vst v63  }
0x21f: {  	s13 =	sand.u32 $0x1FFFFFF0, s17;
	s25 =	spop (v2sf);
	(v2sf) =	vpush v42, $0x5  }
0x220: {  	s13 =	sadd.s32 s3, s13  }
0x221: {  	[tilespmem:s18], [sflag:$0x1] =	stream.linear.gather [hbm4b:s13+s2], $0x80, $0x38;
	[tilespmem:$0x8200] =	vst v63  }
0x222: {  	s20 =	sld [smem:$0x741];
	s28 =	spop (v2sf);
	(v2sf) =	vpush v43, $0x5  }
0x223: {  	s13 =	sand.u32 $0x1FFFFFF0, s19  }
0x224: {  	s22 =	sld [smem:$0x742];
	s13 =	sadd.s32 s3, s13  }
0x225: {  	[tilespmem:s20], [sflag:$0x1] =	stream.linear.gather [hbm4b:s13+s2], $0x80, $0x38;
	[tilespmem:$0x8200] =	vst v63  }
0x226: {  	s13 =	sand.u32 $0x1FFFFFF0, s21  }
0x227: {  	s24 =	sld [smem:$0x743];
	s13 =	sadd.s32 s3, s13  }
0x228: {  	[tilespmem:s22], [sflag:$0x1] =	stream.linear.gather [hbm4b:s13+s2], $0x80, $0x38;
	[tilespmem:$0x8200] =	vst v63  }
0x229: {  	s13 =	sand.u32 $0x1FFFFFF0, s23  }
0x22a: {  	s13 =	sadd.s32 s3, s13;
	s30 =	spop (v2sf);
	(v2sf) =	vpush v42, $0x6  }
0x22b: {  	[tilespmem:s24], [sflag:$0x1] =	stream.linear.gather [hbm4b:s13+s2], $0x80, $0x38;
	[tilespmem:$0x8200] =	vst v63  }
0x22c: {  	s26 =	sld [smem:$0x744];
	s15 =	spop (v2sf);
	(v2sf) =	vpush v43, $0x6  }
0x22d: {  	s13 =	sand.u32 $0x1FFFFFF0, s25  }
0x22e: {  	s29 =	sld [smem:$0x745];
	s13 =	sadd.s32 s3, s13;
	s17 =	spop (v2sf);
	(v2sf) =	vpush v42, $0x7  }
0x22f: {  	[tilespmem:s26], [sflag:$0x1] =	stream.linear.gather [hbm4b:s13+s2], $0x80, $0x38;
	[tilespmem:$0x8200] =	vst v63  }
0x230: {  	s13 =	sand.u32 $0x1FFFFFF0, s28  }
0x231: {  	s31 =	sld [smem:$0x746];
	s13 =	sadd.s32 s3, s13;
	s19 =	spop (v2sf);
	(v2sf) =	vpush v43, $0x7  }
0x232: {  	[tilespmem:s29], [sflag:$0x1] =	stream.linear.gather [hbm4b:s13+s2], $0x80, $0x38;
	[tilespmem:$0x8200] =	vst v63  }
0x233: {  	s13 =	sand.u32 $0x1FFFFFF0, s30  }
0x234: {  	s16 =	sld [smem:$0x747];
	s13 =	sadd.s32 s3, s13  }
0x235: {  	[tilespmem:s31], [sflag:$0x1] =	stream.linear.gather [hbm4b:s13+s2], $0x80, $0x38;
	[tilespmem:$0x8200] =	vst v63  }
0x236: {  	s13 =	sand.u32 $0x1FFFFFF0, s15  }
0x237: {  	s13 =	sadd.s32 s3, s13  }
0x238: {  	[tilespmem:s16], [sflag:$0x1] =	stream.linear.gather [hbm4b:s13+s2], $0x80, $0x38;
	[tilespmem:$0x8200] =	vst v63  }
0x239: {  	s18 =	sld [smem:$0x748];
	s21 =	spop (v2sf);
	(v2sf) =	vpush v42, $0x8  }
0x23a: {  	s13 =	sand.u32 $0x1FFFFFF0, s17  }
0x23b: {  	s20 =	sld [smem:$0x749];
	s13 =	sadd.s32 s3, s13;
	s23 =	spop (v2sf);
	(v2sf) =	vpush v43, $0x8  }
0x23c: {  	[tilespmem:s18], [sflag:$0x1] =	stream.linear.gather [hbm4b:s13+s2], $0x80, $0x38;
	[tilespmem:$0x8200] =	vst v63  }
0x23d: {  	s13 =	sand.u32 $0x1FFFFFF0, s19;
	s25 =	spop (v2sf);
	(v2sf) =	vpush v42, $0x9  }
0x23e: {  	s13 =	sadd.s32 s3, s13  }
0x23f: {  	[tilespmem:s20], [sflag:$0x1] =	stream.linear.gather [hbm4b:s13+s2], $0x80, $0x38;
	[tilespmem:$0x8200] =	vst v63  }
0x240: {  	s22 =	sld [smem:$0x74A];
	s28 =	spop (v2sf);
	(v2sf) =	vpush v43, $0x9  }
0x241: {  	s13 =	sand.u32 $0x1FFFFFF0, s21  }
0x242: {  	s24 =	sld [smem:$0x74B];
	s13 =	sadd.s32 s3, s13  }
0x243: {  	[tilespmem:s22], [sflag:$0x1] =	stream.linear.gather [hbm4b:s13+s2], $0x80, $0x38;
	[tilespmem:$0x8200] =	vst v63  }
0x244: {  	s13 =	sand.u32 $0x1FFFFFF0, s23  }
0x245: {  	s26 =	sld [smem:$0x74C];
	s13 =	sadd.s32 s3, s13  }
0x246: {  	[tilespmem:s24], [sflag:$0x1] =	stream.linear.gather [hbm4b:s13+s2], $0x80, $0x38;
	[tilespmem:$0x8200] =	vst v63  }
0x247: {  	s13 =	sand.u32 $0x1FFFFFF0, s25  }
0x248: {  	s13 =	sadd.s32 s3, s13;
	s30 =	spop (v2sf);
	(v2sf) =	vpush v42, $0xA  }
0x249: {  	[tilespmem:s26], [sflag:$0x1] =	stream.linear.gather [hbm4b:s13+s2], $0x80, $0x38;
	[tilespmem:$0x8200] =	vst v63  }
0x24a: {  	s29 =	sld [smem:$0x74D];
	s15 =	spop (v2sf);
	(v2sf) =	vpush v43, $0xA  }
0x24b: {  	s13 =	sand.u32 $0x1FFFFFF0, s28  }
0x24c: {  	s31 =	sld [smem:$0x74E];
	s13 =	sadd.s32 s3, s13;
	s17 =	spop (v2sf);
	(v2sf) =	vpush v42, $0xB  }
0x24d: {  	[tilespmem:s29], [sflag:$0x1] =	stream.linear.gather [hbm4b:s13+s2], $0x80, $0x38;
	[tilespmem:$0x8200] =	vst v63  }
0x24e: {  	s13 =	sand.u32 $0x1FFFFFF0, s30  }
0x24f: {  	s16 =	sld [smem:$0x74F];
	s13 =	sadd.s32 s3, s13;
	s19 =	spop (v2sf);
	(v2sf) =	vpush v43, $0xB  }
0x250: {  	[tilespmem:s31], [sflag:$0x1] =	stream.linear.gather [hbm4b:s13+s2], $0x80, $0x38;
	[tilespmem:$0x8200] =	vst v63  }
0x251: {  	s13 =	sand.u32 $0x1FFFFFF0, s15  }
0x252: {  	s18 =	sld [smem:$0x750];
	s13 =	sadd.s32 s3, s13  }
0x253: {  	[tilespmem:s16], [sflag:$0x1] =	stream.linear.gather [hbm4b:s13+s2], $0x80, $0x38;
	[tilespmem:$0x8200] =	vst v63  }
0x254: {  	s13 =	sand.u32 $0x1FFFFFF0, s17  }
0x255: {  	s13 =	sadd.s32 s3, s13  }
0x256: {  	[tilespmem:s18], [sflag:$0x1] =	stream.linear.gather [hbm4b:s13+s2], $0x80, $0x38;
	[tilespmem:$0x8200] =	vst v63  }
0x257: {  	s20 =	sld [smem:$0x751];
	s21 =	spop (v2sf);
	(v2sf) =	vpush v42, $0xC  }
0x258: {  	s13 =	sand.u32 $0x1FFFFFF0, s19  }
0x259: {  	s22 =	sld [smem:$0x752];
	s13 =	sadd.s32 s3, s13;
	s23 =	spop (v2sf);
	(v2sf) =	vpush v43, $0xC  }
0x25a: {  	[tilespmem:s20], [sflag:$0x1] =	stream.linear.gather [hbm4b:s13+s2], $0x80, $0x38;
	[tilespmem:$0x8200] =	vst v63  }
0x25b: {  	s13 =	sand.u32 $0x1FFFFFF0, s21;
	s25 =	spop (v2sf);
	(v2sf) =	vpush v42, $0xD  }
0x25c: {  	s13 =	sadd.s32 s3, s13  }
0x25d: {  	[tilespmem:s22], [sflag:$0x1] =	stream.linear.gather [hbm4b:s13+s2], $0x80, $0x38;
	[tilespmem:$0x8200] =	vst v63  }
0x25e: {  	s24 =	sld [smem:$0x753];
	s28 =	spop (v2sf);
	(v2sf) =	vpush v43, $0xD  }
0x25f: {  	s13 =	sand.u32 $0x1FFFFFF0, s23  }
0x260: {  	s26 =	sld [smem:$0x754];
	s13 =	sadd.s32 s3, s13  }
0x261: {  	[tilespmem:s24], [sflag:$0x1] =	stream.linear.gather [hbm4b:s13+s2], $0x80, $0x38;
	[tilespmem:$0x8200] =	vst v63  }
0x262: {  	s13 =	sand.u32 $0x1FFFFFF0, s25  }
0x263: {  	s29 =	sld [smem:$0x755];
	s13 =	sadd.s32 s3, s13  }
0x264: {  	[tilespmem:s26], [sflag:$0x1] =	stream.linear.gather [hbm4b:s13+s2], $0x80, $0x38;
	[tilespmem:$0x8200] =	vst v63  }
0x265: {  	s13 =	sand.u32 $0x1FFFFFF0, s28  }
0x266: {  	s13 =	sadd.s32 s3, s13;
	s30 =	spop (v2sf);
	(v2sf) =	vpush v42, $0xE  }
0x267: {  	[tilespmem:s29], [sflag:$0x1] =	stream.linear.gather [hbm4b:s13+s2], $0x80, $0x38;
	[tilespmem:$0x8200] =	vst v63  }
0x268: {  	s31 =	sld [smem:$0x756];
	s15 =	spop (v2sf);
	(v2sf) =	vpush v43, $0xE  }
0x269: {  	s13 =	sand.u32 $0x1FFFFFF0, s30  }
0x26a: {  	s16 =	sld [smem:$0x757];
	s13 =	sadd.s32 s3, s13;
	s17 =	spop (v2sf)  }
0x26b: {  	(v2sf) =	vpush v42, $0xF;
	[tilespmem:s31], [sflag:$0x1] =	stream.linear.gather [hbm4b:s13+s2], $0x80, $0x38;
	[tilespmem:$0x8200] =	vst v63  }
0x26c: {  	s13 =	sand.u32 $0x1FFFFFF0, s15  }
0x26d: {  	s18 =	sld [smem:$0x758];
	s19 =	spop (v2sf);
	s13 =	sadd.s32 s3, s13  }
0x26e: {  	(v2sf) =	vpush v43, $0xF;
	[tilespmem:s16], [sflag:$0x1] =	stream.linear.gather [hbm4b:s13+s2], $0x80, $0x38;
	[tilespmem:$0x8200] =	vst v63  }
0x26f: {  	s13 =	sand.u32 $0x1FFFFFF0, s17  }
0x270: {  	s20 =	sld [smem:$0x759];
	s13 =	sadd.s32 s3, s13  }
0x271: {  	[tilespmem:s18], [sflag:$0x1] =	stream.linear.gather [hbm4b:s13+s2], $0x80, $0x38;
	[tilespmem:$0x8200] =	vst v63  }
0x272: {  	s13 =	sand.u32 $0x1FFFFFF0, s19  }
0x273: {  	s13 =	sadd.s32 s3, s13  }
0x274: {  	[tilespmem:s20], [sflag:$0x1] =	stream.linear.gather [hbm4b:s13+s2], $0x80, $0x38;
	[tilespmem:$0x8200] =	vst v63  }
0x275: {  	s22 =	sld [smem:$0x75A];
	s21 =	spop (v2sf)  }
0x276: {  	s13 =	sand.u32 $0x1FFFFFF0, s21  }
0x277: {  	s24 =	sld [smem:$0x75B];
	s23 =	spop (v2sf);
	s13 =	sadd.s32 s3, s13  }
0x278: {  	[tilespmem:s22], [sflag:$0x1] =	stream.linear.gather [hbm4b:s13+s2], $0x80, $0x38;
	[tilespmem:$0x8200] =	vst v63  }
0x279: {  	s13 =	sand.u32 $0x1FFFFFF0, s23  }
0x27a: {  	s26 =	sld [smem:$0x75C];
	s25 =	spop (v2sf);
	s13 =	sadd.s32 s3, s13  }
0x27b: {  	[tilespmem:s24], [sflag:$0x1] =	stream.linear.gather [hbm4b:s13+s2], $0x80, $0x38;
	[tilespmem:$0x8200] =	vst v63  }
0x27c: {  	s13 =	sand.u32 $0x1FFFFFF0, s25  }
0x27d: {  	s29 =	sld [smem:$0x75D];
	s28 =	spop (v2sf);
	s13 =	sadd.s32 s3, s13  }
0x27e: {  	[tilespmem:s26], [sflag:$0x1] =	stream.linear.gather [hbm4b:s13+s2], $0x80, $0x38;
	[tilespmem:$0x8200] =	vst v63  }
0x27f: {  	s13 =	sand.u32 $0x1FFFFFF0, s28  }
0x280: {  	s13 =	sadd.s32 s3, s13  }
0x281: {  	[tilespmem:s29], [sflag:$0x1] =	stream.linear.gather [hbm4b:s13+s2], $0x80, $0x38;
	[tilespmem:$0x8200] =	vst v63  }
0x282: {  	v44 =	vld [tilespmem:$0x30];
	_ =	sdelay $0x1  }
0x283: {  	v45 =	vld [tilespmem:$0xB0];
	_ =	sdelay $0x2  }
0x284: {  	v46 =	vshll.u32 v44, $0x4  }
0x285: {  	(v2sf) =	vpush v46, $0x0  }
0x286: {  	v47 =	vshll.u32 v45, $0x4  }
0x287: {  	(v2sf) =	vpush v47, $0x0;
	_ =	sdelay $0x1  }
0x288: {  	(v2sf) =	vpush v46, $0x1;
	_ =	sdelay $0x2  }
0x289: {  	(v2sf) =	vpush v47, $0x1;
	_ =	sdelay $0x7  }
0x28a: {  	s30 =	spop (v2sf);
	(v2sf) =	vpush v46, $0x2;
	_ =	sdelay $0x1  }
0x28b: {  	s15 =	spop (v2sf);
	(v2sf) =	vpush v47, $0x2;
	_ =	sdelay $0x1  }
0x28c: {  	s17 =	spop (v2sf);
	(v2sf) =	vpush v46, $0x3;
	_ =	sdelay $0x2  }
0x28d: {  	s19 =	spop (v2sf);
	(v2sf) =	vpush v47, $0x3;
	_ =	sdelay $0x3  }
0x28e: {  	s31 =	sld [smem:$0x75E]  }
0x28f: {  	s13 =	sand.u32 $0x1FFFFFF0, s30  }
0x290: {  	s13 =	sadd.s32 s3, s13  }
0x291: {  	[tilespmem:s31], [sflag:$0x1] =	stream.linear.gather [hbm4b:s13+s2], $0x80, $0x38;
	[tilespmem:$0x8200] =	vst v63  }
0x292: {  	s16 =	sld [smem:$0x75F];
	s21 =	spop (v2sf);
	(v2sf) =	vpush v46, $0x4  }
0x293: {  	s13 =	sand.u32 $0x1FFFFFF0, s15  }
0x294: {  	s18 =	sld [smem:$0x760];
	s13 =	sadd.s32 s3, s13;
	s23 =	spop (v2sf);
	(v2sf) =	vpush v47, $0x4  }
0x295: {  	[tilespmem:s16], [sflag:$0x1] =	stream.linear.gather [hbm4b:s13+s2], $0x80, $0x38;
	[tilespmem:$0x8200] =	vst v63  }
0x296: {  	s13 =	sand.u32 $0x1FFFFFF0, s17;
	s25 =	spop (v2sf);
	(v2sf) =	vpush v46, $0x5  }
0x297: {  	s13 =	sadd.s32 s3, s13  }
0x298: {  	[tilespmem:s18], [sflag:$0x1] =	stream.linear.gather [hbm4b:s13+s2], $0x80, $0x38;
	[tilespmem:$0x8200] =	vst v63  }
0x299: {  	s20 =	sld [smem:$0x761];
	s28 =	spop (v2sf);
	(v2sf) =	vpush v47, $0x5  }
0x29a: {  	s13 =	sand.u32 $0x1FFFFFF0, s19  }
0x29b: {  	s22 =	sld [smem:$0x762];
	s13 =	sadd.s32 s3, s13  }
0x29c: {  	[tilespmem:s20], [sflag:$0x1] =	stream.linear.gather [hbm4b:s13+s2], $0x80, $0x38;
	[tilespmem:$0x8200] =	vst v63  }
0x29d: {  	s13 =	sand.u32 $0x1FFFFFF0, s21  }
0x29e: {  	s24 =	sld [smem:$0x763];
	s13 =	sadd.s32 s3, s13  }
0x29f: {  	[tilespmem:s22], [sflag:$0x1] =	stream.linear.gather [hbm4b:s13+s2], $0x80, $0x38;
	[tilespmem:$0x8200] =	vst v63  }
0x2a0: {  	s13 =	sand.u32 $0x1FFFFFF0, s23  }
0x2a1: {  	s13 =	sadd.s32 s3, s13;
	s30 =	spop (v2sf);
	(v2sf) =	vpush v46, $0x6  }
0x2a2: {  	[tilespmem:s24], [sflag:$0x1] =	stream.linear.gather [hbm4b:s13+s2], $0x80, $0x38;
	[tilespmem:$0x8200] =	vst v63  }
0x2a3: {  	s26 =	sld [smem:$0x764];
	s15 =	spop (v2sf);
	(v2sf) =	vpush v47, $0x6  }
0x2a4: {  	s13 =	sand.u32 $0x1FFFFFF0, s25  }
0x2a5: {  	s29 =	sld [smem:$0x765];
	s13 =	sadd.s32 s3, s13;
	s17 =	spop (v2sf);
	(v2sf) =	vpush v46, $0x7  }
0x2a6: {  	[tilespmem:s26], [sflag:$0x1] =	stream.linear.gather [hbm4b:s13+s2], $0x80, $0x38;
	[tilespmem:$0x8200] =	vst v63  }
0x2a7: {  	s13 =	sand.u32 $0x1FFFFFF0, s28  }
0x2a8: {  	s31 =	sld [smem:$0x766];
	s13 =	sadd.s32 s3, s13;
	s19 =	spop (v2sf);
	(v2sf) =	vpush v47, $0x7  }
0x2a9: {  	[tilespmem:s29], [sflag:$0x1] =	stream.linear.gather [hbm4b:s13+s2], $0x80, $0x38;
	[tilespmem:$0x8200] =	vst v63  }
0x2aa: {  	s13 =	sand.u32 $0x1FFFFFF0, s30  }
0x2ab: {  	s16 =	sld [smem:$0x767];
	s13 =	sadd.s32 s3, s13  }
0x2ac: {  	[tilespmem:s31], [sflag:$0x1] =	stream.linear.gather [hbm4b:s13+s2], $0x80, $0x38;
	[tilespmem:$0x8200] =	vst v63  }
0x2ad: {  	s13 =	sand.u32 $0x1FFFFFF0, s15  }
0x2ae: {  	s13 =	sadd.s32 s3, s13  }
0x2af: {  	[tilespmem:s16], [sflag:$0x1] =	stream.linear.gather [hbm4b:s13+s2], $0x80, $0x38;
	[tilespmem:$0x8200] =	vst v63  }
0x2b0: {  	s18 =	sld [smem:$0x768];
	s21 =	spop (v2sf);
	(v2sf) =	vpush v46, $0x8  }
0x2b1: {  	s13 =	sand.u32 $0x1FFFFFF0, s17  }
0x2b2: {  	s20 =	sld [smem:$0x769];
	s13 =	sadd.s32 s3, s13;
	s23 =	spop (v2sf);
	(v2sf) =	vpush v47, $0x8  }
0x2b3: {  	[tilespmem:s18], [sflag:$0x1] =	stream.linear.gather [hbm4b:s13+s2], $0x80, $0x38;
	[tilespmem:$0x8200] =	vst v63  }
0x2b4: {  	s13 =	sand.u32 $0x1FFFFFF0, s19;
	s25 =	spop (v2sf);
	(v2sf) =	vpush v46, $0x9  }
0x2b5: {  	s13 =	sadd.s32 s3, s13  }
0x2b6: {  	[tilespmem:s20], [sflag:$0x1] =	stream.linear.gather [hbm4b:s13+s2], $0x80, $0x38;
	[tilespmem:$0x8200] =	vst v63  }
0x2b7: {  	s22 =	sld [smem:$0x76A];
	s28 =	spop (v2sf);
	(v2sf) =	vpush v47, $0x9  }
0x2b8: {  	s13 =	sand.u32 $0x1FFFFFF0, s21  }
0x2b9: {  	s24 =	sld [smem:$0x76B];
	s13 =	sadd.s32 s3, s13  }
0x2ba: {  	[tilespmem:s22], [sflag:$0x1] =	stream.linear.gather [hbm4b:s13+s2], $0x80, $0x38;
	[tilespmem:$0x8200] =	vst v63  }
0x2bb: {  	s13 =	sand.u32 $0x1FFFFFF0, s23  }
0x2bc: {  	s26 =	sld [smem:$0x76C];
	s13 =	sadd.s32 s3, s13  }
0x2bd: {  	[tilespmem:s24], [sflag:$0x1] =	stream.linear.gather [hbm4b:s13+s2], $0x80, $0x38;
	[tilespmem:$0x8200] =	vst v63  }
0x2be: {  	s13 =	sand.u32 $0x1FFFFFF0, s25  }
0x2bf: {  	s13 =	sadd.s32 s3, s13;
	s30 =	spop (v2sf);
	(v2sf) =	vpush v46, $0xA  }
0x2c0: {  	[tilespmem:s26], [sflag:$0x1] =	stream.linear.gather [hbm4b:s13+s2], $0x80, $0x38;
	[tilespmem:$0x8200] =	vst v63  }
0x2c1: {  	s29 =	sld [smem:$0x76D];
	s15 =	spop (v2sf);
	(v2sf) =	vpush v47, $0xA  }
0x2c2: {  	s13 =	sand.u32 $0x1FFFFFF0, s28  }
0x2c3: {  	s31 =	sld [smem:$0x76E];
	s13 =	sadd.s32 s3, s13;
	s17 =	spop (v2sf);
	(v2sf) =	vpush v46, $0xB  }
0x2c4: {  	[tilespmem:s29], [sflag:$0x1] =	stream.linear.gather [hbm4b:s13+s2], $0x80, $0x38;
	[tilespmem:$0x8200] =	vst v63  }
0x2c5: {  	s13 =	sand.u32 $0x1FFFFFF0, s30  }
0x2c6: {  	s16 =	sld [smem:$0x76F];
	s13 =	sadd.s32 s3, s13;
	s19 =	spop (v2sf);
	(v2sf) =	vpush v47, $0xB  }
0x2c7: {  	[tilespmem:s31], [sflag:$0x1] =	stream.linear.gather [hbm4b:s13+s2], $0x80, $0x38;
	[tilespmem:$0x8200] =	vst v63  }
0x2c8: {  	s13 =	sand.u32 $0x1FFFFFF0, s15  }
0x2c9: {  	s18 =	sld [smem:$0x770];
	s13 =	sadd.s32 s3, s13  }
0x2ca: {  	[tilespmem:s16], [sflag:$0x1] =	stream.linear.gather [hbm4b:s13+s2], $0x80, $0x38;
	[tilespmem:$0x8200] =	vst v63  }
0x2cb: {  	s13 =	sand.u32 $0x1FFFFFF0, s17  }
0x2cc: {  	s13 =	sadd.s32 s3, s13  }
0x2cd: {  	[tilespmem:s18], [sflag:$0x1] =	stream.linear.gather [hbm4b:s13+s2], $0x80, $0x38;
	[tilespmem:$0x8200] =	vst v63  }
0x2ce: {  	s20 =	sld [smem:$0x771];
	s21 =	spop (v2sf);
	(v2sf) =	vpush v46, $0xC  }
0x2cf: {  	s13 =	sand.u32 $0x1FFFFFF0, s19  }
0x2d0: {  	s22 =	sld [smem:$0x772];
	s13 =	sadd.s32 s3, s13;
	s23 =	spop (v2sf);
	(v2sf) =	vpush v47, $0xC  }
0x2d1: {  	[tilespmem:s20], [sflag:$0x1] =	stream.linear.gather [hbm4b:s13+s2], $0x80, $0x38;
	[tilespmem:$0x8200] =	vst v63  }
0x2d2: {  	s13 =	sand.u32 $0x1FFFFFF0, s21;
	s25 =	spop (v2sf);
	(v2sf) =	vpush v46, $0xD  }
0x2d3: {  	s13 =	sadd.s32 s3, s13  }
0x2d4: {  	[tilespmem:s22], [sflag:$0x1] =	stream.linear.gather [hbm4b:s13+s2], $0x80, $0x38;
	[tilespmem:$0x8200] =	vst v63  }
0x2d5: {  	s24 =	sld [smem:$0x773];
	s28 =	spop (v2sf);
	(v2sf) =	vpush v47, $0xD  }
0x2d6: {  	s13 =	sand.u32 $0x1FFFFFF0, s23  }
0x2d7: {  	s26 =	sld [smem:$0x774];
	s13 =	sadd.s32 s3, s13  }
0x2d8: {  	[tilespmem:s24], [sflag:$0x1] =	stream.linear.gather [hbm4b:s13+s2], $0x80, $0x38;
	[tilespmem:$0x8200] =	vst v63  }
0x2d9: {  	s13 =	sand.u32 $0x1FFFFFF0, s25  }
0x2da: {  	s29 =	sld [smem:$0x775];
	s13 =	sadd.s32 s3, s13  }
0x2db: {  	[tilespmem:s26], [sflag:$0x1] =	stream.linear.gather [hbm4b:s13+s2], $0x80, $0x38;
	[tilespmem:$0x8200] =	vst v63  }
0x2dc: {  	s13 =	sand.u32 $0x1FFFFFF0, s28  }
0x2dd: {  	s13 =	sadd.s32 s3, s13;
	s30 =	spop (v2sf);
	(v2sf) =	vpush v46, $0xE  }
0x2de: {  	[tilespmem:s29], [sflag:$0x1] =	stream.linear.gather [hbm4b:s13+s2], $0x80, $0x38;
	[tilespmem:$0x8200] =	vst v63  }
0x2df: {  	s31 =	sld [smem:$0x776];
	s15 =	spop (v2sf);
	(v2sf) =	vpush v47, $0xE  }
0x2e0: {  	s13 =	sand.u32 $0x1FFFFFF0, s30  }
0x2e1: {  	s16 =	sld [smem:$0x777];
	s13 =	sadd.s32 s3, s13;
	s17 =	spop (v2sf)  }
0x2e2: {  	(v2sf) =	vpush v46, $0xF;
	[tilespmem:s31], [sflag:$0x1] =	stream.linear.gather [hbm4b:s13+s2], $0x80, $0x38;
	[tilespmem:$0x8200] =	vst v63  }
0x2e3: {  	s13 =	sand.u32 $0x1FFFFFF0, s15  }
0x2e4: {  	s18 =	sld [smem:$0x778];
	s19 =	spop (v2sf);
	s13 =	sadd.s32 s3, s13  }
0x2e5: {  	(v2sf) =	vpush v47, $0xF;
	[tilespmem:s16], [sflag:$0x1] =	stream.linear.gather [hbm4b:s13+s2], $0x80, $0x38;
	[tilespmem:$0x8200] =	vst v63  }
0x2e6: {  	s13 =	sand.u32 $0x1FFFFFF0, s17  }
0x2e7: {  	s20 =	sld [smem:$0x779];
	s13 =	sadd.s32 s3, s13  }
0x2e8: {  	[tilespmem:s18], [sflag:$0x1] =	stream.linear.gather [hbm4b:s13+s2], $0x80, $0x38;
	[tilespmem:$0x8200] =	vst v63  }
0x2e9: {  	s13 =	sand.u32 $0x1FFFFFF0, s19  }
0x2ea: {  	s13 =	sadd.s32 s3, s13  }
0x2eb: {  	[tilespmem:s20], [sflag:$0x1] =	stream.linear.gather [hbm4b:s13+s2], $0x80, $0x38;
	[tilespmem:$0x8200] =	vst v63  }
0x2ec: {  	s22 =	sld [smem:$0x77A];
	s21 =	spop (v2sf)  }
0x2ed: {  	s13 =	sand.u32 $0x1FFFFFF0, s21  }
0x2ee: {  	s24 =	sld [smem:$0x77B];
	s23 =	spop (v2sf);
	s13 =	sadd.s32 s3, s13  }
0x2ef: {  	[tilespmem:s22], [sflag:$0x1] =	stream.linear.gather [hbm4b:s13+s2], $0x80, $0x38;
	[tilespmem:$0x8200] =	vst v63  }
0x2f0: {  	s13 =	sand.u32 $0x1FFFFFF0, s23  }
0x2f1: {  	s26 =	sld [smem:$0x77C];
	s25 =	spop (v2sf);
	s13 =	sadd.s32 s3, s13  }
0x2f2: {  	[tilespmem:s24], [sflag:$0x1] =	stream.linear.gather [hbm4b:s13+s2], $0x80, $0x38;
	[tilespmem:$0x8200] =	vst v63  }
0x2f3: {  	s13 =	sand.u32 $0x1FFFFFF0, s25  }
0x2f4: {  	s29 =	sld [smem:$0x77D];
	s28 =	spop (v2sf);
	s13 =	sadd.s32 s3, s13  }
0x2f5: {  	[tilespmem:s26], [sflag:$0x1] =	stream.linear.gather [hbm4b:s13+s2], $0x80, $0x38;
	[tilespmem:$0x8200] =	vst v63  }
0x2f6: {  	s13 =	sand.u32 $0x1FFFFFF0, s28  }
0x2f7: {  	s13 =	sadd.s32 s3, s13  }
0x2f8: {  	[tilespmem:s29], [sflag:$0x1] =	stream.linear.gather [hbm4b:s13+s2], $0x80, $0x38;
	[tilespmem:$0x8200] =	vst v63  }
0x2f9: {  	v48 =	vld [tilespmem:$0x40];
	_ =	sdelay $0x1  }
0x2fa: {  	v49 =	vld [tilespmem:$0xC0];
	_ =	sdelay $0x2  }
0x2fb: {  	v50 =	vshll.u32 v48, $0x4  }
0x2fc: {  	(v2sf) =	vpush v50, $0x0  }
0x2fd: {  	v51 =	vshll.u32 v49, $0x4  }
0x2fe: {  	(v2sf) =	vpush v51, $0x0;
	_ =	sdelay $0x1  }
0x2ff: {  	(v2sf) =	vpush v50, $0x1;
	_ =	sdelay $0x4  }
0x300: {  	(v2sf) =	vpush v51, $0x1;
	_ =	sdelay $0x5  }
0x301: {  	s30 =	spop (v2sf);
	(v2sf) =	vpush v50, $0x2;
	_ =	sdelay $0x1  }
0x302: {  	s15 =	spop (v2sf);
	(v2sf) =	vpush v51, $0x2;
	_ =	sdelay $0x1  }
0x303: {  	s31 =	sld [smem:$0x77E];
	s17 =	spop (v2sf);
	(v2sf) =	vpush v50, $0x3  }
0x304: {  	s13 =	sand.u32 $0x1FFFFFF0, s30  }
0x305: {  	s16 =	sld [smem:$0x77F];
	s13 =	sadd.s32 s3, s13  }
0x306: {  	[tilespmem:s31], [sflag:$0x1] =	stream.linear.gather [hbm4b:s13+s2], $0x80, $0x38;
	[tilespmem:$0x8200] =	vst v63  }
0x307: {  	s13 =	sand.u32 $0x1FFFFFF0, s15  }
0x308: {  	s18 =	sld [smem:$0x780];
	s19 =	spop (v2sf);
	s13 =	sadd.s32 s3, s13  }
0x309: {  	(v2sf) =	vpush v51, $0x3;
	[tilespmem:s16], [sflag:$0x1] =	stream.linear.gather [hbm4b:s13+s2], $0x80, $0x38;
	[tilespmem:$0x8200] =	vst v63  }
0x30a: {  	s13 =	sand.u32 $0x1FFFFFF0, s17  }
0x30b: {  	s20 =	sld [smem:$0x781];
	s13 =	sadd.s32 s3, s13  }
0x30c: {  	[tilespmem:s18], [sflag:$0x1] =	stream.linear.gather [hbm4b:s13+s2], $0x80, $0x38;
	[tilespmem:$0x8200] =	vst v63  }
0x30d: {  	s13 =	sand.u32 $0x1FFFFFF0, s19  }
0x30e: {  	s13 =	sadd.s32 s3, s13;
	s21 =	spop (v2sf);
	(v2sf) =	vpush v50, $0x4  }
0x30f: {  	[tilespmem:s20], [sflag:$0x1] =	stream.linear.gather [hbm4b:s13+s2], $0x80, $0x38;
	[tilespmem:$0x8200] =	vst v63  }
0x310: {  	s22 =	sld [smem:$0x782];
	s23 =	spop (v2sf);
	(v2sf) =	vpush v51, $0x4  }
0x311: {  	s13 =	sand.u32 $0x1FFFFFF0, s21  }
0x312: {  	s24 =	sld [smem:$0x783];
	s13 =	sadd.s32 s3, s13;
	s25 =	spop (v2sf)  }
0x313: {  	(v2sf) =	vpush v50, $0x5;
	[tilespmem:s22], [sflag:$0x1] =	stream.linear.gather [hbm4b:s13+s2], $0x80, $0x38;
	[tilespmem:$0x8200] =	vst v63  }
0x314: {  	s13 =	sand.u32 $0x1FFFFFF0, s23  }
0x315: {  	s26 =	sld [smem:$0x784];
	s13 =	sadd.s32 s3, s13  }
0x316: {  	[tilespmem:s24], [sflag:$0x1] =	stream.linear.gather [hbm4b:s13+s2], $0x80, $0x38;
	[tilespmem:$0x8200] =	vst v63  }
0x317: {  	s13 =	sand.u32 $0x1FFFFFF0, s25  }
0x318: {  	s29 =	sld [smem:$0x785];
	s28 =	spop (v2sf);
	s13 =	sadd.s32 s3, s13  }
0x319: {  	[tilespmem:s26], [sflag:$0x1] =	stream.linear.gather [hbm4b:s13+s2], $0x80, $0x38;
	[tilespmem:$0x8200] =	vst v63  }
0x31a: {  	s13 =	sand.u32 $0x1FFFFFF0, s28  }
0x31b: {  	s13 =	sadd.s32 s3, s13  }
0x31c: {  	[tilespmem:s29], [sflag:$0x1] =	stream.linear.gather [hbm4b:s13+s2], $0x80, $0x38;
	[tilespmem:$0x8200] =	vst v63  }
0x31d: {  	s31 =	sld [smem:$0x786];
	s30 =	spop (v2sf)  }
0x31e: {  	s13 =	sand.u32 $0x1FFFFFF0, s30  }
0x31f: {  	s15 =	sld [smem:$0x787];
	s14 =	spop (v2sf);
	s13 =	sadd.s32 s3, s13  }
0x320: {  	[tilespmem:s31], [sflag:$0x1] =	stream.linear.gather [hbm4b:s13+s2], $0x80, $0x38;
	[tilespmem:$0x8200] =	vst v63  }
0x321: {  	s13 =	sand.u32 $0x1FFFFFF0, s14  }
0x322: {  	s16 =	spop (v2sf);
	s13 =	sadd.s32 s3, s13  }
0x323: {  	[tilespmem:s15], [sflag:$0x1] =	stream.linear.gather [hbm4b:s13+s2], $0x80, $0x38;
	[tilespmem:$0x8200] =	vst v63  }
0x324: {  	s14 =	sld [smem:$0x788];
	(v2sf) =	vpush v51, $0x5;
	_ =	sdelay $0x3  }
0x325: {  	(v2sf) =	vpush v50, $0x6;
	_ =	sdelay $0x2  }
0x326: {  	(v2sf) =	vpush v51, $0x6;
	_ =	sdelay $0x2  }
0x327: {  	(v2sf) =	vpush v50, $0x7;
	_ =	sdelay $0x4  }
0x328: {  	s17 =	spop (v2sf);
	(v2sf) =	vpush v51, $0x7;
	_ =	sdelay $0x3  }
0x329: {  	s19 =	spop (v2sf);
	(v2sf) =	vpush v50, $0x8;
	_ =	sdelay $0x2  }
0x32a: {  	s21 =	spop (v2sf);
	(v2sf) =	vpush v51, $0x8;
	_ =	sdelay $0x2  }
0x32b: {  	s23 =	spop (v2sf);
	(v2sf) =	vpush v50, $0x9;
	_ =	sdelay $0x1  }
0x32c: {  	s13 =	sand.u32 $0x1FFFFFF0, s16  }
0x32d: {  	s13 =	sadd.s32 s3, s13;
	s18 =	sld [smem:$0x789]  }
0x32e: {  	[tilespmem:s14], [sflag:$0x1] =	stream.linear.gather [hbm4b:s13+s2], $0x80, $0x38;
	[tilespmem:$0x8200] =	vst v63  }
0x32f: {  	s13 =	sand.u32 $0x1FFFFFF0, s17;
	s25 =	spop (v2sf);
	(v2sf) =	vpush v51, $0x9  }
0x330: {  	s20 =	sld [smem:$0x78A];
	s13 =	sadd.s32 s3, s13  }
0x331: {  	[tilespmem:s18], [sflag:$0x1] =	stream.linear.gather [hbm4b:s13+s2], $0x80, $0x38;
	[tilespmem:$0x8200] =	vst v63  }
0x332: {  	s13 =	sand.u32 $0x1FFFFFF0, s19  }
0x333: {  	s22 =	sld [smem:$0x78B];
	s13 =	sadd.s32 s3, s13;
	s28 =	spop (v2sf);
	(v2sf) =	vpush v50, $0xA  }
0x334: {  	[tilespmem:s20], [sflag:$0x1] =	stream.linear.gather [hbm4b:s13+s2], $0x80, $0x38;
	[tilespmem:$0x8200] =	vst v63  }
0x335: {  	s13 =	sand.u32 $0x1FFFFFF0, s21  }
0x336: {  	s24 =	sld [smem:$0x78C];
	s13 =	sadd.s32 s3, s13;
	s30 =	spop (v2sf);
	(v2sf) =	vpush v51, $0xA  }
0x337: {  	[tilespmem:s22], [sflag:$0x1] =	stream.linear.gather [hbm4b:s13+s2], $0x80, $0x38;
	[tilespmem:$0x8200] =	vst v63  }
0x338: {  	s13 =	sand.u32 $0x1FFFFFF0, s23  }
0x339: {  	s26 =	sld [smem:$0x78D];
	s13 =	sadd.s32 s3, s13;
	s15 =	spop (v2sf);
	(v2sf) =	vpush v50, $0xB  }
0x33a: {  	[tilespmem:s24], [sflag:$0x1] =	stream.linear.gather [hbm4b:s13+s2], $0x80, $0x38;
	[tilespmem:$0x8200] =	vst v63  }
0x33b: {  	s13 =	sand.u32 $0x1FFFFFF0, s25  }
0x33c: {  	s29 =	sld [smem:$0x78E];
	s13 =	sadd.s32 s3, s13  }
0x33d: {  	[tilespmem:s26], [sflag:$0x1] =	stream.linear.gather [hbm4b:s13+s2], $0x80, $0x38;
	[tilespmem:$0x8200] =	vst v63  }
0x33e: {  	s13 =	sand.u32 $0x1FFFFFF0, s28;
	s17 =	spop (v2sf);
	(v2sf) =	vpush v51, $0xB  }
0x33f: {  	s31 =	sld [smem:$0x78F];
	s13 =	sadd.s32 s3, s13  }
0x340: {  	[tilespmem:s29], [sflag:$0x1] =	stream.linear.gather [hbm4b:s13+s2], $0x80, $0x38;
	[tilespmem:$0x8200] =	vst v63  }
0x341: {  	s13 =	sand.u32 $0x1FFFFFF0, s30  }
0x342: {  	s16 =	sld [smem:$0x790];
	s13 =	sadd.s32 s3, s13;
	s19 =	spop (v2sf);
	(v2sf) =	vpush v50, $0xC  }
0x343: {  	[tilespmem:s31], [sflag:$0x1] =	stream.linear.gather [hbm4b:s13+s2], $0x80, $0x38;
	[tilespmem:$0x8200] =	vst v63  }
0x344: {  	s13 =	sand.u32 $0x1FFFFFF0, s15  }
0x345: {  	s18 =	sld [smem:$0x791];
	s13 =	sadd.s32 s3, s13;
	s21 =	spop (v2sf);
	(v2sf) =	vpush v51, $0xC  }
0x346: {  	[tilespmem:s16], [sflag:$0x1] =	stream.linear.gather [hbm4b:s13+s2], $0x80, $0x38;
	[tilespmem:$0x8200] =	vst v63  }
0x347: {  	s13 =	sand.u32 $0x1FFFFFF0, s17  }
0x348: {  	s20 =	sld [smem:$0x792];
	s13 =	sadd.s32 s3, s13;
	s23 =	spop (v2sf);
	(v2sf) =	vpush v50, $0xD  }
0x349: {  	[tilespmem:s18], [sflag:$0x1] =	stream.linear.gather [hbm4b:s13+s2], $0x80, $0x38;
	[tilespmem:$0x8200] =	vst v63  }
0x34a: {  	s13 =	sand.u32 $0x1FFFFFF0, s19  }
0x34b: {  	s22 =	sld [smem:$0x793];
	s13 =	sadd.s32 s3, s13  }
0x34c: {  	[tilespmem:s20], [sflag:$0x1] =	stream.linear.gather [hbm4b:s13+s2], $0x80, $0x38;
	[tilespmem:$0x8200] =	vst v63  }
0x34d: {  	s13 =	sand.u32 $0x1FFFFFF0, s21;
	s25 =	spop (v2sf);
	(v2sf) =	vpush v51, $0xD  }
0x34e: {  	s24 =	sld [smem:$0x794];
	s13 =	sadd.s32 s3, s13  }
0x34f: {  	[tilespmem:s22], [sflag:$0x1] =	stream.linear.gather [hbm4b:s13+s2], $0x80, $0x38;
	[tilespmem:$0x8200] =	vst v63  }
0x350: {  	s13 =	sand.u32 $0x1FFFFFF0, s23  }
0x351: {  	s26 =	sld [smem:$0x795];
	s13 =	sadd.s32 s3, s13;
	s28 =	spop (v2sf);
	(v2sf) =	vpush v50, $0xE  }
0x352: {  	[tilespmem:s24], [sflag:$0x1] =	stream.linear.gather [hbm4b:s13+s2], $0x80, $0x38;
	[tilespmem:$0x8200] =	vst v63  }
0x353: {  	s13 =	sand.u32 $0x1FFFFFF0, s25  }
0x354: {  	s29 =	sld [smem:$0x796];
	s13 =	sadd.s32 s3, s13;
	s30 =	spop (v2sf);
	(v2sf) =	vpush v51, $0xE  }
0x355: {  	[tilespmem:s26], [sflag:$0x1] =	stream.linear.gather [hbm4b:s13+s2], $0x80, $0x38;
	[tilespmem:$0x8200] =	vst v63  }
0x356: {  	s13 =	sand.u32 $0x1FFFFFF0, s28  }
0x357: {  	s31 =	sld [smem:$0x797];
	s15 =	spop (v2sf);
	(v2sf) =	vpush v50, $0xF;
	s13 =	sadd.s32 s3, s13  }
0x358: {  	[tilespmem:s29], [sflag:$0x1] =	stream.linear.gather [hbm4b:s13+s2], $0x80, $0x38;
	[tilespmem:$0x8200] =	vst v63  }
0x359: {  	s13 =	sand.u32 $0x1FFFFFF0, s30  }
0x35a: {  	s16 =	sld [smem:$0x798];
	s13 =	sadd.s32 s3, s13  }
0x35b: {  	[tilespmem:s31], [sflag:$0x1] =	stream.linear.gather [hbm4b:s13+s2], $0x80, $0x38;
	[tilespmem:$0x8200] =	vst v63  }
0x35c: {  	s13 =	sand.u32 $0x1FFFFFF0, s15;
	s17 =	spop (v2sf);
	(v2sf) =	vpush v51, $0xF  }
0x35d: {  	s18 =	sld [smem:$0x799];
	s13 =	sadd.s32 s3, s13  }
0x35e: {  	[tilespmem:s16], [sflag:$0x1] =	stream.linear.gather [hbm4b:s13+s2], $0x80, $0x38;
	[tilespmem:$0x8200] =	vst v63  }
0x35f: {  	s13 =	sand.u32 $0x1FFFFFF0, s17  }
0x360: {  	s20 =	sld [smem:$0x79A];
	s19 =	spop (v2sf);
	s13 =	sadd.s32 s3, s13  }
0x361: {  	[tilespmem:s18], [sflag:$0x1] =	stream.linear.gather [hbm4b:s13+s2], $0x80, $0x38;
	[tilespmem:$0x8200] =	vst v63  }
0x362: {  	s13 =	sand.u32 $0x1FFFFFF0, s19  }
0x363: {  	s22 =	sld [smem:$0x79B];
	s21 =	spop (v2sf);
	s13 =	sadd.s32 s3, s13  }
0x364: {  	[tilespmem:s20], [sflag:$0x1] =	stream.linear.gather [hbm4b:s13+s2], $0x80, $0x38;
	[tilespmem:$0x8200] =	vst v63  }
0x365: {  	s13 =	sand.u32 $0x1FFFFFF0, s21  }
0x366: {  	s24 =	sld [smem:$0x79C];
	s23 =	spop (v2sf);
	s13 =	sadd.s32 s3, s13  }
0x367: {  	[tilespmem:s22], [sflag:$0x1] =	stream.linear.gather [hbm4b:s13+s2], $0x80, $0x38;
	[tilespmem:$0x8200] =	vst v63  }
0x368: {  	s13 =	sand.u32 $0x1FFFFFF0, s23  }
0x369: {  	s13 =	sadd.s32 s3, s13  }
0x36a: {  	[tilespmem:s24], [sflag:$0x1] =	stream.linear.gather [hbm4b:s13+s2], $0x80, $0x38;
	[tilespmem:$0x8200] =	vst v63  }
0x36b: {  	s26 =	sld [smem:$0x79D];
	s25 =	spop (v2sf)  }
0x36c: {  	s13 =	sand.u32 $0x1FFFFFF0, s25  }
0x36d: {  	s13 =	sadd.s32 s3, s13  }
0x36e: {  	[tilespmem:s26], [sflag:$0x1] =	stream.linear.gather [hbm4b:s13+s2], $0x80, $0x38;
	[tilespmem:$0x8200] =	vst v63  }
0x36f: {  	v52 =	vld [tilespmem:$0x50];
	_ =	sdelay $0x1  }
0x370: {  	v53 =	vld [tilespmem:$0xD0];
	_ =	sdelay $0x2  }
0x371: {  	v54 =	vshll.u32 v52, $0x4  }
0x372: {  	(v2sf) =	vpush v54, $0x0  }
0x373: {  	v55 =	vshll.u32 v53, $0x4  }
0x374: {  	(v2sf) =	vpush v55, $0x0;
	_ =	sdelay $0x1  }
0x375: {  	(v2sf) =	vpush v54, $0x1;
	_ =	sdelay $0x2  }
0x376: {  	(v2sf) =	vpush v55, $0x1;
	_ =	sdelay $0x7  }
0x377: {  	s28 =	spop (v2sf);
	(v2sf) =	vpush v54, $0x2;
	_ =	sdelay $0x1  }
0x378: {  	s30 =	spop (v2sf);
	(v2sf) =	vpush v55, $0x2;
	_ =	sdelay $0x1  }
0x379: {  	s15 =	spop (v2sf);
	(v2sf) =	vpush v54, $0x3;
	_ =	sdelay $0x2  }
0x37a: {  	s17 =	spop (v2sf);
	(v2sf) =	vpush v55, $0x3;
	_ =	sdelay $0x3  }
0x37b: {  	s29 =	sld [smem:$0x79E]  }
0x37c: {  	s13 =	sand.u32 $0x1FFFFFF0, s28  }
0x37d: {  	s13 =	sadd.s32 s3, s13  }
0x37e: {  	[tilespmem:s29], [sflag:$0x1] =	stream.linear.gather [hbm4b:s13+s2], $0x80, $0x38;
	[tilespmem:$0x8200] =	vst v63  }
0x37f: {  	s31 =	sld [smem:$0x79F];
	s19 =	spop (v2sf);
	(v2sf) =	vpush v54, $0x4  }
0x380: {  	s13 =	sand.u32 $0x1FFFFFF0, s30  }
0x381: {  	s16 =	sld [smem:$0x7A0];
	s13 =	sadd.s32 s3, s13;
	s21 =	spop (v2sf);
	(v2sf) =	vpush v55, $0x4  }
0x382: {  	[tilespmem:s31], [sflag:$0x1] =	stream.linear.gather [hbm4b:s13+s2], $0x80, $0x38;
	[tilespmem:$0x8200] =	vst v63  }
0x383: {  	s13 =	sand.u32 $0x1FFFFFF0, s15;
	s23 =	spop (v2sf);
	(v2sf) =	vpush v54, $0x5  }
0x384: {  	s13 =	sadd.s32 s3, s13  }
0x385: {  	[tilespmem:s16], [sflag:$0x1] =	stream.linear.gather [hbm4b:s13+s2], $0x80, $0x38;
	[tilespmem:$0x8200] =	vst v63  }
0x386: {  	s18 =	sld [smem:$0x7A1];
	s25 =	spop (v2sf);
	(v2sf) =	vpush v55, $0x5  }
0x387: {  	s13 =	sand.u32 $0x1FFFFFF0, s17  }
0x388: {  	s20 =	sld [smem:$0x7A2];
	s13 =	sadd.s32 s3, s13  }
0x389: {  	[tilespmem:s18], [sflag:$0x1] =	stream.linear.gather [hbm4b:s13+s2], $0x80, $0x38;
	[tilespmem:$0x8200] =	vst v63  }
0x38a: {  	s13 =	sand.u32 $0x1FFFFFF0, s19  }
0x38b: {  	s22 =	sld [smem:$0x7A3];
	s13 =	sadd.s32 s3, s13  }
0x38c: {  	[tilespmem:s20], [sflag:$0x1] =	stream.linear.gather [hbm4b:s13+s2], $0x80, $0x38;
	[tilespmem:$0x8200] =	vst v63  }
0x38d: {  	s13 =	sand.u32 $0x1FFFFFF0, s21  }
0x38e: {  	s13 =	sadd.s32 s3, s13;
	s28 =	spop (v2sf);
	(v2sf) =	vpush v54, $0x6  }
0x38f: {  	[tilespmem:s22], [sflag:$0x1] =	stream.linear.gather [hbm4b:s13+s2], $0x80, $0x38;
	[tilespmem:$0x8200] =	vst v63  }
0x390: {  	s24 =	sld [smem:$0x7A4];
	s30 =	spop (v2sf);
	(v2sf) =	vpush v55, $0x6  }
0x391: {  	s13 =	sand.u32 $0x1FFFFFF0, s23  }
0x392: {  	s26 =	sld [smem:$0x7A5];
	s13 =	sadd.s32 s3, s13;
	s15 =	spop (v2sf);
	(v2sf) =	vpush v54, $0x7  }
0x393: {  	[tilespmem:s24], [sflag:$0x1] =	stream.linear.gather [hbm4b:s13+s2], $0x80, $0x38;
	[tilespmem:$0x8200] =	vst v63  }
0x394: {  	s13 =	sand.u32 $0x1FFFFFF0, s25  }
0x395: {  	s29 =	sld [smem:$0x7A6];
	s13 =	sadd.s32 s3, s13;
	s17 =	spop (v2sf);
	(v2sf) =	vpush v55, $0x7  }
0x396: {  	[tilespmem:s26], [sflag:$0x1] =	stream.linear.gather [hbm4b:s13+s2], $0x80, $0x38;
	[tilespmem:$0x8200] =	vst v63  }
0x397: {  	s13 =	sand.u32 $0x1FFFFFF0, s28  }
0x398: {  	s31 =	sld [smem:$0x7A7];
	s13 =	sadd.s32 s3, s13  }
0x399: {  	[tilespmem:s29], [sflag:$0x1] =	stream.linear.gather [hbm4b:s13+s2], $0x80, $0x38;
	[tilespmem:$0x8200] =	vst v63  }
0x39a: {  	s13 =	sand.u32 $0x1FFFFFF0, s30  }
0x39b: {  	s13 =	sadd.s32 s3, s13  }
0x39c: {  	[tilespmem:s31], [sflag:$0x1] =	stream.linear.gather [hbm4b:s13+s2], $0x80, $0x38;
	[tilespmem:$0x8200] =	vst v63  }
0x39d: {  	s16 =	sld [smem:$0x7A8];
	s19 =	spop (v2sf);
	(v2sf) =	vpush v54, $0x8  }
0x39e: {  	s13 =	sand.u32 $0x1FFFFFF0, s15  }
0x39f: {  	s18 =	sld [smem:$0x7A9];
	s13 =	sadd.s32 s3, s13;
	s21 =	spop (v2sf);
	(v2sf) =	vpush v55, $0x8  }
0x3a0: {  	[tilespmem:s16], [sflag:$0x1] =	stream.linear.gather [hbm4b:s13+s2], $0x80, $0x38;
	[tilespmem:$0x8200] =	vst v63  }
0x3a1: {  	s13 =	sand.u32 $0x1FFFFFF0, s17;
	s23 =	spop (v2sf);
	(v2sf) =	vpush v54, $0x9  }
0x3a2: {  	s13 =	sadd.s32 s3, s13  }
0x3a3: {  	[tilespmem:s18], [sflag:$0x1] =	stream.linear.gather [hbm4b:s13+s2], $0x80, $0x38;
	[tilespmem:$0x8200] =	vst v63  }
0x3a4: {  	s20 =	sld [smem:$0x7AA];
	s25 =	spop (v2sf);
	(v2sf) =	vpush v55, $0x9  }
0x3a5: {  	s13 =	sand.u32 $0x1FFFFFF0, s19  }
0x3a6: {  	s22 =	sld [smem:$0x7AB];
	s13 =	sadd.s32 s3, s13  }
0x3a7: {  	[tilespmem:s20], [sflag:$0x1] =	stream.linear.gather [hbm4b:s13+s2], $0x80, $0x38;
	[tilespmem:$0x8200] =	vst v63  }
0x3a8: {  	s13 =	sand.u32 $0x1FFFFFF0, s21  }
0x3a9: {  	s24 =	sld [smem:$0x7AC];
	s13 =	sadd.s32 s3, s13  }
0x3aa: {  	[tilespmem:s22], [sflag:$0x1] =	stream.linear.gather [hbm4b:s13+s2], $0x80, $0x38;
	[tilespmem:$0x8200] =	vst v63  }
0x3ab: {  	s13 =	sand.u32 $0x1FFFFFF0, s23  }
0x3ac: {  	s13 =	sadd.s32 s3, s13;
	s28 =	spop (v2sf);
	(v2sf) =	vpush v54, $0xA  }
0x3ad: {  	[tilespmem:s24], [sflag:$0x1] =	stream.linear.gather [hbm4b:s13+s2], $0x80, $0x38;
	[tilespmem:$0x8200] =	vst v63  }
0x3ae: {  	s26 =	sld [smem:$0x7AD];
	s30 =	spop (v2sf);
	(v2sf) =	vpush v55, $0xA  }
0x3af: {  	s13 =	sand.u32 $0x1FFFFFF0, s25  }
0x3b0: {  	s29 =	sld [smem:$0x7AE];
	s13 =	sadd.s32 s3, s13;
	s15 =	spop (v2sf);
	(v2sf) =	vpush v54, $0xB  }
0x3b1: {  	[tilespmem:s26], [sflag:$0x1] =	stream.linear.gather [hbm4b:s13+s2], $0x80, $0x38;
	[tilespmem:$0x8200] =	vst v63  }
0x3b2: {  	s13 =	sand.u32 $0x1FFFFFF0, s28  }
0x3b3: {  	s31 =	sld [smem:$0x7AF];
	s13 =	sadd.s32 s3, s13;
	s17 =	spop (v2sf);
	(v2sf) =	vpush v55, $0xB  }
0x3b4: {  	[tilespmem:s29], [sflag:$0x1] =	stream.linear.gather [hbm4b:s13+s2], $0x80, $0x38;
	[tilespmem:$0x8200] =	vst v63  }
0x3b5: {  	s13 =	sand.u32 $0x1FFFFFF0, s30  }
0x3b6: {  	s16 =	sld [smem:$0x7B0];
	s13 =	sadd.s32 s3, s13  }
0x3b7: {  	[tilespmem:s31], [sflag:$0x1] =	stream.linear.gather [hbm4b:s13+s2], $0x80, $0x38;
	[tilespmem:$0x8200] =	vst v63  }
0x3b8: {  	s13 =	sand.u32 $0x1FFFFFF0, s15  }
0x3b9: {  	s13 =	sadd.s32 s3, s13  }
0x3ba: {  	[tilespmem:s16], [sflag:$0x1] =	stream.linear.gather [hbm4b:s13+s2], $0x80, $0x38;
	[tilespmem:$0x8200] =	vst v63  }
0x3bb: {  	s18 =	sld [smem:$0x7B1];
	s19 =	spop (v2sf);
	(v2sf) =	vpush v54, $0xC  }
0x3bc: {  	s13 =	sand.u32 $0x1FFFFFF0, s17  }
0x3bd: {  	s20 =	sld [smem:$0x7B2];
	s13 =	sadd.s32 s3, s13;
	s21 =	spop (v2sf);
	(v2sf) =	vpush v55, $0xC  }
0x3be: {  	[tilespmem:s18], [sflag:$0x1] =	stream.linear.gather [hbm4b:s13+s2], $0x80, $0x38;
	[tilespmem:$0x8200] =	vst v63  }
0x3bf: {  	s13 =	sand.u32 $0x1FFFFFF0, s19;
	s23 =	spop (v2sf);
	(v2sf) =	vpush v54, $0xD  }
0x3c0: {  	s13 =	sadd.s32 s3, s13  }
0x3c1: {  	[tilespmem:s20], [sflag:$0x1] =	stream.linear.gather [hbm4b:s13+s2], $0x80, $0x38;
	[tilespmem:$0x8200] =	vst v63  }
0x3c2: {  	s22 =	sld [smem:$0x7B3];
	s25 =	spop (v2sf);
	(v2sf) =	vpush v55, $0xD  }
0x3c3: {  	s13 =	sand.u32 $0x1FFFFFF0, s21  }
0x3c4: {  	s24 =	sld [smem:$0x7B4];
	s13 =	sadd.s32 s3, s13  }
0x3c5: {  	[tilespmem:s22], [sflag:$0x1] =	stream.linear.gather [hbm4b:s13+s2], $0x80, $0x38;
	[tilespmem:$0x8200] =	vst v63  }
0x3c6: {  	s13 =	sand.u32 $0x1FFFFFF0, s23  }
0x3c7: {  	s26 =	sld [smem:$0x7B5];
	s13 =	sadd.s32 s3, s13  }
0x3c8: {  	[tilespmem:s24], [sflag:$0x1] =	stream.linear.gather [hbm4b:s13+s2], $0x80, $0x38;
	[tilespmem:$0x8200] =	vst v63  }
0x3c9: {  	s13 =	sand.u32 $0x1FFFFFF0, s25  }
0x3ca: {  	s13 =	sadd.s32 s3, s13;
	s28 =	spop (v2sf);
	(v2sf) =	vpush v54, $0xE  }
0x3cb: {  	[tilespmem:s26], [sflag:$0x1] =	stream.linear.gather [hbm4b:s13+s2], $0x80, $0x38;
	[tilespmem:$0x8200] =	vst v63  }
0x3cc: {  	s29 =	sld [smem:$0x7B6];
	s30 =	spop (v2sf);
	(v2sf) =	vpush v55, $0xE  }
0x3cd: {  	s13 =	sand.u32 $0x1FFFFFF0, s28  }
0x3ce: {  	s31 =	sld [smem:$0x7B7];
	s13 =	sadd.s32 s3, s13;
	s15 =	spop (v2sf)  }
0x3cf: {  	(v2sf) =	vpush v54, $0xF;
	[tilespmem:s29], [sflag:$0x1] =	stream.linear.gather [hbm4b:s13+s2], $0x80, $0x38;
	[tilespmem:$0x8200] =	vst v63  }
0x3d0: {  	s13 =	sand.u32 $0x1FFFFFF0, s30  }
0x3d1: {  	s16 =	sld [smem:$0x7B8];
	s17 =	spop (v2sf);
	s13 =	sadd.s32 s3, s13  }
0x3d2: {  	(v2sf) =	vpush v55, $0xF;
	[tilespmem:s31], [sflag:$0x1] =	stream.linear.gather [hbm4b:s13+s2], $0x80, $0x38;
	[tilespmem:$0x8200] =	vst v63  }
0x3d3: {  	s13 =	sand.u32 $0x1FFFFFF0, s15  }
0x3d4: {  	s18 =	sld [smem:$0x7B9];
	s13 =	sadd.s32 s3, s13  }
0x3d5: {  	[tilespmem:s16], [sflag:$0x1] =	stream.linear.gather [hbm4b:s13+s2], $0x80, $0x38;
	[tilespmem:$0x8200] =	vst v63  }
0x3d6: {  	s13 =	sand.u32 $0x1FFFFFF0, s17  }
0x3d7: {  	s13 =	sadd.s32 s3, s13  }
0x3d8: {  	[tilespmem:s18], [sflag:$0x1] =	stream.linear.gather [hbm4b:s13+s2], $0x80, $0x38;
	[tilespmem:$0x8200] =	vst v63  }
0x3d9: {  	s20 =	sld [smem:$0x7BA];
	s19 =	spop (v2sf)  }
0x3da: {  	s13 =	sand.u32 $0x1FFFFFF0, s19  }
0x3db: {  	s22 =	sld [smem:$0x7BB];
	s21 =	spop (v2sf);
	s13 =	sadd.s32 s3, s13  }
0x3dc: {  	[tilespmem:s20], [sflag:$0x1] =	stream.linear.gather [hbm4b:s13+s2], $0x80, $0x38;
	[tilespmem:$0x8200] =	vst v63  }
0x3dd: {  	s13 =	sand.u32 $0x1FFFFFF0, s21  }
0x3de: {  	s24 =	sld [smem:$0x7BC];
	s23 =	spop (v2sf);
	s13 =	sadd.s32 s3, s13  }
0x3df: {  	[tilespmem:s22], [sflag:$0x1] =	stream.linear.gather [hbm4b:s13+s2], $0x80, $0x38;
	[tilespmem:$0x8200] =	vst v63  }
0x3e0: {  	s13 =	sand.u32 $0x1FFFFFF0, s23  }
0x3e1: {  	s26 =	sld [smem:$0x7BD];
	s25 =	spop (v2sf);
	s13 =	sadd.s32 s3, s13  }
0x3e2: {  	[tilespmem:s24], [sflag:$0x1] =	stream.linear.gather [hbm4b:s13+s2], $0x80, $0x38;
	[tilespmem:$0x8200] =	vst v63  }
0x3e3: {  	s13 =	sand.u32 $0x1FFFFFF0, s25  }
0x3e4: {  	s13 =	sadd.s32 s3, s13  }
0x3e5: {  	[tilespmem:s26], [sflag:$0x1] =	stream.linear.gather [hbm4b:s13+s2], $0x80, $0x38;
	[tilespmem:$0x8200] =	vst v63  }
0x3e6: {  	v56 =	vld [tilespmem:$0x60];
	_ =	sdelay $0x1  }
0x3e7: {  	v57 =	vld [tilespmem:$0xE0];
	_ =	sdelay $0x2  }
0x3e8: {  	v58 =	vshll.u32 v56, $0x4  }
0x3e9: {  	(v2sf) =	vpush v58, $0x0  }
0x3ea: {  	v59 =	vshll.u32 v57, $0x4  }
0x3eb: {  	(v2sf) =	vpush v59, $0x0;
	_ =	sdelay $0x1  }
0x3ec: {  	(v2sf) =	vpush v58, $0x1;
	_ =	sdelay $0x2  }
0x3ed: {  	(v2sf) =	vpush v59, $0x1;
	_ =	sdelay $0x7  }
0x3ee: {  	s28 =	spop (v2sf);
	(v2sf) =	vpush v58, $0x2;
	_ =	sdelay $0x1  }
0x3ef: {  	s30 =	spop (v2sf);
	(v2sf) =	vpush v59, $0x2;
	_ =	sdelay $0x1  }
0x3f0: {  	s15 =	spop (v2sf);
	(v2sf) =	vpush v58, $0x3;
	_ =	sdelay $0x2  }
0x3f1: {  	s17 =	spop (v2sf);
	(v2sf) =	vpush v59, $0x3;
	_ =	sdelay $0x3  }
0x3f2: {  	s29 =	sld [smem:$0x7BE]  }
0x3f3: {  	s13 =	sand.u32 $0x1FFFFFF0, s28  }
0x3f4: {  	s13 =	sadd.s32 s3, s13  }
0x3f5: {  	[tilespmem:s29], [sflag:$0x1] =	stream.linear.gather [hbm4b:s13+s2], $0x80, $0x38;
	[tilespmem:$0x8200] =	vst v63  }
0x3f6: {  	s31 =	sld [smem:$0x7BF];
	s19 =	spop (v2sf);
	(v2sf) =	vpush v58, $0x4  }
0x3f7: {  	s13 =	sand.u32 $0x1FFFFFF0, s30  }
0x3f8: {  	s16 =	sld [smem:$0x7C0];
	s13 =	sadd.s32 s3, s13;
	s21 =	spop (v2sf);
	(v2sf) =	vpush v59, $0x4  }
0x3f9: {  	[tilespmem:s31], [sflag:$0x1] =	stream.linear.gather [hbm4b:s13+s2], $0x80, $0x38;
	[tilespmem:$0x8200] =	vst v63  }
0x3fa: {  	s13 =	sand.u32 $0x1FFFFFF0, s15;
	s23 =	spop (v2sf);
	(v2sf) =	vpush v58, $0x5  }
0x3fb: {  	s13 =	sadd.s32 s3, s13  }
0x3fc: {  	[tilespmem:s16], [sflag:$0x1] =	stream.linear.gather [hbm4b:s13+s2], $0x80, $0x38;
	[tilespmem:$0x8200] =	vst v63  }
0x3fd: {  	s18 =	sld [smem:$0x7C1];
	s25 =	spop (v2sf);
	(v2sf) =	vpush v59, $0x5  }
0x3fe: {  	s13 =	sand.u32 $0x1FFFFFF0, s17  }
0x3ff: {  	s20 =	sld [smem:$0x7C2];
	s13 =	sadd.s32 s3, s13  }
0x400: {  	[tilespmem:s18], [sflag:$0x1] =	stream.linear.gather [hbm4b:s13+s2], $0x80, $0x38;
	[tilespmem:$0x8200] =	vst v63  }
0x401: {  	s13 =	sand.u32 $0x1FFFFFF0, s19  }
0x402: {  	s22 =	sld [smem:$0x7C3];
	s13 =	sadd.s32 s3, s13  }
0x403: {  	[tilespmem:s20], [sflag:$0x1] =	stream.linear.gather [hbm4b:s13+s2], $0x80, $0x38;
	[tilespmem:$0x8200] =	vst v63  }
0x404: {  	s13 =	sand.u32 $0x1FFFFFF0, s21  }
0x405: {  	s13 =	sadd.s32 s3, s13;
	s28 =	spop (v2sf);
	(v2sf) =	vpush v58, $0x6  }
0x406: {  	[tilespmem:s22], [sflag:$0x1] =	stream.linear.gather [hbm4b:s13+s2], $0x80, $0x38;
	[tilespmem:$0x8200] =	vst v63  }
0x407: {  	s24 =	sld [smem:$0x7C4];
	s30 =	spop (v2sf);
	(v2sf) =	vpush v59, $0x6  }
0x408: {  	s13 =	sand.u32 $0x1FFFFFF0, s23  }
0x409: {  	s26 =	sld [smem:$0x7C5];
	s13 =	sadd.s32 s3, s13;
	s15 =	spop (v2sf);
	(v2sf) =	vpush v58, $0x7  }
0x40a: {  	[tilespmem:s24], [sflag:$0x1] =	stream.linear.gather [hbm4b:s13+s2], $0x80, $0x38;
	[tilespmem:$0x8200] =	vst v63  }
0x40b: {  	s13 =	sand.u32 $0x1FFFFFF0, s25  }
0x40c: {  	s29 =	sld [smem:$0x7C6];
	s13 =	sadd.s32 s3, s13;
	s17 =	spop (v2sf);
	(v2sf) =	vpush v59, $0x7  }
0x40d: {  	[tilespmem:s26], [sflag:$0x1] =	stream.linear.gather [hbm4b:s13+s2], $0x80, $0x38;
	[tilespmem:$0x8200] =	vst v63  }
0x40e: {  	s13 =	sand.u32 $0x1FFFFFF0, s28  }
0x40f: {  	s31 =	sld [smem:$0x7C7];
	s13 =	sadd.s32 s3, s13  }
0x410: {  	[tilespmem:s29], [sflag:$0x1] =	stream.linear.gather [hbm4b:s13+s2], $0x80, $0x38;
	[tilespmem:$0x8200] =	vst v63  }
0x411: {  	s13 =	sand.u32 $0x1FFFFFF0, s30  }
0x412: {  	s13 =	sadd.s32 s3, s13  }
0x413: {  	[tilespmem:s31], [sflag:$0x1] =	stream.linear.gather [hbm4b:s13+s2], $0x80, $0x38;
	[tilespmem:$0x8200] =	vst v63  }
0x414: {  	s16 =	sld [smem:$0x7C8];
	s19 =	spop (v2sf);
	(v2sf) =	vpush v58, $0x8  }
0x415: {  	s13 =	sand.u32 $0x1FFFFFF0, s15  }
0x416: {  	s18 =	sld [smem:$0x7C9];
	s13 =	sadd.s32 s3, s13;
	s21 =	spop (v2sf);
	(v2sf) =	vpush v59, $0x8  }
0x417: {  	[tilespmem:s16], [sflag:$0x1] =	stream.linear.gather [hbm4b:s13+s2], $0x80, $0x38;
	[tilespmem:$0x8200] =	vst v63  }
0x418: {  	s13 =	sand.u32 $0x1FFFFFF0, s17;
	s23 =	spop (v2sf);
	(v2sf) =	vpush v58, $0x9  }
0x419: {  	s13 =	sadd.s32 s3, s13  }
0x41a: {  	[tilespmem:s18], [sflag:$0x1] =	stream.linear.gather [hbm4b:s13+s2], $0x80, $0x38;
	[tilespmem:$0x8200] =	vst v63  }
0x41b: {  	s20 =	sld [smem:$0x7CA];
	s25 =	spop (v2sf);
	(v2sf) =	vpush v59, $0x9  }
0x41c: {  	s13 =	sand.u32 $0x1FFFFFF0, s19  }
0x41d: {  	s22 =	sld [smem:$0x7CB];
	s13 =	sadd.s32 s3, s13  }
0x41e: {  	[tilespmem:s20], [sflag:$0x1] =	stream.linear.gather [hbm4b:s13+s2], $0x80, $0x38;
	[tilespmem:$0x8200] =	vst v63  }
0x41f: {  	s13 =	sand.u32 $0x1FFFFFF0, s21  }
0x420: {  	s24 =	sld [smem:$0x7CC];
	s13 =	sadd.s32 s3, s13  }
0x421: {  	[tilespmem:s22], [sflag:$0x1] =	stream.linear.gather [hbm4b:s13+s2], $0x80, $0x38;
	[tilespmem:$0x8200] =	vst v63  }
0x422: {  	s13 =	sand.u32 $0x1FFFFFF0, s23  }
0x423: {  	s13 =	sadd.s32 s3, s13;
	s28 =	spop (v2sf);
	(v2sf) =	vpush v58, $0xA  }
0x424: {  	[tilespmem:s24], [sflag:$0x1] =	stream.linear.gather [hbm4b:s13+s2], $0x80, $0x38;
	[tilespmem:$0x8200] =	vst v63  }
0x425: {  	s26 =	sld [smem:$0x7CD];
	s30 =	spop (v2sf);
	(v2sf) =	vpush v59, $0xA  }
0x426: {  	s13 =	sand.u32 $0x1FFFFFF0, s25  }
0x427: {  	s29 =	sld [smem:$0x7CE];
	s13 =	sadd.s32 s3, s13;
	s15 =	spop (v2sf);
	(v2sf) =	vpush v58, $0xB  }
0x428: {  	[tilespmem:s26], [sflag:$0x1] =	stream.linear.gather [hbm4b:s13+s2], $0x80, $0x38;
	[tilespmem:$0x8200] =	vst v63  }
0x429: {  	s13 =	sand.u32 $0x1FFFFFF0, s28  }
0x42a: {  	s31 =	sld [smem:$0x7CF];
	s13 =	sadd.s32 s3, s13;
	s17 =	spop (v2sf);
	(v2sf) =	vpush v59, $0xB  }
0x42b: {  	[tilespmem:s29], [sflag:$0x1] =	stream.linear.gather [hbm4b:s13+s2], $0x80, $0x38;
	[tilespmem:$0x8200] =	vst v63  }
0x42c: {  	s13 =	sand.u32 $0x1FFFFFF0, s30  }
0x42d: {  	s16 =	sld [smem:$0x7D0];
	s13 =	sadd.s32 s3, s13  }
0x42e: {  	[tilespmem:s31], [sflag:$0x1] =	stream.linear.gather [hbm4b:s13+s2], $0x80, $0x38;
	[tilespmem:$0x8200] =	vst v63  }
0x42f: {  	s13 =	sand.u32 $0x1FFFFFF0, s15  }
0x430: {  	s13 =	sadd.s32 s3, s13  }
0x431: {  	[tilespmem:s16], [sflag:$0x1] =	stream.linear.gather [hbm4b:s13+s2], $0x80, $0x38;
	[tilespmem:$0x8200] =	vst v63  }
0x432: {  	s18 =	sld [smem:$0x7D1];
	s19 =	spop (v2sf);
	(v2sf) =	vpush v58, $0xC  }
0x433: {  	s13 =	sand.u32 $0x1FFFFFF0, s17  }
0x434: {  	s20 =	sld [smem:$0x7D2];
	s13 =	sadd.s32 s3, s13;
	s21 =	spop (v2sf);
	(v2sf) =	vpush v59, $0xC  }
0x435: {  	[tilespmem:s18], [sflag:$0x1] =	stream.linear.gather [hbm4b:s13+s2], $0x80, $0x38;
	[tilespmem:$0x8200] =	vst v63  }
0x436: {  	s13 =	sand.u32 $0x1FFFFFF0, s19;
	s23 =	spop (v2sf);
	(v2sf) =	vpush v58, $0xD  }
0x437: {  	s13 =	sadd.s32 s3, s13  }
0x438: {  	[tilespmem:s20], [sflag:$0x1] =	stream.linear.gather [hbm4b:s13+s2], $0x80, $0x38;
	[tilespmem:$0x8200] =	vst v63  }
0x439: {  	s22 =	sld [smem:$0x7D3];
	s25 =	spop (v2sf);
	(v2sf) =	vpush v59, $0xD  }
0x43a: {  	s13 =	sand.u32 $0x1FFFFFF0, s21  }
0x43b: {  	s24 =	sld [smem:$0x7D4];
	s13 =	sadd.s32 s3, s13  }
0x43c: {  	[tilespmem:s22], [sflag:$0x1] =	stream.linear.gather [hbm4b:s13+s2], $0x80, $0x38;
	[tilespmem:$0x8200] =	vst v63  }
0x43d: {  	s13 =	sand.u32 $0x1FFFFFF0, s23  }
0x43e: {  	s26 =	sld [smem:$0x7D5];
	s13 =	sadd.s32 s3, s13  }
0x43f: {  	[tilespmem:s24], [sflag:$0x1] =	stream.linear.gather [hbm4b:s13+s2], $0x80, $0x38;
	[tilespmem:$0x8200] =	vst v63  }
0x440: {  	s13 =	sand.u32 $0x1FFFFFF0, s25  }
0x441: {  	s13 =	sadd.s32 s3, s13;
	s28 =	spop (v2sf);
	(v2sf) =	vpush v58, $0xE  }
0x442: {  	[tilespmem:s26], [sflag:$0x1] =	stream.linear.gather [hbm4b:s13+s2], $0x80, $0x38;
	[tilespmem:$0x8200] =	vst v63  }
0x443: {  	s29 =	sld [smem:$0x7D6];
	s30 =	spop (v2sf);
	(v2sf) =	vpush v59, $0xE  }
0x444: {  	s13 =	sand.u32 $0x1FFFFFF0, s28  }
0x445: {  	s31 =	sld [smem:$0x7D7];
	s13 =	sadd.s32 s3, s13;
	s15 =	spop (v2sf)  }
0x446: {  	(v2sf) =	vpush v58, $0xF;
	[tilespmem:s29], [sflag:$0x1] =	stream.linear.gather [hbm4b:s13+s2], $0x80, $0x38;
	[tilespmem:$0x8200] =	vst v63  }
0x447: {  	s13 =	sand.u32 $0x1FFFFFF0, s30  }
0x448: {  	s16 =	sld [smem:$0x7D8];
	s17 =	spop (v2sf);
	s13 =	sadd.s32 s3, s13  }
0x449: {  	(v2sf) =	vpush v59, $0xF;
	[tilespmem:s31], [sflag:$0x1] =	stream.linear.gather [hbm4b:s13+s2], $0x80, $0x38;
	[tilespmem:$0x8200] =	vst v63  }
0x44a: {  	s13 =	sand.u32 $0x1FFFFFF0, s15  }
0x44b: {  	s18 =	sld [smem:$0x7D9];
	s13 =	sadd.s32 s3, s13  }
0x44c: {  	[tilespmem:s16], [sflag:$0x1] =	stream.linear.gather [hbm4b:s13+s2], $0x80, $0x38;
	[tilespmem:$0x8200] =	vst v63  }
0x44d: {  	s13 =	sand.u32 $0x1FFFFFF0, s17  }
0x44e: {  	s13 =	sadd.s32 s3, s13  }
0x44f: {  	[tilespmem:s18], [sflag:$0x1] =	stream.linear.gather [hbm4b:s13+s2], $0x80, $0x38;
	[tilespmem:$0x8200] =	vst v63  }
0x450: {  	s20 =	sld [smem:$0x7DA];
	s19 =	spop (v2sf)  }
0x451: {  	s13 =	sand.u32 $0x1FFFFFF0, s19  }
0x452: {  	s22 =	sld [smem:$0x7DB];
	s21 =	spop (v2sf);
	s13 =	sadd.s32 s3, s13  }
0x453: {  	[tilespmem:s20], [sflag:$0x1] =	stream.linear.gather [hbm4b:s13+s2], $0x80, $0x38;
	[tilespmem:$0x8200] =	vst v63  }
0x454: {  	s13 =	sand.u32 $0x1FFFFFF0, s21  }
0x455: {  	s24 =	sld [smem:$0x7DC];
	s23 =	spop (v2sf);
	s13 =	sadd.s32 s3, s13  }
0x456: {  	[tilespmem:s22], [sflag:$0x1] =	stream.linear.gather [hbm4b:s13+s2], $0x80, $0x38;
	[tilespmem:$0x8200] =	vst v63  }
0x457: {  	s13 =	sand.u32 $0x1FFFFFF0, s23  }
0x458: {  	s26 =	sld [smem:$0x7DD];
	s25 =	spop (v2sf);
	s13 =	sadd.s32 s3, s13  }
0x459: {  	[tilespmem:s24], [sflag:$0x1] =	stream.linear.gather [hbm4b:s13+s2], $0x80, $0x38;
	[tilespmem:$0x8200] =	vst v63  }
0x45a: {  	s13 =	sand.u32 $0x1FFFFFF0, s25  }
0x45b: {  	s13 =	sadd.s32 s3, s13  }
0x45c: {  	[tilespmem:s26], [sflag:$0x1] =	stream.linear.gather [hbm4b:s13+s2], $0x80, $0x38;
	[tilespmem:$0x8200] =	vst v63  }
0x45d: {  	v60 =	vld [tilespmem:$0x70];
	_ =	sdelay $0x1  }
0x45e: {  	v61 =	vld [tilespmem:$0xF0];
	_ =	sdelay $0x2  }
0x45f: {  	v62 =	vshll.u32 v60, $0x4  }
0x460: {  	(v2sf) =	vpush v62, $0x0  }
0x461: {  	v63 =	vshll.u32 v61, $0x4  }
0x462: {  	(v2sf) =	vpush v63, $0x0;
	_ =	sdelay $0x1  }
0x463: {  	(v2sf) =	vpush v62, $0x1;
	_ =	sdelay $0x2  }
0x464: {  	(v2sf) =	vpush v63, $0x1;
	_ =	sdelay $0x7  }
0x465: {  	s28 =	spop (v2sf);
	(v2sf) =	vpush v62, $0x2;
	_ =	sdelay $0x1  }
0x466: {  	s30 =	spop (v2sf);
	(v2sf) =	vpush v63, $0x2;
	_ =	sdelay $0x1  }
0x467: {  	s15 =	spop (v2sf);
	(v2sf) =	vpush v62, $0x3;
	_ =	sdelay $0x2  }
0x468: {  	s17 =	spop (v2sf);
	(v2sf) =	vpush v63, $0x3;
	_ =	sdelay $0x3  }
0x469: {  	s29 =	sld [smem:$0x7DE]  }
0x46a: {  	s13 =	sand.u32 $0x1FFFFFF0, s28  }
0x46b: {  	s13 =	sadd.s32 s3, s13  }
0x46c: {  	[tilespmem:s29], [sflag:$0x1] =	stream.linear.gather [hbm4b:s13+s2], $0x80, $0x38;
	[tilespmem:$0x8200] =	vst v63  }
0x46d: {  	s31 =	sld [smem:$0x7DF];
	s19 =	spop (v2sf);
	(v2sf) =	vpush v62, $0x4  }
0x46e: {  	s13 =	sand.u32 $0x1FFFFFF0, s30  }
0x46f: {  	s16 =	sld [smem:$0x7E0];
	s13 =	sadd.s32 s3, s13;
	s21 =	spop (v2sf);
	(v2sf) =	vpush v63, $0x4  }
0x470: {  	[tilespmem:s31], [sflag:$0x1] =	stream.linear.gather [hbm4b:s13+s2], $0x80, $0x38;
	[tilespmem:$0x8200] =	vst v63  }
0x471: {  	s13 =	sand.u32 $0x1FFFFFF0, s15;
	s23 =	spop (v2sf);
	(v2sf) =	vpush v62, $0x5  }
0x472: {  	s13 =	sadd.s32 s3, s13  }
0x473: {  	[tilespmem:s16], [sflag:$0x1] =	stream.linear.gather [hbm4b:s13+s2], $0x80, $0x38;
	[tilespmem:$0x8200] =	vst v63  }
0x474: {  	s18 =	sld [smem:$0x7E1];
	s25 =	spop (v2sf);
	(v2sf) =	vpush v63, $0x5  }
0x475: {  	s13 =	sand.u32 $0x1FFFFFF0, s17  }
0x476: {  	s20 =	sld [smem:$0x7E2];
	s13 =	sadd.s32 s3, s13  }
0x477: {  	[tilespmem:s18], [sflag:$0x1] =	stream.linear.gather [hbm4b:s13+s2], $0x80, $0x38;
	[tilespmem:$0x8200] =	vst v63  }
0x478: {  	s13 =	sand.u32 $0x1FFFFFF0, s19  }
0x479: {  	s22 =	sld [smem:$0x7E3];
	s13 =	sadd.s32 s3, s13  }
0x47a: {  	[tilespmem:s20], [sflag:$0x1] =	stream.linear.gather [hbm4b:s13+s2], $0x80, $0x38;
	[tilespmem:$0x8200] =	vst v63  }
0x47b: {  	s13 =	sand.u32 $0x1FFFFFF0, s21  }
0x47c: {  	s13 =	sadd.s32 s3, s13;
	s28 =	spop (v2sf);
	(v2sf) =	vpush v62, $0x6  }
0x47d: {  	[tilespmem:s22], [sflag:$0x1] =	stream.linear.gather [hbm4b:s13+s2], $0x80, $0x38;
	[tilespmem:$0x8200] =	vst v63  }
0x47e: {  	s24 =	sld [smem:$0x7E4];
	s30 =	spop (v2sf);
	(v2sf) =	vpush v63, $0x6  }
0x47f: {  	s13 =	sand.u32 $0x1FFFFFF0, s23  }
0x480: {  	s26 =	sld [smem:$0x7E5];
	s13 =	sadd.s32 s3, s13;
	s15 =	spop (v2sf);
	(v2sf) =	vpush v62, $0x7  }
0x481: {  	[tilespmem:s24], [sflag:$0x1] =	stream.linear.gather [hbm4b:s13+s2], $0x80, $0x38;
	[tilespmem:$0x8200] =	vst v63  }
0x482: {  	s13 =	sand.u32 $0x1FFFFFF0, s25  }
0x483: {  	s29 =	sld [smem:$0x7E6];
	s13 =	sadd.s32 s3, s13;
	s17 =	spop (v2sf);
	(v2sf) =	vpush v63, $0x7  }
0x484: {  	[tilespmem:s26], [sflag:$0x1] =	stream.linear.gather [hbm4b:s13+s2], $0x80, $0x38;
	[tilespmem:$0x8200] =	vst v63  }
0x485: {  	s13 =	sand.u32 $0x1FFFFFF0, s28  }
0x486: {  	s31 =	sld [smem:$0x7E7];
	s13 =	sadd.s32 s3, s13  }
0x487: {  	[tilespmem:s29], [sflag:$0x1] =	stream.linear.gather [hbm4b:s13+s2], $0x80, $0x38;
	[tilespmem:$0x8200] =	vst v63  }
0x488: {  	s13 =	sand.u32 $0x1FFFFFF0, s30  }
0x489: {  	s13 =	sadd.s32 s3, s13  }
0x48a: {  	[tilespmem:s31], [sflag:$0x1] =	stream.linear.gather [hbm4b:s13+s2], $0x80, $0x38;
	[tilespmem:$0x8200] =	vst v63  }
0x48b: {  	s16 =	sld [smem:$0x7E8];
	s19 =	spop (v2sf);
	(v2sf) =	vpush v62, $0x8  }
0x48c: {  	s13 =	sand.u32 $0x1FFFFFF0, s15  }
0x48d: {  	s18 =	sld [smem:$0x7E9];
	s13 =	sadd.s32 s3, s13;
	s21 =	spop (v2sf);
	(v2sf) =	vpush v63, $0x8  }
0x48e: {  	[tilespmem:s16], [sflag:$0x1] =	stream.linear.gather [hbm4b:s13+s2], $0x80, $0x38;
	[tilespmem:$0x8200] =	vst v63  }
0x48f: {  	s13 =	sand.u32 $0x1FFFFFF0, s17;
	s23 =	spop (v2sf);
	(v2sf) =	vpush v62, $0x9  }
0x490: {  	s13 =	sadd.s32 s3, s13  }
0x491: {  	[tilespmem:s18], [sflag:$0x1] =	stream.linear.gather [hbm4b:s13+s2], $0x80, $0x38;
	[tilespmem:$0x8200] =	vst v63  }
0x492: {  	s20 =	sld [smem:$0x7EA];
	s25 =	spop (v2sf);
	(v2sf) =	vpush v63, $0x9  }
0x493: {  	s13 =	sand.u32 $0x1FFFFFF0, s19  }
0x494: {  	s22 =	sld [smem:$0x7EB];
	s13 =	sadd.s32 s3, s13  }
0x495: {  	[tilespmem:s20], [sflag:$0x1] =	stream.linear.gather [hbm4b:s13+s2], $0x80, $0x38;
	[tilespmem:$0x8200] =	vst v63  }
0x496: {  	s13 =	sand.u32 $0x1FFFFFF0, s21  }
0x497: {  	s24 =	sld [smem:$0x7EC];
	s13 =	sadd.s32 s3, s13  }
0x498: {  	[tilespmem:s22], [sflag:$0x1] =	stream.linear.gather [hbm4b:s13+s2], $0x80, $0x38;
	[tilespmem:$0x8200] =	vst v63  }
0x499: {  	s13 =	sand.u32 $0x1FFFFFF0, s23  }
0x49a: {  	s13 =	sadd.s32 s3, s13;
	s28 =	spop (v2sf);
	(v2sf) =	vpush v62, $0xA  }
0x49b: {  	[tilespmem:s24], [sflag:$0x1] =	stream.linear.gather [hbm4b:s13+s2], $0x80, $0x38;
	[tilespmem:$0x8200] =	vst v63  }
0x49c: {  	s26 =	sld [smem:$0x7ED];
	s30 =	spop (v2sf);
	(v2sf) =	vpush v63, $0xA  }
0x49d: {  	s13 =	sand.u32 $0x1FFFFFF0, s25  }
0x49e: {  	s29 =	sld [smem:$0x7EE];
	s13 =	sadd.s32 s3, s13;
	s15 =	spop (v2sf);
	(v2sf) =	vpush v62, $0xB  }
0x49f: {  	[tilespmem:s26], [sflag:$0x1] =	stream.linear.gather [hbm4b:s13+s2], $0x80, $0x38;
	[tilespmem:$0x8200] =	vst v63  }
0x4a0: {  	s13 =	sand.u32 $0x1FFFFFF0, s28  }
0x4a1: {  	s31 =	sld [smem:$0x7EF];
	s13 =	sadd.s32 s3, s13;
	s17 =	spop (v2sf);
	(v2sf) =	vpush v63, $0xB  }
0x4a2: {  	[tilespmem:s29], [sflag:$0x1] =	stream.linear.gather [hbm4b:s13+s2], $0x80, $0x38;
	[tilespmem:$0x8200] =	vst v63  }
0x4a3: {  	s13 =	sand.u32 $0x1FFFFFF0, s30  }
0x4a4: {  	s16 =	sld [smem:$0x7F0];
	s13 =	sadd.s32 s3, s13  }
0x4a5: {  	[tilespmem:s31], [sflag:$0x1] =	stream.linear.gather [hbm4b:s13+s2], $0x80, $0x38;
	[tilespmem:$0x8200] =	vst v63  }
0x4a6: {  	s13 =	sand.u32 $0x1FFFFFF0, s15  }
0x4a7: {  	s13 =	sadd.s32 s3, s13  }
0x4a8: {  	[tilespmem:s16], [sflag:$0x1] =	stream.linear.gather [hbm4b:s13+s2], $0x80, $0x38;
	[tilespmem:$0x8200] =	vst v63  }
0x4a9: {  	s18 =	sld [smem:$0x7F1];
	s19 =	spop (v2sf);
	(v2sf) =	vpush v62, $0xC  }
0x4aa: {  	s13 =	sand.u32 $0x1FFFFFF0, s17  }
0x4ab: {  	s20 =	sld [smem:$0x7F2];
	s13 =	sadd.s32 s3, s13;
	s21 =	spop (v2sf);
	(v2sf) =	vpush v63, $0xC  }
0x4ac: {  	[tilespmem:s18], [sflag:$0x1] =	stream.linear.gather [hbm4b:s13+s2], $0x80, $0x38;
	[tilespmem:$0x8200] =	vst v63  }
0x4ad: {  	s13 =	sand.u32 $0x1FFFFFF0, s19;
	s23 =	spop (v2sf);
	(v2sf) =	vpush v62, $0xD  }
0x4ae: {  	s13 =	sadd.s32 s3, s13  }
0x4af: {  	[tilespmem:s20], [sflag:$0x1] =	stream.linear.gather [hbm4b:s13+s2], $0x80, $0x38;
	[tilespmem:$0x8200] =	vst v63  }
0x4b0: {  	s22 =	sld [smem:$0x7F3];
	s25 =	spop (v2sf);
	(v2sf) =	vpush v63, $0xD  }
0x4b1: {  	s13 =	sand.u32 $0x1FFFFFF0, s21  }
0x4b2: {  	s24 =	sld [smem:$0x7FA];
	s13 =	sadd.s32 s3, s13  }
0x4b3: {  	[tilespmem:s22], [sflag:$0x1] =	stream.linear.gather [hbm4b:s13+s2], $0x80, $0x38;
	[tilespmem:$0x8200] =	vst v63  }
0x4b4: {  	s13 =	sand.u32 $0x1FFFFFF0, s23  }
0x4b5: {  	s26 =	sld [smem:$0x7FB];
	s13 =	sadd.s32 s3, s13  }
0x4b6: {  	[tilespmem:s24], [sflag:$0x1] =	stream.linear.gather [hbm4b:s13+s2], $0x80, $0x38;
	[tilespmem:$0x8200] =	vst v63  }
0x4b7: {  	s13 =	sand.u32 $0x1FFFFFF0, s25  }
0x4b8: {  	s13 =	sadd.s32 s3, s13;
	s28 =	spop (v2sf);
	(v2sf) =	vpush v62, $0xE  }
0x4b9: {  	[tilespmem:s26], [sflag:$0x1] =	stream.linear.gather [hbm4b:s13+s2], $0x80, $0x38;
	[tilespmem:$0x8200] =	vst v63  }
0x4ba: {  	s29 =	sld [smem:$0x7F9];
	s30 =	spop (v2sf);
	(v2sf) =	vpush v63, $0xE  }
0x4bb: {  	s13 =	sand.u32 $0x1FFFFFF0, s28  }
0x4bc: {  	s31 =	sld [smem:$0x7F8];
	s13 =	sadd.s32 s3, s13;
	s15 =	spop (v2sf)  }
0x4bd: {  	(v2sf) =	vpush v62, $0xF;
	[tilespmem:s29], [sflag:$0x1] =	stream.linear.gather [hbm4b:s13+s2], $0x80, $0x38;
	[tilespmem:$0x8200] =	vst v63  }
0x4be: {  	s13 =	sand.u32 $0x1FFFFFF0, s30  }
0x4bf: {  	s16 =	sld [smem:$0x7F4];
	s17 =	spop (v2sf);
	s13 =	sadd.s32 s3, s13  }
0x4c0: {  	(v2sf) =	vpush v63, $0xF;
	[tilespmem:s31], [sflag:$0x1] =	stream.linear.gather [hbm4b:s13+s2], $0x80, $0x38;
	[tilespmem:$0x8200] =	vst v63  }
0x4c1: {  	s13 =	sand.u32 $0x1FFFFFF0, s15  }
0x4c2: {  	s18 =	sld [smem:$0x7F7];
	s13 =	sadd.s32 s3, s13  }
0x4c3: {  	[tilespmem:s16], [sflag:$0x1] =	stream.linear.gather [hbm4b:s13+s2], $0x80, $0x38;
	[tilespmem:$0x8200] =	vst v63  }
0x4c4: {  	s13 =	sand.u32 $0x1FFFFFF0, s17  }
0x4c5: {  	s13 =	sadd.s32 s3, s13  }
0x4c6: {  	[tilespmem:s18], [sflag:$0x1] =	stream.linear.gather [hbm4b:s13+s2], $0x80, $0x38;
	[tilespmem:$0x8200] =	vst v63  }
0x4c7: {  	s20 =	sld [smem:$0x7F5];
	s19 =	spop (v2sf)  }
0x4c8: {  	s13 =	sand.u32 $0x1FFFFFF0, s19  }
0x4c9: {  	s22 =	sld [smem:$0x7F6];
	s21 =	spop (v2sf);
	s13 =	sadd.s32 s3, s13  }
0x4ca: {  	[tilespmem:s20], [sflag:$0x1] =	stream.linear.gather [hbm4b:s13+s2], $0x80, $0x38;
	[tilespmem:$0x8200] =	vst v63  }
0x4cb: {  	s13 =	sand.u32 $0x1FFFFFF0, s21  }
0x4cc: {  	s24 =	sld [smem:$0x7FC];
	s23 =	spop (v2sf);
	s13 =	sadd.s32 s3, s13  }
0x4cd: {  	[tilespmem:s22], [sflag:$0x1] =	stream.linear.gather [hbm4b:s13+s2], $0x80, $0x38;
	[tilespmem:$0x8200] =	vst v63  }
0x4ce: {  	s13 =	sand.u32 $0x1FFFFFF0, s23  }
0x4cf: {  	s26 =	sld [smem:$0x7FD];
	s25 =	spop (v2sf);
	s13 =	sadd.s32 s3, s13  }
0x4d0: {  	[tilespmem:s24], [sflag:$0x1] =	stream.linear.gather [hbm4b:s13+s2], $0x80, $0x38;
	[tilespmem:$0x8200] =	vst v63  }
0x4d1: {  	s13 =	sand.u32 $0x1FFFFFF0, s25  }
0x4d2: {  	s13 =	sadd.s32 s3, s13  }
0x4d3: {  	[tilespmem:s26], [sflag:$0x1] =	stream.linear.gather [hbm4b:s13+s2], $0x80, $0x38;
	[tilespmem:$0x8200] =	vst v63  }
0x4d4: {  	_ =	swait.ge [sflag:s11], $0x4000  }
0x4d5: {  	[sflag:s11] =	ssyncset.done $0x0  }
0x4d6: {  	[sflag:s11] =	ssyncadd.s32 $0xFFFFC000  }
0x4d7: {  	_ =	swait.ge [sflag:s11], $0x4000  }
0x4d8: {  	[sflag:s11] =	ssyncset.done $0x0  }
0x4d9: {  	[sflag:s11] =	ssyncadd.s32 $0xFFFFC000  }
0x4da: {  	_ =	swait.ge [sflag:s12], $0x80  }
0x4db: {  	[sflag:s12] =	ssyncset.done $0x0  }
0x4dc: {  	[sflag:s12] =	ssyncadd.s32 $0xFFFFFF80  }
0x4dd: {  	_ =	swait.ge [sflag:s12], $0x80  }
0x4de: {  	[sflag:s12] =	ssyncset.done $0x0  }
0x4df: {  	s28 =	rddreg [dreg:$0xb];
	[sflag:s12] =	ssyncadd.s32 $0xFFFFFF80  }
0x4e0: {  	[hbm4b:s28+s2] =	stream.linear.scatter [tilespmem:s9], [sflag:$0x3], $0x4000, $0x38;
	[tilespmem:$0x8200] =	vst v63  }
0x4e1: {  	_ =	swait.ge [sflag:s5], $0x4000  }
0x4e2: {  	[sflag:s5] =	ssyncset.done $0x0  }
0x4e3: {  	s29 =	rddreg [dreg:$0xc];
	[sflag:s5] =	ssyncadd.s32 $0xFFFFC000  }
0x4e4: {  	[hbm4b:s29+s2] =	stream.linear.scatter [tilespmem:s10], [sflag:$0x3], $0x4000, $0x38;
	[tilespmem:$0x8200] =	vst v63  }
0x4e5: {  	_ =	swait.ge [sflag:s5], $0x4000  }
0x4e6: {  	[sflag:s5] =	ssyncset.done $0x0  }
0x4e7: {  	s30 =	rddreg [dreg:$0xd];
	[sflag:s5] =	ssyncadd.s32 $0xFFFFC000  }
0x4e8: {  	[hbm4b:s30+s2] =	stream.linear.scatter [tilespmem:s7], [sflag:$0x3], $0x80, $0x38;
	[tilespmem:$0x8200] =	vst v63  }
0x4e9: {  	_ =	swait.ge [sflag:s5], $0x80  }
0x4ea: {  	p0 =	sne.s32 s4, $0x1;
	[sflag:s5] =	ssyncset.done $0x0  }
.Ltmp0:
0x4eb: {  	s31 =	rddreg [dreg:$0xe];
	[sflag:s5] =	ssyncadd.s32 $0xFFFFFF80;
	(pc) =	sbr.rel @p0 .LBB2_1-.Ltmp0, $4  }
0x4ec: {  	[hbm4b:s31+s2] =	stream.linear.scatter [tilespmem:s8], [sflag:$0x3], $0x80, $0x38;
	[tilespmem:$0x8200] =	vst v63  }
0x4ed: {  	_ =	swait.ge [sflag:s5], $0x80  }
0x4ee: {  	[sflag:s5] =	ssyncset.done $0x0  }
0x4ef: {  	s4 =	sadd.s32 $0xFFFFFFFF, s4;
	[sflag:s5] =	ssyncadd.s32 $0xFFFFFF80  }
0x4f0: {  	_ =	sfence.sel $0x180000  }
0x4f1: {  	[bflag:$0x0] =	sbarrier.arrive $0xFFFF  }
0x4f2: {  	p0 =	sne.s32 s0, $0x0;
	_ =	strace $0x90000047  }
0x4f3: {  	s0 =	sadd.s32 @!p0 $0x100000, s1;
	[bflag:$0x2] =	sbarrier.arrive $0xFFFF  }
0x4f4: {  	[sflag:s0] =	ssyncadd.tile.s32 @!p0 $0x1;
	_ =	shalt  }
.Lfunc_end2:
_tile_overlayer_lowered:
.L_overlay_start_2:
0x4f5: {  	(tag) =	ssettag $0x2  }
0x4f6: {  	s0 =	rddreg [dreg:$0x0];
	s2 =	stileid.u32  }
0x4f7: {  	s1 =	rddreg [dreg:$0x1];
	p0 =	sne.s32 s2, $0x0  }
0x4f8: {  	s3 =	rddreg [dreg:$0x2];
	[bflag:$0x3] =	sbarrier.arrive $0xFFFF;
	s2 =	simm.s32 @!p0 $0x1C03  }
0x4f9: {  	[timem:s3], [sflag:s2] =	dma.local @!p0 [hbm:s0], s1  }
0x4fa: {  	s0 =	simm.s32 @!p0 $0x3  }
0x4fb: {  	_ =	swait.ge @!p0 [sflag:s0], s1  }
0x4fc: {  	s1 =	ssub.s32 @!p0 $0x0, s1;
	[sflag:s0] =	ssyncset.done @!p0 $0x0  }
0x4fd: {  	[sflag:s0] =	ssyncadd.s32 @!p0 s1  }
0x4fe: {  	[bflag:$0x3] =	sbarrier.arrive $0xFFFF  }
0x4ff: {  	_ =	shalt  }

</sc_bundles>
